<compile_context>
chip_gen: v7x
topology: tpu7x:2x2x1
jax: 0.10.2.dev20260603
libtpu: 0.0.44.dev20260713+nightly
codegen_flags: <defaults>
</compile_context>

<pallas_src>
import functools

import jax
import jax.numpy as jnp
from jax import lax
from jax.experimental import pallas as pl
from jax.experimental.pallas import tpu as pltpu
from jax.experimental.pallas import tpu_sc as plsc

N_NODES = 10000
N_EDGES = 320000
D_FEAT = 128
W_ROW = D_FEAT // 2

NC = 2
NS = 16
L = 16
NW = NC * NS
E_PER_W = N_EDGES // NW
C = 400
N_CHUNKS = E_PER_W // C
G_PER_CHUNK = C // L


def _pack_body(x_ref, o_ref):
    a = x_ref[:, :W_ROW].astype(jnp.bfloat16)
    b = x_ref[:, W_ROW:].astype(jnp.bfloat16)
    a16 = jax.lax.bitcast_convert_type(a, jnp.uint16).astype(jnp.uint32)
    b16 = jax.lax.bitcast_convert_type(b, jnp.uint16).astype(jnp.uint32)
    w = jax.lax.bitcast_convert_type((a16 << 16) | b16, jnp.int32)
    o_ref[0] = w
    o_ref[1] = w


_pack_table = pl.pallas_call(
    _pack_body,
    out_shape=jax.ShapeDtypeStruct((NC, N_NODES, W_ROW), jnp.int32),
)


_mesh = plsc.VectorSubcoreMesh(core_axis_name="c", subcore_axis_name="s")


@functools.partial(
    pl.kernel,
    mesh=_mesh,
    out_type=jax.ShapeDtypeStruct((N_EDGES,), jnp.float32),
    compiler_params=pltpu.CompilerParams(
        needs_layout_passes=False, use_tc_tiling_on_sc=False),
    scratch_types=[
        pltpu.VMEM((2, C), jnp.int32),
        pltpu.VMEM((2, C), jnp.int32),
        pltpu.VMEM((2, C, W_ROW), jnp.int32),
        pltpu.VMEM((2, C, W_ROW), jnp.int32),
        pltpu.VMEM((2, C), jnp.float32),
        pltpu.SemaphoreType.DMA,
        pltpu.SemaphoreType.DMA,
        pltpu.SemaphoreType.DMA,
        pltpu.SemaphoreType.DMA,
        pltpu.SemaphoreType.DMA,
        pltpu.SemaphoreType.DMA,
    ],
)
def _dot_incident(tables_hbm, eidx_hbm, out_hbm,
                  sidx, didx, srows, drows, scores,
                  sem_i0, sem_i1, sem_r0, sem_r1, sem_o0, sem_o1):
    cid = lax.axis_index("c")
    wid = lax.axis_index("s") * NC + cid
    base = wid * E_PER_W
    table_hbm = tables_hbm.at[cid]
    lanes = lax.iota(jnp.int32, L)
    sem_i = (sem_i0, sem_i1)
    sem_r = (sem_r0, sem_r1)
    sem_o = (sem_o0, sem_o1)

    def idx_copy(b, off):
        pltpu.async_copy(eidx_hbm.at[0, pl.ds(off, C)], sidx.at[b], sem_i[b])
        pltpu.async_copy(eidx_hbm.at[1, pl.ds(off, C)], didx.at[b], sem_i[b])

    def idx_wait(b):
        pltpu.make_async_copy(
            eidx_hbm.at[0, pl.ds(base, C)], sidx.at[b], sem_i[b]).wait()
        pltpu.make_async_copy(
            eidx_hbm.at[1, pl.ds(base, C)], didx.at[b], sem_i[b]).wait()

    def gat(b):
        pltpu.async_copy(table_hbm.at[sidx.at[b]], srows.at[b], sem_r[b])
        pltpu.async_copy(table_hbm.at[didx.at[b]], drows.at[b], sem_r[b])

    def gat_wait(b):
        pltpu.make_async_copy(
            table_hbm.at[sidx.at[b]], srows.at[b], sem_r[b]).wait()
        pltpu.make_async_copy(
            table_hbm.at[didx.at[b]], drows.at[b], sem_r[b]).wait()

    def out_copy(b, off):
        pltpu.async_copy(scores.at[b], out_hbm.at[pl.ds(off, C)], sem_o[b])

    def out_wait(b):
        pltpu.make_async_copy(
            scores.at[b], out_hbm.at[pl.ds(base, C)], sem_o[b]).wait()

    def compute(b):
        def grp_body(g, _):
            row0 = g * L
            tot = jnp.zeros((L,), jnp.float32)
            for e in range(L):
                row = row0 + e
                sv = plsc.bitcast(srows[b, row, pl.ds(0, L)], jnp.bfloat16)
                dv = plsc.bitcast(drows[b, row, pl.ds(0, L)], jnp.bfloat16)
                accbf = sv * dv
                for j in range(1, W_ROW // L):
                    sv = plsc.bitcast(srows[b, row, pl.ds(j * L, L)],
                                      jnp.bfloat16)
                    dv = plsc.bitcast(drows[b, row, pl.ds(j * L, L)],
                                      jnp.bfloat16)
                    accbf = accbf + sv * dv
                pe, po = plsc.unpack(accbf, format=plsc.PackFormat.INTERLEAVED)
                tot = jnp.where(lanes == e, jnp.sum(pe + po), tot)
            scores[b, pl.ds(row0, L)] = tot
            return _

        lax.fori_loop(0, G_PER_CHUNK, grp_body, None)

    idx_copy(0, base)
    idx_wait(0)
    gat(0)
    idx_copy(1, base + C)

    def pair_body(t, _):
        off0 = base + 2 * t * C

        idx_wait(1)
        gat(1)
        gat_wait(0)
        idx_copy(0, off0 + 2 * C)

        @pl.when(t > 0)
        def _w0():
            out_wait(0)

        compute(0)
        out_copy(0, off0)

        idx_wait(0)
        gat(0)
        gat_wait(1)

        @pl.when(t < (N_CHUNKS - 1) // 2 - 1)
        def _i1():
            idx_copy(1, off0 + 3 * C)

        @pl.when(t > 0)
        def _w1():
            out_wait(1)

        compute(1)
        out_copy(1, off0 + C)
        return _

    lax.fori_loop(0, (N_CHUNKS - 1) // 2, pair_body, None)

    gat_wait(0)
    out_wait(0)
    compute(0)
    out_copy(0, base + (N_CHUNKS - 1) * C)
    out_wait(1)
    out_wait(0)


def kernel(node_feature, edge_index):
    table_packed = _pack_table(node_feature)
    scores = _dot_incident(table_packed, edge_index.astype(jnp.int32))
    return scores.reshape(N_EDGES, 1)

# --- scband reference (transcript-rebuilt; emitter-appended) ---
"""Pipeline reference for scband-dot-product-incident-1271310320305 (READ-ONLY COPY).

The authoritative reference and input builder live on the scoring server;
editing this copy changes nothing except your own understanding.
"""

import jax, jax.numpy as jnp
import numpy as np

N_NODES = 10000
N_EDGES = 320000
D_FEAT = 128


def setup_inputs(seed: int = 0) -> dict:
    key = jax.random.key(seed)
    k1, k2 = jax.random.split(key)
    node_feature = jax.random.normal(k1, (N_NODES, D_FEAT), dtype=jnp.float32)
    edge_index = jax.random.randint(k2, (2, N_EDGES), 0, N_NODES, dtype=jnp.int64)
    return {"node_feature": node_feature, "edge_index": edge_index}


def reference(node_feature, edge_index):
    # DotProductIncident: gather incident node features per edge,
    # elementwise product (reduce_prod over the 2 incident nodes),
    # then sum over the feature dim with keepdims -> edge_score [E, 1].
    edge_src = edge_index[0]
    edge_dst = edge_index[1]
    f_src = jnp.take(node_feature, edge_src, axis=0)
    f_dst = jnp.take(node_feature, edge_dst, axis=0)
    edge_score = jnp.sum(f_src * f_dst, axis=1, keepdims=True)
    # apply_sigmoid=False, so return raw scores
    return edge_score

if __name__ == "__main__":
    import jax
    _d = setup_inputs()
    print(jax.jit(kernel)(*tuple(_d.values())))

</pallas_src>

<mosaic_0001>
#map = affine_map<(d0, d1) -> (0, 0, 0)>
#map1 = affine_map<(d0, d1) -> (0, 0)>
#map2 = affine_map<(d0, d1) -> (0)>
module attributes {stable_mosaic.version = 14 : i64} {
  func.func @_dot_incident(%arg0: i32, %arg1: i32, %arg2: memref<2x10000x64xi32, #tpu.memory_space<hbm>>, %arg3: memref<2x320000xi32, #tpu.memory_space<hbm>>, %arg4: memref<320000xf32, #tpu.memory_space<hbm>>, %arg5: memref<2x400xi32, #tpu.memory_space<vmem>>, %arg6: memref<2x400xi32, #tpu.memory_space<vmem>>, %arg7: memref<2x400x64xi32, #tpu.memory_space<vmem>>, %arg8: memref<2x400x64xi32, #tpu.memory_space<vmem>>, %arg9: memref<2x400xf32, #tpu.memory_space<vmem>>, %arg10: memref<!tpu.dma_semaphore, #tpu.memory_space<semaphore_mem>>, %arg11: memref<!tpu.dma_semaphore, #tpu.memory_space<semaphore_mem>>, %arg12: memref<!tpu.dma_semaphore, #tpu.memory_space<semaphore_mem>>, %arg13: memref<!tpu.dma_semaphore, #tpu.memory_space<semaphore_mem>>, %arg14: memref<!tpu.dma_semaphore, #tpu.memory_space<semaphore_mem>>, %arg15: memref<!tpu.dma_semaphore, #tpu.memory_space<semaphore_mem>>) attributes {dimension_semantics = [#tpu.dimension_semantics<core_parallel>, #tpu.dimension_semantics<subcore_parallel>], iteration_bounds = array<i64: 2, 16>, scalar_prefetch = 0 : i64, scratch_operands = 11 : i64, tpu.core_type = #tpu.core_type<sc_vector_subcore>, window_params = [{transform_indices = #map}, {transform_indices = #map1}, {transform_indices = #map2}]} {
    %mul3A = arith.constant 2 : i32
    %mul3A_0 = arith.muli %arg1, %mul3A : i32
    %add3A = arith.addi %mul3A_0, %arg0 : i32
    %mul3A_1 = arith.constant 10000 : i32
    %mul3A_2 = arith.muli %add3A, %mul3A_1 : i32
    %iota3A = tpu.iota {dimensions = array<i32: 0>} : vector<16xi32>
    %dma_start3A = arith.constant 0 : i32
    %dma_start3A_3 = arith.constant 0 : i32
    %dma_start3A_4 = arith.constant 0 : i32
    %dma_start3A_5 = tpu.memref_slice %arg5[%dma_start3A_3, %dma_start3A_4] : memref<2x400xi32, #tpu.memory_space<vmem>> -> memref<1x400xi32, #tpu.memory_space<vmem>>
    %dma_start3A_6 = tpu.memref_squeeze %dma_start3A_5 : memref<1x400xi32, #tpu.memory_space<vmem>> -> memref<400xi32, #tpu.memory_space<vmem>>
    %dma_start3A_7 = tpu.memref_slice %arg3[%dma_start3A, %mul3A_2] : memref<2x320000xi32, #tpu.memory_space<hbm>> -> memref<1x400xi32, #tpu.memory_space<hbm>>
    %dma_start3A_8 = tpu.memref_squeeze %dma_start3A_7 : memref<1x400xi32, #tpu.memory_space<hbm>> -> memref<400xi32, #tpu.memory_space<hbm>>
    %dma_start3A_9 = arith.constant 0 : i32
    %dma_start3A_10 = tpu.memref_slice %arg5[%dma_start3A_3, %dma_start3A_9] : memref<2x400xi32, #tpu.memory_space<vmem>> -> memref<1x400xi32, #tpu.memory_space<vmem>>
    %dma_start3A_11 = tpu.memref_squeeze %dma_start3A_10 : memref<1x400xi32, #tpu.memory_space<vmem>> -> memref<400xi32, #tpu.memory_space<vmem>>
    %dma_start3A_12 = tpu.memref_slice %arg3[%dma_start3A, %mul3A_2] : memref<2x320000xi32, #tpu.memory_space<hbm>> -> memref<1x400xi32, #tpu.memory_space<hbm>>
    %dma_start3A_13 = tpu.memref_squeeze %dma_start3A_12 : memref<1x400xi32, #tpu.memory_space<hbm>> -> memref<400xi32, #tpu.memory_space<hbm>>
    tpu.enqueue_dma source(%dma_start3A_13 : memref<400xi32, #tpu.memory_space<hbm>>) target(%dma_start3A_11 : memref<400xi32, #tpu.memory_space<vmem>>) target_semaphore(%arg10 : memref<!tpu.dma_semaphore, #tpu.memory_space<semaphore_mem>>)
    %dma_start3A_14 = arith.constant 1 : i32
    %dma_start3A_15 = arith.constant 0 : i32
    %dma_start3A_16 = arith.constant 0 : i32
    %dma_start3A_17 = tpu.memref_slice %arg6[%dma_start3A_15, %dma_start3A_16] : memref<2x400xi32, #tpu.memory_space<vmem>> -> memref<1x400xi32, #tpu.memory_space<vmem>>
    %dma_start3A_18 = tpu.memref_squeeze %dma_start3A_17 : memref<1x400xi32, #tpu.memory_space<vmem>> -> memref<400xi32, #tpu.memory_space<vmem>>
    %dma_start3A_19 = tpu.memref_slice %arg3[%dma_start3A_14, %mul3A_2] : memref<2x320000xi32, #tpu.memory_space<hbm>> -> memref<1x400xi32, #tpu.memory_space<hbm>>
    %dma_start3A_20 = tpu.memref_squeeze %dma_start3A_19 : memref<1x400xi32, #tpu.memory_space<hbm>> -> memref<400xi32, #tpu.memory_space<hbm>>
    %dma_start3A_21 = arith.constant 0 : i32
    %dma_start3A_22 = tpu.memref_slice %arg6[%dma_start3A_15, %dma_start3A_21] : memref<2x400xi32, #tpu.memory_space<vmem>> -> memref<1x400xi32, #tpu.memory_space<vmem>>
    %dma_start3A_23 = tpu.memref_squeeze %dma_start3A_22 : memref<1x400xi32, #tpu.memory_space<vmem>> -> memref<400xi32, #tpu.memory_space<vmem>>
    %dma_start3A_24 = tpu.memref_slice %arg3[%dma_start3A_14, %mul3A_2] : memref<2x320000xi32, #tpu.memory_space<hbm>> -> memref<1x400xi32, #tpu.memory_space<hbm>>
    %dma_start3A_25 = tpu.memref_squeeze %dma_start3A_24 : memref<1x400xi32, #tpu.memory_space<hbm>> -> memref<400xi32, #tpu.memory_space<hbm>>
    tpu.enqueue_dma source(%dma_start3A_25 : memref<400xi32, #tpu.memory_space<hbm>>) target(%dma_start3A_23 : memref<400xi32, #tpu.memory_space<vmem>>) target_semaphore(%arg10 : memref<!tpu.dma_semaphore, #tpu.memory_space<semaphore_mem>>)
    %dma_wait3A = arith.constant 0 : i32
    %dma_wait3A_26 = arith.constant 0 : i32
    %dma_wait3A_27 = arith.constant 0 : i32
    %dma_wait3A_28 = tpu.memref_slice %arg5[%dma_wait3A_26, %dma_wait3A_27] : memref<2x400xi32, #tpu.memory_space<vmem>> -> memref<1x400xi32, #tpu.memory_space<vmem>>
    %dma_wait3A_29 = tpu.memref_squeeze %dma_wait3A_28 : memref<1x400xi32, #tpu.memory_space<vmem>> -> memref<400xi32, #tpu.memory_space<vmem>>
    %dma_wait3A_30 = tpu.memref_slice %arg3[%dma_wait3A, %mul3A_2] : memref<2x320000xi32, #tpu.memory_space<hbm>> -> memref<1x400xi32, #tpu.memory_space<hbm>>
    %dma_wait3A_31 = tpu.memref_squeeze %dma_wait3A_30 : memref<1x400xi32, #tpu.memory_space<hbm>> -> memref<400xi32, #tpu.memory_space<hbm>>
    %dma_wait3A_32 = arith.constant 0 : i32
    %dma_wait3A_33 = tpu.memref_slice %arg5[%dma_wait3A_26, %dma_wait3A_32] : memref<2x400xi32, #tpu.memory_space<vmem>> -> memref<1x400xi32, #tpu.memory_space<vmem>>
    %dma_wait3A_34 = tpu.memref_squeeze %dma_wait3A_33 : memref<1x400xi32, #tpu.memory_space<vmem>> -> memref<400xi32, #tpu.memory_space<vmem>>
    %dma_wait3A_35 = tpu.memref_slice %arg3[%dma_wait3A, %mul3A_2] : memref<2x320000xi32, #tpu.memory_space<hbm>> -> memref<1x400xi32, #tpu.memory_space<hbm>>
    %dma_wait3A_36 = tpu.memref_squeeze %dma_wait3A_35 : memref<1x400xi32, #tpu.memory_space<hbm>> -> memref<400xi32, #tpu.memory_space<hbm>>
    tpu.wait_dma2 semaphore(%arg10 : memref<!tpu.dma_semaphore, #tpu.memory_space<semaphore_mem>>) src(%dma_wait3A_36 : memref<400xi32, #tpu.memory_space<hbm>>) dst(%dma_wait3A_34 : memref<400xi32, #tpu.memory_space<vmem>>)
    %dma_wait3A_37 = arith.constant 1 : i32
    %dma_wait3A_38 = arith.constant 0 : i32
    %dma_wait3A_39 = arith.constant 0 : i32
    %dma_wait3A_40 = tpu.memref_slice %arg6[%dma_wait3A_38, %dma_wait3A_39] : memref<2x400xi32, #tpu.memory_space<vmem>> -> memref<1x400xi32, #tpu.memory_space<vmem>>
    %dma_wait3A_41 = tpu.memref_squeeze %dma_wait3A_40 : memref<1x400xi32, #tpu.memory_space<vmem>> -> memref<400xi32, #tpu.memory_space<vmem>>
    %dma_wait3A_42 = tpu.memref_slice %arg3[%dma_wait3A_37, %mul3A_2] : memref<2x320000xi32, #tpu.memory_space<hbm>> -> memref<1x400xi32, #tpu.memory_space<hbm>>
    %dma_wait3A_43 = tpu.memref_squeeze %dma_wait3A_42 : memref<1x400xi32, #tpu.memory_space<hbm>> -> memref<400xi32, #tpu.memory_space<hbm>>
    %dma_wait3A_44 = arith.constant 0 : i32
    %dma_wait3A_45 = tpu.memref_slice %arg6[%dma_wait3A_38, %dma_wait3A_44] : memref<2x400xi32, #tpu.memory_space<vmem>> -> memref<1x400xi32, #tpu.memory_space<vmem>>
    %dma_wait3A_46 = tpu.memref_squeeze %dma_wait3A_45 : memref<1x400xi32, #tpu.memory_space<vmem>> -> memref<400xi32, #tpu.memory_space<vmem>>
    %dma_wait3A_47 = tpu.memref_slice %arg3[%dma_wait3A_37, %mul3A_2] : memref<2x320000xi32, #tpu.memory_space<hbm>> -> memref<1x400xi32, #tpu.memory_space<hbm>>
    %dma_wait3A_48 = tpu.memref_squeeze %dma_wait3A_47 : memref<1x400xi32, #tpu.memory_space<hbm>> -> memref<400xi32, #tpu.memory_space<hbm>>
    tpu.wait_dma2 semaphore(%arg10 : memref<!tpu.dma_semaphore, #tpu.memory_space<semaphore_mem>>) src(%dma_wait3A_48 : memref<400xi32, #tpu.memory_space<hbm>>) dst(%dma_wait3A_46 : memref<400xi32, #tpu.memory_space<vmem>>)
    %dma_start3A_49 = arith.constant 0 : i32
    %dma_start3A_50 = arith.constant 0 : i32
    %dma_start3A_51 = arith.constant 0 : i32
    %dma_start3A_52 = arith.constant 0 : i32
    %dma_start3A_53 = tpu.memref_slice %arg7[%dma_start3A_50, %dma_start3A_51, %dma_start3A_52] : memref<2x400x64xi32, #tpu.memory_space<vmem>> -> memref<1x400x64xi32, #tpu.memory_space<vmem>>
    %dma_start3A_54 = tpu.memref_squeeze %dma_start3A_53 : memref<1x400x64xi32, #tpu.memory_space<vmem>> -> memref<400x64xi32, #tpu.memory_space<vmem>>
    %dma_start3A_55 = arith.constant 0 : i32
    %dma_start3A_56 = tpu.memref_slice %arg5[%dma_start3A_49, %dma_start3A_55] : memref<2x400xi32, #tpu.memory_space<vmem>> -> memref<1x400xi32, #tpu.memory_space<vmem>>
    %dma_start3A_57 = tpu.memref_squeeze %dma_start3A_56 : memref<1x400xi32, #tpu.memory_space<vmem>> -> memref<400xi32, #tpu.memory_space<vmem>>
    %dma_start3A_58 = arith.constant 0 : i32
    %dma_start3A_59 = arith.constant 0 : i32
    %dma_start3A_60 = tpu.memref_slice %arg2[%arg0, %dma_start3A_58, %dma_start3A_59] : memref<2x10000x64xi32, #tpu.memory_space<hbm>> -> memref<1x10000x64xi32, #tpu.memory_space<hbm>>
    %dma_start3A_61 = tpu.memref_squeeze %dma_start3A_60 : memref<1x10000x64xi32, #tpu.memory_space<hbm>> -> memref<10000x64xi32, #tpu.memory_space<hbm>>
    %dma_start3A_62 = arith.constant 0 : i32
    %dma_start3A_63 = arith.constant 0 : i32
    %dma_start3A_64 = tpu.memref_slice %dma_start3A_61[%dma_start3A_62, %dma_start3A_63] : memref<10000x64xi32, #tpu.memory_space<hbm>> -> memref<10000x64xi32, #tpu.memory_space<hbm>>
    tpu.enqueue_indirect_dma source(%dma_start3A_64 : memref<10000x64xi32, #tpu.memory_space<hbm>>) target(%dma_start3A_54 : memref<400x64xi32, #tpu.memory_space<vmem>>) offsets(%dma_start3A_57 : memref<400xi32, #tpu.memory_space<vmem>>) semaphore(%arg12 : memref<!tpu.dma_semaphore, #tpu.memory_space<semaphore_mem>>)
    %dma_start3A_65 = arith.constant 0 : i32
    %dma_start3A_66 = arith.constant 0 : i32
    %dma_start3A_67 = arith.constant 0 : i32
    %dma_start3A_68 = arith.constant 0 : i32
    %dma_start3A_69 = tpu.memref_slice %arg8[%dma_start3A_66, %dma_start3A_67, %dma_start3A_68] : memref<2x400x64xi32, #tpu.memory_space<vmem>> -> memref<1x400x64xi32, #tpu.memory_space<vmem>>
    %dma_start3A_70 = tpu.memref_squeeze %dma_start3A_69 : memref<1x400x64xi32, #tpu.memory_space<vmem>> -> memref<400x64xi32, #tpu.memory_space<vmem>>
    %dma_start3A_71 = arith.constant 0 : i32
    %dma_start3A_72 = tpu.memref_slice %arg6[%dma_start3A_65, %dma_start3A_71] : memref<2x400xi32, #tpu.memory_space<vmem>> -> memref<1x400xi32, #tpu.memory_space<vmem>>
    %dma_start3A_73 = tpu.memref_squeeze %dma_start3A_72 : memref<1x400xi32, #tpu.memory_space<vmem>> -> memref<400xi32, #tpu.memory_space<vmem>>
    %dma_start3A_74 = arith.constant 0 : i32
    %dma_start3A_75 = arith.constant 0 : i32
    %dma_start3A_76 = tpu.memref_slice %arg2[%arg0, %dma_start3A_74, %dma_start3A_75] : memref<2x10000x64xi32, #tpu.memory_space<hbm>> -> memref<1x10000x64xi32, #tpu.memory_space<hbm>>
    %dma_start3A_77 = tpu.memref_squeeze %dma_start3A_76 : memref<1x10000x64xi32, #tpu.memory_space<hbm>> -> memref<10000x64xi32, #tpu.memory_space<hbm>>
    %dma_start3A_78 = arith.constant 0 : i32
    %dma_start3A_79 = arith.constant 0 : i32
    %dma_start3A_80 = tpu.memref_slice %dma_start3A_77[%dma_start3A_78, %dma_start3A_79] : memref<10000x64xi32, #tpu.memory_space<hbm>> -> memref<10000x64xi32, #tpu.memory_space<hbm>>
    tpu.enqueue_indirect_dma source(%dma_start3A_80 : memref<10000x64xi32, #tpu.memory_space<hbm>>) target(%dma_start3A_70 : memref<400x64xi32, #tpu.memory_space<vmem>>) offsets(%dma_start3A_73 : memref<400xi32, #tpu.memory_space<vmem>>) semaphore(%arg12 : memref<!tpu.dma_semaphore, #tpu.memory_space<semaphore_mem>>)
    %add3A_81 = arith.constant 400 : i32
    %add3A_82 = arith.addi %mul3A_2, %add3A_81 : i32
    %dma_start3A_83 = arith.constant 0 : i32
    %dma_start3A_84 = arith.constant 1 : i32
    %dma_start3A_85 = arith.constant 0 : i32
    %dma_start3A_86 = tpu.memref_slice %arg5[%dma_start3A_84, %dma_start3A_85] : memref<2x400xi32, #tpu.memory_space<vmem>> -> memref<1x400xi32, #tpu.memory_space<vmem>>
    %dma_start3A_87 = tpu.memref_squeeze %dma_start3A_86 : memref<1x400xi32, #tpu.memory_space<vmem>> -> memref<400xi32, #tpu.memory_space<vmem>>
    %dma_start3A_88 = tpu.memref_slice %arg3[%dma_start3A_83, %add3A_82] : memref<2x320000xi32, #tpu.memory_space<hbm>> -> memref<1x400xi32, #tpu.memory_space<hbm>>
    %dma_start3A_89 = tpu.memref_squeeze %dma_start3A_88 : memref<1x400xi32, #tpu.memory_space<hbm>> -> memref<400xi32, #tpu.memory_space<hbm>>
    %dma_start3A_90 = arith.constant 0 : i32
    %dma_start3A_91 = tpu.memref_slice %arg5[%dma_start3A_84, %dma_start3A_90] : memref<2x400xi32, #tpu.memory_space<vmem>> -> memref<1x400xi32, #tpu.memory_space<vmem>>
    %dma_start3A_92 = tpu.memref_squeeze %dma_start3A_91 : memref<1x400xi32, #tpu.memory_space<vmem>> -> memref<400xi32, #tpu.memory_space<vmem>>
    %dma_start3A_93 = tpu.memref_slice %arg3[%dma_start3A_83, %add3A_82] : memref<2x320000xi32, #tpu.memory_space<hbm>> -> memref<1x400xi32, #tpu.memory_space<hbm>>
    %dma_start3A_94 = tpu.memref_squeeze %dma_start3A_93 : memref<1x400xi32, #tpu.memory_space<hbm>> -> memref<400xi32, #tpu.memory_space<hbm>>
    tpu.enqueue_dma source(%dma_start3A_94 : memref<400xi32, #tpu.memory_space<hbm>>) target(%dma_start3A_92 : memref<400xi32, #tpu.memory_space<vmem>>) target_semaphore(%arg11 : memref<!tpu.dma_semaphore, #tpu.memory_space<semaphore_mem>>)
    %dma_start3A_95 = arith.constant 1 : i32
    %dma_start3A_96 = arith.constant 1 : i32
    %dma_start3A_97 = arith.constant 0 : i32
    %dma_start3A_98 = tpu.memref_slice %arg6[%dma_start3A_96, %dma_start3A_97] : memref<2x400xi32, #tpu.memory_space<vmem>> -> memref<1x400xi32, #tpu.memory_space<vmem>>
    %dma_start3A_99 = tpu.memref_squeeze %dma_start3A_98 : memref<1x400xi32, #tpu.memory_space<vmem>> -> memref<400xi32, #tpu.memory_space<vmem>>
    %dma_start3A_100 = tpu.memref_slice %arg3[%dma_start3A_95, %add3A_82] : memref<2x320000xi32, #tpu.memory_space<hbm>> -> memref<1x400xi32, #tpu.memory_space<hbm>>
    %dma_start3A_101 = tpu.memref_squeeze %dma_start3A_100 : memref<1x400xi32, #tpu.memory_space<hbm>> -> memref<400xi32, #tpu.memory_space<hbm>>
    %dma_start3A_102 = arith.constant 0 : i32
    %dma_start3A_103 = tpu.memref_slice %arg6[%dma_start3A_96, %dma_start3A_102] : memref<2x400xi32, #tpu.memory_space<vmem>> -> memref<1x400xi32, #tpu.memory_space<vmem>>
    %dma_start3A_104 = tpu.memref_squeeze %dma_start3A_103 : memref<1x400xi32, #tpu.memory_space<vmem>> -> memref<400xi32, #tpu.memory_space<vmem>>
    %dma_start3A_105 = tpu.memref_slice %arg3[%dma_start3A_95, %add3A_82] : memref<2x320000xi32, #tpu.memory_space<hbm>> -> memref<1x400xi32, #tpu.memory_space<hbm>>
    %dma_start3A_106 = tpu.memref_squeeze %dma_start3A_105 : memref<1x400xi32, #tpu.memory_space<hbm>> -> memref<400xi32, #tpu.memory_space<hbm>>
    tpu.enqueue_dma source(%dma_start3A_106 : memref<400xi32, #tpu.memory_space<hbm>>) target(%dma_start3A_104 : memref<400xi32, #tpu.memory_space<vmem>>) target_semaphore(%arg11 : memref<!tpu.dma_semaphore, #tpu.memory_space<semaphore_mem>>)
    %scan3A = arith.constant 0 : i32
    %scan3A_107 = arith.constant 12 : i32
    %scan3A_108 = arith.addi %scan3A, %scan3A_107 : i32
    %scan3A_109 = arith.constant 1 : i32
    scf.for %scan3A_186 = %scan3A to %scan3A_108 step %scan3A_109  : i32 {
      %mul3A_187 = arith.constant 2 : i32
      %mul3A_188 = arith.muli %mul3A_187, %scan3A_186 : i32
      %mul3A_189 = arith.constant 400 : i32
      %mul3A_190 = arith.muli %mul3A_188, %mul3A_189 : i32
      %add3A_191 = arith.addi %mul3A_2, %mul3A_190 : i32
      %dma_wait3A_192 = arith.constant 0 : i32
      %dma_wait3A_193 = arith.constant 1 : i32
      %dma_wait3A_194 = arith.constant 0 : i32
      %dma_wait3A_195 = tpu.memref_slice %arg5[%dma_wait3A_193, %dma_wait3A_194] : memref<2x400xi32, #tpu.memory_space<vmem>> -> memref<1x400xi32, #tpu.memory_space<vmem>>
      %dma_wait3A_196 = tpu.memref_squeeze %dma_wait3A_195 : memref<1x400xi32, #tpu.memory_space<vmem>> -> memref<400xi32, #tpu.memory_space<vmem>>
      %dma_wait3A_197 = tpu.memref_slice %arg3[%dma_wait3A_192, %mul3A_2] : memref<2x320000xi32, #tpu.memory_space<hbm>> -> memref<1x400xi32, #tpu.memory_space<hbm>>
      %dma_wait3A_198 = tpu.memref_squeeze %dma_wait3A_197 : memref<1x400xi32, #tpu.memory_space<hbm>> -> memref<400xi32, #tpu.memory_space<hbm>>
      %dma_wait3A_199 = arith.constant 0 : i32
      %dma_wait3A_200 = tpu.memref_slice %arg5[%dma_wait3A_193, %dma_wait3A_199] : memref<2x400xi32, #tpu.memory_space<vmem>> -> memref<1x400xi32, #tpu.memory_space<vmem>>
      %dma_wait3A_201 = tpu.memref_squeeze %dma_wait3A_200 : memref<1x400xi32, #tpu.memory_space<vmem>> -> memref<400xi32, #tpu.memory_space<vmem>>
      %dma_wait3A_202 = tpu.memref_slice %arg3[%dma_wait3A_192, %mul3A_2] : memref<2x320000xi32, #tpu.memory_space<hbm>> -> memref<1x400xi32, #tpu.memory_space<hbm>>
      %dma_wait3A_203 = tpu.memref_squeeze %dma_wait3A_202 : memref<1x400xi32, #tpu.memory_space<hbm>> -> memref<400xi32, #tpu.memory_space<hbm>>
      tpu.wait_dma2 semaphore(%arg11 : memref<!tpu.dma_semaphore, #tpu.memory_space<semaphore_mem>>) src(%dma_wait3A_203 : memref<400xi32, #tpu.memory_space<hbm>>) dst(%dma_wait3A_201 : memref<400xi32, #tpu.memory_space<vmem>>)
      %dma_wait3A_204 = arith.constant 1 : i32
      %dma_wait3A_205 = arith.constant 1 : i32
      %dma_wait3A_206 = arith.constant 0 : i32
      %dma_wait3A_207 = tpu.memref_slice %arg6[%dma_wait3A_205, %dma_wait3A_206] : memref<2x400xi32, #tpu.memory_space<vmem>> -> memref<1x400xi32, #tpu.memory_space<vmem>>
      %dma_wait3A_208 = tpu.memref_squeeze %dma_wait3A_207 : memref<1x400xi32, #tpu.memory_space<vmem>> -> memref<400xi32, #tpu.memory_space<vmem>>
      %dma_wait3A_209 = tpu.memref_slice %arg3[%dma_wait3A_204, %mul3A_2] : memref<2x320000xi32, #tpu.memory_space<hbm>> -> memref<1x400xi32, #tpu.memory_space<hbm>>
      %dma_wait3A_210 = tpu.memref_squeeze %dma_wait3A_209 : memref<1x400xi32, #tpu.memory_space<hbm>> -> memref<400xi32, #tpu.memory_space<hbm>>
      %dma_wait3A_211 = arith.constant 0 : i32
      %dma_wait3A_212 = tpu.memref_slice %arg6[%dma_wait3A_205, %dma_wait3A_211] : memref<2x400xi32, #tpu.memory_space<vmem>> -> memref<1x400xi32, #tpu.memory_space<vmem>>
      %dma_wait3A_213 = tpu.memref_squeeze %dma_wait3A_212 : memref<1x400xi32, #tpu.memory_space<vmem>> -> memref<400xi32, #tpu.memory_space<vmem>>
      %dma_wait3A_214 = tpu.memref_slice %arg3[%dma_wait3A_204, %mul3A_2] : memref<2x320000xi32, #tpu.memory_space<hbm>> -> memref<1x400xi32, #tpu.memory_space<hbm>>
      %dma_wait3A_215 = tpu.memref_squeeze %dma_wait3A_214 : memref<1x400xi32, #tpu.memory_space<hbm>> -> memref<400xi32, #tpu.memory_space<hbm>>
      tpu.wait_dma2 semaphore(%arg11 : memref<!tpu.dma_semaphore, #tpu.memory_space<semaphore_mem>>) src(%dma_wait3A_215 : memref<400xi32, #tpu.memory_space<hbm>>) dst(%dma_wait3A_213 : memref<400xi32, #tpu.memory_space<vmem>>)
      %dma_start3A_216 = arith.constant 1 : i32
      %dma_start3A_217 = arith.constant 1 : i32
      %dma_start3A_218 = arith.constant 0 : i32
      %dma_start3A_219 = arith.constant 0 : i32
      %dma_start3A_220 = tpu.memref_slice %arg7[%dma_start3A_217, %dma_start3A_218, %dma_start3A_219] : memref<2x400x64xi32, #tpu.memory_space<vmem>> -> memref<1x400x64xi32, #tpu.memory_space<vmem>>
      %dma_start3A_221 = tpu.memref_squeeze %dma_start3A_220 : memref<1x400x64xi32, #tpu.memory_space<vmem>> -> memref<400x64xi32, #tpu.memory_space<vmem>>
      %dma_start3A_222 = arith.constant 0 : i32
      %dma_start3A_223 = tpu.memref_slice %arg5[%dma_start3A_216, %dma_start3A_222] : memref<2x400xi32, #tpu.memory_space<vmem>> -> memref<1x400xi32, #tpu.memory_space<vmem>>
      %dma_start3A_224 = tpu.memref_squeeze %dma_start3A_223 : memref<1x400xi32, #tpu.memory_space<vmem>> -> memref<400xi32, #tpu.memory_space<vmem>>
      %dma_start3A_225 = arith.constant 0 : i32
      %dma_start3A_226 = arith.constant 0 : i32
      %dma_start3A_227 = tpu.memref_slice %arg2[%arg0, %dma_start3A_225, %dma_start3A_226] : memref<2x10000x64xi32, #tpu.memory_space<hbm>> -> memref<1x10000x64xi32, #tpu.memory_space<hbm>>
      %dma_start3A_228 = tpu.memref_squeeze %dma_start3A_227 : memref<1x10000x64xi32, #tpu.memory_space<hbm>> -> memref<10000x64xi32, #tpu.memory_space<hbm>>
      %dma_start3A_229 = arith.constant 0 : i32
      %dma_start3A_230 = arith.constant 0 : i32
      %dma_start3A_231 = tpu.memref_slice %dma_start3A_228[%dma_start3A_229, %dma_start3A_230] : memref<10000x64xi32, #tpu.memory_space<hbm>> -> memref<10000x64xi32, #tpu.memory_space<hbm>>
      tpu.enqueue_indirect_dma source(%dma_start3A_231 : memref<10000x64xi32, #tpu.memory_space<hbm>>) target(%dma_start3A_221 : memref<400x64xi32, #tpu.memory_space<vmem>>) offsets(%dma_start3A_224 : memref<400xi32, #tpu.memory_space<vmem>>) semaphore(%arg13 : memref<!tpu.dma_semaphore, #tpu.memory_space<semaphore_mem>>)
      %dma_start3A_232 = arith.constant 1 : i32
      %dma_start3A_233 = arith.constant 1 : i32
      %dma_start3A_234 = arith.constant 0 : i32
      %dma_start3A_235 = arith.constant 0 : i32
      %dma_start3A_236 = tpu.memref_slice %arg8[%dma_start3A_233, %dma_start3A_234, %dma_start3A_235] : memref<2x400x64xi32, #tpu.memory_space<vmem>> -> memref<1x400x64xi32, #tpu.memory_space<vmem>>
      %dma_start3A_237 = tpu.memref_squeeze %dma_start3A_236 : memref<1x400x64xi32, #tpu.memory_space<vmem>> -> memref<400x64xi32, #tpu.memory_space<vmem>>
      %dma_start3A_238 = arith.constant 0 : i32
      %dma_start3A_239 = tpu.memref_slice %arg6[%dma_start3A_232, %dma_start3A_238] : memref<2x400xi32, #tpu.memory_space<vmem>> -> memref<1x400xi32, #tpu.memory_space<vmem>>
      %dma_start3A_240 = tpu.memref_squeeze %dma_start3A_239 : memref<1x400xi32, #tpu.memory_space<vmem>> -> memref<400xi32, #tpu.memory_space<vmem>>
      %dma_start3A_241 = arith.constant 0 : i32
      %dma_start3A_242 = arith.constant 0 : i32
      %dma_start3A_243 = tpu.memref_slice %arg2[%arg0, %dma_start3A_241, %dma_start3A_242] : memref<2x10000x64xi32, #tpu.memory_space<hbm>> -> memref<1x10000x64xi32, #tpu.memory_space<hbm>>
      %dma_start3A_244 = tpu.memref_squeeze %dma_start3A_243 : memref<1x10000x64xi32, #tpu.memory_space<hbm>> -> memref<10000x64xi32, #tpu.memory_space<hbm>>
      %dma_start3A_245 = arith.constant 0 : i32
      %dma_start3A_246 = arith.constant 0 : i32
      %dma_start3A_247 = tpu.memref_slice %dma_start3A_244[%dma_start3A_245, %dma_start3A_246] : memref<10000x64xi32, #tpu.memory_space<hbm>> -> memref<10000x64xi32, #tpu.memory_space<hbm>>
      tpu.enqueue_indirect_dma source(%dma_start3A_247 : memref<10000x64xi32, #tpu.memory_space<hbm>>) target(%dma_start3A_237 : memref<400x64xi32, #tpu.memory_space<vmem>>) offsets(%dma_start3A_240 : memref<400xi32, #tpu.memory_space<vmem>>) semaphore(%arg13 : memref<!tpu.dma_semaphore, #tpu.memory_space<semaphore_mem>>)
      %dma_wait3A_248 = arith.constant 0 : i32
      %dma_wait3A_249 = arith.constant 0 : i32
      %dma_wait3A_250 = arith.constant 0 : i32
      %dma_wait3A_251 = arith.constant 0 : i32
      %dma_wait3A_252 = tpu.memref_slice %arg7[%dma_wait3A_249, %dma_wait3A_250, %dma_wait3A_251] : memref<2x400x64xi32, #tpu.memory_space<vmem>> -> memref<1x400x64xi32, #tpu.memory_space<vmem>>
      %dma_wait3A_253 = tpu.memref_squeeze %dma_wait3A_252 : memref<1x400x64xi32, #tpu.memory_space<vmem>> -> memref<400x64xi32, #tpu.memory_space<vmem>>
      %dma_wait3A_254 = arith.constant 0 : i32
      %dma_wait3A_255 = tpu.memref_slice %arg5[%dma_wait3A_248, %dma_wait3A_254] : memref<2x400xi32, #tpu.memory_space<vmem>> -> memref<1x400xi32, #tpu.memory_space<vmem>>
      %dma_wait3A_256 = tpu.memref_squeeze %dma_wait3A_255 : memref<1x400xi32, #tpu.memory_space<vmem>> -> memref<400xi32, #tpu.memory_space<vmem>>
      %dma_wait3A_257 = arith.constant 0 : i32
      %dma_wait3A_258 = arith.constant 0 : i32
      %dma_wait3A_259 = tpu.memref_slice %arg2[%arg0, %dma_wait3A_257, %dma_wait3A_258] : memref<2x10000x64xi32, #tpu.memory_space<hbm>> -> memref<1x10000x64xi32, #tpu.memory_space<hbm>>
      %dma_wait3A_260 = tpu.memref_squeeze %dma_wait3A_259 : memref<1x10000x64xi32, #tpu.memory_space<hbm>> -> memref<10000x64xi32, #tpu.memory_space<hbm>>
      %dma_wait3A_261 = arith.constant 0 : i32
      %dma_wait3A_262 = arith.constant 0 : i32
      %dma_wait3A_263 = tpu.memref_slice %dma_wait3A_260[%dma_wait3A_261, %dma_wait3A_262] : memref<10000x64xi32, #tpu.memory_space<hbm>> -> memref<10000x64xi32, #tpu.memory_space<hbm>>
      tpu.wait_indirect_dma semaphore(%arg12 : memref<!tpu.dma_semaphore, #tpu.memory_space<semaphore_mem>>) src(%dma_wait3A_263 : memref<10000x64xi32, #tpu.memory_space<hbm>>) dst(%dma_wait3A_253 : memref<400x64xi32, #tpu.memory_space<vmem>>)
      %dma_wait3A_264 = arith.constant 0 : i32
      %dma_wait3A_265 = arith.constant 0 : i32
      %dma_wait3A_266 = arith.constant 0 : i32
      %dma_wait3A_267 = arith.constant 0 : i32
      %dma_wait3A_268 = tpu.memref_slice %arg8[%dma_wait3A_265, %dma_wait3A_266, %dma_wait3A_267] : memref<2x400x64xi32, #tpu.memory_space<vmem>> -> memref<1x400x64xi32, #tpu.memory_space<vmem>>
      %dma_wait3A_269 = tpu.memref_squeeze %dma_wait3A_268 : memref<1x400x64xi32, #tpu.memory_space<vmem>> -> memref<400x64xi32, #tpu.memory_space<vmem>>
      %dma_wait3A_270 = arith.constant 0 : i32
      %dma_wait3A_271 = tpu.memref_slice %arg6[%dma_wait3A_264, %dma_wait3A_270] : memref<2x400xi32, #tpu.memory_space<vmem>> -> memref<1x400xi32, #tpu.memory_space<vmem>>
      %dma_wait3A_272 = tpu.memref_squeeze %dma_wait3A_271 : memref<1x400xi32, #tpu.memory_space<vmem>> -> memref<400xi32, #tpu.memory_space<vmem>>
      %dma_wait3A_273 = arith.constant 0 : i32
      %dma_wait3A_274 = arith.constant 0 : i32
      %dma_wait3A_275 = tpu.memref_slice %arg2[%arg0, %dma_wait3A_273, %dma_wait3A_274] : memref<2x10000x64xi32, #tpu.memory_space<hbm>> -> memref<1x10000x64xi32, #tpu.memory_space<hbm>>
      %dma_wait3A_276 = tpu.memref_squeeze %dma_wait3A_275 : memref<1x10000x64xi32, #tpu.memory_space<hbm>> -> memref<10000x64xi32, #tpu.memory_space<hbm>>
      %dma_wait3A_277 = arith.constant 0 : i32
      %dma_wait3A_278 = arith.constant 0 : i32
      %dma_wait3A_279 = tpu.memref_slice %dma_wait3A_276[%dma_wait3A_277, %dma_wait3A_278] : memref<10000x64xi32, #tpu.memory_space<hbm>> -> memref<10000x64xi32, #tpu.memory_space<hbm>>
      tpu.wait_indirect_dma semaphore(%arg12 : memref<!tpu.dma_semaphore, #tpu.memory_space<semaphore_mem>>) src(%dma_wait3A_279 : memref<10000x64xi32, #tpu.memory_space<hbm>>) dst(%dma_wait3A_269 : memref<400x64xi32, #tpu.memory_space<vmem>>)
      %add3A_280 = arith.constant 800 : i32
      %add3A_281 = arith.addi %add3A_191, %add3A_280 : i32
      %dma_start3A_282 = arith.constant 0 : i32
      %dma_start3A_283 = arith.constant 0 : i32
      %dma_start3A_284 = arith.constant 0 : i32
      %dma_start3A_285 = tpu.memref_slice %arg5[%dma_start3A_283, %dma_start3A_284] : memref<2x400xi32, #tpu.memory_space<vmem>> -> memref<1x400xi32, #tpu.memory_space<vmem>>
      %dma_start3A_286 = tpu.memref_squeeze %dma_start3A_285 : memref<1x400xi32, #tpu.memory_space<vmem>> -> memref<400xi32, #tpu.memory_space<vmem>>
      %dma_start3A_287 = tpu.memref_slice %arg3[%dma_start3A_282, %add3A_281] : memref<2x320000xi32, #tpu.memory_space<hbm>> -> memref<1x400xi32, #tpu.memory_space<hbm>>
      %dma_start3A_288 = tpu.memref_squeeze %dma_start3A_287 : memref<1x400xi32, #tpu.memory_space<hbm>> -> memref<400xi32, #tpu.memory_space<hbm>>
      %dma_start3A_289 = arith.constant 0 : i32
      %dma_start3A_290 = tpu.memref_slice %arg5[%dma_start3A_283, %dma_start3A_289] : memref<2x400xi32, #tpu.memory_space<vmem>> -> memref<1x400xi32, #tpu.memory_space<vmem>>
      %dma_start3A_291 = tpu.memref_squeeze %dma_start3A_290 : memref<1x400xi32, #tpu.memory_space<vmem>> -> memref<400xi32, #tpu.memory_space<vmem>>
      %dma_start3A_292 = tpu.memref_slice %arg3[%dma_start3A_282, %add3A_281] : memref<2x320000xi32, #tpu.memory_space<hbm>> -> memref<1x400xi32, #tpu.memory_space<hbm>>
      %dma_start3A_293 = tpu.memref_squeeze %dma_start3A_292 : memref<1x400xi32, #tpu.memory_space<hbm>> -> memref<400xi32, #tpu.memory_space<hbm>>
      tpu.enqueue_dma source(%dma_start3A_293 : memref<400xi32, #tpu.memory_space<hbm>>) target(%dma_start3A_291 : memref<400xi32, #tpu.memory_space<vmem>>) target_semaphore(%arg10 : memref<!tpu.dma_semaphore, #tpu.memory_space<semaphore_mem>>)
      %dma_start3A_294 = arith.constant 1 : i32
      %dma_start3A_295 = arith.constant 0 : i32
      %dma_start3A_296 = arith.constant 0 : i32
      %dma_start3A_297 = tpu.memref_slice %arg6[%dma_start3A_295, %dma_start3A_296] : memref<2x400xi32, #tpu.memory_space<vmem>> -> memref<1x400xi32, #tpu.memory_space<vmem>>
      %dma_start3A_298 = tpu.memref_squeeze %dma_start3A_297 : memref<1x400xi32, #tpu.memory_space<vmem>> -> memref<400xi32, #tpu.memory_space<vmem>>
      %dma_start3A_299 = tpu.memref_slice %arg3[%dma_start3A_294, %add3A_281] : memref<2x320000xi32, #tpu.memory_space<hbm>> -> memref<1x400xi32, #tpu.memory_space<hbm>>
      %dma_start3A_300 = tpu.memref_squeeze %dma_start3A_299 : memref<1x400xi32, #tpu.memory_space<hbm>> -> memref<400xi32, #tpu.memory_space<hbm>>
      %dma_start3A_301 = arith.constant 0 : i32
      %dma_start3A_302 = tpu.memref_slice %arg6[%dma_start3A_295, %dma_start3A_301] : memref<2x400xi32, #tpu.memory_space<vmem>> -> memref<1x400xi32, #tpu.memory_space<vmem>>
      %dma_start3A_303 = tpu.memref_squeeze %dma_start3A_302 : memref<1x400xi32, #tpu.memory_space<vmem>> -> memref<400xi32, #tpu.memory_space<vmem>>
      %dma_start3A_304 = tpu.memref_slice %arg3[%dma_start3A_294, %add3A_281] : memref<2x320000xi32, #tpu.memory_space<hbm>> -> memref<1x400xi32, #tpu.memory_space<hbm>>
      %dma_start3A_305 = tpu.memref_squeeze %dma_start3A_304 : memref<1x400xi32, #tpu.memory_space<hbm>> -> memref<400xi32, #tpu.memory_space<hbm>>
      tpu.enqueue_dma source(%dma_start3A_305 : memref<400xi32, #tpu.memory_space<hbm>>) target(%dma_start3A_303 : memref<400xi32, #tpu.memory_space<vmem>>) target_semaphore(%arg10 : memref<!tpu.dma_semaphore, #tpu.memory_space<semaphore_mem>>)
      %gt3A = arith.constant 0 : i32
      %gt3A_306 = arith.cmpi sgt, %scan3A_186, %gt3A : i32
      %convert_element_type3A = arith.extui %gt3A_306 : i1 to i32
      %cond3A = arith.constant 0 : i32
      %cond3A_307 = arith.cmpi ne, %convert_element_type3A, %cond3A : i32
      scf.if %cond3A_307 {
        %dma_wait3A_435 = arith.constant 0 : i32
        %dma_wait3A_436 = arith.constant 0 : i32
        %dma_wait3A_437 = tpu.memref_slice %arg9[%dma_wait3A_435, %dma_wait3A_436] : memref<2x400xf32, #tpu.memory_space<vmem>> -> memref<1x400xf32, #tpu.memory_space<vmem>>
        %dma_wait3A_438 = tpu.memref_squeeze %dma_wait3A_437 : memref<1x400xf32, #tpu.memory_space<vmem>> -> memref<400xf32, #tpu.memory_space<vmem>>
        %dma_wait3A_439 = tpu.memref_slice %arg4[%mul3A_2] : memref<320000xf32, #tpu.memory_space<hbm>> -> memref<400xf32, #tpu.memory_space<hbm>>
        %dma_wait3A_440 = tpu.memref_slice %arg4[%mul3A_2] : memref<320000xf32, #tpu.memory_space<hbm>> -> memref<400xf32, #tpu.memory_space<hbm>>
        %dma_wait3A_441 = arith.constant 0 : i32
        %dma_wait3A_442 = tpu.memref_slice %arg9[%dma_wait3A_435, %dma_wait3A_441] : memref<2x400xf32, #tpu.memory_space<vmem>> -> memref<1x400xf32, #tpu.memory_space<vmem>>
        %dma_wait3A_443 = tpu.memref_squeeze %dma_wait3A_442 : memref<1x400xf32, #tpu.memory_space<vmem>> -> memref<400xf32, #tpu.memory_space<vmem>>
        tpu.wait_dma2 semaphore(%arg14 : memref<!tpu.dma_semaphore, #tpu.memory_space<semaphore_mem>>) src(%dma_wait3A_443 : memref<400xf32, #tpu.memory_space<vmem>>) dst(%dma_wait3A_440 : memref<400xf32, #tpu.memory_space<hbm>>)
      } else {
      }
      %scan3A_308 = arith.constant 0 : i32
      %scan3A_309 = arith.constant 25 : i32
      %scan3A_310 = arith.addi %scan3A_308, %scan3A_309 : i32
      %scan3A_311 = arith.constant 1 : i32
      scf.for %scan3A_435 = %scan3A_308 to %scan3A_310 step %scan3A_311  : i32 {
        %mul3A_436 = arith.constant 16 : i32
        %mul3A_437 = arith.muli %scan3A_435, %mul3A_436 : i32
        %broadcast_in_dim3A = arith.constant 0.000000e+00 : f32
        %broadcast_in_dim3A_438 = vector.broadcast %broadcast_in_dim3A : f32 to vector<16xf32>
        %add3A_439 = arith.constant 0 : i32
        %add3A_440 = arith.addi %mul3A_437, %add3A_439 : i32
        %get3A = arith.constant 0 : i32
        %get3A_441 = arith.index_cast %get3A : i32 to index
        %get3A_442 = arith.index_cast %add3A_440 : i32 to index
        %get3A_443 = arith.constant 0 : index
        %get3A_444 = tpu.vector_load %arg7[%get3A_441, %get3A_442, %get3A_443] {strides = array<i32>} : memref<2x400x64xi32, #tpu.memory_space<vmem>>, vector<16xi32>,
        %bitcast3A = vector.bitcast %get3A_444 : vector<16xi32> to vector<32xbf16>
        %get3A_445 = arith.constant 0 : i32
        %get3A_446 = arith.index_cast %get3A_445 : i32 to index
        %get3A_447 = arith.index_cast %add3A_440 : i32 to index
        %get3A_448 = arith.constant 0 : index
        %get3A_449 = tpu.vector_load %arg8[%get3A_446, %get3A_447, %get3A_448] {strides = array<i32>} : memref<2x400x64xi32, #tpu.memory_space<vmem>>, vector<16xi32>,
        %bitcast3A_450 = vector.bitcast %get3A_449 : vector<16xi32> to vector<32xbf16>
        %mul3A_451 = arith.mulf %bitcast3A, %bitcast3A_450 : vector<32xbf16>
        %get3A_452 = arith.constant 0 : i32
        %get3A_453 = arith.index_cast %get3A_452 : i32 to index
        %get3A_454 = arith.index_cast %add3A_440 : i32 to index
        %get3A_455 = arith.constant 16 : index
        %get3A_456 = tpu.vector_load %arg7[%get3A_453, %get3A_454, %get3A_455] {strides = array<i32>} : memref<2x400x64xi32, #tpu.memory_space<vmem>>, vector<16xi32>,
        %bitcast3A_457 = vector.bitcast %get3A_456 : vector<16xi32> to vector<32xbf16>
        %get3A_458 = arith.constant 0 : i32
        %get3A_459 = arith.index_cast %get3A_458 : i32 to index
        %get3A_460 = arith.index_cast %add3A_440 : i32 to index
        %get3A_461 = arith.constant 16 : index
        %get3A_462 = tpu.vector_load %arg8[%get3A_459, %get3A_460, %get3A_461] {strides = array<i32>} : memref<2x400x64xi32, #tpu.memory_space<vmem>>, vector<16xi32>,
        %bitcast3A_463 = vector.bitcast %get3A_462 : vector<16xi32> to vector<32xbf16>
        %mul3A_464 = arith.mulf %bitcast3A_457, %bitcast3A_463 : vector<32xbf16>
        %add3A_465 = arith.addf %mul3A_451, %mul3A_464 : vector<32xbf16>
        %get3A_466 = arith.constant 0 : i32
        %get3A_467 = arith.index_cast %get3A_466 : i32 to index
        %get3A_468 = arith.index_cast %add3A_440 : i32 to index
        %get3A_469 = arith.constant 32 : index
        %get3A_470 = tpu.vector_load %arg7[%get3A_467, %get3A_468, %get3A_469] {strides = array<i32>} : memref<2x400x64xi32, #tpu.memory_space<vmem>>, vector<16xi32>,
        %bitcast3A_471 = vector.bitcast %get3A_470 : vector<16xi32> to vector<32xbf16>
        %get3A_472 = arith.constant 0 : i32
        %get3A_473 = arith.index_cast %get3A_472 : i32 to index
        %get3A_474 = arith.index_cast %add3A_440 : i32 to index
        %get3A_475 = arith.constant 32 : index
        %get3A_476 = tpu.vector_load %arg8[%get3A_473, %get3A_474, %get3A_475] {strides = array<i32>} : memref<2x400x64xi32, #tpu.memory_space<vmem>>, vector<16xi32>,
        %bitcast3A_477 = vector.bitcast %get3A_476 : vector<16xi32> to vector<32xbf16>
        %mul3A_478 = arith.mulf %bitcast3A_471, %bitcast3A_477 : vector<32xbf16>
        %add3A_479 = arith.addf %add3A_465, %mul3A_478 : vector<32xbf16>
        %get3A_480 = arith.constant 0 : i32
        %get3A_481 = arith.index_cast %get3A_480 : i32 to index
        %get3A_482 = arith.index_cast %add3A_440 : i32 to index
        %get3A_483 = arith.constant 48 : index
        %get3A_484 = tpu.vector_load %arg7[%get3A_481, %get3A_482, %get3A_483] {strides = array<i32>} : memref<2x400x64xi32, #tpu.memory_space<vmem>>, vector<16xi32>,
        %bitcast3A_485 = vector.bitcast %get3A_484 : vector<16xi32> to vector<32xbf16>
        %get3A_486 = arith.constant 0 : i32
        %get3A_487 = arith.index_cast %get3A_486 : i32 to index
        %get3A_488 = arith.index_cast %add3A_440 : i32 to index
        %get3A_489 = arith.constant 48 : index
        %get3A_490 = tpu.vector_load %arg8[%get3A_487, %get3A_488, %get3A_489] {strides = array<i32>} : memref<2x400x64xi32, #tpu.memory_space<vmem>>, vector<16xi32>,
        %bitcast3A_491 = vector.bitcast %get3A_490 : vector<16xi32> to vector<32xbf16>
        %mul3A_492 = arith.mulf %bitcast3A_485, %bitcast3A_491 : vector<32xbf16>
        %add3A_493 = arith.addf %add3A_479, %mul3A_492 : vector<32xbf16>
        %unpack3A = tpu.unpack_subelements %add3A_493, 0 {pack_format = #tpu.pack_format<interleaved>} : vector<32xbf16> -> vector<16xf32>
        %unpack3A_494 = tpu.unpack_subelements %add3A_493, 1 {pack_format = #tpu.pack_format<interleaved>} : vector<32xbf16> -> vector<16xf32>
        %eq3A = arith.constant 0 : i32
        %eq3A_495 = vector.broadcast %eq3A : i32 to vector<16xi32>
        %eq3A_496 = arith.cmpi eq, %iota3A, %eq3A_495 : vector<16xi32>
        %add3A_497 = arith.addf %unpack3A, %unpack3A_494 : vector<16xf32>
        %reduce_sum3A = arith.constant true
        %reduce_sum3A_498 = vector.broadcast %reduce_sum3A : i1 to vector<16xi1>
        %reduce_sum3A_499 = tpu.scan <sum>, %add3A_497 masked %reduce_sum3A_498 : vector<16xf32>, vector<16xi1> -> vector<16xf32>
        %reduce_sum3A_500 = vector.extract %reduce_sum3A_499[15] : f32 from vector<16xf32>
        %broadcast_in_dim3A_501 = vector.broadcast %reduce_sum3A_500 : f32 to vector<16xf32>
        %select_n3A = arith.select %eq3A_496, %broadcast_in_dim3A_501, %broadcast_in_dim3A_438 : vector<16xi1>, vector<16xf32>
        %add3A_502 = arith.constant 1 : i32
        %add3A_503 = arith.addi %mul3A_437, %add3A_502 : i32
        %get3A_504 = arith.constant 0 : i32
        %get3A_505 = arith.index_cast %get3A_504 : i32 to index
        %get3A_506 = arith.index_cast %add3A_503 : i32 to index
        %get3A_507 = arith.constant 0 : index
        %get3A_508 = tpu.vector_load %arg7[%get3A_505, %get3A_506, %get3A_507] {strides = array<i32>} : memref<2x400x64xi32, #tpu.memory_space<vmem>>, vector<16xi32>,
        %bitcast3A_509 = vector.bitcast %get3A_508 : vector<16xi32> to vector<32xbf16>
        %get3A_510 = arith.constant 0 : i32
        %get3A_511 = arith.index_cast %get3A_510 : i32 to index
        %get3A_512 = arith.index_cast %add3A_503 : i32 to index
        %get3A_513 = arith.constant 0 : index
        %get3A_514 = tpu.vector_load %arg8[%get3A_511, %get3A_512, %get3A_513] {strides = array<i32>} : memref<2x400x64xi32, #tpu.memory_space<vmem>>, vector<16xi32>,
        %bitcast3A_515 = vector.bitcast %get3A_514 : vector<16xi32> to vector<32xbf16>
        %mul3A_516 = arith.mulf %bitcast3A_509, %bitcast3A_515 : vector<32xbf16>
        %get3A_517 = arith.constant 0 : i32
        %get3A_518 = arith.index_cast %get3A_517 : i32 to index
        %get3A_519 = arith.index_cast %add3A_503 : i32 to index
        %get3A_520 = arith.constant 16 : index
        %get3A_521 = tpu.vector_load %arg7[%get3A_518, %get3A_519, %get3A_520] {strides = array<i32>} : memref<2x400x64xi32, #tpu.memory_space<vmem>>, vector<16xi32>,
        %bitcast3A_522 = vector.bitcast %get3A_521 : vector<16xi32> to vector<32xbf16>
        %get3A_523 = arith.constant 0 : i32
        %get3A_524 = arith.index_cast %get3A_523 : i32 to index
        %get3A_525 = arith.index_cast %add3A_503 : i32 to index
        %get3A_526 = arith.constant 16 : index
        %get3A_527 = tpu.vector_load %arg8[%get3A_524, %get3A_525, %get3A_526] {strides = array<i32>} : memref<2x400x64xi32, #tpu.memory_space<vmem>>, vector<16xi32>,
        %bitcast3A_528 = vector.bitcast %get3A_527 : vector<16xi32> to vector<32xbf16>
        %mul3A_529 = arith.mulf %bitcast3A_522, %bitcast3A_528 : vector<32xbf16>
        %add3A_530 = arith.addf %mul3A_516, %mul3A_529 : vector<32xbf16>
        %get3A_531 = arith.constant 0 : i32
        %get3A_532 = arith.index_cast %get3A_531 : i32 to index
        %get3A_533 = arith.index_cast %add3A_503 : i32 to index
        %get3A_534 = arith.constant 32 : index
        %get3A_535 = tpu.vector_load %arg7[%get3A_532, %get3A_533, %get3A_534] {strides = array<i32>} : memref<2x400x64xi32, #tpu.memory_space<vmem>>, vector<16xi32>,
        %bitcast3A_536 = vector.bitcast %get3A_535 : vector<16xi32> to vector<32xbf16>
        %get3A_537 = arith.constant 0 : i32
        %get3A_538 = arith.index_cast %get3A_537 : i32 to index
        %get3A_539 = arith.index_cast %add3A_503 : i32 to index
        %get3A_540 = arith.constant 32 : index
        %get3A_541 = tpu.vector_load %arg8[%get3A_538, %get3A_539, %get3A_540] {strides = array<i32>} : memref<2x400x64xi32, #tpu.memory_space<vmem>>, vector<16xi32>,
        %bitcast3A_542 = vector.bitcast %get3A_541 : vector<16xi32> to vector<32xbf16>
        %mul3A_543 = arith.mulf %bitcast3A_536, %bitcast3A_542 : vector<32xbf16>
        %add3A_544 = arith.addf %add3A_530, %mul3A_543 : vector<32xbf16>
        %get3A_545 = arith.constant 0 : i32
        %get3A_546 = arith.index_cast %get3A_545 : i32 to index
        %get3A_547 = arith.index_cast %add3A_503 : i32 to index
        %get3A_548 = arith.constant 48 : index
        %get3A_549 = tpu.vector_load %arg7[%get3A_546, %get3A_547, %get3A_548] {strides = array<i32>} : memref<2x400x64xi32, #tpu.memory_space<vmem>>, vector<16xi32>,
        %bitcast3A_550 = vector.bitcast %get3A_549 : vector<16xi32> to vector<32xbf16>
        %get3A_551 = arith.constant 0 : i32
        %get3A_552 = arith.index_cast %get3A_551 : i32 to index
        %get3A_553 = arith.index_cast %add3A_503 : i32 to index
        %get3A_554 = arith.constant 48 : index
        %get3A_555 = tpu.vector_load %arg8[%get3A_552, %get3A_553, %get3A_554] {strides = array<i32>} : memref<2x400x64xi32, #tpu.memory_space<vmem>>, vector<16xi32>,
        %bitcast3A_556 = vector.bitcast %get3A_555 : vector<16xi32> to vector<32xbf16>
        %mul3A_557 = arith.mulf %bitcast3A_550, %bitcast3A_556 : vector<32xbf16>
        %add3A_558 = arith.addf %add3A_544, %mul3A_557 : vector<32xbf16>
        %unpack3A_559 = tpu.unpack_subelements %add3A_558, 0 {pack_format = #tpu.pack_format<interleaved>} : vector<32xbf16> -> vector<16xf32>
        %unpack3A_560 = tpu.unpack_subelements %add3A_558, 1 {pack_format = #tpu.pack_format<interleaved>} : vector<32xbf16> -> vector<16xf32>
        %eq3A_561 = arith.constant 1 : i32
        %eq3A_562 = vector.broadcast %eq3A_561 : i32 to vector<16xi32>
        %eq3A_563 = arith.cmpi eq, %iota3A, %eq3A_562 : vector<16xi32>
        %add3A_564 = arith.addf %unpack3A_559, %unpack3A_560 : vector<16xf32>
        %reduce_sum3A_565 = arith.constant true
        %reduce_sum3A_566 = vector.broadcast %reduce_sum3A_565 : i1 to vector<16xi1>
        %reduce_sum3A_567 = tpu.scan <sum>, %add3A_564 masked %reduce_sum3A_566 : vector<16xf32>, vector<16xi1> -> vector<16xf32>
        %reduce_sum3A_568 = vector.extract %reduce_sum3A_567[15] : f32 from vector<16xf32>
        %broadcast_in_dim3A_569 = vector.broadcast %reduce_sum3A_568 : f32 to vector<16xf32>
        %select_n3A_570 = arith.select %eq3A_563, %broadcast_in_dim3A_569, %select_n3A : vector<16xi1>, vector<16xf32>
        %add3A_571 = arith.constant 2 : i32
        %add3A_572 = arith.addi %mul3A_437, %add3A_571 : i32
        %get3A_573 = arith.constant 0 : i32
        %get3A_574 = arith.index_cast %get3A_573 : i32 to index
        %get3A_575 = arith.index_cast %add3A_572 : i32 to index
        %get3A_576 = arith.constant 0 : index
        %get3A_577 = tpu.vector_load %arg7[%get3A_574, %get3A_575, %get3A_576] {strides = array<i32>} : memref<2x400x64xi32, #tpu.memory_space<vmem>>, vector<16xi32>,
        %bitcast3A_578 = vector.bitcast %get3A_577 : vector<16xi32> to vector<32xbf16>
        %get3A_579 = arith.constant 0 : i32
        %get3A_580 = arith.index_cast %get3A_579 : i32 to index
        %get3A_581 = arith.index_cast %add3A_572 : i32 to index
        %get3A_582 = arith.constant 0 : index
        %get3A_583 = tpu.vector_load %arg8[%get3A_580, %get3A_581, %get3A_582] {strides = array<i32>} : memref<2x400x64xi32, #tpu.memory_space<vmem>>, vector<16xi32>,
        %bitcast3A_584 = vector.bitcast %get3A_583 : vector<16xi32> to vector<32xbf16>
        %mul3A_585 = arith.mulf %bitcast3A_578, %bitcast3A_584 : vector<32xbf16>
        %get3A_586 = arith.constant 0 : i32
        %get3A_587 = arith.index_cast %get3A_586 : i32 to index
        %get3A_588 = arith.index_cast %add3A_572 : i32 to index
        %get3A_589 = arith.constant 16 : index
        %get3A_590 = tpu.vector_load %arg7[%get3A_587, %get3A_588, %get3A_589] {strides = array<i32>} : memref<2x400x64xi32, #tpu.memory_space<vmem>>, vector<16xi32>,
        %bitcast3A_591 = vector.bitcast %get3A_590 : vector<16xi32> to vector<32xbf16>
        %get3A_592 = arith.constant 0 : i32
        %get3A_593 = arith.index_cast %get3A_592 : i32 to index
        %get3A_594 = arith.index_cast %add3A_572 : i32 to index
        %get3A_595 = arith.constant 16 : index
        %get3A_596 = tpu.vector_load %arg8[%get3A_593, %get3A_594, %get3A_595] {strides = array<i32>} : memref<2x400x64xi32, #tpu.memory_space<vmem>>, vector<16xi32>,
        %bitcast3A_597 = vector.bitcast %get3A_596 : vector<16xi32> to vector<32xbf16>
        %mul3A_598 = arith.mulf %bitcast3A_591, %bitcast3A_597 : vector<32xbf16>
        %add3A_599 = arith.addf %mul3A_585, %mul3A_598 : vector<32xbf16>
        %get3A_600 = arith.constant 0 : i32
        %get3A_601 = arith.index_cast %get3A_600 : i32 to index
        %get3A_602 = arith.index_cast %add3A_572 : i32 to index
        %get3A_603 = arith.constant 32 : index
        %get3A_604 = tpu.vector_load %arg7[%get3A_601, %get3A_602, %get3A_603] {strides = array<i32>} : memref<2x400x64xi32, #tpu.memory_space<vmem>>, vector<16xi32>,
        %bitcast3A_605 = vector.bitcast %get3A_604 : vector<16xi32> to vector<32xbf16>
        %get3A_606 = arith.constant 0 : i32
        %get3A_607 = arith.index_cast %get3A_606 : i32 to index
        %get3A_608 = arith.index_cast %add3A_572 : i32 to index
        %get3A_609 = arith.constant 32 : index
        %get3A_610 = tpu.vector_load %arg8[%get3A_607, %get3A_608, %get3A_609] {strides = array<i32>} : memref<2x400x64xi32, #tpu.memory_space<vmem>>, vector<16xi32>,
        %bitcast3A_611 = vector.bitcast %get3A_610 : vector<16xi32> to vector<32xbf16>
        %mul3A_612 = arith.mulf %bitcast3A_605, %bitcast3A_611 : vector<32xbf16>
        %add3A_613 = arith.addf %add3A_599, %mul3A_612 : vector<32xbf16>
        %get3A_614 = arith.constant 0 : i32
        %get3A_615 = arith.index_cast %get3A_614 : i32 to index
        %get3A_616 = arith.index_cast %add3A_572 : i32 to index
        %get3A_617 = arith.constant 48 : index
        %get3A_618 = tpu.vector_load %arg7[%get3A_615, %get3A_616, %get3A_617] {strides = array<i32>} : memref<2x400x64xi32, #tpu.memory_space<vmem>>, vector<16xi32>,
        %bitcast3A_619 = vector.bitcast %get3A_618 : vector<16xi32> to vector<32xbf16>
        %get3A_620 = arith.constant 0 : i32
        %get3A_621 = arith.index_cast %get3A_620 : i32 to index
        %get3A_622 = arith.index_cast %add3A_572 : i32 to index
        %get3A_623 = arith.constant 48 : index
        %get3A_624 = tpu.vector_load %arg8[%get3A_621, %get3A_622, %get3A_623] {strides = array<i32>} : memref<2x400x64xi32, #tpu.memory_space<vmem>>, vector<16xi32>,
        %bitcast3A_625 = vector.bitcast %get3A_624 : vector<16xi32> to vector<32xbf16>
        %mul3A_626 = arith.mulf %bitcast3A_619, %bitcast3A_625 : vector<32xbf16>
        %add3A_627 = arith.addf %add3A_613, %mul3A_626 : vector<32xbf16>
        %unpack3A_628 = tpu.unpack_subelements %add3A_627, 0 {pack_format = #tpu.pack_format<interleaved>} : vector<32xbf16> -> vector<16xf32>
        %unpack3A_629 = tpu.unpack_subelements %add3A_627, 1 {pack_format = #tpu.pack_format<interleaved>} : vector<32xbf16> -> vector<16xf32>
        %eq3A_630 = arith.constant 2 : i32
        %eq3A_631 = vector.broadcast %eq3A_630 : i32 to vector<16xi32>
        %eq3A_632 = arith.cmpi eq, %iota3A, %eq3A_631 : vector<16xi32>
        %add3A_633 = arith.addf %unpack3A_628, %unpack3A_629 : vector<16xf32>
        %reduce_sum3A_634 = arith.constant true
        %reduce_sum3A_635 = vector.broadcast %reduce_sum3A_634 : i1 to vector<16xi1>
        %reduce_sum3A_636 = tpu.scan <sum>, %add3A_633 masked %reduce_sum3A_635 : vector<16xf32>, vector<16xi1> -> vector<16xf32>
        %reduce_sum3A_637 = vector.extract %reduce_sum3A_636[15] : f32 from vector<16xf32>
        %broadcast_in_dim3A_638 = vector.broadcast %reduce_sum3A_637 : f32 to vector<16xf32>
        %select_n3A_639 = arith.select %eq3A_632, %broadcast_in_dim3A_638, %select_n3A_570 : vector<16xi1>, vector<16xf32>
        %add3A_640 = arith.constant 3 : i32
        %add3A_641 = arith.addi %mul3A_437, %add3A_640 : i32
        %get3A_642 = arith.constant 0 : i32
        %get3A_643 = arith.index_cast %get3A_642 : i32 to index
        %get3A_644 = arith.index_cast %add3A_641 : i32 to index
        %get3A_645 = arith.constant 0 : index
        %get3A_646 = tpu.vector_load %arg7[%get3A_643, %get3A_644, %get3A_645] {strides = array<i32>} : memref<2x400x64xi32, #tpu.memory_space<vmem>>, vector<16xi32>,
        %bitcast3A_647 = vector.bitcast %get3A_646 : vector<16xi32> to vector<32xbf16>
        %get3A_648 = arith.constant 0 : i32
        %get3A_649 = arith.index_cast %get3A_648 : i32 to index
        %get3A_650 = arith.index_cast %add3A_641 : i32 to index
        %get3A_651 = arith.constant 0 : index
        %get3A_652 = tpu.vector_load %arg8[%get3A_649, %get3A_650, %get3A_651] {strides = array<i32>} : memref<2x400x64xi32, #tpu.memory_space<vmem>>, vector<16xi32>,
        %bitcast3A_653 = vector.bitcast %get3A_652 : vector<16xi32> to vector<32xbf16>
        %mul3A_654 = arith.mulf %bitcast3A_647, %bitcast3A_653 : vector<32xbf16>
        %get3A_655 = arith.constant 0 : i32
        %get3A_656 = arith.index_cast %get3A_655 : i32 to index
        %get3A_657 = arith.index_cast %add3A_641 : i32 to index
        %get3A_658 = arith.constant 16 : index
        %get3A_659 = tpu.vector_load %arg7[%get3A_656, %get3A_657, %get3A_658] {strides = array<i32>} : memref<2x400x64xi32, #tpu.memory_space<vmem>>, vector<16xi32>,
        %bitcast3A_660 = vector.bitcast %get3A_659 : vector<16xi32> to vector<32xbf16>
        %get3A_661 = arith.constant 0 : i32
        %get3A_662 = arith.index_cast %get3A_661 : i32 to index
        %get3A_663 = arith.index_cast %add3A_641 : i32 to index
        %get3A_664 = arith.constant 16 : index
        %get3A_665 = tpu.vector_load %arg8[%get3A_662, %get3A_663, %get3A_664] {strides = array<i32>} : memref<2x400x64xi32, #tpu.memory_space<vmem>>, vector<16xi32>,
        %bitcast3A_666 = vector.bitcast %get3A_665 : vector<16xi32> to vector<32xbf16>
        %mul3A_667 = arith.mulf %bitcast3A_660, %bitcast3A_666 : vector<32xbf16>
        %add3A_668 = arith.addf %mul3A_654, %mul3A_667 : vector<32xbf16>
        %get3A_669 = arith.constant 0 : i32
        %get3A_670 = arith.index_cast %get3A_669 : i32 to index
        %get3A_671 = arith.index_cast %add3A_641 : i32 to index
        %get3A_672 = arith.constant 32 : index
        %get3A_673 = tpu.vector_load %arg7[%get3A_670, %get3A_671, %get3A_672] {strides = array<i32>} : memref<2x400x64xi32, #tpu.memory_space<vmem>>, vector<16xi32>,
        %bitcast3A_674 = vector.bitcast %get3A_673 : vector<16xi32> to vector<32xbf16>
        %get3A_675 = arith.constant 0 : i32
        %get3A_676 = arith.index_cast %get3A_675 : i32 to index
        %get3A_677 = arith.index_cast %add3A_641 : i32 to index
        %get3A_678 = arith.constant 32 : index
        %get3A_679 = tpu.vector_load %arg8[%get3A_676, %get3A_677, %get3A_678] {strides = array<i32>} : memref<2x400x64xi32, #tpu.memory_space<vmem>>, vector<16xi32>,
        %bitcast3A_680 = vector.bitcast %get3A_679 : vector<16xi32> to vector<32xbf16>
        %mul3A_681 = arith.mulf %bitcast3A_674, %bitcast3A_680 : vector<32xbf16>
        %add3A_682 = arith.addf %add3A_668, %mul3A_681 : vector<32xbf16>
        %get3A_683 = arith.constant 0 : i32
        %get3A_684 = arith.index_cast %get3A_683 : i32 to index
        %get3A_685 = arith.index_cast %add3A_641 : i32 to index
        %get3A_686 = arith.constant 48 : index
        %get3A_687 = tpu.vector_load %arg7[%get3A_684, %get3A_685, %get3A_686] {strides = array<i32>} : memref<2x400x64xi32, #tpu.memory_space<vmem>>, vector<16xi32>,
        %bitcast3A_688 = vector.bitcast %get3A_687 : vector<16xi32> to vector<32xbf16>
        %get3A_689 = arith.constant 0 : i32
        %get3A_690 = arith.index_cast %get3A_689 : i32 to index
        %get3A_691 = arith.index_cast %add3A_641 : i32 to index
        %get3A_692 = arith.constant 48 : index
        %get3A_693 = tpu.vector_load %arg8[%get3A_690, %get3A_691, %get3A_692] {strides = array<i32>} : memref<2x400x64xi32, #tpu.memory_space<vmem>>, vector<16xi32>,
        %bitcast3A_694 = vector.bitcast %get3A_693 : vector<16xi32> to vector<32xbf16>
        %mul3A_695 = arith.mulf %bitcast3A_688, %bitcast3A_694 : vector<32xbf16>
        %add3A_696 = arith.addf %add3A_682, %mul3A_695 : vector<32xbf16>
        %unpack3A_697 = tpu.unpack_subelements %add3A_696, 0 {pack_format = #tpu.pack_format<interleaved>} : vector<32xbf16> -> vector<16xf32>
        %unpack3A_698 = tpu.unpack_subelements %add3A_696, 1 {pack_format = #tpu.pack_format<interleaved>} : vector<32xbf16> -> vector<16xf32>
        %eq3A_699 = arith.constant 3 : i32
        %eq3A_700 = vector.broadcast %eq3A_699 : i32 to vector<16xi32>
        %eq3A_701 = arith.cmpi eq, %iota3A, %eq3A_700 : vector<16xi32>
        %add3A_702 = arith.addf %unpack3A_697, %unpack3A_698 : vector<16xf32>
        %reduce_sum3A_703 = arith.constant true
        %reduce_sum3A_704 = vector.broadcast %reduce_sum3A_703 : i1 to vector<16xi1>
        %reduce_sum3A_705 = tpu.scan <sum>, %add3A_702 masked %reduce_sum3A_704 : vector<16xf32>, vector<16xi1> -> vector<16xf32>
        %reduce_sum3A_706 = vector.extract %reduce_sum3A_705[15] : f32 from vector<16xf32>
        %broadcast_in_dim3A_707 = vector.broadcast %reduce_sum3A_706 : f32 to vector<16xf32>
        %select_n3A_708 = arith.select %eq3A_701, %broadcast_in_dim3A_707, %select_n3A_639 : vector<16xi1>, vector<16xf32>
        %add3A_709 = arith.constant 4 : i32
        %add3A_710 = arith.addi %mul3A_437, %add3A_709 : i32
        %get3A_711 = arith.constant 0 : i32
        %get3A_712 = arith.index_cast %get3A_711 : i32 to index
        %get3A_713 = arith.index_cast %add3A_710 : i32 to index
        %get3A_714 = arith.constant 0 : index
        %get3A_715 = tpu.vector_load %arg7[%get3A_712, %get3A_713, %get3A_714] {strides = array<i32>} : memref<2x400x64xi32, #tpu.memory_space<vmem>>, vector<16xi32>,
        %bitcast3A_716 = vector.bitcast %get3A_715 : vector<16xi32> to vector<32xbf16>
        %get3A_717 = arith.constant 0 : i32
        %get3A_718 = arith.index_cast %get3A_717 : i32 to index
        %get3A_719 = arith.index_cast %add3A_710 : i32 to index
        %get3A_720 = arith.constant 0 : index
        %get3A_721 = tpu.vector_load %arg8[%get3A_718, %get3A_719, %get3A_720] {strides = array<i32>} : memref<2x400x64xi32, #tpu.memory_space<vmem>>, vector<16xi32>,
        %bitcast3A_722 = vector.bitcast %get3A_721 : vector<16xi32> to vector<32xbf16>
        %mul3A_723 = arith.mulf %bitcast3A_716, %bitcast3A_722 : vector<32xbf16>
        %get3A_724 = arith.constant 0 : i32
        %get3A_725 = arith.index_cast %get3A_724 : i32 to index
        %get3A_726 = arith.index_cast %add3A_710 : i32 to index
        %get3A_727 = arith.constant 16 : index
        %get3A_728 = tpu.vector_load %arg7[%get3A_725, %get3A_726, %get3A_727] {strides = array<i32>} : memref<2x400x64xi32, #tpu.memory_space<vmem>>, vector<16xi32>,
        %bitcast3A_729 = vector.bitcast %get3A_728 : vector<16xi32> to vector<32xbf16>
        %get3A_730 = arith.constant 0 : i32
        %get3A_731 = arith.index_cast %get3A_730 : i32 to index
        %get3A_732 = arith.index_cast %add3A_710 : i32 to index
        %get3A_733 = arith.constant 16 : index
        %get3A_734 = tpu.vector_load %arg8[%get3A_731, %get3A_732, %get3A_733] {strides = array<i32>} : memref<2x400x64xi32, #tpu.memory_space<vmem>>, vector<16xi32>,
        %bitcast3A_735 = vector.bitcast %get3A_734 : vector<16xi32> to vector<32xbf16>
        %mul3A_736 = arith.mulf %bitcast3A_729, %bitcast3A_735 : vector<32xbf16>
        %add3A_737 = arith.addf %mul3A_723, %mul3A_736 : vector<32xbf16>
        %get3A_738 = arith.constant 0 : i32
        %get3A_739 = arith.index_cast %get3A_738 : i32 to index
        %get3A_740 = arith.index_cast %add3A_710 : i32 to index
        %get3A_741 = arith.constant 32 : index
        %get3A_742 = tpu.vector_load %arg7[%get3A_739, %get3A_740, %get3A_741] {strides = array<i32>} : memref<2x400x64xi32, #tpu.memory_space<vmem>>, vector<16xi32>,
        %bitcast3A_743 = vector.bitcast %get3A_742 : vector<16xi32> to vector<32xbf16>
        %get3A_744 = arith.constant 0 : i32
        %get3A_745 = arith.index_cast %get3A_744 : i32 to index
        %get3A_746 = arith.index_cast %add3A_710 : i32 to index
        %get3A_747 = arith.constant 32 : index
        %get3A_748 = tpu.vector_load %arg8[%get3A_745, %get3A_746, %get3A_747] {strides = array<i32>} : memref<2x400x64xi32, #tpu.memory_space<vmem>>, vector<16xi32>,
        %bitcast3A_749 = vector.bitcast %get3A_748 : vector<16xi32> to vector<32xbf16>
        %mul3A_750 = arith.mulf %bitcast3A_743, %bitcast3A_749 : vector<32xbf16>
        %add3A_751 = arith.addf %add3A_737, %mul3A_750 : vector<32xbf16>
        %get3A_752 = arith.constant 0 : i32
        %get3A_753 = arith.index_cast %get3A_752 : i32 to index
        %get3A_754 = arith.index_cast %add3A_710 : i32 to index
        %get3A_755 = arith.constant 48 : index
        %get3A_756 = tpu.vector_load %arg7[%get3A_753, %get3A_754, %get3A_755] {strides = array<i32>} : memref<2x400x64xi32, #tpu.memory_space<vmem>>, vector<16xi32>,
        %bitcast3A_757 = vector.bitcast %get3A_756 : vector<16xi32> to vector<32xbf16>
        %get3A_758 = arith.constant 0 : i32
        %get3A_759 = arith.index_cast %get3A_758 : i32 to index
        %get3A_760 = arith.index_cast %add3A_710 : i32 to index
        %get3A_761 = arith.constant 48 : index
        %get3A_762 = tpu.vector_load %arg8[%get3A_759, %get3A_760, %get3A_761] {strides = array<i32>} : memref<2x400x64xi32, #tpu.memory_space<vmem>>, vector<16xi32>,
        %bitcast3A_763 = vector.bitcast %get3A_762 : vector<16xi32> to vector<32xbf16>
        %mul3A_764 = arith.mulf %bitcast3A_757, %bitcast3A_763 : vector<32xbf16>
        %add3A_765 = arith.addf %add3A_751, %mul3A_764 : vector<32xbf16>
        %unpack3A_766 = tpu.unpack_subelements %add3A_765, 0 {pack_format = #tpu.pack_format<interleaved>} : vector<32xbf16> -> vector<16xf32>
        %unpack3A_767 = tpu.unpack_subelements %add3A_765, 1 {pack_format = #tpu.pack_format<interleaved>} : vector<32xbf16> -> vector<16xf32>
        %eq3A_768 = arith.constant 4 : i32
        %eq3A_769 = vector.broadcast %eq3A_768 : i32 to vector<16xi32>
        %eq3A_770 = arith.cmpi eq, %iota3A, %eq3A_769 : vector<16xi32>
        %add3A_771 = arith.addf %unpack3A_766, %unpack3A_767 : vector<16xf32>
        %reduce_sum3A_772 = arith.constant true
        %reduce_sum3A_773 = vector.broadcast %reduce_sum3A_772 : i1 to vector<16xi1>
        %reduce_sum3A_774 = tpu.scan <sum>, %add3A_771 masked %reduce_sum3A_773 : vector<16xf32>, vector<16xi1> -> vector<16xf32>
        %reduce_sum3A_775 = vector.extract %reduce_sum3A_774[15] : f32 from vector<16xf32>
        %broadcast_in_dim3A_776 = vector.broadcast %reduce_sum3A_775 : f32 to vector<16xf32>
        %select_n3A_777 = arith.select %eq3A_770, %broadcast_in_dim3A_776, %select_n3A_708 : vector<16xi1>, vector<16xf32>
        %add3A_778 = arith.constant 5 : i32
        %add3A_779 = arith.addi %mul3A_437, %add3A_778 : i32
        %get3A_780 = arith.constant 0 : i32
        %get3A_781 = arith.index_cast %get3A_780 : i32 to index
        %get3A_782 = arith.index_cast %add3A_779 : i32 to index
        %get3A_783 = arith.constant 0 : index
        %get3A_784 = tpu.vector_load %arg7[%get3A_781, %get3A_782, %get3A_783] {strides = array<i32>} : memref<2x400x64xi32, #tpu.memory_space<vmem>>, vector<16xi32>,
        %bitcast3A_785 = vector.bitcast %get3A_784 : vector<16xi32> to vector<32xbf16>
        %get3A_786 = arith.constant 0 : i32
        %get3A_787 = arith.index_cast %get3A_786 : i32 to index
        %get3A_788 = arith.index_cast %add3A_779 : i32 to index
        %get3A_789 = arith.constant 0 : index
        %get3A_790 = tpu.vector_load %arg8[%get3A_787, %get3A_788, %get3A_789] {strides = array<i32>} : memref<2x400x64xi32, #tpu.memory_space<vmem>>, vector<16xi32>,
        %bitcast3A_791 = vector.bitcast %get3A_790 : vector<16xi32> to vector<32xbf16>
        %mul3A_792 = arith.mulf %bitcast3A_785, %bitcast3A_791 : vector<32xbf16>
        %get3A_793 = arith.constant 0 : i32
        %get3A_794 = arith.index_cast %get3A_793 : i32 to index
        %get3A_795 = arith.index_cast %add3A_779 : i32 to index
        %get3A_796 = arith.constant 16 : index
        %get3A_797 = tpu.vector_load %arg7[%get3A_794, %get3A_795, %get3A_796] {strides = array<i32>} : memref<2x400x64xi32, #tpu.memory_space<vmem>>, vector<16xi32>,
        %bitcast3A_798 = vector.bitcast %get3A_797 : vector<16xi32> to vector<32xbf16>
        %get3A_799 = arith.constant 0 : i32
        %get3A_800 = arith.index_cast %get3A_799 : i32 to index
        %get3A_801 = arith.index_cast %add3A_779 : i32 to index
        %get3A_802 = arith.constant 16 : index
        %get3A_803 = tpu.vector_load %arg8[%get3A_800, %get3A_801, %get3A_802] {strides = array<i32>} : memref<2x400x64xi32, #tpu.memory_space<vmem>>, vector<16xi32>,
        %bitcast3A_804 = vector.bitcast %get3A_803 : vector<16xi32> to vector<32xbf16>
        %mul3A_805 = arith.mulf %bitcast3A_798, %bitcast3A_804 : vector<32xbf16>
        %add3A_806 = arith.addf %mul3A_792, %mul3A_805 : vector<32xbf16>
        %get3A_807 = arith.constant 0 : i32
        %get3A_808 = arith.index_cast %get3A_807 : i32 to index
        %get3A_809 = arith.index_cast %add3A_779 : i32 to index
        %get3A_810 = arith.constant 32 : index
        %get3A_811 = tpu.vector_load %arg7[%get3A_808, %get3A_809, %get3A_810] {strides = array<i32>} : memref<2x400x64xi32, #tpu.memory_space<vmem>>, vector<16xi32>,
        %bitcast3A_812 = vector.bitcast %get3A_811 : vector<16xi32> to vector<32xbf16>
        %get3A_813 = arith.constant 0 : i32
        %get3A_814 = arith.index_cast %get3A_813 : i32 to index
        %get3A_815 = arith.index_cast %add3A_779 : i32 to index
        %get3A_816 = arith.constant 32 : index
        %get3A_817 = tpu.vector_load %arg8[%get3A_814, %get3A_815, %get3A_816] {strides = array<i32>} : memref<2x400x64xi32, #tpu.memory_space<vmem>>, vector<16xi32>,
        %bitcast3A_818 = vector.bitcast %get3A_817 : vector<16xi32> to vector<32xbf16>
        %mul3A_819 = arith.mulf %bitcast3A_812, %bitcast3A_818 : vector<32xbf16>
        %add3A_820 = arith.addf %add3A_806, %mul3A_819 : vector<32xbf16>
        %get3A_821 = arith.constant 0 : i32
        %get3A_822 = arith.index_cast %get3A_821 : i32 to index
        %get3A_823 = arith.index_cast %add3A_779 : i32 to index
        %get3A_824 = arith.constant 48 : index
        %get3A_825 = tpu.vector_load %arg7[%get3A_822, %get3A_823, %get3A_824] {strides = array<i32>} : memref<2x400x64xi32, #tpu.memory_space<vmem>>, vector<16xi32>,
        %bitcast3A_826 = vector.bitcast %get3A_825 : vector<16xi32> to vector<32xbf16>
        %get3A_827 = arith.constant 0 : i32
        %get3A_828 = arith.index_cast %get3A_827 : i32 to index
        %get3A_829 = arith.index_cast %add3A_779 : i32 to index
        %get3A_830 = arith.constant 48 : index
        %get3A_831 = tpu.vector_load %arg8[%get3A_828, %get3A_829, %get3A_830] {strides = array<i32>} : memref<2x400x64xi32, #tpu.memory_space<vmem>>, vector<16xi32>,
        %bitcast3A_832 = vector.bitcast %get3A_831 : vector<16xi32> to vector<32xbf16>
        %mul3A_833 = arith.mulf %bitcast3A_826, %bitcast3A_832 : vector<32xbf16>
        %add3A_834 = arith.addf %add3A_820, %mul3A_833 : vector<32xbf16>
        %unpack3A_835 = tpu.unpack_subelements %add3A_834, 0 {pack_format = #tpu.pack_format<interleaved>} : vector<32xbf16> -> vector<16xf32>
        %unpack3A_836 = tpu.unpack_subelements %add3A_834, 1 {pack_format = #tpu.pack_format<interleaved>} : vector<32xbf16> -> vector<16xf32>
        %eq3A_837 = arith.constant 5 : i32
        %eq3A_838 = vector.broadcast %eq3A_837 : i32 to vector<16xi32>
        %eq3A_839 = arith.cmpi eq, %iota3A, %eq3A_838 : vector<16xi32>
        %add3A_840 = arith.addf %unpack3A_835, %unpack3A_836 : vector<16xf32>
        %reduce_sum3A_841 = arith.constant true
        %reduce_sum3A_842 = vector.broadcast %reduce_sum3A_841 : i1 to vector<16xi1>
        %reduce_sum3A_843 = tpu.scan <sum>, %add3A_840 masked %reduce_sum3A_842 : vector<16xf32>, vector<16xi1> -> vector<16xf32>
        %reduce_sum3A_844 = vector.extract %reduce_sum3A_843[15] : f32 from vector<16xf32>
        %broadcast_in_dim3A_845 = vector.broadcast %reduce_sum3A_844 : f32 to vector<16xf32>
        %select_n3A_846 = arith.select %eq3A_839, %broadcast_in_dim3A_845, %select_n3A_777 : vector<16xi1>, vector<16xf32>
        %add3A_847 = arith.constant 6 : i32
        %add3A_848 = arith.addi %mul3A_437, %add3A_847 : i32
        %get3A_849 = arith.constant 0 : i32
        %get3A_850 = arith.index_cast %get3A_849 : i32 to index
        %get3A_851 = arith.index_cast %add3A_848 : i32 to index
        %get3A_852 = arith.constant 0 : index
        %get3A_853 = tpu.vector_load %arg7[%get3A_850, %get3A_851, %get3A_852] {strides = array<i32>} : memref<2x400x64xi32, #tpu.memory_space<vmem>>, vector<16xi32>,
        %bitcast3A_854 = vector.bitcast %get3A_853 : vector<16xi32> to vector<32xbf16>
        %get3A_855 = arith.constant 0 : i32
        %get3A_856 = arith.index_cast %get3A_855 : i32 to index
        %get3A_857 = arith.index_cast %add3A_848 : i32 to index
        %get3A_858 = arith.constant 0 : index
        %get3A_859 = tpu.vector_load %arg8[%get3A_856, %get3A_857, %get3A_858] {strides = array<i32>} : memref<2x400x64xi32, #tpu.memory_space<vmem>>, vector<16xi32>,
        %bitcast3A_860 = vector.bitcast %get3A_859 : vector<16xi32> to vector<32xbf16>
        %mul3A_861 = arith.mulf %bitcast3A_854, %bitcast3A_860 : vector<32xbf16>
        %get3A_862 = arith.constant 0 : i32
        %get3A_863 = arith.index_cast %get3A_862 : i32 to index
        %get3A_864 = arith.index_cast %add3A_848 : i32 to index
        %get3A_865 = arith.constant 16 : index
        %get3A_866 = tpu.vector_load %arg7[%get3A_863, %get3A_864, %get3A_865] {strides = array<i32>} : memref<2x400x64xi32, #tpu.memory_space<vmem>>, vector<16xi32>,
        %bitcast3A_867 = vector.bitcast %get3A_866 : vector<16xi32> to vector<32xbf16>
        %get3A_868 = arith.constant 0 : i32
        %get3A_869 = arith.index_cast %get3A_868 : i32 to index
        %get3A_870 = arith.index_cast %add3A_848 : i32 to index
        %get3A_871 = arith.constant 16 : index
        %get3A_872 = tpu.vector_load %arg8[%get3A_869, %get3A_870, %get3A_871] {strides = array<i32>} : memref<2x400x64xi32, #tpu.memory_space<vmem>>, vector<16xi32>,
        %bitcast3A_873 = vector.bitcast %get3A_872 : vector<16xi32> to vector<32xbf16>
        %mul3A_874 = arith.mulf %bitcast3A_867, %bitcast3A_873 : vector<32xbf16>
        %add3A_875 = arith.addf %mul3A_861, %mul3A_874 : vector<32xbf16>
        %get3A_876 = arith.constant 0 : i32
        %get3A_877 = arith.index_cast %get3A_876 : i32 to index
        %get3A_878 = arith.index_cast %add3A_848 : i32 to index
        %get3A_879 = arith.constant 32 : index
        %get3A_880 = tpu.vector_load %arg7[%get3A_877, %get3A_878, %get3A_879] {strides = array<i32>} : memref<2x400x64xi32, #tpu.memory_space<vmem>>, vector<16xi32>,
        %bitcast3A_881 = vector.bitcast %get3A_880 : vector<16xi32> to vector<32xbf16>
        %get3A_882 = arith.constant 0 : i32
        %get3A_883 = arith.index_cast %get3A_882 : i32 to index
        %get3A_884 = arith.index_cast %add3A_848 : i32 to index
        %get3A_885 = arith.constant 32 : index
        %get3A_886 = tpu.vector_load %arg8[%get3A_883, %get3A_884, %get3A_885] {strides = array<i32>} : memref<2x400x64xi32, #tpu.memory_space<vmem>>, vector<16xi32>,
        %bitcast3A_887 = vector.bitcast %get3A_886 : vector<16xi32> to vector<32xbf16>
        %mul3A_888 = arith.mulf %bitcast3A_881, %bitcast3A_887 : vector<32xbf16>
        %add3A_889 = arith.addf %add3A_875, %mul3A_888 : vector<32xbf16>
        %get3A_890 = arith.constant 0 : i32
        %get3A_891 = arith.index_cast %get3A_890 : i32 to index
        %get3A_892 = arith.index_cast %add3A_848 : i32 to index
        %get3A_893 = arith.constant 48 : index
        %get3A_894 = tpu.vector_load %arg7[%get3A_891, %get3A_892, %get3A_893] {strides = array<i32>} : memref<2x400x64xi32, #tpu.memory_space<vmem>>, vector<16xi32>,
        %bitcast3A_895 = vector.bitcast %get3A_894 : vector<16xi32> to vector<32xbf16>
        %get3A_896 = arith.constant 0 : i32
        %get3A_897 = arith.index_cast %get3A_896 : i32 to index
        %get3A_898 = arith.index_cast %add3A_848 : i32 to index
        %get3A_899 = arith.constant 48 : index
        %get3A_900 = tpu.vector_load %arg8[%get3A_897, %get3A_898, %get3A_899] {strides = array<i32>} : memref<2x400x64xi32, #tpu.memory_space<vmem>>, vector<16xi32>,
        %bitcast3A_901 = vector.bitcast %get3A_900 : vector<16xi32> to vector<32xbf16>
        %mul3A_902 = arith.mulf %bitcast3A_895, %bitcast3A_901 : vector<32xbf16>
        %add3A_903 = arith.addf %add3A_889, %mul3A_902 : vector<32xbf16>
        %unpack3A_904 = tpu.unpack_subelements %add3A_903, 0 {pack_format = #tpu.pack_format<interleaved>} : vector<32xbf16> -> vector<16xf32>
        %unpack3A_905 = tpu.unpack_subelements %add3A_903, 1 {pack_format = #tpu.pack_format<interleaved>} : vector<32xbf16> -> vector<16xf32>
        %eq3A_906 = arith.constant 6 : i32
        %eq3A_907 = vector.broadcast %eq3A_906 : i32 to vector<16xi32>
        %eq3A_908 = arith.cmpi eq, %iota3A, %eq3A_907 : vector<16xi32>
        %add3A_909 = arith.addf %unpack3A_904, %unpack3A_905 : vector<16xf32>
        %reduce_sum3A_910 = arith.constant true
        %reduce_sum3A_911 = vector.broadcast %reduce_sum3A_910 : i1 to vector<16xi1>
        %reduce_sum3A_912 = tpu.scan <sum>, %add3A_909 masked %reduce_sum3A_911 : vector<16xf32>, vector<16xi1> -> vector<16xf32>
        %reduce_sum3A_913 = vector.extract %reduce_sum3A_912[15] : f32 from vector<16xf32>
        %broadcast_in_dim3A_914 = vector.broadcast %reduce_sum3A_913 : f32 to vector<16xf32>
        %select_n3A_915 = arith.select %eq3A_908, %broadcast_in_dim3A_914, %select_n3A_846 : vector<16xi1>, vector<16xf32>
        %add3A_916 = arith.constant 7 : i32
        %add3A_917 = arith.addi %mul3A_437, %add3A_916 : i32
        %get3A_918 = arith.constant 0 : i32
        %get3A_919 = arith.index_cast %get3A_918 : i32 to index
        %get3A_920 = arith.index_cast %add3A_917 : i32 to index
        %get3A_921 = arith.constant 0 : index
        %get3A_922 = tpu.vector_load %arg7[%get3A_919, %get3A_920, %get3A_921] {strides = array<i32>} : memref<2x400x64xi32, #tpu.memory_space<vmem>>, vector<16xi32>,
        %bitcast3A_923 = vector.bitcast %get3A_922 : vector<16xi32> to vector<32xbf16>
        %get3A_924 = arith.constant 0 : i32
        %get3A_925 = arith.index_cast %get3A_924 : i32 to index
        %get3A_926 = arith.index_cast %add3A_917 : i32 to index
        %get3A_927 = arith.constant 0 : index
        %get3A_928 = tpu.vector_load %arg8[%get3A_925, %get3A_926, %get3A_927] {strides = array<i32>} : memref<2x400x64xi32, #tpu.memory_space<vmem>>, vector<16xi32>,
        %bitcast3A_929 = vector.bitcast %get3A_928 : vector<16xi32> to vector<32xbf16>
        %mul3A_930 = arith.mulf %bitcast3A_923, %bitcast3A_929 : vector<32xbf16>
        %get3A_931 = arith.constant 0 : i32
        %get3A_932 = arith.index_cast %get3A_931 : i32 to index
        %get3A_933 = arith.index_cast %add3A_917 : i32 to index
        %get3A_934 = arith.constant 16 : index
        %get3A_935 = tpu.vector_load %arg7[%get3A_932, %get3A_933, %get3A_934] {strides = array<i32>} : memref<2x400x64xi32, #tpu.memory_space<vmem>>, vector<16xi32>,
        %bitcast3A_936 = vector.bitcast %get3A_935 : vector<16xi32> to vector<32xbf16>
        %get3A_937 = arith.constant 0 : i32
        %get3A_938 = arith.index_cast %get3A_937 : i32 to index
        %get3A_939 = arith.index_cast %add3A_917 : i32 to index
        %get3A_940 = arith.constant 16 : index
        %get3A_941 = tpu.vector_load %arg8[%get3A_938, %get3A_939, %get3A_940] {strides = array<i32>} : memref<2x400x64xi32, #tpu.memory_space<vmem>>, vector<16xi32>,
        %bitcast3A_942 = vector.bitcast %get3A_941 : vector<16xi32> to vector<32xbf16>
        %mul3A_943 = arith.mulf %bitcast3A_936, %bitcast3A_942 : vector<32xbf16>
        %add3A_944 = arith.addf %mul3A_930, %mul3A_943 : vector<32xbf16>
        %get3A_945 = arith.constant 0 : i32
        %get3A_946 = arith.index_cast %get3A_945 : i32 to index
        %get3A_947 = arith.index_cast %add3A_917 : i32 to index
        %get3A_948 = arith.constant 32 : index
        %get3A_949 = tpu.vector_load %arg7[%get3A_946, %get3A_947, %get3A_948] {strides = array<i32>} : memref<2x400x64xi32, #tpu.memory_space<vmem>>, vector<16xi32>,
        %bitcast3A_950 = vector.bitcast %get3A_949 : vector<16xi32> to vector<32xbf16>
        %get3A_951 = arith.constant 0 : i32
        %get3A_952 = arith.index_cast %get3A_951 : i32 to index
        %get3A_953 = arith.index_cast %add3A_917 : i32 to index
        %get3A_954 = arith.constant 32 : index
        %get3A_955 = tpu.vector_load %arg8[%get3A_952, %get3A_953, %get3A_954] {strides = array<i32>} : memref<2x400x64xi32, #tpu.memory_space<vmem>>, vector<16xi32>,
        %bitcast3A_956 = vector.bitcast %get3A_955 : vector<16xi32> to vector<32xbf16>
        %mul3A_957 = arith.mulf %bitcast3A_950, %bitcast3A_956 : vector<32xbf16>
        %add3A_958 = arith.addf %add3A_944, %mul3A_957 : vector<32xbf16>
        %get3A_959 = arith.constant 0 : i32
        %get3A_960 = arith.index_cast %get3A_959 : i32 to index
        %get3A_961 = arith.index_cast %add3A_917 : i32 to index
        %get3A_962 = arith.constant 48 : index
        %get3A_963 = tpu.vector_load %arg7[%get3A_960, %get3A_961, %get3A_962] {strides = array<i32>} : memref<2x400x64xi32, #tpu.memory_space<vmem>>, vector<16xi32>,
        %bitcast3A_964 = vector.bitcast %get3A_963 : vector<16xi32> to vector<32xbf16>
        %get3A_965 = arith.constant 0 : i32
        %get3A_966 = arith.index_cast %get3A_965 : i32 to index
        %get3A_967 = arith.index_cast %add3A_917 : i32 to index
        %get3A_968 = arith.constant 48 : index
        %get3A_969 = tpu.vector_load %arg8[%get3A_966, %get3A_967, %get3A_968] {strides = array<i32>} : memref<2x400x64xi32, #tpu.memory_space<vmem>>, vector<16xi32>,
        %bitcast3A_970 = vector.bitcast %get3A_969 : vector<16xi32> to vector<32xbf16>
        %mul3A_971 = arith.mulf %bitcast3A_964, %bitcast3A_970 : vector<32xbf16>
        %add3A_972 = arith.addf %add3A_958, %mul3A_971 : vector<32xbf16>
        %unpack3A_973 = tpu.unpack_subelements %add3A_972, 0 {pack_format = #tpu.pack_format<interleaved>} : vector<32xbf16> -> vector<16xf32>
        %unpack3A_974 = tpu.unpack_subelements %add3A_972, 1 {pack_format = #tpu.pack_format<interleaved>} : vector<32xbf16> -> vector<16xf32>
        %eq3A_975 = arith.constant 7 : i32
        %eq3A_976 = vector.broadcast %eq3A_975 : i32 to vector<16xi32>
        %eq3A_977 = arith.cmpi eq, %iota3A, %eq3A_976 : vector<16xi32>
        %add3A_978 = arith.addf %unpack3A_973, %unpack3A_974 : vector<16xf32>
        %reduce_sum3A_979 = arith.constant true
        %reduce_sum3A_980 = vector.broadcast %reduce_sum3A_979 : i1 to vector<16xi1>
        %reduce_sum3A_981 = tpu.scan <sum>, %add3A_978 masked %reduce_sum3A_980 : vector<16xf32>, vector<16xi1> -> vector<16xf32>
        %reduce_sum3A_982 = vector.extract %reduce_sum3A_981[15] : f32 from vector<16xf32>
        %broadcast_in_dim3A_983 = vector.broadcast %reduce_sum3A_982 : f32 to vector<16xf32>
        %select_n3A_984 = arith.select %eq3A_977, %broadcast_in_dim3A_983, %select_n3A_915 : vector<16xi1>, vector<16xf32>
        %add3A_985 = arith.constant 8 : i32
        %add3A_986 = arith.addi %mul3A_437, %add3A_985 : i32
        %get3A_987 = arith.constant 0 : i32
        %get3A_988 = arith.index_cast %get3A_987 : i32 to index
        %get3A_989 = arith.index_cast %add3A_986 : i32 to index
        %get3A_990 = arith.constant 0 : index
        %get3A_991 = tpu.vector_load %arg7[%get3A_988, %get3A_989, %get3A_990] {strides = array<i32>} : memref<2x400x64xi32, #tpu.memory_space<vmem>>, vector<16xi32>,
        %bitcast3A_992 = vector.bitcast %get3A_991 : vector<16xi32> to vector<32xbf16>
        %get3A_993 = arith.constant 0 : i32
        %get3A_994 = arith.index_cast %get3A_993 : i32 to index
        %get3A_995 = arith.index_cast %add3A_986 : i32 to index
        %get3A_996 = arith.constant 0 : index
        %get3A_997 = tpu.vector_load %arg8[%get3A_994, %get3A_995, %get3A_996] {strides = array<i32>} : memref<2x400x64xi32, #tpu.memory_space<vmem>>, vector<16xi32>,
        %bitcast3A_998 = vector.bitcast %get3A_997 : vector<16xi32> to vector<32xbf16>
        %mul3A_999 = arith.mulf %bitcast3A_992, %bitcast3A_998 : vector<32xbf16>
        %get3A_1000 = arith.constant 0 : i32
        %get3A_1001 = arith.index_cast %get3A_1000 : i32 to index
        %get3A_1002 = arith.index_cast %add3A_986 : i32 to index
        %get3A_1003 = arith.constant 16 : index
        %get3A_1004 = tpu.vector_load %arg7[%get3A_1001, %get3A_1002, %get3A_1003] {strides = array<i32>} : memref<2x400x64xi32, #tpu.memory_space<vmem>>, vector<16xi32>,
        %bitcast3A_1005 = vector.bitcast %get3A_1004 : vector<16xi32> to vector<32xbf16>
        %get3A_1006 = arith.constant 0 : i32
        %get3A_1007 = arith.index_cast %get3A_1006 : i32 to index
        %get3A_1008 = arith.index_cast %add3A_986 : i32 to index
        %get3A_1009 = arith.constant 16 : index
        %get3A_1010 = tpu.vector_load %arg8[%get3A_1007, %get3A_1008, %get3A_1009] {strides = array<i32>} : memref<2x400x64xi32, #tpu.memory_space<vmem>>, vector<16xi32>,
        %bitcast3A_1011 = vector.bitcast %get3A_1010 : vector<16xi32> to vector<32xbf16>
        %mul3A_1012 = arith.mulf %bitcast3A_1005, %bitcast3A_1011 : vector<32xbf16>
        %add3A_1013 = arith.addf %mul3A_999, %mul3A_1012 : vector<32xbf16>
        %get3A_1014 = arith.constant 0 : i32
        %get3A_1015 = arith.index_cast %get3A_1014 : i32 to index
        %get3A_1016 = arith.index_cast %add3A_986 : i32 to index
        %get3A_1017 = arith.constant 32 : index
        %get3A_1018 = tpu.vector_load %arg7[%get3A_1015, %get3A_1016, %get3A_1017] {strides = array<i32>} : memref<2x400x64xi32, #tpu.memory_space<vmem>>, vector<16xi32>,
        %bitcast3A_1019 = vector.bitcast %get3A_1018 : vector<16xi32> to vector<32xbf16>
        %get3A_1020 = arith.constant 0 : i32
        %get3A_1021 = arith.index_cast %get3A_1020 : i32 to index
        %get3A_1022 = arith.index_cast %add3A_986 : i32 to index
        %get3A_1023 = arith.constant 32 : index
        %get3A_1024 = tpu.vector_load %arg8[%get3A_1021, %get3A_1022, %get3A_1023] {strides = array<i32>} : memref<2x400x64xi32, #tpu.memory_space<vmem>>, vector<16xi32>,
        %bitcast3A_1025 = vector.bitcast %get3A_1024 : vector<16xi32> to vector<32xbf16>
        %mul3A_1026 = arith.mulf %bitcast3A_1019, %bitcast3A_1025 : vector<32xbf16>
        %add3A_1027 = arith.addf %add3A_1013, %mul3A_1026 : vector<32xbf16>
        %get3A_1028 = arith.constant 0 : i32
        %get3A_1029 = arith.index_cast %get3A_1028 : i32 to index
        %get3A_1030 = arith.index_cast %add3A_986 : i32 to index
        %get3A_1031 = arith.constant 48 : index
        %get3A_1032 = tpu.vector_load %arg7[%get3A_1029, %get3A_1030, %get3A_1031] {strides = array<i32>} : memref<2x400x64xi32, #tpu.memory_space<vmem>>, vector<16xi32>,
        %bitcast3A_1033 = vector.bitcast %get3A_1032 : vector<16xi32> to vector<32xbf16>
        %get3A_1034 = arith.constant 0 : i32
        %get3A_1035 = arith.index_cast %get3A_1034 : i32 to index
        %get3A_1036 = arith.index_cast %add3A_986 : i32 to index
        %get3A_1037 = arith.constant 48 : index
        %get3A_1038 = tpu.vector_load %arg8[%get3A_1035, %get3A_1036, %get3A_1037] {strides = array<i32>} : memref<2x400x64xi32, #tpu.memory_space<vmem>>, vector<16xi32>,
        %bitcast3A_1039 = vector.bitcast %get3A_1038 : vector<16xi32> to vector<32xbf16>
        %mul3A_1040 = arith.mulf %bitcast3A_1033, %bitcast3A_1039 : vector<32xbf16>
        %add3A_1041 = arith.addf %add3A_1027, %mul3A_1040 : vector<32xbf16>
        %unpack3A_1042 = tpu.unpack_subelements %add3A_1041, 0 {pack_format = #tpu.pack_format<interleaved>} : vector<32xbf16> -> vector<16xf32>
        %unpack3A_1043 = tpu.unpack_subelements %add3A_1041, 1 {pack_format = #tpu.pack_format<interleaved>} : vector<32xbf16> -> vector<16xf32>
        %eq3A_1044 = arith.constant 8 : i32
        %eq3A_1045 = vector.broadcast %eq3A_1044 : i32 to vector<16xi32>
        %eq3A_1046 = arith.cmpi eq, %iota3A, %eq3A_1045 : vector<16xi32>
        %add3A_1047 = arith.addf %unpack3A_1042, %unpack3A_1043 : vector<16xf32>
        %reduce_sum3A_1048 = arith.constant true
        %reduce_sum3A_1049 = vector.broadcast %reduce_sum3A_1048 : i1 to vector<16xi1>
        %reduce_sum3A_1050 = tpu.scan <sum>, %add3A_1047 masked %reduce_sum3A_1049 : vector<16xf32>, vector<16xi1> -> vector<16xf32>
        %reduce_sum3A_1051 = vector.extract %reduce_sum3A_1050[15] : f32 from vector<16xf32>
        %broadcast_in_dim3A_1052 = vector.broadcast %reduce_sum3A_1051 : f32 to vector<16xf32>
        %select_n3A_1053 = arith.select %eq3A_1046, %broadcast_in_dim3A_1052, %select_n3A_984 : vector<16xi1>, vector<16xf32>
        %add3A_1054 = arith.constant 9 : i32
        %add3A_1055 = arith.addi %mul3A_437, %add3A_1054 : i32
        %get3A_1056 = arith.constant 0 : i32
        %get3A_1057 = arith.index_cast %get3A_1056 : i32 to index
        %get3A_1058 = arith.index_cast %add3A_1055 : i32 to index
        %get3A_1059 = arith.constant 0 : index
        %get3A_1060 = tpu.vector_load %arg7[%get3A_1057, %get3A_1058, %get3A_1059] {strides = array<i32>} : memref<2x400x64xi32, #tpu.memory_space<vmem>>, vector<16xi32>,
        %bitcast3A_1061 = vector.bitcast %get3A_1060 : vector<16xi32> to vector<32xbf16>
        %get3A_1062 = arith.constant 0 : i32
        %get3A_1063 = arith.index_cast %get3A_1062 : i32 to index
        %get3A_1064 = arith.index_cast %add3A_1055 : i32 to index
        %get3A_1065 = arith.constant 0 : index
        %get3A_1066 = tpu.vector_load %arg8[%get3A_1063, %get3A_1064, %get3A_1065] {strides = array<i32>} : memref<2x400x64xi32, #tpu.memory_space<vmem>>, vector<16xi32>,
        %bitcast3A_1067 = vector.bitcast %get3A_1066 : vector<16xi32> to vector<32xbf16>
        %mul3A_1068 = arith.mulf %bitcast3A_1061, %bitcast3A_1067 : vector<32xbf16>
        %get3A_1069 = arith.constant 0 : i32
        %get3A_1070 = arith.index_cast %get3A_1069 : i32 to index
        %get3A_1071 = arith.index_cast %add3A_1055 : i32 to index
        %get3A_1072 = arith.constant 16 : index
        %get3A_1073 = tpu.vector_load %arg7[%get3A_1070, %get3A_1071, %get3A_1072] {strides = array<i32>} : memref<2x400x64xi32, #tpu.memory_space<vmem>>, vector<16xi32>,
        %bitcast3A_1074 = vector.bitcast %get3A_1073 : vector<16xi32> to vector<32xbf16>
        %get3A_1075 = arith.constant 0 : i32
        %get3A_1076 = arith.index_cast %get3A_1075 : i32 to index
        %get3A_1077 = arith.index_cast %add3A_1055 : i32 to index
        %get3A_1078 = arith.constant 16 : index
        %get3A_1079 = tpu.vector_load %arg8[%get3A_1076, %get3A_1077, %get3A_1078] {strides = array<i32>} : memref<2x400x64xi32, #tpu.memory_space<vmem>>, vector<16xi32>,
        %bitcast3A_1080 = vector.bitcast %get3A_1079 : vector<16xi32> to vector<32xbf16>
        %mul3A_1081 = arith.mulf %bitcast3A_1074, %bitcast3A_1080 : vector<32xbf16>
        %add3A_1082 = arith.addf %mul3A_1068, %mul3A_1081 : vector<32xbf16>
        %get3A_1083 = arith.constant 0 : i32
        %get3A_1084 = arith.index_cast %get3A_1083 : i32 to index
        %get3A_1085 = arith.index_cast %add3A_1055 : i32 to index
        %get3A_1086 = arith.constant 32 : index
        %get3A_1087 = tpu.vector_load %arg7[%get3A_1084, %get3A_1085, %get3A_1086] {strides = array<i32>} : memref<2x400x64xi32, #tpu.memory_space<vmem>>, vector<16xi32>,
        %bitcast3A_1088 = vector.bitcast %get3A_1087 : vector<16xi32> to vector<32xbf16>
        %get3A_1089 = arith.constant 0 : i32
        %get3A_1090 = arith.index_cast %get3A_1089 : i32 to index
        %get3A_1091 = arith.index_cast %add3A_1055 : i32 to index
        %get3A_1092 = arith.constant 32 : index
        %get3A_1093 = tpu.vector_load %arg8[%get3A_1090, %get3A_1091, %get3A_1092] {strides = array<i32>} : memref<2x400x64xi32, #tpu.memory_space<vmem>>, vector<16xi32>,
        %bitcast3A_1094 = vector.bitcast %get3A_1093 : vector<16xi32> to vector<32xbf16>
        %mul3A_1095 = arith.mulf %bitcast3A_1088, %bitcast3A_1094 : vector<32xbf16>
        %add3A_1096 = arith.addf %add3A_1082, %mul3A_1095 : vector<32xbf16>
        %get3A_1097 = arith.constant 0 : i32
        %get3A_1098 = arith.index_cast %get3A_1097 : i32 to index
        %get3A_1099 = arith.index_cast %add3A_1055 : i32 to index
        %get3A_1100 = arith.constant 48 : index
        %get3A_1101 = tpu.vector_load %arg7[%get3A_1098, %get3A_1099, %get3A_1100] {strides = array<i32>} : memref<2x400x64xi32, #tpu.memory_space<vmem>>, vector<16xi32>,
        %bitcast3A_1102 = vector.bitcast %get3A_1101 : vector<16xi32> to vector<32xbf16>
        %get3A_1103 = arith.constant 0 : i32
        %get3A_1104 = arith.index_cast %get3A_1103 : i32 to index
        %get3A_1105 = arith.index_cast %add3A_1055 : i32 to index
        %get3A_1106 = arith.constant 48 : index
        %get3A_1107 = tpu.vector_load %arg8[%get3A_1104, %get3A_1105, %get3A_1106] {strides = array<i32>} : memref<2x400x64xi32, #tpu.memory_space<vmem>>, vector<16xi32>,
        %bitcast3A_1108 = vector.bitcast %get3A_1107 : vector<16xi32> to vector<32xbf16>
        %mul3A_1109 = arith.mulf %bitcast3A_1102, %bitcast3A_1108 : vector<32xbf16>
        %add3A_1110 = arith.addf %add3A_1096, %mul3A_1109 : vector<32xbf16>
        %unpack3A_1111 = tpu.unpack_subelements %add3A_1110, 0 {pack_format = #tpu.pack_format<interleaved>} : vector<32xbf16> -> vector<16xf32>
        %unpack3A_1112 = tpu.unpack_subelements %add3A_1110, 1 {pack_format = #tpu.pack_format<interleaved>} : vector<32xbf16> -> vector<16xf32>
        %eq3A_1113 = arith.constant 9 : i32
        %eq3A_1114 = vector.broadcast %eq3A_1113 : i32 to vector<16xi32>
        %eq3A_1115 = arith.cmpi eq, %iota3A, %eq3A_1114 : vector<16xi32>
        %add3A_1116 = arith.addf %unpack3A_1111, %unpack3A_1112 : vector<16xf32>
        %reduce_sum3A_1117 = arith.constant true
        %reduce_sum3A_1118 = vector.broadcast %reduce_sum3A_1117 : i1 to vector<16xi1>
        %reduce_sum3A_1119 = tpu.scan <sum>, %add3A_1116 masked %reduce_sum3A_1118 : vector<16xf32>, vector<16xi1> -> vector<16xf32>
        %reduce_sum3A_1120 = vector.extract %reduce_sum3A_1119[15] : f32 from vector<16xf32>
        %broadcast_in_dim3A_1121 = vector.broadcast %reduce_sum3A_1120 : f32 to vector<16xf32>
        %select_n3A_1122 = arith.select %eq3A_1115, %broadcast_in_dim3A_1121, %select_n3A_1053 : vector<16xi1>, vector<16xf32>
        %add3A_1123 = arith.constant 10 : i32
        %add3A_1124 = arith.addi %mul3A_437, %add3A_1123 : i32
        %get3A_1125 = arith.constant 0 : i32
        %get3A_1126 = arith.index_cast %get3A_1125 : i32 to index
        %get3A_1127 = arith.index_cast %add3A_1124 : i32 to index
        %get3A_1128 = arith.constant 0 : index
        %get3A_1129 = tpu.vector_load %arg7[%get3A_1126, %get3A_1127, %get3A_1128] {strides = array<i32>} : memref<2x400x64xi32, #tpu.memory_space<vmem>>, vector<16xi32>,
        %bitcast3A_1130 = vector.bitcast %get3A_1129 : vector<16xi32> to vector<32xbf16>
        %get3A_1131 = arith.constant 0 : i32
        %get3A_1132 = arith.index_cast %get3A_1131 : i32 to index
        %get3A_1133 = arith.index_cast %add3A_1124 : i32 to index
        %get3A_1134 = arith.constant 0 : index
        %get3A_1135 = tpu.vector_load %arg8[%get3A_1132, %get3A_1133, %get3A_1134] {strides = array<i32>} : memref<2x400x64xi32, #tpu.memory_space<vmem>>, vector<16xi32>,
        %bitcast3A_1136 = vector.bitcast %get3A_1135 : vector<16xi32> to vector<32xbf16>
        %mul3A_1137 = arith.mulf %bitcast3A_1130, %bitcast3A_1136 : vector<32xbf16>
        %get3A_1138 = arith.constant 0 : i32
        %get3A_1139 = arith.index_cast %get3A_1138 : i32 to index
        %get3A_1140 = arith.index_cast %add3A_1124 : i32 to index
        %get3A_1141 = arith.constant 16 : index
        %get3A_1142 = tpu.vector_load %arg7[%get3A_1139, %get3A_1140, %get3A_1141] {strides = array<i32>} : memref<2x400x64xi32, #tpu.memory_space<vmem>>, vector<16xi32>,
        %bitcast3A_1143 = vector.bitcast %get3A_1142 : vector<16xi32> to vector<32xbf16>
        %get3A_1144 = arith.constant 0 : i32
        %get3A_1145 = arith.index_cast %get3A_1144 : i32 to index
        %get3A_1146 = arith.index_cast %add3A_1124 : i32 to index
        %get3A_1147 = arith.constant 16 : index
        %get3A_1148 = tpu.vector_load %arg8[%get3A_1145, %get3A_1146, %get3A_1147] {strides = array<i32>} : memref<2x400x64xi32, #tpu.memory_space<vmem>>, vector<16xi32>,
        %bitcast3A_1149 = vector.bitcast %get3A_1148 : vector<16xi32> to vector<32xbf16>
        %mul3A_1150 = arith.mulf %bitcast3A_1143, %bitcast3A_1149 : vector<32xbf16>
        %add3A_1151 = arith.addf %mul3A_1137, %mul3A_1150 : vector<32xbf16>
        %get3A_1152 = arith.constant 0 : i32
        %get3A_1153 = arith.index_cast %get3A_1152 : i32 to index
        %get3A_1154 = arith.index_cast %add3A_1124 : i32 to index
        %get3A_1155 = arith.constant 32 : index
        %get3A_1156 = tpu.vector_load %arg7[%get3A_1153, %get3A_1154, %get3A_1155] {strides = array<i32>} : memref<2x400x64xi32, #tpu.memory_space<vmem>>, vector<16xi32>,
        %bitcast3A_1157 = vector.bitcast %get3A_1156 : vector<16xi32> to vector<32xbf16>
        %get3A_1158 = arith.constant 0 : i32
        %get3A_1159 = arith.index_cast %get3A_1158 : i32 to index
        %get3A_1160 = arith.index_cast %add3A_1124 : i32 to index
        %get3A_1161 = arith.constant 32 : index
        %get3A_1162 = tpu.vector_load %arg8[%get3A_1159, %get3A_1160, %get3A_1161] {strides = array<i32>} : memref<2x400x64xi32, #tpu.memory_space<vmem>>, vector<16xi32>,
        %bitcast3A_1163 = vector.bitcast %get3A_1162 : vector<16xi32> to vector<32xbf16>
        %mul3A_1164 = arith.mulf %bitcast3A_1157, %bitcast3A_1163 : vector<32xbf16>
        %add3A_1165 = arith.addf %add3A_1151, %mul3A_1164 : vector<32xbf16>
        %get3A_1166 = arith.constant 0 : i32
        %get3A_1167 = arith.index_cast %get3A_1166 : i32 to index
        %get3A_1168 = arith.index_cast %add3A_1124 : i32 to index
        %get3A_1169 = arith.constant 48 : index
        %get3A_1170 = tpu.vector_load %arg7[%get3A_1167, %get3A_1168, %get3A_1169] {strides = array<i32>} : memref<2x400x64xi32, #tpu.memory_space<vmem>>, vector<16xi32>,
        %bitcast3A_1171 = vector.bitcast %get3A_1170 : vector<16xi32> to vector<32xbf16>
        %get3A_1172 = arith.constant 0 : i32
        %get3A_1173 = arith.index_cast %get3A_1172 : i32 to index
        %get3A_1174 = arith.index_cast %add3A_1124 : i32 to index
        %get3A_1175 = arith.constant 48 : index
        %get3A_1176 = tpu.vector_load %arg8[%get3A_1173, %get3A_1174, %get3A_1175] {strides = array<i32>} : memref<2x400x64xi32, #tpu.memory_space<vmem>>, vector<16xi32>,
        %bitcast3A_1177 = vector.bitcast %get3A_1176 : vector<16xi32> to vector<32xbf16>
        %mul3A_1178 = arith.mulf %bitcast3A_1171, %bitcast3A_1177 : vector<32xbf16>
        %add3A_1179 = arith.addf %add3A_1165, %mul3A_1178 : vector<32xbf16>
        %unpack3A_1180 = tpu.unpack_subelements %add3A_1179, 0 {pack_format = #tpu.pack_format<interleaved>} : vector<32xbf16> -> vector<16xf32>
        %unpack3A_1181 = tpu.unpack_subelements %add3A_1179, 1 {pack_format = #tpu.pack_format<interleaved>} : vector<32xbf16> -> vector<16xf32>
        %eq3A_1182 = arith.constant 10 : i32
        %eq3A_1183 = vector.broadcast %eq3A_1182 : i32 to vector<16xi32>
        %eq3A_1184 = arith.cmpi eq, %iota3A, %eq3A_1183 : vector<16xi32>
        %add3A_1185 = arith.addf %unpack3A_1180, %unpack3A_1181 : vector<16xf32>
        %reduce_sum3A_1186 = arith.constant true
        %reduce_sum3A_1187 = vector.broadcast %reduce_sum3A_1186 : i1 to vector<16xi1>
        %reduce_sum3A_1188 = tpu.scan <sum>, %add3A_1185 masked %reduce_sum3A_1187 : vector<16xf32>, vector<16xi1> -> vector<16xf32>
        %reduce_sum3A_1189 = vector.extract %reduce_sum3A_1188[15] : f32 from vector<16xf32>
        %broadcast_in_dim3A_1190 = vector.broadcast %reduce_sum3A_1189 : f32 to vector<16xf32>
        %select_n3A_1191 = arith.select %eq3A_1184, %broadcast_in_dim3A_1190, %select_n3A_1122 : vector<16xi1>, vector<16xf32>
        %add3A_1192 = arith.constant 11 : i32
        %add3A_1193 = arith.addi %mul3A_437, %add3A_1192 : i32
        %get3A_1194 = arith.constant 0 : i32
        %get3A_1195 = arith.index_cast %get3A_1194 : i32 to index
        %get3A_1196 = arith.index_cast %add3A_1193 : i32 to index
        %get3A_1197 = arith.constant 0 : index
        %get3A_1198 = tpu.vector_load %arg7[%get3A_1195, %get3A_1196, %get3A_1197] {strides = array<i32>} : memref<2x400x64xi32, #tpu.memory_space<vmem>>, vector<16xi32>,
        %bitcast3A_1199 = vector.bitcast %get3A_1198 : vector<16xi32> to vector<32xbf16>
        %get3A_1200 = arith.constant 0 : i32
        %get3A_1201 = arith.index_cast %get3A_1200 : i32 to index
        %get3A_1202 = arith.index_cast %add3A_1193 : i32 to index
        %get3A_1203 = arith.constant 0 : index
        %get3A_1204 = tpu.vector_load %arg8[%get3A_1201, %get3A_1202, %get3A_1203] {strides = array<i32>} : memref<2x400x64xi32, #tpu.memory_space<vmem>>, vector<16xi32>,
        %bitcast3A_1205 = vector.bitcast %get3A_1204 : vector<16xi32> to vector<32xbf16>
        %mul3A_1206 = arith.mulf %bitcast3A_1199, %bitcast3A_1205 : vector<32xbf16>
        %get3A_1207 = arith.constant 0 : i32
        %get3A_1208 = arith.index_cast %get3A_1207 : i32 to index
        %get3A_1209 = arith.index_cast %add3A_1193 : i32 to index
        %get3A_1210 = arith.constant 16 : index
        %get3A_1211 = tpu.vector_load %arg7[%get3A_1208, %get3A_1209, %get3A_1210] {strides = array<i32>} : memref<2x400x64xi32, #tpu.memory_space<vmem>>, vector<16xi32>,
        %bitcast3A_1212 = vector.bitcast %get3A_1211 : vector<16xi32> to vector<32xbf16>
        %get3A_1213 = arith.constant 0 : i32
        %get3A_1214 = arith.index_cast %get3A_1213 : i32 to index
        %get3A_1215 = arith.index_cast %add3A_1193 : i32 to index
        %get3A_1216 = arith.constant 16 : index
        %get3A_1217 = tpu.vector_load %arg8[%get3A_1214, %get3A_1215, %get3A_1216] {strides = array<i32>} : memref<2x400x64xi32, #tpu.memory_space<vmem>>, vector<16xi32>,
        %bitcast3A_1218 = vector.bitcast %get3A_1217 : vector<16xi32> to vector<32xbf16>
        %mul3A_1219 = arith.mulf %bitcast3A_1212, %bitcast3A_1218 : vector<32xbf16>
        %add3A_1220 = arith.addf %mul3A_1206, %mul3A_1219 : vector<32xbf16>
        %get3A_1221 = arith.constant 0 : i32
        %get3A_1222 = arith.index_cast %get3A_1221 : i32 to index
        %get3A_1223 = arith.index_cast %add3A_1193 : i32 to index
        %get3A_1224 = arith.constant 32 : index
        %get3A_1225 = tpu.vector_load %arg7[%get3A_1222, %get3A_1223, %get3A_1224] {strides = array<i32>} : memref<2x400x64xi32, #tpu.memory_space<vmem>>, vector<16xi32>,
        %bitcast3A_1226 = vector.bitcast %get3A_1225 : vector<16xi32> to vector<32xbf16>
        %get3A_1227 = arith.constant 0 : i32
        %get3A_1228 = arith.index_cast %get3A_1227 : i32 to index
        %get3A_1229 = arith.index_cast %add3A_1193 : i32 to index
        %get3A_1230 = arith.constant 32 : index
        %get3A_1231 = tpu.vector_load %arg8[%get3A_1228, %get3A_1229, %get3A_1230] {strides = array<i32>} : memref<2x400x64xi32, #tpu.memory_space<vmem>>, vector<16xi32>,
        %bitcast3A_1232 = vector.bitcast %get3A_1231 : vector<16xi32> to vector<32xbf16>
        %mul3A_1233 = arith.mulf %bitcast3A_1226, %bitcast3A_1232 : vector<32xbf16>
        %add3A_1234 = arith.addf %add3A_1220, %mul3A_1233 : vector<32xbf16>
        %get3A_1235 = arith.constant 0 : i32
        %get3A_1236 = arith.index_cast %get3A_1235 : i32 to index
        %get3A_1237 = arith.index_cast %add3A_1193 : i32 to index
        %get3A_1238 = arith.constant 48 : index
        %get3A_1239 = tpu.vector_load %arg7[%get3A_1236, %get3A_1237, %get3A_1238] {strides = array<i32>} : memref<2x400x64xi32, #tpu.memory_space<vmem>>, vector<16xi32>,
        %bitcast3A_1240 = vector.bitcast %get3A_1239 : vector<16xi32> to vector<32xbf16>
        %get3A_1241 = arith.constant 0 : i32
        %get3A_1242 = arith.index_cast %get3A_1241 : i32 to index
        %get3A_1243 = arith.index_cast %add3A_1193 : i32 to index
        %get3A_1244 = arith.constant 48 : index
        %get3A_1245 = tpu.vector_load %arg8[%get3A_1242, %get3A_1243, %get3A_1244] {strides = array<i32>} : memref<2x400x64xi32, #tpu.memory_space<vmem>>, vector<16xi32>,
        %bitcast3A_1246 = vector.bitcast %get3A_1245 : vector<16xi32> to vector<32xbf16>
        %mul3A_1247 = arith.mulf %bitcast3A_1240, %bitcast3A_1246 : vector<32xbf16>
        %add3A_1248 = arith.addf %add3A_1234, %mul3A_1247 : vector<32xbf16>
        %unpack3A_1249 = tpu.unpack_subelements %add3A_1248, 0 {pack_format = #tpu.pack_format<interleaved>} : vector<32xbf16> -> vector<16xf32>
        %unpack3A_1250 = tpu.unpack_subelements %add3A_1248, 1 {pack_format = #tpu.pack_format<interleaved>} : vector<32xbf16> -> vector<16xf32>
        %eq3A_1251 = arith.constant 11 : i32
        %eq3A_1252 = vector.broadcast %eq3A_1251 : i32 to vector<16xi32>
        %eq3A_1253 = arith.cmpi eq, %iota3A, %eq3A_1252 : vector<16xi32>
        %add3A_1254 = arith.addf %unpack3A_1249, %unpack3A_1250 : vector<16xf32>
        %reduce_sum3A_1255 = arith.constant true
        %reduce_sum3A_1256 = vector.broadcast %reduce_sum3A_1255 : i1 to vector<16xi1>
        %reduce_sum3A_1257 = tpu.scan <sum>, %add3A_1254 masked %reduce_sum3A_1256 : vector<16xf32>, vector<16xi1> -> vector<16xf32>
        %reduce_sum3A_1258 = vector.extract %reduce_sum3A_1257[15] : f32 from vector<16xf32>
        %broadcast_in_dim3A_1259 = vector.broadcast %reduce_sum3A_1258 : f32 to vector<16xf32>
        %select_n3A_1260 = arith.select %eq3A_1253, %broadcast_in_dim3A_1259, %select_n3A_1191 : vector<16xi1>, vector<16xf32>
        %add3A_1261 = arith.constant 12 : i32
        %add3A_1262 = arith.addi %mul3A_437, %add3A_1261 : i32
        %get3A_1263 = arith.constant 0 : i32
        %get3A_1264 = arith.index_cast %get3A_1263 : i32 to index
        %get3A_1265 = arith.index_cast %add3A_1262 : i32 to index
        %get3A_1266 = arith.constant 0 : index
        %get3A_1267 = tpu.vector_load %arg7[%get3A_1264, %get3A_1265, %get3A_1266] {strides = array<i32>} : memref<2x400x64xi32, #tpu.memory_space<vmem>>, vector<16xi32>,
        %bitcast3A_1268 = vector.bitcast %get3A_1267 : vector<16xi32> to vector<32xbf16>
        %get3A_1269 = arith.constant 0 : i32
        %get3A_1270 = arith.index_cast %get3A_1269 : i32 to index
        %get3A_1271 = arith.index_cast %add3A_1262 : i32 to index
        %get3A_1272 = arith.constant 0 : index
        %get3A_1273 = tpu.vector_load %arg8[%get3A_1270, %get3A_1271, %get3A_1272] {strides = array<i32>} : memref<2x400x64xi32, #tpu.memory_space<vmem>>, vector<16xi32>,
        %bitcast3A_1274 = vector.bitcast %get3A_1273 : vector<16xi32> to vector<32xbf16>
        %mul3A_1275 = arith.mulf %bitcast3A_1268, %bitcast3A_1274 : vector<32xbf16>
        %get3A_1276 = arith.constant 0 : i32
        %get3A_1277 = arith.index_cast %get3A_1276 : i32 to index
        %get3A_1278 = arith.index_cast %add3A_1262 : i32 to index
        %get3A_1279 = arith.constant 16 : index
        %get3A_1280 = tpu.vector_load %arg7[%get3A_1277, %get3A_1278, %get3A_1279] {strides = array<i32>} : memref<2x400x64xi32, #tpu.memory_space<vmem>>, vector<16xi32>,
        %bitcast3A_1281 = vector.bitcast %get3A_1280 : vector<16xi32> to vector<32xbf16>
        %get3A_1282 = arith.constant 0 : i32
        %get3A_1283 = arith.index_cast %get3A_1282 : i32 to index
        %get3A_1284 = arith.index_cast %add3A_1262 : i32 to index
        %get3A_1285 = arith.constant 16 : index
        %get3A_1286 = tpu.vector_load %arg8[%get3A_1283, %get3A_1284, %get3A_1285] {strides = array<i32>} : memref<2x400x64xi32, #tpu.memory_space<vmem>>, vector<16xi32>,
        %bitcast3A_1287 = vector.bitcast %get3A_1286 : vector<16xi32> to vector<32xbf16>
        %mul3A_1288 = arith.mulf %bitcast3A_1281, %bitcast3A_1287 : vector<32xbf16>
        %add3A_1289 = arith.addf %mul3A_1275, %mul3A_1288 : vector<32xbf16>
        %get3A_1290 = arith.constant 0 : i32
        %get3A_1291 = arith.index_cast %get3A_1290 : i32 to index
        %get3A_1292 = arith.index_cast %add3A_1262 : i32 to index
        %get3A_1293 = arith.constant 32 : index
        %get3A_1294 = tpu.vector_load %arg7[%get3A_1291, %get3A_1292, %get3A_1293] {strides = array<i32>} : memref<2x400x64xi32, #tpu.memory_space<vmem>>, vector<16xi32>,
        %bitcast3A_1295 = vector.bitcast %get3A_1294 : vector<16xi32> to vector<32xbf16>
        %get3A_1296 = arith.constant 0 : i32
        %get3A_1297 = arith.index_cast %get3A_1296 : i32 to index
        %get3A_1298 = arith.index_cast %add3A_1262 : i32 to index
        %get3A_1299 = arith.constant 32 : index
        %get3A_1300 = tpu.vector_load %arg8[%get3A_1297, %get3A_1298, %get3A_1299] {strides = array<i32>} : memref<2x400x64xi32, #tpu.memory_space<vmem>>, vector<16xi32>,
        %bitcast3A_1301 = vector.bitcast %get3A_1300 : vector<16xi32> to vector<32xbf16>
        %mul3A_1302 = arith.mulf %bitcast3A_1295, %bitcast3A_1301 : vector<32xbf16>
        %add3A_1303 = arith.addf %add3A_1289, %mul3A_1302 : vector<32xbf16>
        %get3A_1304 = arith.constant 0 : i32
        %get3A_1305 = arith.index_cast %get3A_1304 : i32 to index
        %get3A_1306 = arith.index_cast %add3A_1262 : i32 to index
        %get3A_1307 = arith.constant 48 : index
        %get3A_1308 = tpu.vector_load %arg7[%get3A_1305, %get3A_1306, %get3A_1307] {strides = array<i32>} : memref<2x400x64xi32, #tpu.memory_space<vmem>>, vector<16xi32>,
        %bitcast3A_1309 = vector.bitcast %get3A_1308 : vector<16xi32> to vector<32xbf16>
        %get3A_1310 = arith.constant 0 : i32
        %get3A_1311 = arith.index_cast %get3A_1310 : i32 to index
        %get3A_1312 = arith.index_cast %add3A_1262 : i32 to index
        %get3A_1313 = arith.constant 48 : index
        %get3A_1314 = tpu.vector_load %arg8[%get3A_1311, %get3A_1312, %get3A_1313] {strides = array<i32>} : memref<2x400x64xi32, #tpu.memory_space<vmem>>, vector<16xi32>,
        %bitcast3A_1315 = vector.bitcast %get3A_1314 : vector<16xi32> to vector<32xbf16>
        %mul3A_1316 = arith.mulf %bitcast3A_1309, %bitcast3A_1315 : vector<32xbf16>
        %add3A_1317 = arith.addf %add3A_1303, %mul3A_1316 : vector<32xbf16>
        %unpack3A_1318 = tpu.unpack_subelements %add3A_1317, 0 {pack_format = #tpu.pack_format<interleaved>} : vector<32xbf16> -> vector<16xf32>
        %unpack3A_1319 = tpu.unpack_subelements %add3A_1317, 1 {pack_format = #tpu.pack_format<interleaved>} : vector<32xbf16> -> vector<16xf32>
        %eq3A_1320 = arith.constant 12 : i32
        %eq3A_1321 = vector.broadcast %eq3A_1320 : i32 to vector<16xi32>
        %eq3A_1322 = arith.cmpi eq, %iota3A, %eq3A_1321 : vector<16xi32>
        %add3A_1323 = arith.addf %unpack3A_1318, %unpack3A_1319 : vector<16xf32>
        %reduce_sum3A_1324 = arith.constant true
        %reduce_sum3A_1325 = vector.broadcast %reduce_sum3A_1324 : i1 to vector<16xi1>
        %reduce_sum3A_1326 = tpu.scan <sum>, %add3A_1323 masked %reduce_sum3A_1325 : vector<16xf32>, vector<16xi1> -> vector<16xf32>
        %reduce_sum3A_1327 = vector.extract %reduce_sum3A_1326[15] : f32 from vector<16xf32>
        %broadcast_in_dim3A_1328 = vector.broadcast %reduce_sum3A_1327 : f32 to vector<16xf32>
        %select_n3A_1329 = arith.select %eq3A_1322, %broadcast_in_dim3A_1328, %select_n3A_1260 : vector<16xi1>, vector<16xf32>
        %add3A_1330 = arith.constant 13 : i32
        %add3A_1331 = arith.addi %mul3A_437, %add3A_1330 : i32
        %get3A_1332 = arith.constant 0 : i32
        %get3A_1333 = arith.index_cast %get3A_1332 : i32 to index
        %get3A_1334 = arith.index_cast %add3A_1331 : i32 to index
        %get3A_1335 = arith.constant 0 : index
        %get3A_1336 = tpu.vector_load %arg7[%get3A_1333, %get3A_1334, %get3A_1335] {strides = array<i32>} : memref<2x400x64xi32, #tpu.memory_space<vmem>>, vector<16xi32>,
        %bitcast3A_1337 = vector.bitcast %get3A_1336 : vector<16xi32> to vector<32xbf16>
        %get3A_1338 = arith.constant 0 : i32
        %get3A_1339 = arith.index_cast %get3A_1338 : i32 to index
        %get3A_1340 = arith.index_cast %add3A_1331 : i32 to index
        %get3A_1341 = arith.constant 0 : index
        %get3A_1342 = tpu.vector_load %arg8[%get3A_1339, %get3A_1340, %get3A_1341] {strides = array<i32>} : memref<2x400x64xi32, #tpu.memory_space<vmem>>, vector<16xi32>,
        %bitcast3A_1343 = vector.bitcast %get3A_1342 : vector<16xi32> to vector<32xbf16>
        %mul3A_1344 = arith.mulf %bitcast3A_1337, %bitcast3A_1343 : vector<32xbf16>
        %get3A_1345 = arith.constant 0 : i32
        %get3A_1346 = arith.index_cast %get3A_1345 : i32 to index
        %get3A_1347 = arith.index_cast %add3A_1331 : i32 to index
        %get3A_1348 = arith.constant 16 : index
        %get3A_1349 = tpu.vector_load %arg7[%get3A_1346, %get3A_1347, %get3A_1348] {strides = array<i32>} : memref<2x400x64xi32, #tpu.memory_space<vmem>>, vector<16xi32>,
        %bitcast3A_1350 = vector.bitcast %get3A_1349 : vector<16xi32> to vector<32xbf16>
        %get3A_1351 = arith.constant 0 : i32
        %get3A_1352 = arith.index_cast %get3A_1351 : i32 to index
        %get3A_1353 = arith.index_cast %add3A_1331 : i32 to index
        %get3A_1354 = arith.constant 16 : index
        %get3A_1355 = tpu.vector_load %arg8[%get3A_1352, %get3A_1353, %get3A_1354] {strides = array<i32>} : memref<2x400x64xi32, #tpu.memory_space<vmem>>, vector<16xi32>,
        %bitcast3A_1356 = vector.bitcast %get3A_1355 : vector<16xi32> to vector<32xbf16>
        %mul3A_1357 = arith.mulf %bitcast3A_1350, %bitcast3A_1356 : vector<32xbf16>
        %add3A_1358 = arith.addf %mul3A_1344, %mul3A_1357 : vector<32xbf16>
        %get3A_1359 = arith.constant 0 : i32
        %get3A_1360 = arith.index_cast %get3A_1359 : i32 to index
        %get3A_1361 = arith.index_cast %add3A_1331 : i32 to index
        %get3A_1362 = arith.constant 32 : index
        %get3A_1363 = tpu.vector_load %arg7[%get3A_1360, %get3A_1361, %get3A_1362] {strides = array<i32>} : memref<2x400x64xi32, #tpu.memory_space<vmem>>, vector<16xi32>,
        %bitcast3A_1364 = vector.bitcast %get3A_1363 : vector<16xi32> to vector<32xbf16>
        %get3A_1365 = arith.constant 0 : i32
        %get3A_1366 = arith.index_cast %get3A_1365 : i32 to index
        %get3A_1367 = arith.index_cast %add3A_1331 : i32 to index
        %get3A_1368 = arith.constant 32 : index
        %get3A_1369 = tpu.vector_load %arg8[%get3A_1366, %get3A_1367, %get3A_1368] {strides = array<i32>} : memref<2x400x64xi32, #tpu.memory_space<vmem>>, vector<16xi32>,
        %bitcast3A_1370 = vector.bitcast %get3A_1369 : vector<16xi32> to vector<32xbf16>
        %mul3A_1371 = arith.mulf %bitcast3A_1364, %bitcast3A_1370 : vector<32xbf16>
        %add3A_1372 = arith.addf %add3A_1358, %mul3A_1371 : vector<32xbf16>
        %get3A_1373 = arith.constant 0 : i32
        %get3A_1374 = arith.index_cast %get3A_1373 : i32 to index
        %get3A_1375 = arith.index_cast %add3A_1331 : i32 to index
        %get3A_1376 = arith.constant 48 : index
        %get3A_1377 = tpu.vector_load %arg7[%get3A_1374, %get3A_1375, %get3A_1376] {strides = array<i32>} : memref<2x400x64xi32, #tpu.memory_space<vmem>>, vector<16xi32>,
        %bitcast3A_1378 = vector.bitcast %get3A_1377 : vector<16xi32> to vector<32xbf16>
        %get3A_1379 = arith.constant 0 : i32
        %get3A_1380 = arith.index_cast %get3A_1379 : i32 to index
        %get3A_1381 = arith.index_cast %add3A_1331 : i32 to index
        %get3A_1382 = arith.constant 48 : index
        %get3A_1383 = tpu.vector_load %arg8[%get3A_1380, %get3A_1381, %get3A_1382] {strides = array<i32>} : memref<2x400x64xi32, #tpu.memory_space<vmem>>, vector<16xi32>,
        %bitcast3A_1384 = vector.bitcast %get3A_1383 : vector<16xi32> to vector<32xbf16>
        %mul3A_1385 = arith.mulf %bitcast3A_1378, %bitcast3A_1384 : vector<32xbf16>
        %add3A_1386 = arith.addf %add3A_1372, %mul3A_1385 : vector<32xbf16>
        %unpack3A_1387 = tpu.unpack_subelements %add3A_1386, 0 {pack_format = #tpu.pack_format<interleaved>} : vector<32xbf16> -> vector<16xf32>
        %unpack3A_1388 = tpu.unpack_subelements %add3A_1386, 1 {pack_format = #tpu.pack_format<interleaved>} : vector<32xbf16> -> vector<16xf32>
        %eq3A_1389 = arith.constant 13 : i32
        %eq3A_1390 = vector.broadcast %eq3A_1389 : i32 to vector<16xi32>
        %eq3A_1391 = arith.cmpi eq, %iota3A, %eq3A_1390 : vector<16xi32>
        %add3A_1392 = arith.addf %unpack3A_1387, %unpack3A_1388 : vector<16xf32>
        %reduce_sum3A_1393 = arith.constant true
        %reduce_sum3A_1394 = vector.broadcast %reduce_sum3A_1393 : i1 to vector<16xi1>
        %reduce_sum3A_1395 = tpu.scan <sum>, %add3A_1392 masked %reduce_sum3A_1394 : vector<16xf32>, vector<16xi1> -> vector<16xf32>
        %reduce_sum3A_1396 = vector.extract %reduce_sum3A_1395[15] : f32 from vector<16xf32>
        %broadcast_in_dim3A_1397 = vector.broadcast %reduce_sum3A_1396 : f32 to vector<16xf32>
        %select_n3A_1398 = arith.select %eq3A_1391, %broadcast_in_dim3A_1397, %select_n3A_1329 : vector<16xi1>, vector<16xf32>
        %add3A_1399 = arith.constant 14 : i32
        %add3A_1400 = arith.addi %mul3A_437, %add3A_1399 : i32
        %get3A_1401 = arith.constant 0 : i32
        %get3A_1402 = arith.index_cast %get3A_1401 : i32 to index
        %get3A_1403 = arith.index_cast %add3A_1400 : i32 to index
        %get3A_1404 = arith.constant 0 : index
        %get3A_1405 = tpu.vector_load %arg7[%get3A_1402, %get3A_1403, %get3A_1404] {strides = array<i32>} : memref<2x400x64xi32, #tpu.memory_space<vmem>>, vector<16xi32>,
        %bitcast3A_1406 = vector.bitcast %get3A_1405 : vector<16xi32> to vector<32xbf16>
        %get3A_1407 = arith.constant 0 : i32
        %get3A_1408 = arith.index_cast %get3A_1407 : i32 to index
        %get3A_1409 = arith.index_cast %add3A_1400 : i32 to index
        %get3A_1410 = arith.constant 0 : index
        %get3A_1411 = tpu.vector_load %arg8[%get3A_1408, %get3A_1409, %get3A_1410] {strides = array<i32>} : memref<2x400x64xi32, #tpu.memory_space<vmem>>, vector<16xi32>,
        %bitcast3A_1412 = vector.bitcast %get3A_1411 : vector<16xi32> to vector<32xbf16>
        %mul3A_1413 = arith.mulf %bitcast3A_1406, %bitcast3A_1412 : vector<32xbf16>
        %get3A_1414 = arith.constant 0 : i32
        %get3A_1415 = arith.index_cast %get3A_1414 : i32 to index
        %get3A_1416 = arith.index_cast %add3A_1400 : i32 to index
        %get3A_1417 = arith.constant 16 : index
        %get3A_1418 = tpu.vector_load %arg7[%get3A_1415, %get3A_1416, %get3A_1417] {strides = array<i32>} : memref<2x400x64xi32, #tpu.memory_space<vmem>>, vector<16xi32>,
        %bitcast3A_1419 = vector.bitcast %get3A_1418 : vector<16xi32> to vector<32xbf16>
        %get3A_1420 = arith.constant 0 : i32
        %get3A_1421 = arith.index_cast %get3A_1420 : i32 to index
        %get3A_1422 = arith.index_cast %add3A_1400 : i32 to index
        %get3A_1423 = arith.constant 16 : index
        %get3A_1424 = tpu.vector_load %arg8[%get3A_1421, %get3A_1422, %get3A_1423] {strides = array<i32>} : memref<2x400x64xi32, #tpu.memory_space<vmem>>, vector<16xi32>,
        %bitcast3A_1425 = vector.bitcast %get3A_1424 : vector<16xi32> to vector<32xbf16>
        %mul3A_1426 = arith.mulf %bitcast3A_1419, %bitcast3A_1425 : vector<32xbf16>
        %add3A_1427 = arith.addf %mul3A_1413, %mul3A_1426 : vector<32xbf16>
        %get3A_1428 = arith.constant 0 : i32
        %get3A_1429 = arith.index_cast %get3A_1428 : i32 to index
        %get3A_1430 = arith.index_cast %add3A_1400 : i32 to index
        %get3A_1431 = arith.constant 32 : index
        %get3A_1432 = tpu.vector_load %arg7[%get3A_1429, %get3A_1430, %get3A_1431] {strides = array<i32>} : memref<2x400x64xi32, #tpu.memory_space<vmem>>, vector<16xi32>,
        %bitcast3A_1433 = vector.bitcast %get3A_1432 : vector<16xi32> to vector<32xbf16>
        %get3A_1434 = arith.constant 0 : i32
        %get3A_1435 = arith.index_cast %get3A_1434 : i32 to index
        %get3A_1436 = arith.index_cast %add3A_1400 : i32 to index
        %get3A_1437 = arith.constant 32 : index
        %get3A_1438 = tpu.vector_load %arg8[%get3A_1435, %get3A_1436, %get3A_1437] {strides = array<i32>} : memref<2x400x64xi32, #tpu.memory_space<vmem>>, vector<16xi32>,
        %bitcast3A_1439 = vector.bitcast %get3A_1438 : vector<16xi32> to vector<32xbf16>
        %mul3A_1440 = arith.mulf %bitcast3A_1433, %bitcast3A_1439 : vector<32xbf16>
        %add3A_1441 = arith.addf %add3A_1427, %mul3A_1440 : vector<32xbf16>
        %get3A_1442 = arith.constant 0 : i32
        %get3A_1443 = arith.index_cast %get3A_1442 : i32 to index
        %get3A_1444 = arith.index_cast %add3A_1400 : i32 to index
        %get3A_1445 = arith.constant 48 : index
        %get3A_1446 = tpu.vector_load %arg7[%get3A_1443, %get3A_1444, %get3A_1445] {strides = array<i32>} : memref<2x400x64xi32, #tpu.memory_space<vmem>>, vector<16xi32>,
        %bitcast3A_1447 = vector.bitcast %get3A_1446 : vector<16xi32> to vector<32xbf16>
        %get3A_1448 = arith.constant 0 : i32
        %get3A_1449 = arith.index_cast %get3A_1448 : i32 to index
        %get3A_1450 = arith.index_cast %add3A_1400 : i32 to index
        %get3A_1451 = arith.constant 48 : index
        %get3A_1452 = tpu.vector_load %arg8[%get3A_1449, %get3A_1450, %get3A_1451] {strides = array<i32>} : memref<2x400x64xi32, #tpu.memory_space<vmem>>, vector<16xi32>,
        %bitcast3A_1453 = vector.bitcast %get3A_1452 : vector<16xi32> to vector<32xbf16>
        %mul3A_1454 = arith.mulf %bitcast3A_1447, %bitcast3A_1453 : vector<32xbf16>
        %add3A_1455 = arith.addf %add3A_1441, %mul3A_1454 : vector<32xbf16>
        %unpack3A_1456 = tpu.unpack_subelements %add3A_1455, 0 {pack_format = #tpu.pack_format<interleaved>} : vector<32xbf16> -> vector<16xf32>
        %unpack3A_1457 = tpu.unpack_subelements %add3A_1455, 1 {pack_format = #tpu.pack_format<interleaved>} : vector<32xbf16> -> vector<16xf32>
        %eq3A_1458 = arith.constant 14 : i32
        %eq3A_1459 = vector.broadcast %eq3A_1458 : i32 to vector<16xi32>
        %eq3A_1460 = arith.cmpi eq, %iota3A, %eq3A_1459 : vector<16xi32>
        %add3A_1461 = arith.addf %unpack3A_1456, %unpack3A_1457 : vector<16xf32>
        %reduce_sum3A_1462 = arith.constant true
        %reduce_sum3A_1463 = vector.broadcast %reduce_sum3A_1462 : i1 to vector<16xi1>
        %reduce_sum3A_1464 = tpu.scan <sum>, %add3A_1461 masked %reduce_sum3A_1463 : vector<16xf32>, vector<16xi1> -> vector<16xf32>
        %reduce_sum3A_1465 = vector.extract %reduce_sum3A_1464[15] : f32 from vector<16xf32>
        %broadcast_in_dim3A_1466 = vector.broadcast %reduce_sum3A_1465 : f32 to vector<16xf32>
        %select_n3A_1467 = arith.select %eq3A_1460, %broadcast_in_dim3A_1466, %select_n3A_1398 : vector<16xi1>, vector<16xf32>
        %add3A_1468 = arith.constant 15 : i32
        %add3A_1469 = arith.addi %mul3A_437, %add3A_1468 : i32
        %get3A_1470 = arith.constant 0 : i32
        %get3A_1471 = arith.index_cast %get3A_1470 : i32 to index
        %get3A_1472 = arith.index_cast %add3A_1469 : i32 to index
        %get3A_1473 = arith.constant 0 : index
        %get3A_1474 = tpu.vector_load %arg7[%get3A_1471, %get3A_1472, %get3A_1473] {strides = array<i32>} : memref<2x400x64xi32, #tpu.memory_space<vmem>>, vector<16xi32>,
        %bitcast3A_1475 = vector.bitcast %get3A_1474 : vector<16xi32> to vector<32xbf16>
        %get3A_1476 = arith.constant 0 : i32
        %get3A_1477 = arith.index_cast %get3A_1476 : i32 to index
        %get3A_1478 = arith.index_cast %add3A_1469 : i32 to index
        %get3A_1479 = arith.constant 0 : index
        %get3A_1480 = tpu.vector_load %arg8[%get3A_1477, %get3A_1478, %get3A_1479] {strides = array<i32>} : memref<2x400x64xi32, #tpu.memory_space<vmem>>, vector<16xi32>,
        %bitcast3A_1481 = vector.bitcast %get3A_1480 : vector<16xi32> to vector<32xbf16>
        %mul3A_1482 = arith.mulf %bitcast3A_1475, %bitcast3A_1481 : vector<32xbf16>
        %get3A_1483 = arith.constant 0 : i32
        %get3A_1484 = arith.index_cast %get3A_1483 : i32 to index
        %get3A_1485 = arith.index_cast %add3A_1469 : i32 to index
        %get3A_1486 = arith.constant 16 : index
        %get3A_1487 = tpu.vector_load %arg7[%get3A_1484, %get3A_1485, %get3A_1486] {strides = array<i32>} : memref<2x400x64xi32, #tpu.memory_space<vmem>>, vector<16xi32>,
        %bitcast3A_1488 = vector.bitcast %get3A_1487 : vector<16xi32> to vector<32xbf16>
        %get3A_1489 = arith.constant 0 : i32
        %get3A_1490 = arith.index_cast %get3A_1489 : i32 to index
        %get3A_1491 = arith.index_cast %add3A_1469 : i32 to index
        %get3A_1492 = arith.constant 16 : index
        %get3A_1493 = tpu.vector_load %arg8[%get3A_1490, %get3A_1491, %get3A_1492] {strides = array<i32>} : memref<2x400x64xi32, #tpu.memory_space<vmem>>, vector<16xi32>,
        %bitcast3A_1494 = vector.bitcast %get3A_1493 : vector<16xi32> to vector<32xbf16>
        %mul3A_1495 = arith.mulf %bitcast3A_1488, %bitcast3A_1494 : vector<32xbf16>
        %add3A_1496 = arith.addf %mul3A_1482, %mul3A_1495 : vector<32xbf16>
        %get3A_1497 = arith.constant 0 : i32
        %get3A_1498 = arith.index_cast %get3A_1497 : i32 to index
        %get3A_1499 = arith.index_cast %add3A_1469 : i32 to index
        %get3A_1500 = arith.constant 32 : index
        %get3A_1501 = tpu.vector_load %arg7[%get3A_1498, %get3A_1499, %get3A_1500] {strides = array<i32>} : memref<2x400x64xi32, #tpu.memory_space<vmem>>, vector<16xi32>,
        %bitcast3A_1502 = vector.bitcast %get3A_1501 : vector<16xi32> to vector<32xbf16>
        %get3A_1503 = arith.constant 0 : i32
        %get3A_1504 = arith.index_cast %get3A_1503 : i32 to index
        %get3A_1505 = arith.index_cast %add3A_1469 : i32 to index
        %get3A_1506 = arith.constant 32 : index
        %get3A_1507 = tpu.vector_load %arg8[%get3A_1504, %get3A_1505, %get3A_1506] {strides = array<i32>} : memref<2x400x64xi32, #tpu.memory_space<vmem>>, vector<16xi32>,
        %bitcast3A_1508 = vector.bitcast %get3A_1507 : vector<16xi32> to vector<32xbf16>
        %mul3A_1509 = arith.mulf %bitcast3A_1502, %bitcast3A_1508 : vector<32xbf16>
        %add3A_1510 = arith.addf %add3A_1496, %mul3A_1509 : vector<32xbf16>
        %get3A_1511 = arith.constant 0 : i32
        %get3A_1512 = arith.index_cast %get3A_1511 : i32 to index
        %get3A_1513 = arith.index_cast %add3A_1469 : i32 to index
        %get3A_1514 = arith.constant 48 : index
        %get3A_1515 = tpu.vector_load %arg7[%get3A_1512, %get3A_1513, %get3A_1514] {strides = array<i32>} : memref<2x400x64xi32, #tpu.memory_space<vmem>>, vector<16xi32>,
        %bitcast3A_1516 = vector.bitcast %get3A_1515 : vector<16xi32> to vector<32xbf16>
        %get3A_1517 = arith.constant 0 : i32
        %get3A_1518 = arith.index_cast %get3A_1517 : i32 to index
        %get3A_1519 = arith.index_cast %add3A_1469 : i32 to index
        %get3A_1520 = arith.constant 48 : index
        %get3A_1521 = tpu.vector_load %arg8[%get3A_1518, %get3A_1519, %get3A_1520] {strides = array<i32>} : memref<2x400x64xi32, #tpu.memory_space<vmem>>, vector<16xi32>,
        %bitcast3A_1522 = vector.bitcast %get3A_1521 : vector<16xi32> to vector<32xbf16>
        %mul3A_1523 = arith.mulf %bitcast3A_1516, %bitcast3A_1522 : vector<32xbf16>
        %add3A_1524 = arith.addf %add3A_1510, %mul3A_1523 : vector<32xbf16>
        %unpack3A_1525 = tpu.unpack_subelements %add3A_1524, 0 {pack_format = #tpu.pack_format<interleaved>} : vector<32xbf16> -> vector<16xf32>
        %unpack3A_1526 = tpu.unpack_subelements %add3A_1524, 1 {pack_format = #tpu.pack_format<interleaved>} : vector<32xbf16> -> vector<16xf32>
        %eq3A_1527 = arith.constant 15 : i32
        %eq3A_1528 = vector.broadcast %eq3A_1527 : i32 to vector<16xi32>
        %eq3A_1529 = arith.cmpi eq, %iota3A, %eq3A_1528 : vector<16xi32>
        %add3A_1530 = arith.addf %unpack3A_1525, %unpack3A_1526 : vector<16xf32>
        %reduce_sum3A_1531 = arith.constant true
        %reduce_sum3A_1532 = vector.broadcast %reduce_sum3A_1531 : i1 to vector<16xi1>
        %reduce_sum3A_1533 = tpu.scan <sum>, %add3A_1530 masked %reduce_sum3A_1532 : vector<16xf32>, vector<16xi1> -> vector<16xf32>
        %reduce_sum3A_1534 = vector.extract %reduce_sum3A_1533[15] : f32 from vector<16xf32>
        %broadcast_in_dim3A_1535 = vector.broadcast %reduce_sum3A_1534 : f32 to vector<16xf32>
        %select_n3A_1536 = arith.select %eq3A_1529, %broadcast_in_dim3A_1535, %select_n3A_1467 : vector<16xi1>, vector<16xf32>
        %swap3A = arith.constant 0 : i32
        %swap3A_1537 = arith.index_cast %swap3A : i32 to index
        %swap3A_1538 = arith.index_cast %mul3A_437 : i32 to index
        %swap3A_1539 = tpu.vector_load %arg9[%swap3A_1537, %swap3A_1538] {strides = array<i32>} : memref<2x400xf32, #tpu.memory_space<vmem>>, vector<16xf32>,
        tpu.vector_store %arg9[%swap3A_1537, %swap3A_1538], %select_n3A_1536 {strides = array<i32>} : memref<2x400xf32, #tpu.memory_space<vmem>>, vector<16xf32>,
      }
      %scan3A_312 = arith.constant 25 : i32
      %dma_start3A_313 = arith.constant 0 : i32
      %dma_start3A_314 = arith.constant 0 : i32
      %dma_start3A_315 = tpu.memref_slice %arg9[%dma_start3A_313, %dma_start3A_314] : memref<2x400xf32, #tpu.memory_space<vmem>> -> memref<1x400xf32, #tpu.memory_space<vmem>>
      %dma_start3A_316 = tpu.memref_squeeze %dma_start3A_315 : memref<1x400xf32, #tpu.memory_space<vmem>> -> memref<400xf32, #tpu.memory_space<vmem>>
      %dma_start3A_317 = tpu.memref_slice %arg4[%add3A_191] : memref<320000xf32, #tpu.memory_space<hbm>> -> memref<400xf32, #tpu.memory_space<hbm>>
      %dma_start3A_318 = tpu.memref_slice %arg4[%add3A_191] : memref<320000xf32, #tpu.memory_space<hbm>> -> memref<400xf32, #tpu.memory_space<hbm>>
      %dma_start3A_319 = arith.constant 0 : i32
      %dma_start3A_320 = tpu.memref_slice %arg9[%dma_start3A_313, %dma_start3A_319] : memref<2x400xf32, #tpu.memory_space<vmem>> -> memref<1x400xf32, #tpu.memory_space<vmem>>
      %dma_start3A_321 = tpu.memref_squeeze %dma_start3A_320 : memref<1x400xf32, #tpu.memory_space<vmem>> -> memref<400xf32, #tpu.memory_space<vmem>>
      tpu.enqueue_dma source(%dma_start3A_321 : memref<400xf32, #tpu.memory_space<vmem>>) target(%dma_start3A_318 : memref<400xf32, #tpu.memory_space<hbm>>) target_semaphore(%arg14 : memref<!tpu.dma_semaphore, #tpu.memory_space<semaphore_mem>>)
      %dma_wait3A_322 = arith.constant 0 : i32
      %dma_wait3A_323 = arith.constant 0 : i32
      %dma_wait3A_324 = arith.constant 0 : i32
      %dma_wait3A_325 = tpu.memref_slice %arg5[%dma_wait3A_323, %dma_wait3A_324] : memref<2x400xi32, #tpu.memory_space<vmem>> -> memref<1x400xi32, #tpu.memory_space<vmem>>
      %dma_wait3A_326 = tpu.memref_squeeze %dma_wait3A_325 : memref<1x400xi32, #tpu.memory_space<vmem>> -> memref<400xi32, #tpu.memory_space<vmem>>
      %dma_wait3A_327 = tpu.memref_slice %arg3[%dma_wait3A_322, %mul3A_2] : memref<2x320000xi32, #tpu.memory_space<hbm>> -> memref<1x400xi32, #tpu.memory_space<hbm>>
      %dma_wait3A_328 = tpu.memref_squeeze %dma_wait3A_327 : memref<1x400xi32, #tpu.memory_space<hbm>> -> memref<400xi32, #tpu.memory_space<hbm>>
      %dma_wait3A_329 = arith.constant 0 : i32
      %dma_wait3A_330 = tpu.memref_slice %arg5[%dma_wait3A_323, %dma_wait3A_329] : memref<2x400xi32, #tpu.memory_space<vmem>> -> memref<1x400xi32, #tpu.memory_space<vmem>>
      %dma_wait3A_331 = tpu.memref_squeeze %dma_wait3A_330 : memref<1x400xi32, #tpu.memory_space<vmem>> -> memref<400xi32, #tpu.memory_space<vmem>>
      %dma_wait3A_332 = tpu.memref_slice %arg3[%dma_wait3A_322, %mul3A_2] : memref<2x320000xi32, #tpu.memory_space<hbm>> -> memref<1x400xi32, #tpu.memory_space<hbm>>
      %dma_wait3A_333 = tpu.memref_squeeze %dma_wait3A_332 : memref<1x400xi32, #tpu.memory_space<hbm>> -> memref<400xi32, #tpu.memory_space<hbm>>
      tpu.wait_dma2 semaphore(%arg10 : memref<!tpu.dma_semaphore, #tpu.memory_space<semaphore_mem>>) src(%dma_wait3A_333 : memref<400xi32, #tpu.memory_space<hbm>>) dst(%dma_wait3A_331 : memref<400xi32, #tpu.memory_space<vmem>>)
      %dma_wait3A_334 = arith.constant 1 : i32
      %dma_wait3A_335 = arith.constant 0 : i32
      %dma_wait3A_336 = arith.constant 0 : i32
      %dma_wait3A_337 = tpu.memref_slice %arg6[%dma_wait3A_335, %dma_wait3A_336] : memref<2x400xi32, #tpu.memory_space<vmem>> -> memref<1x400xi32, #tpu.memory_space<vmem>>
      %dma_wait3A_338 = tpu.memref_squeeze %dma_wait3A_337 : memref<1x400xi32, #tpu.memory_space<vmem>> -> memref<400xi32, #tpu.memory_space<vmem>>
      %dma_wait3A_339 = tpu.memref_slice %arg3[%dma_wait3A_334, %mul3A_2] : memref<2x320000xi32, #tpu.memory_space<hbm>> -> memref<1x400xi32, #tpu.memory_space<hbm>>
      %dma_wait3A_340 = tpu.memref_squeeze %dma_wait3A_339 : memref<1x400xi32, #tpu.memory_space<hbm>> -> memref<400xi32, #tpu.memory_space<hbm>>
      %dma_wait3A_341 = arith.constant 0 : i32
      %dma_wait3A_342 = tpu.memref_slice %arg6[%dma_wait3A_335, %dma_wait3A_341] : memref<2x400xi32, #tpu.memory_space<vmem>> -> memref<1x400xi32, #tpu.memory_space<vmem>>
      %dma_wait3A_343 = tpu.memref_squeeze %dma_wait3A_342 : memref<1x400xi32, #tpu.memory_space<vmem>> -> memref<400xi32, #tpu.memory_space<vmem>>
      %dma_wait3A_344 = tpu.memref_slice %arg3[%dma_wait3A_334, %mul3A_2] : memref<2x320000xi32, #tpu.memory_space<hbm>> -> memref<1x400xi32, #tpu.memory_space<hbm>>
      %dma_wait3A_345 = tpu.memref_squeeze %dma_wait3A_344 : memref<1x400xi32, #tpu.memory_space<hbm>> -> memref<400xi32, #tpu.memory_space<hbm>>
      tpu.wait_dma2 semaphore(%arg10 : memref<!tpu.dma_semaphore, #tpu.memory_space<semaphore_mem>>) src(%dma_wait3A_345 : memref<400xi32, #tpu.memory_space<hbm>>) dst(%dma_wait3A_343 : memref<400xi32, #tpu.memory_space<vmem>>)
      %dma_start3A_346 = arith.constant 0 : i32
      %dma_start3A_347 = arith.constant 0 : i32
      %dma_start3A_348 = arith.constant 0 : i32
      %dma_start3A_349 = arith.constant 0 : i32
      %dma_start3A_350 = tpu.memref_slice %arg7[%dma_start3A_347, %dma_start3A_348, %dma_start3A_349] : memref<2x400x64xi32, #tpu.memory_space<vmem>> -> memref<1x400x64xi32, #tpu.memory_space<vmem>>
      %dma_start3A_351 = tpu.memref_squeeze %dma_start3A_350 : memref<1x400x64xi32, #tpu.memory_space<vmem>> -> memref<400x64xi32, #tpu.memory_space<vmem>>
      %dma_start3A_352 = arith.constant 0 : i32
      %dma_start3A_353 = tpu.memref_slice %arg5[%dma_start3A_346, %dma_start3A_352] : memref<2x400xi32, #tpu.memory_space<vmem>> -> memref<1x400xi32, #tpu.memory_space<vmem>>
      %dma_start3A_354 = tpu.memref_squeeze %dma_start3A_353 : memref<1x400xi32, #tpu.memory_space<vmem>> -> memref<400xi32, #tpu.memory_space<vmem>>
      %dma_start3A_355 = arith.constant 0 : i32
      %dma_start3A_356 = arith.constant 0 : i32
      %dma_start3A_357 = tpu.memref_slice %arg2[%arg0, %dma_start3A_355, %dma_start3A_356] : memref<2x10000x64xi32, #tpu.memory_space<hbm>> -> memref<1x10000x64xi32, #tpu.memory_space<hbm>>
      %dma_start3A_358 = tpu.memref_squeeze %dma_start3A_357 : memref<1x10000x64xi32, #tpu.memory_space<hbm>> -> memref<10000x64xi32, #tpu.memory_space<hbm>>
      %dma_start3A_359 = arith.constant 0 : i32
      %dma_start3A_360 = arith.constant 0 : i32
      %dma_start3A_361 = tpu.memref_slice %dma_start3A_358[%dma_start3A_359, %dma_start3A_360] : memref<10000x64xi32, #tpu.memory_space<hbm>> -> memref<10000x64xi32, #tpu.memory_space<hbm>>
      tpu.enqueue_indirect_dma source(%dma_start3A_361 : memref<10000x64xi32, #tpu.memory_space<hbm>>) target(%dma_start3A_351 : memref<400x64xi32, #tpu.memory_space<vmem>>) offsets(%dma_start3A_354 : memref<400xi32, #tpu.memory_space<vmem>>) semaphore(%arg12 : memref<!tpu.dma_semaphore, #tpu.memory_space<semaphore_mem>>)
      %dma_start3A_362 = arith.constant 0 : i32
      %dma_start3A_363 = arith.constant 0 : i32
      %dma_start3A_364 = arith.constant 0 : i32
      %dma_start3A_365 = arith.constant 0 : i32
      %dma_start3A_366 = tpu.memref_slice %arg8[%dma_start3A_363, %dma_start3A_364, %dma_start3A_365] : memref<2x400x64xi32, #tpu.memory_space<vmem>> -> memref<1x400x64xi32, #tpu.memory_space<vmem>>
      %dma_start3A_367 = tpu.memref_squeeze %dma_start3A_366 : memref<1x400x64xi32, #tpu.memory_space<vmem>> -> memref<400x64xi32, #tpu.memory_space<vmem>>
      %dma_start3A_368 = arith.constant 0 : i32
      %dma_start3A_369 = tpu.memref_slice %arg6[%dma_start3A_362, %dma_start3A_368] : memref<2x400xi32, #tpu.memory_space<vmem>> -> memref<1x400xi32, #tpu.memory_space<vmem>>
      %dma_start3A_370 = tpu.memref_squeeze %dma_start3A_369 : memref<1x400xi32, #tpu.memory_space<vmem>> -> memref<400xi32, #tpu.memory_space<vmem>>
      %dma_start3A_371 = arith.constant 0 : i32
      %dma_start3A_372 = arith.constant 0 : i32
      %dma_start3A_373 = tpu.memref_slice %arg2[%arg0, %dma_start3A_371, %dma_start3A_372] : memref<2x10000x64xi32, #tpu.memory_space<hbm>> -> memref<1x10000x64xi32, #tpu.memory_space<hbm>>
      %dma_start3A_374 = tpu.memref_squeeze %dma_start3A_373 : memref<1x10000x64xi32, #tpu.memory_space<hbm>> -> memref<10000x64xi32, #tpu.memory_space<hbm>>
      %dma_start3A_375 = arith.constant 0 : i32
      %dma_start3A_376 = arith.constant 0 : i32
      %dma_start3A_377 = tpu.memref_slice %dma_start3A_374[%dma_start3A_375, %dma_start3A_376] : memref<10000x64xi32, #tpu.memory_space<hbm>> -> memref<10000x64xi32, #tpu.memory_space<hbm>>
      tpu.enqueue_indirect_dma source(%dma_start3A_377 : memref<10000x64xi32, #tpu.memory_space<hbm>>) target(%dma_start3A_367 : memref<400x64xi32, #tpu.memory_space<vmem>>) offsets(%dma_start3A_370 : memref<400xi32, #tpu.memory_space<vmem>>) semaphore(%arg12 : memref<!tpu.dma_semaphore, #tpu.memory_space<semaphore_mem>>)
      %dma_wait3A_378 = arith.constant 1 : i32
      %dma_wait3A_379 = arith.constant 1 : i32
      %dma_wait3A_380 = arith.constant 0 : i32
      %dma_wait3A_381 = arith.constant 0 : i32
      %dma_wait3A_382 = tpu.memref_slice %arg7[%dma_wait3A_379, %dma_wait3A_380, %dma_wait3A_381] : memref<2x400x64xi32, #tpu.memory_space<vmem>> -> memref<1x400x64xi32, #tpu.memory_space<vmem>>
      %dma_wait3A_383 = tpu.memref_squeeze %dma_wait3A_382 : memref<1x400x64xi32, #tpu.memory_space<vmem>> -> memref<400x64xi32, #tpu.memory_space<vmem>>
      %dma_wait3A_384 = arith.constant 0 : i32
      %dma_wait3A_385 = tpu.memref_slice %arg5[%dma_wait3A_378, %dma_wait3A_384] : memref<2x400xi32, #tpu.memory_space<vmem>> -> memref<1x400xi32, #tpu.memory_space<vmem>>
      %dma_wait3A_386 = tpu.memref_squeeze %dma_wait3A_385 : memref<1x400xi32, #tpu.memory_space<vmem>> -> memref<400xi32, #tpu.memory_space<vmem>>
      %dma_wait3A_387 = arith.constant 0 : i32
      %dma_wait3A_388 = arith.constant 0 : i32
      %dma_wait3A_389 = tpu.memref_slice %arg2[%arg0, %dma_wait3A_387, %dma_wait3A_388] : memref<2x10000x64xi32, #tpu.memory_space<hbm>> -> memref<1x10000x64xi32, #tpu.memory_space<hbm>>
      %dma_wait3A_390 = tpu.memref_squeeze %dma_wait3A_389 : memref<1x10000x64xi32, #tpu.memory_space<hbm>> -> memref<10000x64xi32, #tpu.memory_space<hbm>>
      %dma_wait3A_391 = arith.constant 0 : i32
      %dma_wait3A_392 = arith.constant 0 : i32
      %dma_wait3A_393 = tpu.memref_slice %dma_wait3A_390[%dma_wait3A_391, %dma_wait3A_392] : memref<10000x64xi32, #tpu.memory_space<hbm>> -> memref<10000x64xi32, #tpu.memory_space<hbm>>
      tpu.wait_indirect_dma semaphore(%arg13 : memref<!tpu.dma_semaphore, #tpu.memory_space<semaphore_mem>>) src(%dma_wait3A_393 : memref<10000x64xi32, #tpu.memory_space<hbm>>) dst(%dma_wait3A_383 : memref<400x64xi32, #tpu.memory_space<vmem>>)
      %dma_wait3A_394 = arith.constant 1 : i32
      %dma_wait3A_395 = arith.constant 1 : i32
      %dma_wait3A_396 = arith.constant 0 : i32
      %dma_wait3A_397 = arith.constant 0 : i32
      %dma_wait3A_398 = tpu.memref_slice %arg8[%dma_wait3A_395, %dma_wait3A_396, %dma_wait3A_397] : memref<2x400x64xi32, #tpu.memory_space<vmem>> -> memref<1x400x64xi32, #tpu.memory_space<vmem>>
      %dma_wait3A_399 = tpu.memref_squeeze %dma_wait3A_398 : memref<1x400x64xi32, #tpu.memory_space<vmem>> -> memref<400x64xi32, #tpu.memory_space<vmem>>
      %dma_wait3A_400 = arith.constant 0 : i32
      %dma_wait3A_401 = tpu.memref_slice %arg6[%dma_wait3A_394, %dma_wait3A_400] : memref<2x400xi32, #tpu.memory_space<vmem>> -> memref<1x400xi32, #tpu.memory_space<vmem>>
      %dma_wait3A_402 = tpu.memref_squeeze %dma_wait3A_401 : memref<1x400xi32, #tpu.memory_space<vmem>> -> memref<400xi32, #tpu.memory_space<vmem>>
      %dma_wait3A_403 = arith.constant 0 : i32
      %dma_wait3A_404 = arith.constant 0 : i32
      %dma_wait3A_405 = tpu.memref_slice %arg2[%arg0, %dma_wait3A_403, %dma_wait3A_404] : memref<2x10000x64xi32, #tpu.memory_space<hbm>> -> memref<1x10000x64xi32, #tpu.memory_space<hbm>>
      %dma_wait3A_406 = tpu.memref_squeeze %dma_wait3A_405 : memref<1x10000x64xi32, #tpu.memory_space<hbm>> -> memref<10000x64xi32, #tpu.memory_space<hbm>>
      %dma_wait3A_407 = arith.constant 0 : i32
      %dma_wait3A_408 = arith.constant 0 : i32
      %dma_wait3A_409 = tpu.memref_slice %dma_wait3A_406[%dma_wait3A_407, %dma_wait3A_408] : memref<10000x64xi32, #tpu.memory_space<hbm>> -> memref<10000x64xi32, #tpu.memory_space<hbm>>
      tpu.wait_indirect_dma semaphore(%arg13 : memref<!tpu.dma_semaphore, #tpu.memory_space<semaphore_mem>>) src(%dma_wait3A_409 : memref<10000x64xi32, #tpu.memory_space<hbm>>) dst(%dma_wait3A_399 : memref<400x64xi32, #tpu.memory_space<vmem>>)
      %lt3A = arith.constant 11 : i32
      %lt3A_410 = arith.cmpi slt, %scan3A_186, %lt3A : i32
      %convert_element_type3A_411 = arith.extui %lt3A_410 : i1 to i32
      %cond3A_412 = arith.constant 0 : i32
      %cond3A_413 = arith.cmpi ne, %convert_element_type3A_411, %cond3A_412 : i32
      scf.if %cond3A_413 {
        %add3A_435 = arith.constant 1200 : i32
        %add3A_436 = arith.addi %add3A_191, %add3A_435 : i32
        %dma_start3A_437 = arith.constant 0 : i32
        %dma_start3A_438 = arith.constant 1 : i32
        %dma_start3A_439 = arith.constant 0 : i32
        %dma_start3A_440 = tpu.memref_slice %arg5[%dma_start3A_438, %dma_start3A_439] : memref<2x400xi32, #tpu.memory_space<vmem>> -> memref<1x400xi32, #tpu.memory_space<vmem>>
        %dma_start3A_441 = tpu.memref_squeeze %dma_start3A_440 : memref<1x400xi32, #tpu.memory_space<vmem>> -> memref<400xi32, #tpu.memory_space<vmem>>
        %dma_start3A_442 = tpu.memref_slice %arg3[%dma_start3A_437, %add3A_436] : memref<2x320000xi32, #tpu.memory_space<hbm>> -> memref<1x400xi32, #tpu.memory_space<hbm>>
        %dma_start3A_443 = tpu.memref_squeeze %dma_start3A_442 : memref<1x400xi32, #tpu.memory_space<hbm>> -> memref<400xi32, #tpu.memory_space<hbm>>
        %dma_start3A_444 = arith.constant 0 : i32
        %dma_start3A_445 = tpu.memref_slice %arg5[%dma_start3A_438, %dma_start3A_444] : memref<2x400xi32, #tpu.memory_space<vmem>> -> memref<1x400xi32, #tpu.memory_space<vmem>>
        %dma_start3A_446 = tpu.memref_squeeze %dma_start3A_445 : memref<1x400xi32, #tpu.memory_space<vmem>> -> memref<400xi32, #tpu.memory_space<vmem>>
        %dma_start3A_447 = tpu.memref_slice %arg3[%dma_start3A_437, %add3A_436] : memref<2x320000xi32, #tpu.memory_space<hbm>> -> memref<1x400xi32, #tpu.memory_space<hbm>>
        %dma_start3A_448 = tpu.memref_squeeze %dma_start3A_447 : memref<1x400xi32, #tpu.memory_space<hbm>> -> memref<400xi32, #tpu.memory_space<hbm>>
        tpu.enqueue_dma source(%dma_start3A_448 : memref<400xi32, #tpu.memory_space<hbm>>) target(%dma_start3A_446 : memref<400xi32, #tpu.memory_space<vmem>>) target_semaphore(%arg11 : memref<!tpu.dma_semaphore, #tpu.memory_space<semaphore_mem>>)
        %dma_start3A_449 = arith.constant 1 : i32
        %dma_start3A_450 = arith.constant 1 : i32
        %dma_start3A_451 = arith.constant 0 : i32
        %dma_start3A_452 = tpu.memref_slice %arg6[%dma_start3A_450, %dma_start3A_451] : memref<2x400xi32, #tpu.memory_space<vmem>> -> memref<1x400xi32, #tpu.memory_space<vmem>>
        %dma_start3A_453 = tpu.memref_squeeze %dma_start3A_452 : memref<1x400xi32, #tpu.memory_space<vmem>> -> memref<400xi32, #tpu.memory_space<vmem>>
        %dma_start3A_454 = tpu.memref_slice %arg3[%dma_start3A_449, %add3A_436] : memref<2x320000xi32, #tpu.memory_space<hbm>> -> memref<1x400xi32, #tpu.memory_space<hbm>>
        %dma_start3A_455 = tpu.memref_squeeze %dma_start3A_454 : memref<1x400xi32, #tpu.memory_space<hbm>> -> memref<400xi32, #tpu.memory_space<hbm>>
        %dma_start3A_456 = arith.constant 0 : i32
        %dma_start3A_457 = tpu.memref_slice %arg6[%dma_start3A_450, %dma_start3A_456] : memref<2x400xi32, #tpu.memory_space<vmem>> -> memref<1x400xi32, #tpu.memory_space<vmem>>
        %dma_start3A_458 = tpu.memref_squeeze %dma_start3A_457 : memref<1x400xi32, #tpu.memory_space<vmem>> -> memref<400xi32, #tpu.memory_space<vmem>>
        %dma_start3A_459 = tpu.memref_slice %arg3[%dma_start3A_449, %add3A_436] : memref<2x320000xi32, #tpu.memory_space<hbm>> -> memref<1x400xi32, #tpu.memory_space<hbm>>
        %dma_start3A_460 = tpu.memref_squeeze %dma_start3A_459 : memref<1x400xi32, #tpu.memory_space<hbm>> -> memref<400xi32, #tpu.memory_space<hbm>>
        tpu.enqueue_dma source(%dma_start3A_460 : memref<400xi32, #tpu.memory_space<hbm>>) target(%dma_start3A_458 : memref<400xi32, #tpu.memory_space<vmem>>) target_semaphore(%arg11 : memref<!tpu.dma_semaphore, #tpu.memory_space<semaphore_mem>>)
      } else {
      }
      %gt3A_414 = arith.constant 0 : i32
      %gt3A_415 = arith.cmpi sgt, %scan3A_186, %gt3A_414 : i32
      %convert_element_type3A_416 = arith.extui %gt3A_415 : i1 to i32
      %cond3A_417 = arith.constant 0 : i32
      %cond3A_418 = arith.cmpi ne, %convert_element_type3A_416, %cond3A_417 : i32
      scf.if %cond3A_418 {
        %dma_wait3A_435 = arith.constant 1 : i32
        %dma_wait3A_436 = arith.constant 0 : i32
        %dma_wait3A_437 = tpu.memref_slice %arg9[%dma_wait3A_435, %dma_wait3A_436] : memref<2x400xf32, #tpu.memory_space<vmem>> -> memref<1x400xf32, #tpu.memory_space<vmem>>
        %dma_wait3A_438 = tpu.memref_squeeze %dma_wait3A_437 : memref<1x400xf32, #tpu.memory_space<vmem>> -> memref<400xf32, #tpu.memory_space<vmem>>
        %dma_wait3A_439 = tpu.memref_slice %arg4[%mul3A_2] : memref<320000xf32, #tpu.memory_space<hbm>> -> memref<400xf32, #tpu.memory_space<hbm>>
        %dma_wait3A_440 = tpu.memref_slice %arg4[%mul3A_2] : memref<320000xf32, #tpu.memory_space<hbm>> -> memref<400xf32, #tpu.memory_space<hbm>>
        %dma_wait3A_441 = arith.constant 0 : i32
        %dma_wait3A_442 = tpu.memref_slice %arg9[%dma_wait3A_435, %dma_wait3A_441] : memref<2x400xf32, #tpu.memory_space<vmem>> -> memref<1x400xf32, #tpu.memory_space<vmem>>
        %dma_wait3A_443 = tpu.memref_squeeze %dma_wait3A_442 : memref<1x400xf32, #tpu.memory_space<vmem>> -> memref<400xf32, #tpu.memory_space<vmem>>
        tpu.wait_dma2 semaphore(%arg15 : memref<!tpu.dma_semaphore, #tpu.memory_space<semaphore_mem>>) src(%dma_wait3A_443 : memref<400xf32, #tpu.memory_space<vmem>>) dst(%dma_wait3A_440 : memref<400xf32, #tpu.memory_space<hbm>>)
      } else {
      }
      %scan3A_419 = arith.constant 0 : i32
      %scan3A_420 = arith.constant 25 : i32
      %scan3A_421 = arith.addi %scan3A_419, %scan3A_420 : i32
      %scan3A_422 = arith.constant 1 : i32
      scf.for %scan3A_435 = %scan3A_419 to %scan3A_421 step %scan3A_422  : i32 {
        %mul3A_436 = arith.constant 16 : i32
        %mul3A_437 = arith.muli %scan3A_435, %mul3A_436 : i32
        %broadcast_in_dim3A = arith.constant 0.000000e+00 : f32
        %broadcast_in_dim3A_438 = vector.broadcast %broadcast_in_dim3A : f32 to vector<16xf32>
        %add3A_439 = arith.constant 0 : i32
        %add3A_440 = arith.addi %mul3A_437, %add3A_439 : i32
        %get3A = arith.constant 1 : i32
        %get3A_441 = arith.index_cast %get3A : i32 to index
        %get3A_442 = arith.index_cast %add3A_440 : i32 to index
        %get3A_443 = arith.constant 0 : index
        %get3A_444 = tpu.vector_load %arg7[%get3A_441, %get3A_442, %get3A_443] {strides = array<i32>} : memref<2x400x64xi32, #tpu.memory_space<vmem>>, vector<16xi32>,
        %bitcast3A = vector.bitcast %get3A_444 : vector<16xi32> to vector<32xbf16>
        %get3A_445 = arith.constant 1 : i32
        %get3A_446 = arith.index_cast %get3A_445 : i32 to index
        %get3A_447 = arith.index_cast %add3A_440 : i32 to index
        %get3A_448 = arith.constant 0 : index
        %get3A_449 = tpu.vector_load %arg8[%get3A_446, %get3A_447, %get3A_448] {strides = array<i32>} : memref<2x400x64xi32, #tpu.memory_space<vmem>>, vector<16xi32>,
        %bitcast3A_450 = vector.bitcast %get3A_449 : vector<16xi32> to vector<32xbf16>
        %mul3A_451 = arith.mulf %bitcast3A, %bitcast3A_450 : vector<32xbf16>
        %get3A_452 = arith.constant 1 : i32
        %get3A_453 = arith.index_cast %get3A_452 : i32 to index
        %get3A_454 = arith.index_cast %add3A_440 : i32 to index
        %get3A_455 = arith.constant 16 : index
        %get3A_456 = tpu.vector_load %arg7[%get3A_453, %get3A_454, %get3A_455] {strides = array<i32>} : memref<2x400x64xi32, #tpu.memory_space<vmem>>, vector<16xi32>,
        %bitcast3A_457 = vector.bitcast %get3A_456 : vector<16xi32> to vector<32xbf16>
        %get3A_458 = arith.constant 1 : i32
        %get3A_459 = arith.index_cast %get3A_458 : i32 to index
        %get3A_460 = arith.index_cast %add3A_440 : i32 to index
        %get3A_461 = arith.constant 16 : index
        %get3A_462 = tpu.vector_load %arg8[%get3A_459, %get3A_460, %get3A_461] {strides = array<i32>} : memref<2x400x64xi32, #tpu.memory_space<vmem>>, vector<16xi32>,
        %bitcast3A_463 = vector.bitcast %get3A_462 : vector<16xi32> to vector<32xbf16>
        %mul3A_464 = arith.mulf %bitcast3A_457, %bitcast3A_463 : vector<32xbf16>
        %add3A_465 = arith.addf %mul3A_451, %mul3A_464 : vector<32xbf16>
        %get3A_466 = arith.constant 1 : i32
        %get3A_467 = arith.index_cast %get3A_466 : i32 to index
        %get3A_468 = arith.index_cast %add3A_440 : i32 to index
        %get3A_469 = arith.constant 32 : index
        %get3A_470 = tpu.vector_load %arg7[%get3A_467, %get3A_468, %get3A_469] {strides = array<i32>} : memref<2x400x64xi32, #tpu.memory_space<vmem>>, vector<16xi32>,
        %bitcast3A_471 = vector.bitcast %get3A_470 : vector<16xi32> to vector<32xbf16>
        %get3A_472 = arith.constant 1 : i32
        %get3A_473 = arith.index_cast %get3A_472 : i32 to index
        %get3A_474 = arith.index_cast %add3A_440 : i32 to index
        %get3A_475 = arith.constant 32 : index
        %get3A_476 = tpu.vector_load %arg8[%get3A_473, %get3A_474, %get3A_475] {strides = array<i32>} : memref<2x400x64xi32, #tpu.memory_space<vmem>>, vector<16xi32>,
        %bitcast3A_477 = vector.bitcast %get3A_476 : vector<16xi32> to vector<32xbf16>
        %mul3A_478 = arith.mulf %bitcast3A_471, %bitcast3A_477 : vector<32xbf16>
        %add3A_479 = arith.addf %add3A_465, %mul3A_478 : vector<32xbf16>
        %get3A_480 = arith.constant 1 : i32
        %get3A_481 = arith.index_cast %get3A_480 : i32 to index
        %get3A_482 = arith.index_cast %add3A_440 : i32 to index
        %get3A_483 = arith.constant 48 : index
        %get3A_484 = tpu.vector_load %arg7[%get3A_481, %get3A_482, %get3A_483] {strides = array<i32>} : memref<2x400x64xi32, #tpu.memory_space<vmem>>, vector<16xi32>,
        %bitcast3A_485 = vector.bitcast %get3A_484 : vector<16xi32> to vector<32xbf16>
        %get3A_486 = arith.constant 1 : i32
        %get3A_487 = arith.index_cast %get3A_486 : i32 to index
        %get3A_488 = arith.index_cast %add3A_440 : i32 to index
        %get3A_489 = arith.constant 48 : index
        %get3A_490 = tpu.vector_load %arg8[%get3A_487, %get3A_488, %get3A_489] {strides = array<i32>} : memref<2x400x64xi32, #tpu.memory_space<vmem>>, vector<16xi32>,
        %bitcast3A_491 = vector.bitcast %get3A_490 : vector<16xi32> to vector<32xbf16>
        %mul3A_492 = arith.mulf %bitcast3A_485, %bitcast3A_491 : vector<32xbf16>
        %add3A_493 = arith.addf %add3A_479, %mul3A_492 : vector<32xbf16>
        %unpack3A = tpu.unpack_subelements %add3A_493, 0 {pack_format = #tpu.pack_format<interleaved>} : vector<32xbf16> -> vector<16xf32>
        %unpack3A_494 = tpu.unpack_subelements %add3A_493, 1 {pack_format = #tpu.pack_format<interleaved>} : vector<32xbf16> -> vector<16xf32>
        %eq3A = arith.constant 0 : i32
        %eq3A_495 = vector.broadcast %eq3A : i32 to vector<16xi32>
        %eq3A_496 = arith.cmpi eq, %iota3A, %eq3A_495 : vector<16xi32>
        %add3A_497 = arith.addf %unpack3A, %unpack3A_494 : vector<16xf32>
        %reduce_sum3A = arith.constant true
        %reduce_sum3A_498 = vector.broadcast %reduce_sum3A : i1 to vector<16xi1>
        %reduce_sum3A_499 = tpu.scan <sum>, %add3A_497 masked %reduce_sum3A_498 : vector<16xf32>, vector<16xi1> -> vector<16xf32>
        %reduce_sum3A_500 = vector.extract %reduce_sum3A_499[15] : f32 from vector<16xf32>
        %broadcast_in_dim3A_501 = vector.broadcast %reduce_sum3A_500 : f32 to vector<16xf32>
        %select_n3A = arith.select %eq3A_496, %broadcast_in_dim3A_501, %broadcast_in_dim3A_438 : vector<16xi1>, vector<16xf32>
        %add3A_502 = arith.constant 1 : i32
        %add3A_503 = arith.addi %mul3A_437, %add3A_502 : i32
        %get3A_504 = arith.constant 1 : i32
        %get3A_505 = arith.index_cast %get3A_504 : i32 to index
        %get3A_506 = arith.index_cast %add3A_503 : i32 to index
        %get3A_507 = arith.constant 0 : index
        %get3A_508 = tpu.vector_load %arg7[%get3A_505, %get3A_506, %get3A_507] {strides = array<i32>} : memref<2x400x64xi32, #tpu.memory_space<vmem>>, vector<16xi32>,
        %bitcast3A_509 = vector.bitcast %get3A_508 : vector<16xi32> to vector<32xbf16>
        %get3A_510 = arith.constant 1 : i32
        %get3A_511 = arith.index_cast %get3A_510 : i32 to index
        %get3A_512 = arith.index_cast %add3A_503 : i32 to index
        %get3A_513 = arith.constant 0 : index
        %get3A_514 = tpu.vector_load %arg8[%get3A_511, %get3A_512, %get3A_513] {strides = array<i32>} : memref<2x400x64xi32, #tpu.memory_space<vmem>>, vector<16xi32>,
        %bitcast3A_515 = vector.bitcast %get3A_514 : vector<16xi32> to vector<32xbf16>
        %mul3A_516 = arith.mulf %bitcast3A_509, %bitcast3A_515 : vector<32xbf16>
        %get3A_517 = arith.constant 1 : i32
        %get3A_518 = arith.index_cast %get3A_517 : i32 to index
        %get3A_519 = arith.index_cast %add3A_503 : i32 to index
        %get3A_520 = arith.constant 16 : index
        %get3A_521 = tpu.vector_load %arg7[%get3A_518, %get3A_519, %get3A_520] {strides = array<i32>} : memref<2x400x64xi32, #tpu.memory_space<vmem>>, vector<16xi32>,
        %bitcast3A_522 = vector.bitcast %get3A_521 : vector<16xi32> to vector<32xbf16>
        %get3A_523 = arith.constant 1 : i32
        %get3A_524 = arith.index_cast %get3A_523 : i32 to index
        %get3A_525 = arith.index_cast %add3A_503 : i32 to index
        %get3A_526 = arith.constant 16 : index
        %get3A_527 = tpu.vector_load %arg8[%get3A_524, %get3A_525, %get3A_526] {strides = array<i32>} : memref<2x400x64xi32, #tpu.memory_space<vmem>>, vector<16xi32>,
        %bitcast3A_528 = vector.bitcast %get3A_527 : vector<16xi32> to vector<32xbf16>
        %mul3A_529 = arith.mulf %bitcast3A_522, %bitcast3A_528 : vector<32xbf16>
        %add3A_530 = arith.addf %mul3A_516, %mul3A_529 : vector<32xbf16>
        %get3A_531 = arith.constant 1 : i32
        %get3A_532 = arith.index_cast %get3A_531 : i32 to index
        %get3A_533 = arith.index_cast %add3A_503 : i32 to index
        %get3A_534 = arith.constant 32 : index
        %get3A_535 = tpu.vector_load %arg7[%get3A_532, %get3A_533, %get3A_534] {strides = array<i32>} : memref<2x400x64xi32, #tpu.memory_space<vmem>>, vector<16xi32>,
        %bitcast3A_536 = vector.bitcast %get3A_535 : vector<16xi32> to vector<32xbf16>
        %get3A_537 = arith.constant 1 : i32
        %get3A_538 = arith.index_cast %get3A_537 : i32 to index
        %get3A_539 = arith.index_cast %add3A_503 : i32 to index
        %get3A_540 = arith.constant 32 : index
        %get3A_541 = tpu.vector_load %arg8[%get3A_538, %get3A_539, %get3A_540] {strides = array<i32>} : memref<2x400x64xi32, #tpu.memory_space<vmem>>, vector<16xi32>,
        %bitcast3A_542 = vector.bitcast %get3A_541 : vector<16xi32> to vector<32xbf16>
        %mul3A_543 = arith.mulf %bitcast3A_536, %bitcast3A_542 : vector<32xbf16>
        %add3A_544 = arith.addf %add3A_530, %mul3A_543 : vector<32xbf16>
        %get3A_545 = arith.constant 1 : i32
        %get3A_546 = arith.index_cast %get3A_545 : i32 to index
        %get3A_547 = arith.index_cast %add3A_503 : i32 to index
        %get3A_548 = arith.constant 48 : index
        %get3A_549 = tpu.vector_load %arg7[%get3A_546, %get3A_547, %get3A_548] {strides = array<i32>} : memref<2x400x64xi32, #tpu.memory_space<vmem>>, vector<16xi32>,
        %bitcast3A_550 = vector.bitcast %get3A_549 : vector<16xi32> to vector<32xbf16>
        %get3A_551 = arith.constant 1 : i32
        %get3A_552 = arith.index_cast %get3A_551 : i32 to index
        %get3A_553 = arith.index_cast %add3A_503 : i32 to index
        %get3A_554 = arith.constant 48 : index
        %get3A_555 = tpu.vector_load %arg8[%get3A_552, %get3A_553, %get3A_554] {strides = array<i32>} : memref<2x400x64xi32, #tpu.memory_space<vmem>>, vector<16xi32>,
        %bitcast3A_556 = vector.bitcast %get3A_555 : vector<16xi32> to vector<32xbf16>
        %mul3A_557 = arith.mulf %bitcast3A_550, %bitcast3A_556 : vector<32xbf16>
        %add3A_558 = arith.addf %add3A_544, %mul3A_557 : vector<32xbf16>
        %unpack3A_559 = tpu.unpack_subelements %add3A_558, 0 {pack_format = #tpu.pack_format<interleaved>} : vector<32xbf16> -> vector<16xf32>
        %unpack3A_560 = tpu.unpack_subelements %add3A_558, 1 {pack_format = #tpu.pack_format<interleaved>} : vector<32xbf16> -> vector<16xf32>
        %eq3A_561 = arith.constant 1 : i32
        %eq3A_562 = vector.broadcast %eq3A_561 : i32 to vector<16xi32>
        %eq3A_563 = arith.cmpi eq, %iota3A, %eq3A_562 : vector<16xi32>
        %add3A_564 = arith.addf %unpack3A_559, %unpack3A_560 : vector<16xf32>
        %reduce_sum3A_565 = arith.constant true
        %reduce_sum3A_566 = vector.broadcast %reduce_sum3A_565 : i1 to vector<16xi1>
        %reduce_sum3A_567 = tpu.scan <sum>, %add3A_564 masked %reduce_sum3A_566 : vector<16xf32>, vector<16xi1> -> vector<16xf32>
        %reduce_sum3A_568 = vector.extract %reduce_sum3A_567[15] : f32 from vector<16xf32>
        %broadcast_in_dim3A_569 = vector.broadcast %reduce_sum3A_568 : f32 to vector<16xf32>
        %select_n3A_570 = arith.select %eq3A_563, %broadcast_in_dim3A_569, %select_n3A : vector<16xi1>, vector<16xf32>
        %add3A_571 = arith.constant 2 : i32
        %add3A_572 = arith.addi %mul3A_437, %add3A_571 : i32
        %get3A_573 = arith.constant 1 : i32
        %get3A_574 = arith.index_cast %get3A_573 : i32 to index
        %get3A_575 = arith.index_cast %add3A_572 : i32 to index
        %get3A_576 = arith.constant 0 : index
        %get3A_577 = tpu.vector_load %arg7[%get3A_574, %get3A_575, %get3A_576] {strides = array<i32>} : memref<2x400x64xi32, #tpu.memory_space<vmem>>, vector<16xi32>,
        %bitcast3A_578 = vector.bitcast %get3A_577 : vector<16xi32> to vector<32xbf16>
        %get3A_579 = arith.constant 1 : i32
        %get3A_580 = arith.index_cast %get3A_579 : i32 to index
        %get3A_581 = arith.index_cast %add3A_572 : i32 to index
        %get3A_582 = arith.constant 0 : index
        %get3A_583 = tpu.vector_load %arg8[%get3A_580, %get3A_581, %get3A_582] {strides = array<i32>} : memref<2x400x64xi32, #tpu.memory_space<vmem>>, vector<16xi32>,
        %bitcast3A_584 = vector.bitcast %get3A_583 : vector<16xi32> to vector<32xbf16>
        %mul3A_585 = arith.mulf %bitcast3A_578, %bitcast3A_584 : vector<32xbf16>
        %get3A_586 = arith.constant 1 : i32
        %get3A_587 = arith.index_cast %get3A_586 : i32 to index
        %get3A_588 = arith.index_cast %add3A_572 : i32 to index
        %get3A_589 = arith.constant 16 : index
        %get3A_590 = tpu.vector_load %arg7[%get3A_587, %get3A_588, %get3A_589] {strides = array<i32>} : memref<2x400x64xi32, #tpu.memory_space<vmem>>, vector<16xi32>,
        %bitcast3A_591 = vector.bitcast %get3A_590 : vector<16xi32> to vector<32xbf16>
        %get3A_592 = arith.constant 1 : i32
        %get3A_593 = arith.index_cast %get3A_592 : i32 to index
        %get3A_594 = arith.index_cast %add3A_572 : i32 to index
        %get3A_595 = arith.constant 16 : index
        %get3A_596 = tpu.vector_load %arg8[%get3A_593, %get3A_594, %get3A_595] {strides = array<i32>} : memref<2x400x64xi32, #tpu.memory_space<vmem>>, vector<16xi32>,
        %bitcast3A_597 = vector.bitcast %get3A_596 : vector<16xi32> to vector<32xbf16>
        %mul3A_598 = arith.mulf %bitcast3A_591, %bitcast3A_597 : vector<32xbf16>
        %add3A_599 = arith.addf %mul3A_585, %mul3A_598 : vector<32xbf16>
        %get3A_600 = arith.constant 1 : i32
        %get3A_601 = arith.index_cast %get3A_600 : i32 to index
        %get3A_602 = arith.index_cast %add3A_572 : i32 to index
        %get3A_603 = arith.constant 32 : index
        %get3A_604 = tpu.vector_load %arg7[%get3A_601, %get3A_602, %get3A_603] {strides = array<i32>} : memref<2x400x64xi32, #tpu.memory_space<vmem>>, vector<16xi32>,
        %bitcast3A_605 = vector.bitcast %get3A_604 : vector<16xi32> to vector<32xbf16>
        %get3A_606 = arith.constant 1 : i32
        %get3A_607 = arith.index_cast %get3A_606 : i32 to index
        %get3A_608 = arith.index_cast %add3A_572 : i32 to index
        %get3A_609 = arith.constant 32 : index
        %get3A_610 = tpu.vector_load %arg8[%get3A_607, %get3A_608, %get3A_609] {strides = array<i32>} : memref<2x400x64xi32, #tpu.memory_space<vmem>>, vector<16xi32>,
        %bitcast3A_611 = vector.bitcast %get3A_610 : vector<16xi32> to vector<32xbf16>
        %mul3A_612 = arith.mulf %bitcast3A_605, %bitcast3A_611 : vector<32xbf16>
        %add3A_613 = arith.addf %add3A_599, %mul3A_612 : vector<32xbf16>
        %get3A_614 = arith.constant 1 : i32
        %get3A_615 = arith.index_cast %get3A_614 : i32 to index
        %get3A_616 = arith.index_cast %add3A_572 : i32 to index
        %get3A_617 = arith.constant 48 : index
        %get3A_618 = tpu.vector_load %arg7[%get3A_615, %get3A_616, %get3A_617] {strides = array<i32>} : memref<2x400x64xi32, #tpu.memory_space<vmem>>, vector<16xi32>,
        %bitcast3A_619 = vector.bitcast %get3A_618 : vector<16xi32> to vector<32xbf16>
        %get3A_620 = arith.constant 1 : i32
        %get3A_621 = arith.index_cast %get3A_620 : i32 to index
        %get3A_622 = arith.index_cast %add3A_572 : i32 to index
        %get3A_623 = arith.constant 48 : index
        %get3A_624 = tpu.vector_load %arg8[%get3A_621, %get3A_622, %get3A_623] {strides = array<i32>} : memref<2x400x64xi32, #tpu.memory_space<vmem>>, vector<16xi32>,
        %bitcast3A_625 = vector.bitcast %get3A_624 : vector<16xi32> to vector<32xbf16>
        %mul3A_626 = arith.mulf %bitcast3A_619, %bitcast3A_625 : vector<32xbf16>
        %add3A_627 = arith.addf %add3A_613, %mul3A_626 : vector<32xbf16>
        %unpack3A_628 = tpu.unpack_subelements %add3A_627, 0 {pack_format = #tpu.pack_format<interleaved>} : vector<32xbf16> -> vector<16xf32>
        %unpack3A_629 = tpu.unpack_subelements %add3A_627, 1 {pack_format = #tpu.pack_format<interleaved>} : vector<32xbf16> -> vector<16xf32>
        %eq3A_630 = arith.constant 2 : i32
        %eq3A_631 = vector.broadcast %eq3A_630 : i32 to vector<16xi32>
        %eq3A_632 = arith.cmpi eq, %iota3A, %eq3A_631 : vector<16xi32>
        %add3A_633 = arith.addf %unpack3A_628, %unpack3A_629 : vector<16xf32>
        %reduce_sum3A_634 = arith.constant true
        %reduce_sum3A_635 = vector.broadcast %reduce_sum3A_634 : i1 to vector<16xi1>
        %reduce_sum3A_636 = tpu.scan <sum>, %add3A_633 masked %reduce_sum3A_635 : vector<16xf32>, vector<16xi1> -> vector<16xf32>
        %reduce_sum3A_637 = vector.extract %reduce_sum3A_636[15] : f32 from vector<16xf32>
        %broadcast_in_dim3A_638 = vector.broadcast %reduce_sum3A_637 : f32 to vector<16xf32>
        %select_n3A_639 = arith.select %eq3A_632, %broadcast_in_dim3A_638, %select_n3A_570 : vector<16xi1>, vector<16xf32>
        %add3A_640 = arith.constant 3 : i32
        %add3A_641 = arith.addi %mul3A_437, %add3A_640 : i32
        %get3A_642 = arith.constant 1 : i32
        %get3A_643 = arith.index_cast %get3A_642 : i32 to index
        %get3A_644 = arith.index_cast %add3A_641 : i32 to index
        %get3A_645 = arith.constant 0 : index
        %get3A_646 = tpu.vector_load %arg7[%get3A_643, %get3A_644, %get3A_645] {strides = array<i32>} : memref<2x400x64xi32, #tpu.memory_space<vmem>>, vector<16xi32>,
        %bitcast3A_647 = vector.bitcast %get3A_646 : vector<16xi32> to vector<32xbf16>
        %get3A_648 = arith.constant 1 : i32
        %get3A_649 = arith.index_cast %get3A_648 : i32 to index
        %get3A_650 = arith.index_cast %add3A_641 : i32 to index
        %get3A_651 = arith.constant 0 : index
        %get3A_652 = tpu.vector_load %arg8[%get3A_649, %get3A_650, %get3A_651] {strides = array<i32>} : memref<2x400x64xi32, #tpu.memory_space<vmem>>, vector<16xi32>,
        %bitcast3A_653 = vector.bitcast %get3A_652 : vector<16xi32> to vector<32xbf16>
        %mul3A_654 = arith.mulf %bitcast3A_647, %bitcast3A_653 : vector<32xbf16>
        %get3A_655 = arith.constant 1 : i32
        %get3A_656 = arith.index_cast %get3A_655 : i32 to index
        %get3A_657 = arith.index_cast %add3A_641 : i32 to index
        %get3A_658 = arith.constant 16 : index
        %get3A_659 = tpu.vector_load %arg7[%get3A_656, %get3A_657, %get3A_658] {strides = array<i32>} : memref<2x400x64xi32, #tpu.memory_space<vmem>>, vector<16xi32>,
        %bitcast3A_660 = vector.bitcast %get3A_659 : vector<16xi32> to vector<32xbf16>
        %get3A_661 = arith.constant 1 : i32
        %get3A_662 = arith.index_cast %get3A_661 : i32 to index
        %get3A_663 = arith.index_cast %add3A_641 : i32 to index
        %get3A_664 = arith.constant 16 : index
        %get3A_665 = tpu.vector_load %arg8[%get3A_662, %get3A_663, %get3A_664] {strides = array<i32>} : memref<2x400x64xi32, #tpu.memory_space<vmem>>, vector<16xi32>,
        %bitcast3A_666 = vector.bitcast %get3A_665 : vector<16xi32> to vector<32xbf16>
        %mul3A_667 = arith.mulf %bitcast3A_660, %bitcast3A_666 : vector<32xbf16>
        %add3A_668 = arith.addf %mul3A_654, %mul3A_667 : vector<32xbf16>
        %get3A_669 = arith.constant 1 : i32
        %get3A_670 = arith.index_cast %get3A_669 : i32 to index
        %get3A_671 = arith.index_cast %add3A_641 : i32 to index
        %get3A_672 = arith.constant 32 : index
        %get3A_673 = tpu.vector_load %arg7[%get3A_670, %get3A_671, %get3A_672] {strides = array<i32>} : memref<2x400x64xi32, #tpu.memory_space<vmem>>, vector<16xi32>,
        %bitcast3A_674 = vector.bitcast %get3A_673 : vector<16xi32> to vector<32xbf16>
        %get3A_675 = arith.constant 1 : i32
        %get3A_676 = arith.index_cast %get3A_675 : i32 to index
        %get3A_677 = arith.index_cast %add3A_641 : i32 to index
        %get3A_678 = arith.constant 32 : index
        %get3A_679 = tpu.vector_load %arg8[%get3A_676, %get3A_677, %get3A_678] {strides = array<i32>} : memref<2x400x64xi32, #tpu.memory_space<vmem>>, vector<16xi32>,
        %bitcast3A_680 = vector.bitcast %get3A_679 : vector<16xi32> to vector<32xbf16>
        %mul3A_681 = arith.mulf %bitcast3A_674, %bitcast3A_680 : vector<32xbf16>
        %add3A_682 = arith.addf %add3A_668, %mul3A_681 : vector<32xbf16>
        %get3A_683 = arith.constant 1 : i32
        %get3A_684 = arith.index_cast %get3A_683 : i32 to index
        %get3A_685 = arith.index_cast %add3A_641 : i32 to index
        %get3A_686 = arith.constant 48 : index
        %get3A_687 = tpu.vector_load %arg7[%get3A_684, %get3A_685, %get3A_686] {strides = array<i32>} : memref<2x400x64xi32, #tpu.memory_space<vmem>>, vector<16xi32>,
        %bitcast3A_688 = vector.bitcast %get3A_687 : vector<16xi32> to vector<32xbf16>
        %get3A_689 = arith.constant 1 : i32
        %get3A_690 = arith.index_cast %get3A_689 : i32 to index
        %get3A_691 = arith.index_cast %add3A_641 : i32 to index
        %get3A_692 = arith.constant 48 : index
        %get3A_693 = tpu.vector_load %arg8[%get3A_690, %get3A_691, %get3A_692] {strides = array<i32>} : memref<2x400x64xi32, #tpu.memory_space<vmem>>, vector<16xi32>,
        %bitcast3A_694 = vector.bitcast %get3A_693 : vector<16xi32> to vector<32xbf16>
        %mul3A_695 = arith.mulf %bitcast3A_688, %bitcast3A_694 : vector<32xbf16>
        %add3A_696 = arith.addf %add3A_682, %mul3A_695 : vector<32xbf16>
        %unpack3A_697 = tpu.unpack_subelements %add3A_696, 0 {pack_format = #tpu.pack_format<interleaved>} : vector<32xbf16> -> vector<16xf32>
        %unpack3A_698 = tpu.unpack_subelements %add3A_696, 1 {pack_format = #tpu.pack_format<interleaved>} : vector<32xbf16> -> vector<16xf32>
        %eq3A_699 = arith.constant 3 : i32
        %eq3A_700 = vector.broadcast %eq3A_699 : i32 to vector<16xi32>
        %eq3A_701 = arith.cmpi eq, %iota3A, %eq3A_700 : vector<16xi32>
        %add3A_702 = arith.addf %unpack3A_697, %unpack3A_698 : vector<16xf32>
        %reduce_sum3A_703 = arith.constant true
        %reduce_sum3A_704 = vector.broadcast %reduce_sum3A_703 : i1 to vector<16xi1>
        %reduce_sum3A_705 = tpu.scan <sum>, %add3A_702 masked %reduce_sum3A_704 : vector<16xf32>, vector<16xi1> -> vector<16xf32>
        %reduce_sum3A_706 = vector.extract %reduce_sum3A_705[15] : f32 from vector<16xf32>
        %broadcast_in_dim3A_707 = vector.broadcast %reduce_sum3A_706 : f32 to vector<16xf32>
        %select_n3A_708 = arith.select %eq3A_701, %broadcast_in_dim3A_707, %select_n3A_639 : vector<16xi1>, vector<16xf32>
        %add3A_709 = arith.constant 4 : i32
        %add3A_710 = arith.addi %mul3A_437, %add3A_709 : i32
        %get3A_711 = arith.constant 1 : i32
        %get3A_712 = arith.index_cast %get3A_711 : i32 to index
        %get3A_713 = arith.index_cast %add3A_710 : i32 to index
        %get3A_714 = arith.constant 0 : index
        %get3A_715 = tpu.vector_load %arg7[%get3A_712, %get3A_713, %get3A_714] {strides = array<i32>} : memref<2x400x64xi32, #tpu.memory_space<vmem>>, vector<16xi32>,
        %bitcast3A_716 = vector.bitcast %get3A_715 : vector<16xi32> to vector<32xbf16>
        %get3A_717 = arith.constant 1 : i32
        %get3A_718 = arith.index_cast %get3A_717 : i32 to index
        %get3A_719 = arith.index_cast %add3A_710 : i32 to index
        %get3A_720 = arith.constant 0 : index
        %get3A_721 = tpu.vector_load %arg8[%get3A_718, %get3A_719, %get3A_720] {strides = array<i32>} : memref<2x400x64xi32, #tpu.memory_space<vmem>>, vector<16xi32>,
        %bitcast3A_722 = vector.bitcast %get3A_721 : vector<16xi32> to vector<32xbf16>
        %mul3A_723 = arith.mulf %bitcast3A_716, %bitcast3A_722 : vector<32xbf16>
        %get3A_724 = arith.constant 1 : i32
        %get3A_725 = arith.index_cast %get3A_724 : i32 to index
        %get3A_726 = arith.index_cast %add3A_710 : i32 to index
        %get3A_727 = arith.constant 16 : index
        %get3A_728 = tpu.vector_load %arg7[%get3A_725, %get3A_726, %get3A_727] {strides = array<i32>} : memref<2x400x64xi32, #tpu.memory_space<vmem>>, vector<16xi32>,
        %bitcast3A_729 = vector.bitcast %get3A_728 : vector<16xi32> to vector<32xbf16>
        %get3A_730 = arith.constant 1 : i32
        %get3A_731 = arith.index_cast %get3A_730 : i32 to index
        %get3A_732 = arith.index_cast %add3A_710 : i32 to index
        %get3A_733 = arith.constant 16 : index
        %get3A_734 = tpu.vector_load %arg8[%get3A_731, %get3A_732, %get3A_733] {strides = array<i32>} : memref<2x400x64xi32, #tpu.memory_space<vmem>>, vector<16xi32>,
        %bitcast3A_735 = vector.bitcast %get3A_734 : vector<16xi32> to vector<32xbf16>
        %mul3A_736 = arith.mulf %bitcast3A_729, %bitcast3A_735 : vector<32xbf16>
        %add3A_737 = arith.addf %mul3A_723, %mul3A_736 : vector<32xbf16>
        %get3A_738 = arith.constant 1 : i32
        %get3A_739 = arith.index_cast %get3A_738 : i32 to index
        %get3A_740 = arith.index_cast %add3A_710 : i32 to index
        %get3A_741 = arith.constant 32 : index
        %get3A_742 = tpu.vector_load %arg7[%get3A_739, %get3A_740, %get3A_741] {strides = array<i32>} : memref<2x400x64xi32, #tpu.memory_space<vmem>>, vector<16xi32>,
        %bitcast3A_743 = vector.bitcast %get3A_742 : vector<16xi32> to vector<32xbf16>
        %get3A_744 = arith.constant 1 : i32
        %get3A_745 = arith.index_cast %get3A_744 : i32 to index
        %get3A_746 = arith.index_cast %add3A_710 : i32 to index
        %get3A_747 = arith.constant 32 : index
        %get3A_748 = tpu.vector_load %arg8[%get3A_745, %get3A_746, %get3A_747] {strides = array<i32>} : memref<2x400x64xi32, #tpu.memory_space<vmem>>, vector<16xi32>,
        %bitcast3A_749 = vector.bitcast %get3A_748 : vector<16xi32> to vector<32xbf16>
        %mul3A_750 = arith.mulf %bitcast3A_743, %bitcast3A_749 : vector<32xbf16>
        %add3A_751 = arith.addf %add3A_737, %mul3A_750 : vector<32xbf16>
        %get3A_752 = arith.constant 1 : i32
        %get3A_753 = arith.index_cast %get3A_752 : i32 to index
        %get3A_754 = arith.index_cast %add3A_710 : i32 to index
        %get3A_755 = arith.constant 48 : index
        %get3A_756 = tpu.vector_load %arg7[%get3A_753, %get3A_754, %get3A_755] {strides = array<i32>} : memref<2x400x64xi32, #tpu.memory_space<vmem>>, vector<16xi32>,
        %bitcast3A_757 = vector.bitcast %get3A_756 : vector<16xi32> to vector<32xbf16>
        %get3A_758 = arith.constant 1 : i32
        %get3A_759 = arith.index_cast %get3A_758 : i32 to index
        %get3A_760 = arith.index_cast %add3A_710 : i32 to index
        %get3A_761 = arith.constant 48 : index
        %get3A_762 = tpu.vector_load %arg8[%get3A_759, %get3A_760, %get3A_761] {strides = array<i32>} : memref<2x400x64xi32, #tpu.memory_space<vmem>>, vector<16xi32>,
        %bitcast3A_763 = vector.bitcast %get3A_762 : vector<16xi32> to vector<32xbf16>
        %mul3A_764 = arith.mulf %bitcast3A_757, %bitcast3A_763 : vector<32xbf16>
        %add3A_765 = arith.addf %add3A_751, %mul3A_764 : vector<32xbf16>
        %unpack3A_766 = tpu.unpack_subelements %add3A_765, 0 {pack_format = #tpu.pack_format<interleaved>} : vector<32xbf16> -> vector<16xf32>
        %unpack3A_767 = tpu.unpack_subelements %add3A_765, 1 {pack_format = #tpu.pack_format<interleaved>} : vector<32xbf16> -> vector<16xf32>
        %eq3A_768 = arith.constant 4 : i32
        %eq3A_769 = vector.broadcast %eq3A_768 : i32 to vector<16xi32>
        %eq3A_770 = arith.cmpi eq, %iota3A, %eq3A_769 : vector<16xi32>
        %add3A_771 = arith.addf %unpack3A_766, %unpack3A_767 : vector<16xf32>
        %reduce_sum3A_772 = arith.constant true
        %reduce_sum3A_773 = vector.broadcast %reduce_sum3A_772 : i1 to vector<16xi1>
        %reduce_sum3A_774 = tpu.scan <sum>, %add3A_771 masked %reduce_sum3A_773 : vector<16xf32>, vector<16xi1> -> vector<16xf32>
        %reduce_sum3A_775 = vector.extract %reduce_sum3A_774[15] : f32 from vector<16xf32>
        %broadcast_in_dim3A_776 = vector.broadcast %reduce_sum3A_775 : f32 to vector<16xf32>
        %select_n3A_777 = arith.select %eq3A_770, %broadcast_in_dim3A_776, %select_n3A_708 : vector<16xi1>, vector<16xf32>
        %add3A_778 = arith.constant 5 : i32
        %add3A_779 = arith.addi %mul3A_437, %add3A_778 : i32
        %get3A_780 = arith.constant 1 : i32
        %get3A_781 = arith.index_cast %get3A_780 : i32 to index
        %get3A_782 = arith.index_cast %add3A_779 : i32 to index
        %get3A_783 = arith.constant 0 : index
        %get3A_784 = tpu.vector_load %arg7[%get3A_781, %get3A_782, %get3A_783] {strides = array<i32>} : memref<2x400x64xi32, #tpu.memory_space<vmem>>, vector<16xi32>,
        %bitcast3A_785 = vector.bitcast %get3A_784 : vector<16xi32> to vector<32xbf16>
        %get3A_786 = arith.constant 1 : i32
        %get3A_787 = arith.index_cast %get3A_786 : i32 to index
        %get3A_788 = arith.index_cast %add3A_779 : i32 to index
        %get3A_789 = arith.constant 0 : index
        %get3A_790 = tpu.vector_load %arg8[%get3A_787, %get3A_788, %get3A_789] {strides = array<i32>} : memref<2x400x64xi32, #tpu.memory_space<vmem>>, vector<16xi32>,
        %bitcast3A_791 = vector.bitcast %get3A_790 : vector<16xi32> to vector<32xbf16>
        %mul3A_792 = arith.mulf %bitcast3A_785, %bitcast3A_791 : vector<32xbf16>
        %get3A_793 = arith.constant 1 : i32
        %get3A_794 = arith.index_cast %get3A_793 : i32 to index
        %get3A_795 = arith.index_cast %add3A_779 : i32 to index
        %get3A_796 = arith.constant 16 : index
        %get3A_797 = tpu.vector_load %arg7[%get3A_794, %get3A_795, %get3A_796] {strides = array<i32>} : memref<2x400x64xi32, #tpu.memory_space<vmem>>, vector<16xi32>,
        %bitcast3A_798 = vector.bitcast %get3A_797 : vector<16xi32> to vector<32xbf16>
        %get3A_799 = arith.constant 1 : i32
        %get3A_800 = arith.index_cast %get3A_799 : i32 to index
        %get3A_801 = arith.index_cast %add3A_779 : i32 to index
        %get3A_802 = arith.constant 16 : index
        %get3A_803 = tpu.vector_load %arg8[%get3A_800, %get3A_801, %get3A_802] {strides = array<i32>} : memref<2x400x64xi32, #tpu.memory_space<vmem>>, vector<16xi32>,
        %bitcast3A_804 = vector.bitcast %get3A_803 : vector<16xi32> to vector<32xbf16>
        %mul3A_805 = arith.mulf %bitcast3A_798, %bitcast3A_804 : vector<32xbf16>
        %add3A_806 = arith.addf %mul3A_792, %mul3A_805 : vector<32xbf16>
        %get3A_807 = arith.constant 1 : i32
        %get3A_808 = arith.index_cast %get3A_807 : i32 to index
        %get3A_809 = arith.index_cast %add3A_779 : i32 to index
        %get3A_810 = arith.constant 32 : index
        %get3A_811 = tpu.vector_load %arg7[%get3A_808, %get3A_809, %get3A_810] {strides = array<i32>} : memref<2x400x64xi32, #tpu.memory_space<vmem>>, vector<16xi32>,
        %bitcast3A_812 = vector.bitcast %get3A_811 : vector<16xi32> to vector<32xbf16>
        %get3A_813 = arith.constant 1 : i32
        %get3A_814 = arith.index_cast %get3A_813 : i32 to index
        %get3A_815 = arith.index_cast %add3A_779 : i32 to index
        %get3A_816 = arith.constant 32 : index
        %get3A_817 = tpu.vector_load %arg8[%get3A_814, %get3A_815, %get3A_816] {strides = array<i32>} : memref<2x400x64xi32, #tpu.memory_space<vmem>>, vector<16xi32>,
        %bitcast3A_818 = vector.bitcast %get3A_817 : vector<16xi32> to vector<32xbf16>
        %mul3A_819 = arith.mulf %bitcast3A_812, %bitcast3A_818 : vector<32xbf16>
        %add3A_820 = arith.addf %add3A_806, %mul3A_819 : vector<32xbf16>
        %get3A_821 = arith.constant 1 : i32
        %get3A_822 = arith.index_cast %get3A_821 : i32 to index
        %get3A_823 = arith.index_cast %add3A_779 : i32 to index
        %get3A_824 = arith.constant 48 : index
        %get3A_825 = tpu.vector_load %arg7[%get3A_822, %get3A_823, %get3A_824] {strides = array<i32>} : memref<2x400x64xi32, #tpu.memory_space<vmem>>, vector<16xi32>,
        %bitcast3A_826 = vector.bitcast %get3A_825 : vector<16xi32> to vector<32xbf16>
        %get3A_827 = arith.constant 1 : i32
        %get3A_828 = arith.index_cast %get3A_827 : i32 to index
        %get3A_829 = arith.index_cast %add3A_779 : i32 to index
        %get3A_830 = arith.constant 48 : index
        %get3A_831 = tpu.vector_load %arg8[%get3A_828, %get3A_829, %get3A_830] {strides = array<i32>} : memref<2x400x64xi32, #tpu.memory_space<vmem>>, vector<16xi32>,
        %bitcast3A_832 = vector.bitcast %get3A_831 : vector<16xi32> to vector<32xbf16>
        %mul3A_833 = arith.mulf %bitcast3A_826, %bitcast3A_832 : vector<32xbf16>
        %add3A_834 = arith.addf %add3A_820, %mul3A_833 : vector<32xbf16>
        %unpack3A_835 = tpu.unpack_subelements %add3A_834, 0 {pack_format = #tpu.pack_format<interleaved>} : vector<32xbf16> -> vector<16xf32>
        %unpack3A_836 = tpu.unpack_subelements %add3A_834, 1 {pack_format = #tpu.pack_format<interleaved>} : vector<32xbf16> -> vector<16xf32>
        %eq3A_837 = arith.constant 5 : i32
        %eq3A_838 = vector.broadcast %eq3A_837 : i32 to vector<16xi32>
        %eq3A_839 = arith.cmpi eq, %iota3A, %eq3A_838 : vector<16xi32>
        %add3A_840 = arith.addf %unpack3A_835, %unpack3A_836 : vector<16xf32>
        %reduce_sum3A_841 = arith.constant true
        %reduce_sum3A_842 = vector.broadcast %reduce_sum3A_841 : i1 to vector<16xi1>
        %reduce_sum3A_843 = tpu.scan <sum>, %add3A_840 masked %reduce_sum3A_842 : vector<16xf32>, vector<16xi1> -> vector<16xf32>
        %reduce_sum3A_844 = vector.extract %reduce_sum3A_843[15] : f32 from vector<16xf32>
        %broadcast_in_dim3A_845 = vector.broadcast %reduce_sum3A_844 : f32 to vector<16xf32>
        %select_n3A_846 = arith.select %eq3A_839, %broadcast_in_dim3A_845, %select_n3A_777 : vector<16xi1>, vector<16xf32>
        %add3A_847 = arith.constant 6 : i32
        %add3A_848 = arith.addi %mul3A_437, %add3A_847 : i32
        %get3A_849 = arith.constant 1 : i32
        %get3A_850 = arith.index_cast %get3A_849 : i32 to index
        %get3A_851 = arith.index_cast %add3A_848 : i32 to index
        %get3A_852 = arith.constant 0 : index
        %get3A_853 = tpu.vector_load %arg7[%get3A_850, %get3A_851, %get3A_852] {strides = array<i32>} : memref<2x400x64xi32, #tpu.memory_space<vmem>>, vector<16xi32>,
        %bitcast3A_854 = vector.bitcast %get3A_853 : vector<16xi32> to vector<32xbf16>
        %get3A_855 = arith.constant 1 : i32
        %get3A_856 = arith.index_cast %get3A_855 : i32 to index
        %get3A_857 = arith.index_cast %add3A_848 : i32 to index
        %get3A_858 = arith.constant 0 : index
        %get3A_859 = tpu.vector_load %arg8[%get3A_856, %get3A_857, %get3A_858] {strides = array<i32>} : memref<2x400x64xi32, #tpu.memory_space<vmem>>, vector<16xi32>,
        %bitcast3A_860 = vector.bitcast %get3A_859 : vector<16xi32> to vector<32xbf16>
        %mul3A_861 = arith.mulf %bitcast3A_854, %bitcast3A_860 : vector<32xbf16>
        %get3A_862 = arith.constant 1 : i32
        %get3A_863 = arith.index_cast %get3A_862 : i32 to index
        %get3A_864 = arith.index_cast %add3A_848 : i32 to index
        %get3A_865 = arith.constant 16 : index
        %get3A_866 = tpu.vector_load %arg7[%get3A_863, %get3A_864, %get3A_865] {strides = array<i32>} : memref<2x400x64xi32, #tpu.memory_space<vmem>>, vector<16xi32>,
        %bitcast3A_867 = vector.bitcast %get3A_866 : vector<16xi32> to vector<32xbf16>
        %get3A_868 = arith.constant 1 : i32
        %get3A_869 = arith.index_cast %get3A_868 : i32 to index
        %get3A_870 = arith.index_cast %add3A_848 : i32 to index
        %get3A_871 = arith.constant 16 : index
        %get3A_872 = tpu.vector_load %arg8[%get3A_869, %get3A_870, %get3A_871] {strides = array<i32>} : memref<2x400x64xi32, #tpu.memory_space<vmem>>, vector<16xi32>,
        %bitcast3A_873 = vector.bitcast %get3A_872 : vector<16xi32> to vector<32xbf16>
        %mul3A_874 = arith.mulf %bitcast3A_867, %bitcast3A_873 : vector<32xbf16>
        %add3A_875 = arith.addf %mul3A_861, %mul3A_874 : vector<32xbf16>
        %get3A_876 = arith.constant 1 : i32
        %get3A_877 = arith.index_cast %get3A_876 : i32 to index
        %get3A_878 = arith.index_cast %add3A_848 : i32 to index
        %get3A_879 = arith.constant 32 : index
        %get3A_880 = tpu.vector_load %arg7[%get3A_877, %get3A_878, %get3A_879] {strides = array<i32>} : memref<2x400x64xi32, #tpu.memory_space<vmem>>, vector<16xi32>,
        %bitcast3A_881 = vector.bitcast %get3A_880 : vector<16xi32> to vector<32xbf16>
        %get3A_882 = arith.constant 1 : i32
        %get3A_883 = arith.index_cast %get3A_882 : i32 to index
        %get3A_884 = arith.index_cast %add3A_848 : i32 to index
        %get3A_885 = arith.constant 32 : index
        %get3A_886 = tpu.vector_load %arg8[%get3A_883, %get3A_884, %get3A_885] {strides = array<i32>} : memref<2x400x64xi32, #tpu.memory_space<vmem>>, vector<16xi32>,
        %bitcast3A_887 = vector.bitcast %get3A_886 : vector<16xi32> to vector<32xbf16>
        %mul3A_888 = arith.mulf %bitcast3A_881, %bitcast3A_887 : vector<32xbf16>
        %add3A_889 = arith.addf %add3A_875, %mul3A_888 : vector<32xbf16>
        %get3A_890 = arith.constant 1 : i32
        %get3A_891 = arith.index_cast %get3A_890 : i32 to index
        %get3A_892 = arith.index_cast %add3A_848 : i32 to index
        %get3A_893 = arith.constant 48 : index
        %get3A_894 = tpu.vector_load %arg7[%get3A_891, %get3A_892, %get3A_893] {strides = array<i32>} : memref<2x400x64xi32, #tpu.memory_space<vmem>>, vector<16xi32>,
        %bitcast3A_895 = vector.bitcast %get3A_894 : vector<16xi32> to vector<32xbf16>
        %get3A_896 = arith.constant 1 : i32
        %get3A_897 = arith.index_cast %get3A_896 : i32 to index
        %get3A_898 = arith.index_cast %add3A_848 : i32 to index
        %get3A_899 = arith.constant 48 : index
        %get3A_900 = tpu.vector_load %arg8[%get3A_897, %get3A_898, %get3A_899] {strides = array<i32>} : memref<2x400x64xi32, #tpu.memory_space<vmem>>, vector<16xi32>,
        %bitcast3A_901 = vector.bitcast %get3A_900 : vector<16xi32> to vector<32xbf16>
        %mul3A_902 = arith.mulf %bitcast3A_895, %bitcast3A_901 : vector<32xbf16>
        %add3A_903 = arith.addf %add3A_889, %mul3A_902 : vector<32xbf16>
        %unpack3A_904 = tpu.unpack_subelements %add3A_903, 0 {pack_format = #tpu.pack_format<interleaved>} : vector<32xbf16> -> vector<16xf32>
        %unpack3A_905 = tpu.unpack_subelements %add3A_903, 1 {pack_format = #tpu.pack_format<interleaved>} : vector<32xbf16> -> vector<16xf32>
        %eq3A_906 = arith.constant 6 : i32
        %eq3A_907 = vector.broadcast %eq3A_906 : i32 to vector<16xi32>
        %eq3A_908 = arith.cmpi eq, %iota3A, %eq3A_907 : vector<16xi32>
        %add3A_909 = arith.addf %unpack3A_904, %unpack3A_905 : vector<16xf32>
        %reduce_sum3A_910 = arith.constant true
        %reduce_sum3A_911 = vector.broadcast %reduce_sum3A_910 : i1 to vector<16xi1>
        %reduce_sum3A_912 = tpu.scan <sum>, %add3A_909 masked %reduce_sum3A_911 : vector<16xf32>, vector<16xi1> -> vector<16xf32>
        %reduce_sum3A_913 = vector.extract %reduce_sum3A_912[15] : f32 from vector<16xf32>
        %broadcast_in_dim3A_914 = vector.broadcast %reduce_sum3A_913 : f32 to vector<16xf32>
        %select_n3A_915 = arith.select %eq3A_908, %broadcast_in_dim3A_914, %select_n3A_846 : vector<16xi1>, vector<16xf32>
        %add3A_916 = arith.constant 7 : i32
        %add3A_917 = arith.addi %mul3A_437, %add3A_916 : i32
        %get3A_918 = arith.constant 1 : i32
        %get3A_919 = arith.index_cast %get3A_918 : i32 to index
        %get3A_920 = arith.index_cast %add3A_917 : i32 to index
        %get3A_921 = arith.constant 0 : index
        %get3A_922 = tpu.vector_load %arg7[%get3A_919, %get3A_920, %get3A_921] {strides = array<i32>} : memref<2x400x64xi32, #tpu.memory_space<vmem>>, vector<16xi32>,
        %bitcast3A_923 = vector.bitcast %get3A_922 : vector<16xi32> to vector<32xbf16>
        %get3A_924 = arith.constant 1 : i32
        %get3A_925 = arith.index_cast %get3A_924 : i32 to index
        %get3A_926 = arith.index_cast %add3A_917 : i32 to index
        %get3A_927 = arith.constant 0 : index
        %get3A_928 = tpu.vector_load %arg8[%get3A_925, %get3A_926, %get3A_927] {strides = array<i32>} : memref<2x400x64xi32, #tpu.memory_space<vmem>>, vector<16xi32>,
        %bitcast3A_929 = vector.bitcast %get3A_928 : vector<16xi32> to vector<32xbf16>
        %mul3A_930 = arith.mulf %bitcast3A_923, %bitcast3A_929 : vector<32xbf16>
        %get3A_931 = arith.constant 1 : i32
        %get3A_932 = arith.index_cast %get3A_931 : i32 to index
        %get3A_933 = arith.index_cast %add3A_917 : i32 to index
        %get3A_934 = arith.constant 16 : index
        %get3A_935 = tpu.vector_load %arg7[%get3A_932, %get3A_933, %get3A_934] {strides = array<i32>} : memref<2x400x64xi32, #tpu.memory_space<vmem>>, vector<16xi32>,
        %bitcast3A_936 = vector.bitcast %get3A_935 : vector<16xi32> to vector<32xbf16>
        %get3A_937 = arith.constant 1 : i32
        %get3A_938 = arith.index_cast %get3A_937 : i32 to index
        %get3A_939 = arith.index_cast %add3A_917 : i32 to index
        %get3A_940 = arith.constant 16 : index
        %get3A_941 = tpu.vector_load %arg8[%get3A_938, %get3A_939, %get3A_940] {strides = array<i32>} : memref<2x400x64xi32, #tpu.memory_space<vmem>>, vector<16xi32>,
        %bitcast3A_942 = vector.bitcast %get3A_941 : vector<16xi32> to vector<32xbf16>
        %mul3A_943 = arith.mulf %bitcast3A_936, %bitcast3A_942 : vector<32xbf16>
        %add3A_944 = arith.addf %mul3A_930, %mul3A_943 : vector<32xbf16>
        %get3A_945 = arith.constant 1 : i32
        %get3A_946 = arith.index_cast %get3A_945 : i32 to index
        %get3A_947 = arith.index_cast %add3A_917 : i32 to index
        %get3A_948 = arith.constant 32 : index
        %get3A_949 = tpu.vector_load %arg7[%get3A_946, %get3A_947, %get3A_948] {strides = array<i32>} : memref<2x400x64xi32, #tpu.memory_space<vmem>>, vector<16xi32>,
        %bitcast3A_950 = vector.bitcast %get3A_949 : vector<16xi32> to vector<32xbf16>
        %get3A_951 = arith.constant 1 : i32
        %get3A_952 = arith.index_cast %get3A_951 : i32 to index
        %get3A_953 = arith.index_cast %add3A_917 : i32 to index
        %get3A_954 = arith.constant 32 : index
        %get3A_955 = tpu.vector_load %arg8[%get3A_952, %get3A_953, %get3A_954] {strides = array<i32>} : memref<2x400x64xi32, #tpu.memory_space<vmem>>, vector<16xi32>,
        %bitcast3A_956 = vector.bitcast %get3A_955 : vector<16xi32> to vector<32xbf16>
        %mul3A_957 = arith.mulf %bitcast3A_950, %bitcast3A_956 : vector<32xbf16>
        %add3A_958 = arith.addf %add3A_944, %mul3A_957 : vector<32xbf16>
        %get3A_959 = arith.constant 1 : i32
        %get3A_960 = arith.index_cast %get3A_959 : i32 to index
        %get3A_961 = arith.index_cast %add3A_917 : i32 to index
        %get3A_962 = arith.constant 48 : index
        %get3A_963 = tpu.vector_load %arg7[%get3A_960, %get3A_961, %get3A_962] {strides = array<i32>} : memref<2x400x64xi32, #tpu.memory_space<vmem>>, vector<16xi32>,
        %bitcast3A_964 = vector.bitcast %get3A_963 : vector<16xi32> to vector<32xbf16>
        %get3A_965 = arith.constant 1 : i32
        %get3A_966 = arith.index_cast %get3A_965 : i32 to index
        %get3A_967 = arith.index_cast %add3A_917 : i32 to index
        %get3A_968 = arith.constant 48 : index
        %get3A_969 = tpu.vector_load %arg8[%get3A_966, %get3A_967, %get3A_968] {strides = array<i32>} : memref<2x400x64xi32, #tpu.memory_space<vmem>>, vector<16xi32>,
        %bitcast3A_970 = vector.bitcast %get3A_969 : vector<16xi32> to vector<32xbf16>
        %mul3A_971 = arith.mulf %bitcast3A_964, %bitcast3A_970 : vector<32xbf16>
        %add3A_972 = arith.addf %add3A_958, %mul3A_971 : vector<32xbf16>
        %unpack3A_973 = tpu.unpack_subelements %add3A_972, 0 {pack_format = #tpu.pack_format<interleaved>} : vector<32xbf16> -> vector<16xf32>
        %unpack3A_974 = tpu.unpack_subelements %add3A_972, 1 {pack_format = #tpu.pack_format<interleaved>} : vector<32xbf16> -> vector<16xf32>
        %eq3A_975 = arith.constant 7 : i32
        %eq3A_976 = vector.broadcast %eq3A_975 : i32 to vector<16xi32>
        %eq3A_977 = arith.cmpi eq, %iota3A, %eq3A_976 : vector<16xi32>
        %add3A_978 = arith.addf %unpack3A_973, %unpack3A_974 : vector<16xf32>
        %reduce_sum3A_979 = arith.constant true
        %reduce_sum3A_980 = vector.broadcast %reduce_sum3A_979 : i1 to vector<16xi1>
        %reduce_sum3A_981 = tpu.scan <sum>, %add3A_978 masked %reduce_sum3A_980 : vector<16xf32>, vector<16xi1> -> vector<16xf32>
        %reduce_sum3A_982 = vector.extract %reduce_sum3A_981[15] : f32 from vector<16xf32>
        %broadcast_in_dim3A_983 = vector.broadcast %reduce_sum3A_982 : f32 to vector<16xf32>
        %select_n3A_984 = arith.select %eq3A_977, %broadcast_in_dim3A_983, %select_n3A_915 : vector<16xi1>, vector<16xf32>
        %add3A_985 = arith.constant 8 : i32
        %add3A_986 = arith.addi %mul3A_437, %add3A_985 : i32
        %get3A_987 = arith.constant 1 : i32
        %get3A_988 = arith.index_cast %get3A_987 : i32 to index
        %get3A_989 = arith.index_cast %add3A_986 : i32 to index
        %get3A_990 = arith.constant 0 : index
        %get3A_991 = tpu.vector_load %arg7[%get3A_988, %get3A_989, %get3A_990] {strides = array<i32>} : memref<2x400x64xi32, #tpu.memory_space<vmem>>, vector<16xi32>,
        %bitcast3A_992 = vector.bitcast %get3A_991 : vector<16xi32> to vector<32xbf16>
        %get3A_993 = arith.constant 1 : i32
        %get3A_994 = arith.index_cast %get3A_993 : i32 to index
        %get3A_995 = arith.index_cast %add3A_986 : i32 to index
        %get3A_996 = arith.constant 0 : index
        %get3A_997 = tpu.vector_load %arg8[%get3A_994, %get3A_995, %get3A_996] {strides = array<i32>} : memref<2x400x64xi32, #tpu.memory_space<vmem>>, vector<16xi32>,
        %bitcast3A_998 = vector.bitcast %get3A_997 : vector<16xi32> to vector<32xbf16>
        %mul3A_999 = arith.mulf %bitcast3A_992, %bitcast3A_998 : vector<32xbf16>
        %get3A_1000 = arith.constant 1 : i32
        %get3A_1001 = arith.index_cast %get3A_1000 : i32 to index
        %get3A_1002 = arith.index_cast %add3A_986 : i32 to index
        %get3A_1003 = arith.constant 16 : index
        %get3A_1004 = tpu.vector_load %arg7[%get3A_1001, %get3A_1002, %get3A_1003] {strides = array<i32>} : memref<2x400x64xi32, #tpu.memory_space<vmem>>, vector<16xi32>,
        %bitcast3A_1005 = vector.bitcast %get3A_1004 : vector<16xi32> to vector<32xbf16>
        %get3A_1006 = arith.constant 1 : i32
        %get3A_1007 = arith.index_cast %get3A_1006 : i32 to index
        %get3A_1008 = arith.index_cast %add3A_986 : i32 to index
        %get3A_1009 = arith.constant 16 : index
        %get3A_1010 = tpu.vector_load %arg8[%get3A_1007, %get3A_1008, %get3A_1009] {strides = array<i32>} : memref<2x400x64xi32, #tpu.memory_space<vmem>>, vector<16xi32>,
        %bitcast3A_1011 = vector.bitcast %get3A_1010 : vector<16xi32> to vector<32xbf16>
        %mul3A_1012 = arith.mulf %bitcast3A_1005, %bitcast3A_1011 : vector<32xbf16>
        %add3A_1013 = arith.addf %mul3A_999, %mul3A_1012 : vector<32xbf16>
        %get3A_1014 = arith.constant 1 : i32
        %get3A_1015 = arith.index_cast %get3A_1014 : i32 to index
        %get3A_1016 = arith.index_cast %add3A_986 : i32 to index
        %get3A_1017 = arith.constant 32 : index
        %get3A_1018 = tpu.vector_load %arg7[%get3A_1015, %get3A_1016, %get3A_1017] {strides = array<i32>} : memref<2x400x64xi32, #tpu.memory_space<vmem>>, vector<16xi32>,
        %bitcast3A_1019 = vector.bitcast %get3A_1018 : vector<16xi32> to vector<32xbf16>
        %get3A_1020 = arith.constant 1 : i32
        %get3A_1021 = arith.index_cast %get3A_1020 : i32 to index
        %get3A_1022 = arith.index_cast %add3A_986 : i32 to index
        %get3A_1023 = arith.constant 32 : index
        %get3A_1024 = tpu.vector_load %arg8[%get3A_1021, %get3A_1022, %get3A_1023] {strides = array<i32>} : memref<2x400x64xi32, #tpu.memory_space<vmem>>, vector<16xi32>,
        %bitcast3A_1025 = vector.bitcast %get3A_1024 : vector<16xi32> to vector<32xbf16>
        %mul3A_1026 = arith.mulf %bitcast3A_1019, %bitcast3A_1025 : vector<32xbf16>
        %add3A_1027 = arith.addf %add3A_1013, %mul3A_1026 : vector<32xbf16>
        %get3A_1028 = arith.constant 1 : i32
        %get3A_1029 = arith.index_cast %get3A_1028 : i32 to index
        %get3A_1030 = arith.index_cast %add3A_986 : i32 to index
        %get3A_1031 = arith.constant 48 : index
        %get3A_1032 = tpu.vector_load %arg7[%get3A_1029, %get3A_1030, %get3A_1031] {strides = array<i32>} : memref<2x400x64xi32, #tpu.memory_space<vmem>>, vector<16xi32>,
        %bitcast3A_1033 = vector.bitcast %get3A_1032 : vector<16xi32> to vector<32xbf16>
        %get3A_1034 = arith.constant 1 : i32
        %get3A_1035 = arith.index_cast %get3A_1034 : i32 to index
        %get3A_1036 = arith.index_cast %add3A_986 : i32 to index
        %get3A_1037 = arith.constant 48 : index
        %get3A_1038 = tpu.vector_load %arg8[%get3A_1035, %get3A_1036, %get3A_1037] {strides = array<i32>} : memref<2x400x64xi32, #tpu.memory_space<vmem>>, vector<16xi32>,
        %bitcast3A_1039 = vector.bitcast %get3A_1038 : vector<16xi32> to vector<32xbf16>
        %mul3A_1040 = arith.mulf %bitcast3A_1033, %bitcast3A_1039 : vector<32xbf16>
        %add3A_1041 = arith.addf %add3A_1027, %mul3A_1040 : vector<32xbf16>
        %unpack3A_1042 = tpu.unpack_subelements %add3A_1041, 0 {pack_format = #tpu.pack_format<interleaved>} : vector<32xbf16> -> vector<16xf32>
        %unpack3A_1043 = tpu.unpack_subelements %add3A_1041, 1 {pack_format = #tpu.pack_format<interleaved>} : vector<32xbf16> -> vector<16xf32>
        %eq3A_1044 = arith.constant 8 : i32
        %eq3A_1045 = vector.broadcast %eq3A_1044 : i32 to vector<16xi32>
        %eq3A_1046 = arith.cmpi eq, %iota3A, %eq3A_1045 : vector<16xi32>
        %add3A_1047 = arith.addf %unpack3A_1042, %unpack3A_1043 : vector<16xf32>
        %reduce_sum3A_1048 = arith.constant true
        %reduce_sum3A_1049 = vector.broadcast %reduce_sum3A_1048 : i1 to vector<16xi1>
        %reduce_sum3A_1050 = tpu.scan <sum>, %add3A_1047 masked %reduce_sum3A_1049 : vector<16xf32>, vector<16xi1> -> vector<16xf32>
        %reduce_sum3A_1051 = vector.extract %reduce_sum3A_1050[15] : f32 from vector<16xf32>
        %broadcast_in_dim3A_1052 = vector.broadcast %reduce_sum3A_1051 : f32 to vector<16xf32>
        %select_n3A_1053 = arith.select %eq3A_1046, %broadcast_in_dim3A_1052, %select_n3A_984 : vector<16xi1>, vector<16xf32>
        %add3A_1054 = arith.constant 9 : i32
        %add3A_1055 = arith.addi %mul3A_437, %add3A_1054 : i32
        %get3A_1056 = arith.constant 1 : i32
        %get3A_1057 = arith.index_cast %get3A_1056 : i32 to index
        %get3A_1058 = arith.index_cast %add3A_1055 : i32 to index
        %get3A_1059 = arith.constant 0 : index
        %get3A_1060 = tpu.vector_load %arg7[%get3A_1057, %get3A_1058, %get3A_1059] {strides = array<i32>} : memref<2x400x64xi32, #tpu.memory_space<vmem>>, vector<16xi32>,
        %bitcast3A_1061 = vector.bitcast %get3A_1060 : vector<16xi32> to vector<32xbf16>
        %get3A_1062 = arith.constant 1 : i32
        %get3A_1063 = arith.index_cast %get3A_1062 : i32 to index
        %get3A_1064 = arith.index_cast %add3A_1055 : i32 to index
        %get3A_1065 = arith.constant 0 : index
        %get3A_1066 = tpu.vector_load %arg8[%get3A_1063, %get3A_1064, %get3A_1065] {strides = array<i32>} : memref<2x400x64xi32, #tpu.memory_space<vmem>>, vector<16xi32>,
        %bitcast3A_1067 = vector.bitcast %get3A_1066 : vector<16xi32> to vector<32xbf16>
        %mul3A_1068 = arith.mulf %bitcast3A_1061, %bitcast3A_1067 : vector<32xbf16>
        %get3A_1069 = arith.constant 1 : i32
        %get3A_1070 = arith.index_cast %get3A_1069 : i32 to index
        %get3A_1071 = arith.index_cast %add3A_1055 : i32 to index
        %get3A_1072 = arith.constant 16 : index
        %get3A_1073 = tpu.vector_load %arg7[%get3A_1070, %get3A_1071, %get3A_1072] {strides = array<i32>} : memref<2x400x64xi32, #tpu.memory_space<vmem>>, vector<16xi32>,
        %bitcast3A_1074 = vector.bitcast %get3A_1073 : vector<16xi32> to vector<32xbf16>
        %get3A_1075 = arith.constant 1 : i32
        %get3A_1076 = arith.index_cast %get3A_1075 : i32 to index
        %get3A_1077 = arith.index_cast %add3A_1055 : i32 to index
        %get3A_1078 = arith.constant 16 : index
        %get3A_1079 = tpu.vector_load %arg8[%get3A_1076, %get3A_1077, %get3A_1078] {strides = array<i32>} : memref<2x400x64xi32, #tpu.memory_space<vmem>>, vector<16xi32>,
        %bitcast3A_1080 = vector.bitcast %get3A_1079 : vector<16xi32> to vector<32xbf16>
        %mul3A_1081 = arith.mulf %bitcast3A_1074, %bitcast3A_1080 : vector<32xbf16>
        %add3A_1082 = arith.addf %mul3A_1068, %mul3A_1081 : vector<32xbf16>
        %get3A_1083 = arith.constant 1 : i32
        %get3A_1084 = arith.index_cast %get3A_1083 : i32 to index
        %get3A_1085 = arith.index_cast %add3A_1055 : i32 to index
        %get3A_1086 = arith.constant 32 : index
        %get3A_1087 = tpu.vector_load %arg7[%get3A_1084, %get3A_1085, %get3A_1086] {strides = array<i32>} : memref<2x400x64xi32, #tpu.memory_space<vmem>>, vector<16xi32>,
        %bitcast3A_1088 = vector.bitcast %get3A_1087 : vector<16xi32> to vector<32xbf16>
        %get3A_1089 = arith.constant 1 : i32
        %get3A_1090 = arith.index_cast %get3A_1089 : i32 to index
        %get3A_1091 = arith.index_cast %add3A_1055 : i32 to index
        %get3A_1092 = arith.constant 32 : index
        %get3A_1093 = tpu.vector_load %arg8[%get3A_1090, %get3A_1091, %get3A_1092] {strides = array<i32>} : memref<2x400x64xi32, #tpu.memory_space<vmem>>, vector<16xi32>,
        %bitcast3A_1094 = vector.bitcast %get3A_1093 : vector<16xi32> to vector<32xbf16>
        %mul3A_1095 = arith.mulf %bitcast3A_1088, %bitcast3A_1094 : vector<32xbf16>
        %add3A_1096 = arith.addf %add3A_1082, %mul3A_1095 : vector<32xbf16>
        %get3A_1097 = arith.constant 1 : i32
        %get3A_1098 = arith.index_cast %get3A_1097 : i32 to index
        %get3A_1099 = arith.index_cast %add3A_1055 : i32 to index
        %get3A_1100 = arith.constant 48 : index
        %get3A_1101 = tpu.vector_load %arg7[%get3A_1098, %get3A_1099, %get3A_1100] {strides = array<i32>} : memref<2x400x64xi32, #tpu.memory_space<vmem>>, vector<16xi32>,
        %bitcast3A_1102 = vector.bitcast %get3A_1101 : vector<16xi32> to vector<32xbf16>
        %get3A_1103 = arith.constant 1 : i32
        %get3A_1104 = arith.index_cast %get3A_1103 : i32 to index
        %get3A_1105 = arith.index_cast %add3A_1055 : i32 to index
        %get3A_1106 = arith.constant 48 : index
        %get3A_1107 = tpu.vector_load %arg8[%get3A_1104, %get3A_1105, %get3A_1106] {strides = array<i32>} : memref<2x400x64xi32, #tpu.memory_space<vmem>>, vector<16xi32>,
        %bitcast3A_1108 = vector.bitcast %get3A_1107 : vector<16xi32> to vector<32xbf16>
        %mul3A_1109 = arith.mulf %bitcast3A_1102, %bitcast3A_1108 : vector<32xbf16>
        %add3A_1110 = arith.addf %add3A_1096, %mul3A_1109 : vector<32xbf16>
        %unpack3A_1111 = tpu.unpack_subelements %add3A_1110, 0 {pack_format = #tpu.pack_format<interleaved>} : vector<32xbf16> -> vector<16xf32>
        %unpack3A_1112 = tpu.unpack_subelements %add3A_1110, 1 {pack_format = #tpu.pack_format<interleaved>} : vector<32xbf16> -> vector<16xf32>
        %eq3A_1113 = arith.constant 9 : i32
        %eq3A_1114 = vector.broadcast %eq3A_1113 : i32 to vector<16xi32>
        %eq3A_1115 = arith.cmpi eq, %iota3A, %eq3A_1114 : vector<16xi32>
        %add3A_1116 = arith.addf %unpack3A_1111, %unpack3A_1112 : vector<16xf32>
        %reduce_sum3A_1117 = arith.constant true
        %reduce_sum3A_1118 = vector.broadcast %reduce_sum3A_1117 : i1 to vector<16xi1>
        %reduce_sum3A_1119 = tpu.scan <sum>, %add3A_1116 masked %reduce_sum3A_1118 : vector<16xf32>, vector<16xi1> -> vector<16xf32>
        %reduce_sum3A_1120 = vector.extract %reduce_sum3A_1119[15] : f32 from vector<16xf32>
        %broadcast_in_dim3A_1121 = vector.broadcast %reduce_sum3A_1120 : f32 to vector<16xf32>
        %select_n3A_1122 = arith.select %eq3A_1115, %broadcast_in_dim3A_1121, %select_n3A_1053 : vector<16xi1>, vector<16xf32>
        %add3A_1123 = arith.constant 10 : i32
        %add3A_1124 = arith.addi %mul3A_437, %add3A_1123 : i32
        %get3A_1125 = arith.constant 1 : i32
        %get3A_1126 = arith.index_cast %get3A_1125 : i32 to index
        %get3A_1127 = arith.index_cast %add3A_1124 : i32 to index
        %get3A_1128 = arith.constant 0 : index
        %get3A_1129 = tpu.vector_load %arg7[%get3A_1126, %get3A_1127, %get3A_1128] {strides = array<i32>} : memref<2x400x64xi32, #tpu.memory_space<vmem>>, vector<16xi32>,
        %bitcast3A_1130 = vector.bitcast %get3A_1129 : vector<16xi32> to vector<32xbf16>
        %get3A_1131 = arith.constant 1 : i32
        %get3A_1132 = arith.index_cast %get3A_1131 : i32 to index
        %get3A_1133 = arith.index_cast %add3A_1124 : i32 to index
        %get3A_1134 = arith.constant 0 : index
        %get3A_1135 = tpu.vector_load %arg8[%get3A_1132, %get3A_1133, %get3A_1134] {strides = array<i32>} : memref<2x400x64xi32, #tpu.memory_space<vmem>>, vector<16xi32>,
        %bitcast3A_1136 = vector.bitcast %get3A_1135 : vector<16xi32> to vector<32xbf16>
        %mul3A_1137 = arith.mulf %bitcast3A_1130, %bitcast3A_1136 : vector<32xbf16>
        %get3A_1138 = arith.constant 1 : i32
        %get3A_1139 = arith.index_cast %get3A_1138 : i32 to index
        %get3A_1140 = arith.index_cast %add3A_1124 : i32 to index
        %get3A_1141 = arith.constant 16 : index
        %get3A_1142 = tpu.vector_load %arg7[%get3A_1139, %get3A_1140, %get3A_1141] {strides = array<i32>} : memref<2x400x64xi32, #tpu.memory_space<vmem>>, vector<16xi32>,
        %bitcast3A_1143 = vector.bitcast %get3A_1142 : vector<16xi32> to vector<32xbf16>
        %get3A_1144 = arith.constant 1 : i32
        %get3A_1145 = arith.index_cast %get3A_1144 : i32 to index
        %get3A_1146 = arith.index_cast %add3A_1124 : i32 to index
        %get3A_1147 = arith.constant 16 : index
        %get3A_1148 = tpu.vector_load %arg8[%get3A_1145, %get3A_1146, %get3A_1147] {strides = array<i32>} : memref<2x400x64xi32, #tpu.memory_space<vmem>>, vector<16xi32>,
        %bitcast3A_1149 = vector.bitcast %get3A_1148 : vector<16xi32> to vector<32xbf16>
        %mul3A_1150 = arith.mulf %bitcast3A_1143, %bitcast3A_1149 : vector<32xbf16>
        %add3A_1151 = arith.addf %mul3A_1137, %mul3A_1150 : vector<32xbf16>
        %get3A_1152 = arith.constant 1 : i32
        %get3A_1153 = arith.index_cast %get3A_1152 : i32 to index
        %get3A_1154 = arith.index_cast %add3A_1124 : i32 to index
        %get3A_1155 = arith.constant 32 : index
        %get3A_1156 = tpu.vector_load %arg7[%get3A_1153, %get3A_1154, %get3A_1155] {strides = array<i32>} : memref<2x400x64xi32, #tpu.memory_space<vmem>>, vector<16xi32>,
        %bitcast3A_1157 = vector.bitcast %get3A_1156 : vector<16xi32> to vector<32xbf16>
        %get3A_1158 = arith.constant 1 : i32
        %get3A_1159 = arith.index_cast %get3A_1158 : i32 to index
        %get3A_1160 = arith.index_cast %add3A_1124 : i32 to index
        %get3A_1161 = arith.constant 32 : index
        %get3A_1162 = tpu.vector_load %arg8[%get3A_1159, %get3A_1160, %get3A_1161] {strides = array<i32>} : memref<2x400x64xi32, #tpu.memory_space<vmem>>, vector<16xi32>,
        %bitcast3A_1163 = vector.bitcast %get3A_1162 : vector<16xi32> to vector<32xbf16>
        %mul3A_1164 = arith.mulf %bitcast3A_1157, %bitcast3A_1163 : vector<32xbf16>
        %add3A_1165 = arith.addf %add3A_1151, %mul3A_1164 : vector<32xbf16>
        %get3A_1166 = arith.constant 1 : i32
        %get3A_1167 = arith.index_cast %get3A_1166 : i32 to index
        %get3A_1168 = arith.index_cast %add3A_1124 : i32 to index
        %get3A_1169 = arith.constant 48 : index
        %get3A_1170 = tpu.vector_load %arg7[%get3A_1167, %get3A_1168, %get3A_1169] {strides = array<i32>} : memref<2x400x64xi32, #tpu.memory_space<vmem>>, vector<16xi32>,
        %bitcast3A_1171 = vector.bitcast %get3A_1170 : vector<16xi32> to vector<32xbf16>
        %get3A_1172 = arith.constant 1 : i32
        %get3A_1173 = arith.index_cast %get3A_1172 : i32 to index
        %get3A_1174 = arith.index_cast %add3A_1124 : i32 to index
        %get3A_1175 = arith.constant 48 : index
        %get3A_1176 = tpu.vector_load %arg8[%get3A_1173, %get3A_1174, %get3A_1175] {strides = array<i32>} : memref<2x400x64xi32, #tpu.memory_space<vmem>>, vector<16xi32>,
        %bitcast3A_1177 = vector.bitcast %get3A_1176 : vector<16xi32> to vector<32xbf16>
        %mul3A_1178 = arith.mulf %bitcast3A_1171, %bitcast3A_1177 : vector<32xbf16>
        %add3A_1179 = arith.addf %add3A_1165, %mul3A_1178 : vector<32xbf16>
        %unpack3A_1180 = tpu.unpack_subelements %add3A_1179, 0 {pack_format = #tpu.pack_format<interleaved>} : vector<32xbf16> -> vector<16xf32>
        %unpack3A_1181 = tpu.unpack_subelements %add3A_1179, 1 {pack_format = #tpu.pack_format<interleaved>} : vector<32xbf16> -> vector<16xf32>
        %eq3A_1182 = arith.constant 10 : i32
        %eq3A_1183 = vector.broadcast %eq3A_1182 : i32 to vector<16xi32>
        %eq3A_1184 = arith.cmpi eq, %iota3A, %eq3A_1183 : vector<16xi32>
        %add3A_1185 = arith.addf %unpack3A_1180, %unpack3A_1181 : vector<16xf32>
        %reduce_sum3A_1186 = arith.constant true
        %reduce_sum3A_1187 = vector.broadcast %reduce_sum3A_1186 : i1 to vector<16xi1>
        %reduce_sum3A_1188 = tpu.scan <sum>, %add3A_1185 masked %reduce_sum3A_1187 : vector<16xf32>, vector<16xi1> -> vector<16xf32>
        %reduce_sum3A_1189 = vector.extract %reduce_sum3A_1188[15] : f32 from vector<16xf32>
        %broadcast_in_dim3A_1190 = vector.broadcast %reduce_sum3A_1189 : f32 to vector<16xf32>
        %select_n3A_1191 = arith.select %eq3A_1184, %broadcast_in_dim3A_1190, %select_n3A_1122 : vector<16xi1>, vector<16xf32>
        %add3A_1192 = arith.constant 11 : i32
        %add3A_1193 = arith.addi %mul3A_437, %add3A_1192 : i32
        %get3A_1194 = arith.constant 1 : i32
        %get3A_1195 = arith.index_cast %get3A_1194 : i32 to index
        %get3A_1196 = arith.index_cast %add3A_1193 : i32 to index
        %get3A_1197 = arith.constant 0 : index
        %get3A_1198 = tpu.vector_load %arg7[%get3A_1195, %get3A_1196, %get3A_1197] {strides = array<i32>} : memref<2x400x64xi32, #tpu.memory_space<vmem>>, vector<16xi32>,
        %bitcast3A_1199 = vector.bitcast %get3A_1198 : vector<16xi32> to vector<32xbf16>
        %get3A_1200 = arith.constant 1 : i32
        %get3A_1201 = arith.index_cast %get3A_1200 : i32 to index
        %get3A_1202 = arith.index_cast %add3A_1193 : i32 to index
        %get3A_1203 = arith.constant 0 : index
        %get3A_1204 = tpu.vector_load %arg8[%get3A_1201, %get3A_1202, %get3A_1203] {strides = array<i32>} : memref<2x400x64xi32, #tpu.memory_space<vmem>>, vector<16xi32>,
        %bitcast3A_1205 = vector.bitcast %get3A_1204 : vector<16xi32> to vector<32xbf16>
        %mul3A_1206 = arith.mulf %bitcast3A_1199, %bitcast3A_1205 : vector<32xbf16>
        %get3A_1207 = arith.constant 1 : i32
        %get3A_1208 = arith.index_cast %get3A_1207 : i32 to index
        %get3A_1209 = arith.index_cast %add3A_1193 : i32 to index
        %get3A_1210 = arith.constant 16 : index
        %get3A_1211 = tpu.vector_load %arg7[%get3A_1208, %get3A_1209, %get3A_1210] {strides = array<i32>} : memref<2x400x64xi32, #tpu.memory_space<vmem>>, vector<16xi32>,
        %bitcast3A_1212 = vector.bitcast %get3A_1211 : vector<16xi32> to vector<32xbf16>
        %get3A_1213 = arith.constant 1 : i32
        %get3A_1214 = arith.index_cast %get3A_1213 : i32 to index
        %get3A_1215 = arith.index_cast %add3A_1193 : i32 to index
        %get3A_1216 = arith.constant 16 : index
        %get3A_1217 = tpu.vector_load %arg8[%get3A_1214, %get3A_1215, %get3A_1216] {strides = array<i32>} : memref<2x400x64xi32, #tpu.memory_space<vmem>>, vector<16xi32>,
        %bitcast3A_1218 = vector.bitcast %get3A_1217 : vector<16xi32> to vector<32xbf16>
        %mul3A_1219 = arith.mulf %bitcast3A_1212, %bitcast3A_1218 : vector<32xbf16>
        %add3A_1220 = arith.addf %mul3A_1206, %mul3A_1219 : vector<32xbf16>
        %get3A_1221 = arith.constant 1 : i32
        %get3A_1222 = arith.index_cast %get3A_1221 : i32 to index
        %get3A_1223 = arith.index_cast %add3A_1193 : i32 to index
        %get3A_1224 = arith.constant 32 : index
        %get3A_1225 = tpu.vector_load %arg7[%get3A_1222, %get3A_1223, %get3A_1224] {strides = array<i32>} : memref<2x400x64xi32, #tpu.memory_space<vmem>>, vector<16xi32>,
        %bitcast3A_1226 = vector.bitcast %get3A_1225 : vector<16xi32> to vector<32xbf16>
        %get3A_1227 = arith.constant 1 : i32
        %get3A_1228 = arith.index_cast %get3A_1227 : i32 to index
        %get3A_1229 = arith.index_cast %add3A_1193 : i32 to index
        %get3A_1230 = arith.constant 32 : index
        %get3A_1231 = tpu.vector_load %arg8[%get3A_1228, %get3A_1229, %get3A_1230] {strides = array<i32>} : memref<2x400x64xi32, #tpu.memory_space<vmem>>, vector<16xi32>,
        %bitcast3A_1232 = vector.bitcast %get3A_1231 : vector<16xi32> to vector<32xbf16>
        %mul3A_1233 = arith.mulf %bitcast3A_1226, %bitcast3A_1232 : vector<32xbf16>
        %add3A_1234 = arith.addf %add3A_1220, %mul3A_1233 : vector<32xbf16>
        %get3A_1235 = arith.constant 1 : i32
        %get3A_1236 = arith.index_cast %get3A_1235 : i32 to index
        %get3A_1237 = arith.index_cast %add3A_1193 : i32 to index
        %get3A_1238 = arith.constant 48 : index
        %get3A_1239 = tpu.vector_load %arg7[%get3A_1236, %get3A_1237, %get3A_1238] {strides = array<i32>} : memref<2x400x64xi32, #tpu.memory_space<vmem>>, vector<16xi32>,
        %bitcast3A_1240 = vector.bitcast %get3A_1239 : vector<16xi32> to vector<32xbf16>
        %get3A_1241 = arith.constant 1 : i32
        %get3A_1242 = arith.index_cast %get3A_1241 : i32 to index
        %get3A_1243 = arith.index_cast %add3A_1193 : i32 to index
        %get3A_1244 = arith.constant 48 : index
        %get3A_1245 = tpu.vector_load %arg8[%get3A_1242, %get3A_1243, %get3A_1244] {strides = array<i32>} : memref<2x400x64xi32, #tpu.memory_space<vmem>>, vector<16xi32>,
        %bitcast3A_1246 = vector.bitcast %get3A_1245 : vector<16xi32> to vector<32xbf16>
        %mul3A_1247 = arith.mulf %bitcast3A_1240, %bitcast3A_1246 : vector<32xbf16>
        %add3A_1248 = arith.addf %add3A_1234, %mul3A_1247 : vector<32xbf16>
        %unpack3A_1249 = tpu.unpack_subelements %add3A_1248, 0 {pack_format = #tpu.pack_format<interleaved>} : vector<32xbf16> -> vector<16xf32>
        %unpack3A_1250 = tpu.unpack_subelements %add3A_1248, 1 {pack_format = #tpu.pack_format<interleaved>} : vector<32xbf16> -> vector<16xf32>
        %eq3A_1251 = arith.constant 11 : i32
        %eq3A_1252 = vector.broadcast %eq3A_1251 : i32 to vector<16xi32>
        %eq3A_1253 = arith.cmpi eq, %iota3A, %eq3A_1252 : vector<16xi32>
        %add3A_1254 = arith.addf %unpack3A_1249, %unpack3A_1250 : vector<16xf32>
        %reduce_sum3A_1255 = arith.constant true
        %reduce_sum3A_1256 = vector.broadcast %reduce_sum3A_1255 : i1 to vector<16xi1>
        %reduce_sum3A_1257 = tpu.scan <sum>, %add3A_1254 masked %reduce_sum3A_1256 : vector<16xf32>, vector<16xi1> -> vector<16xf32>
        %reduce_sum3A_1258 = vector.extract %reduce_sum3A_1257[15] : f32 from vector<16xf32>
        %broadcast_in_dim3A_1259 = vector.broadcast %reduce_sum3A_1258 : f32 to vector<16xf32>
        %select_n3A_1260 = arith.select %eq3A_1253, %broadcast_in_dim3A_1259, %select_n3A_1191 : vector<16xi1>, vector<16xf32>
        %add3A_1261 = arith.constant 12 : i32
        %add3A_1262 = arith.addi %mul3A_437, %add3A_1261 : i32
        %get3A_1263 = arith.constant 1 : i32
        %get3A_1264 = arith.index_cast %get3A_1263 : i32 to index
        %get3A_1265 = arith.index_cast %add3A_1262 : i32 to index
        %get3A_1266 = arith.constant 0 : index
        %get3A_1267 = tpu.vector_load %arg7[%get3A_1264, %get3A_1265, %get3A_1266] {strides = array<i32>} : memref<2x400x64xi32, #tpu.memory_space<vmem>>, vector<16xi32>,
        %bitcast3A_1268 = vector.bitcast %get3A_1267 : vector<16xi32> to vector<32xbf16>
        %get3A_1269 = arith.constant 1 : i32
        %get3A_1270 = arith.index_cast %get3A_1269 : i32 to index
        %get3A_1271 = arith.index_cast %add3A_1262 : i32 to index
        %get3A_1272 = arith.constant 0 : index
        %get3A_1273 = tpu.vector_load %arg8[%get3A_1270, %get3A_1271, %get3A_1272] {strides = array<i32>} : memref<2x400x64xi32, #tpu.memory_space<vmem>>, vector<16xi32>,
        %bitcast3A_1274 = vector.bitcast %get3A_1273 : vector<16xi32> to vector<32xbf16>
        %mul3A_1275 = arith.mulf %bitcast3A_1268, %bitcast3A_1274 : vector<32xbf16>
        %get3A_1276 = arith.constant 1 : i32
        %get3A_1277 = arith.index_cast %get3A_1276 : i32 to index
        %get3A_1278 = arith.index_cast %add3A_1262 : i32 to index
        %get3A_1279 = arith.constant 16 : index
        %get3A_1280 = tpu.vector_load %arg7[%get3A_1277, %get3A_1278, %get3A_1279] {strides = array<i32>} : memref<2x400x64xi32, #tpu.memory_space<vmem>>, vector<16xi32>,
        %bitcast3A_1281 = vector.bitcast %get3A_1280 : vector<16xi32> to vector<32xbf16>
        %get3A_1282 = arith.constant 1 : i32
        %get3A_1283 = arith.index_cast %get3A_1282 : i32 to index
        %get3A_1284 = arith.index_cast %add3A_1262 : i32 to index
        %get3A_1285 = arith.constant 16 : index
        %get3A_1286 = tpu.vector_load %arg8[%get3A_1283, %get3A_1284, %get3A_1285] {strides = array<i32>} : memref<2x400x64xi32, #tpu.memory_space<vmem>>, vector<16xi32>,
        %bitcast3A_1287 = vector.bitcast %get3A_1286 : vector<16xi32> to vector<32xbf16>
        %mul3A_1288 = arith.mulf %bitcast3A_1281, %bitcast3A_1287 : vector<32xbf16>
        %add3A_1289 = arith.addf %mul3A_1275, %mul3A_1288 : vector<32xbf16>
        %get3A_1290 = arith.constant 1 : i32
        %get3A_1291 = arith.index_cast %get3A_1290 : i32 to index
        %get3A_1292 = arith.index_cast %add3A_1262 : i32 to index
        %get3A_1293 = arith.constant 32 : index
        %get3A_1294 = tpu.vector_load %arg7[%get3A_1291, %get3A_1292, %get3A_1293] {strides = array<i32>} : memref<2x400x64xi32, #tpu.memory_space<vmem>>, vector<16xi32>,
        %bitcast3A_1295 = vector.bitcast %get3A_1294 : vector<16xi32> to vector<32xbf16>
        %get3A_1296 = arith.constant 1 : i32
        %get3A_1297 = arith.index_cast %get3A_1296 : i32 to index
        %get3A_1298 = arith.index_cast %add3A_1262 : i32 to index
        %get3A_1299 = arith.constant 32 : index
        %get3A_1300 = tpu.vector_load %arg8[%get3A_1297, %get3A_1298, %get3A_1299] {strides = array<i32>} : memref<2x400x64xi32, #tpu.memory_space<vmem>>, vector<16xi32>,
        %bitcast3A_1301 = vector.bitcast %get3A_1300 : vector<16xi32> to vector<32xbf16>
        %mul3A_1302 = arith.mulf %bitcast3A_1295, %bitcast3A_1301 : vector<32xbf16>
        %add3A_1303 = arith.addf %add3A_1289, %mul3A_1302 : vector<32xbf16>
        %get3A_1304 = arith.constant 1 : i32
        %get3A_1305 = arith.index_cast %get3A_1304 : i32 to index
        %get3A_1306 = arith.index_cast %add3A_1262 : i32 to index
        %get3A_1307 = arith.constant 48 : index
        %get3A_1308 = tpu.vector_load %arg7[%get3A_1305, %get3A_1306, %get3A_1307] {strides = array<i32>} : memref<2x400x64xi32, #tpu.memory_space<vmem>>, vector<16xi32>,
        %bitcast3A_1309 = vector.bitcast %get3A_1308 : vector<16xi32> to vector<32xbf16>
        %get3A_1310 = arith.constant 1 : i32
        %get3A_1311 = arith.index_cast %get3A_1310 : i32 to index
        %get3A_1312 = arith.index_cast %add3A_1262 : i32 to index
        %get3A_1313 = arith.constant 48 : index
        %get3A_1314 = tpu.vector_load %arg8[%get3A_1311, %get3A_1312, %get3A_1313] {strides = array<i32>} : memref<2x400x64xi32, #tpu.memory_space<vmem>>, vector<16xi32>,
        %bitcast3A_1315 = vector.bitcast %get3A_1314 : vector<16xi32> to vector<32xbf16>
        %mul3A_1316 = arith.mulf %bitcast3A_1309, %bitcast3A_1315 : vector<32xbf16>
        %add3A_1317 = arith.addf %add3A_1303, %mul3A_1316 : vector<32xbf16>
        %unpack3A_1318 = tpu.unpack_subelements %add3A_1317, 0 {pack_format = #tpu.pack_format<interleaved>} : vector<32xbf16> -> vector<16xf32>
        %unpack3A_1319 = tpu.unpack_subelements %add3A_1317, 1 {pack_format = #tpu.pack_format<interleaved>} : vector<32xbf16> -> vector<16xf32>
        %eq3A_1320 = arith.constant 12 : i32
        %eq3A_1321 = vector.broadcast %eq3A_1320 : i32 to vector<16xi32>
        %eq3A_1322 = arith.cmpi eq, %iota3A, %eq3A_1321 : vector<16xi32>
        %add3A_1323 = arith.addf %unpack3A_1318, %unpack3A_1319 : vector<16xf32>
        %reduce_sum3A_1324 = arith.constant true
        %reduce_sum3A_1325 = vector.broadcast %reduce_sum3A_1324 : i1 to vector<16xi1>
        %reduce_sum3A_1326 = tpu.scan <sum>, %add3A_1323 masked %reduce_sum3A_1325 : vector<16xf32>, vector<16xi1> -> vector<16xf32>
        %reduce_sum3A_1327 = vector.extract %reduce_sum3A_1326[15] : f32 from vector<16xf32>
        %broadcast_in_dim3A_1328 = vector.broadcast %reduce_sum3A_1327 : f32 to vector<16xf32>
        %select_n3A_1329 = arith.select %eq3A_1322, %broadcast_in_dim3A_1328, %select_n3A_1260 : vector<16xi1>, vector<16xf32>
        %add3A_1330 = arith.constant 13 : i32
        %add3A_1331 = arith.addi %mul3A_437, %add3A_1330 : i32
        %get3A_1332 = arith.constant 1 : i32
        %get3A_1333 = arith.index_cast %get3A_1332 : i32 to index
        %get3A_1334 = arith.index_cast %add3A_1331 : i32 to index
        %get3A_1335 = arith.constant 0 : index
        %get3A_1336 = tpu.vector_load %arg7[%get3A_1333, %get3A_1334, %get3A_1335] {strides = array<i32>} : memref<2x400x64xi32, #tpu.memory_space<vmem>>, vector<16xi32>,
        %bitcast3A_1337 = vector.bitcast %get3A_1336 : vector<16xi32> to vector<32xbf16>
        %get3A_1338 = arith.constant 1 : i32
        %get3A_1339 = arith.index_cast %get3A_1338 : i32 to index
        %get3A_1340 = arith.index_cast %add3A_1331 : i32 to index
        %get3A_1341 = arith.constant 0 : index
        %get3A_1342 = tpu.vector_load %arg8[%get3A_1339, %get3A_1340, %get3A_1341] {strides = array<i32>} : memref<2x400x64xi32, #tpu.memory_space<vmem>>, vector<16xi32>,
        %bitcast3A_1343 = vector.bitcast %get3A_1342 : vector<16xi32> to vector<32xbf16>
        %mul3A_1344 = arith.mulf %bitcast3A_1337, %bitcast3A_1343 : vector<32xbf16>
        %get3A_1345 = arith.constant 1 : i32
        %get3A_1346 = arith.index_cast %get3A_1345 : i32 to index
        %get3A_1347 = arith.index_cast %add3A_1331 : i32 to index
        %get3A_1348 = arith.constant 16 : index
        %get3A_1349 = tpu.vector_load %arg7[%get3A_1346, %get3A_1347, %get3A_1348] {strides = array<i32>} : memref<2x400x64xi32, #tpu.memory_space<vmem>>, vector<16xi32>,
        %bitcast3A_1350 = vector.bitcast %get3A_1349 : vector<16xi32> to vector<32xbf16>
        %get3A_1351 = arith.constant 1 : i32
        %get3A_1352 = arith.index_cast %get3A_1351 : i32 to index
        %get3A_1353 = arith.index_cast %add3A_1331 : i32 to index
        %get3A_1354 = arith.constant 16 : index
        %get3A_1355 = tpu.vector_load %arg8[%get3A_1352, %get3A_1353, %get3A_1354] {strides = array<i32>} : memref<2x400x64xi32, #tpu.memory_space<vmem>>, vector<16xi32>,
        %bitcast3A_1356 = vector.bitcast %get3A_1355 : vector<16xi32> to vector<32xbf16>
        %mul3A_1357 = arith.mulf %bitcast3A_1350, %bitcast3A_1356 : vector<32xbf16>
        %add3A_1358 = arith.addf %mul3A_1344, %mul3A_1357 : vector<32xbf16>
        %get3A_1359 = arith.constant 1 : i32
        %get3A_1360 = arith.index_cast %get3A_1359 : i32 to index
        %get3A_1361 = arith.index_cast %add3A_1331 : i32 to index
        %get3A_1362 = arith.constant 32 : index
        %get3A_1363 = tpu.vector_load %arg7[%get3A_1360, %get3A_1361, %get3A_1362] {strides = array<i32>} : memref<2x400x64xi32, #tpu.memory_space<vmem>>, vector<16xi32>,
        %bitcast3A_1364 = vector.bitcast %get3A_1363 : vector<16xi32> to vector<32xbf16>
        %get3A_1365 = arith.constant 1 : i32
        %get3A_1366 = arith.index_cast %get3A_1365 : i32 to index
        %get3A_1367 = arith.index_cast %add3A_1331 : i32 to index
        %get3A_1368 = arith.constant 32 : index
        %get3A_1369 = tpu.vector_load %arg8[%get3A_1366, %get3A_1367, %get3A_1368] {strides = array<i32>} : memref<2x400x64xi32, #tpu.memory_space<vmem>>, vector<16xi32>,
        %bitcast3A_1370 = vector.bitcast %get3A_1369 : vector<16xi32> to vector<32xbf16>
        %mul3A_1371 = arith.mulf %bitcast3A_1364, %bitcast3A_1370 : vector<32xbf16>
        %add3A_1372 = arith.addf %add3A_1358, %mul3A_1371 : vector<32xbf16>
        %get3A_1373 = arith.constant 1 : i32
        %get3A_1374 = arith.index_cast %get3A_1373 : i32 to index
        %get3A_1375 = arith.index_cast %add3A_1331 : i32 to index
        %get3A_1376 = arith.constant 48 : index
        %get3A_1377 = tpu.vector_load %arg7[%get3A_1374, %get3A_1375, %get3A_1376] {strides = array<i32>} : memref<2x400x64xi32, #tpu.memory_space<vmem>>, vector<16xi32>,
        %bitcast3A_1378 = vector.bitcast %get3A_1377 : vector<16xi32> to vector<32xbf16>
        %get3A_1379 = arith.constant 1 : i32
        %get3A_1380 = arith.index_cast %get3A_1379 : i32 to index
        %get3A_1381 = arith.index_cast %add3A_1331 : i32 to index
        %get3A_1382 = arith.constant 48 : index
        %get3A_1383 = tpu.vector_load %arg8[%get3A_1380, %get3A_1381, %get3A_1382] {strides = array<i32>} : memref<2x400x64xi32, #tpu.memory_space<vmem>>, vector<16xi32>,
        %bitcast3A_1384 = vector.bitcast %get3A_1383 : vector<16xi32> to vector<32xbf16>
        %mul3A_1385 = arith.mulf %bitcast3A_1378, %bitcast3A_1384 : vector<32xbf16>
        %add3A_1386 = arith.addf %add3A_1372, %mul3A_1385 : vector<32xbf16>
        %unpack3A_1387 = tpu.unpack_subelements %add3A_1386, 0 {pack_format = #tpu.pack_format<interleaved>} : vector<32xbf16> -> vector<16xf32>
        %unpack3A_1388 = tpu.unpack_subelements %add3A_1386, 1 {pack_format = #tpu.pack_format<interleaved>} : vector<32xbf16> -> vector<16xf32>
        %eq3A_1389 = arith.constant 13 : i32
        %eq3A_1390 = vector.broadcast %eq3A_1389 : i32 to vector<16xi32>
        %eq3A_1391 = arith.cmpi eq, %iota3A, %eq3A_1390 : vector<16xi32>
        %add3A_1392 = arith.addf %unpack3A_1387, %unpack3A_1388 : vector<16xf32>
        %reduce_sum3A_1393 = arith.constant true
        %reduce_sum3A_1394 = vector.broadcast %reduce_sum3A_1393 : i1 to vector<16xi1>
        %reduce_sum3A_1395 = tpu.scan <sum>, %add3A_1392 masked %reduce_sum3A_1394 : vector<16xf32>, vector<16xi1> -> vector<16xf32>
        %reduce_sum3A_1396 = vector.extract %reduce_sum3A_1395[15] : f32 from vector<16xf32>
        %broadcast_in_dim3A_1397 = vector.broadcast %reduce_sum3A_1396 : f32 to vector<16xf32>
        %select_n3A_1398 = arith.select %eq3A_1391, %broadcast_in_dim3A_1397, %select_n3A_1329 : vector<16xi1>, vector<16xf32>
        %add3A_1399 = arith.constant 14 : i32
        %add3A_1400 = arith.addi %mul3A_437, %add3A_1399 : i32
        %get3A_1401 = arith.constant 1 : i32
        %get3A_1402 = arith.index_cast %get3A_1401 : i32 to index
        %get3A_1403 = arith.index_cast %add3A_1400 : i32 to index
        %get3A_1404 = arith.constant 0 : index
        %get3A_1405 = tpu.vector_load %arg7[%get3A_1402, %get3A_1403, %get3A_1404] {strides = array<i32>} : memref<2x400x64xi32, #tpu.memory_space<vmem>>, vector<16xi32>,
        %bitcast3A_1406 = vector.bitcast %get3A_1405 : vector<16xi32> to vector<32xbf16>
        %get3A_1407 = arith.constant 1 : i32
        %get3A_1408 = arith.index_cast %get3A_1407 : i32 to index
        %get3A_1409 = arith.index_cast %add3A_1400 : i32 to index
        %get3A_1410 = arith.constant 0 : index
        %get3A_1411 = tpu.vector_load %arg8[%get3A_1408, %get3A_1409, %get3A_1410] {strides = array<i32>} : memref<2x400x64xi32, #tpu.memory_space<vmem>>, vector<16xi32>,
        %bitcast3A_1412 = vector.bitcast %get3A_1411 : vector<16xi32> to vector<32xbf16>
        %mul3A_1413 = arith.mulf %bitcast3A_1406, %bitcast3A_1412 : vector<32xbf16>
        %get3A_1414 = arith.constant 1 : i32
        %get3A_1415 = arith.index_cast %get3A_1414 : i32 to index
        %get3A_1416 = arith.index_cast %add3A_1400 : i32 to index
        %get3A_1417 = arith.constant 16 : index
        %get3A_1418 = tpu.vector_load %arg7[%get3A_1415, %get3A_1416, %get3A_1417] {strides = array<i32>} : memref<2x400x64xi32, #tpu.memory_space<vmem>>, vector<16xi32>,
        %bitcast3A_1419 = vector.bitcast %get3A_1418 : vector<16xi32> to vector<32xbf16>
        %get3A_1420 = arith.constant 1 : i32
        %get3A_1421 = arith.index_cast %get3A_1420 : i32 to index
        %get3A_1422 = arith.index_cast %add3A_1400 : i32 to index
        %get3A_1423 = arith.constant 16 : index
        %get3A_1424 = tpu.vector_load %arg8[%get3A_1421, %get3A_1422, %get3A_1423] {strides = array<i32>} : memref<2x400x64xi32, #tpu.memory_space<vmem>>, vector<16xi32>,
        %bitcast3A_1425 = vector.bitcast %get3A_1424 : vector<16xi32> to vector<32xbf16>
        %mul3A_1426 = arith.mulf %bitcast3A_1419, %bitcast3A_1425 : vector<32xbf16>
        %add3A_1427 = arith.addf %mul3A_1413, %mul3A_1426 : vector<32xbf16>
        %get3A_1428 = arith.constant 1 : i32
        %get3A_1429 = arith.index_cast %get3A_1428 : i32 to index
        %get3A_1430 = arith.index_cast %add3A_1400 : i32 to index
        %get3A_1431 = arith.constant 32 : index
        %get3A_1432 = tpu.vector_load %arg7[%get3A_1429, %get3A_1430, %get3A_1431] {strides = array<i32>} : memref<2x400x64xi32, #tpu.memory_space<vmem>>, vector<16xi32>,
        %bitcast3A_1433 = vector.bitcast %get3A_1432 : vector<16xi32> to vector<32xbf16>
        %get3A_1434 = arith.constant 1 : i32
        %get3A_1435 = arith.index_cast %get3A_1434 : i32 to index
        %get3A_1436 = arith.index_cast %add3A_1400 : i32 to index
        %get3A_1437 = arith.constant 32 : index
        %get3A_1438 = tpu.vector_load %arg8[%get3A_1435, %get3A_1436, %get3A_1437] {strides = array<i32>} : memref<2x400x64xi32, #tpu.memory_space<vmem>>, vector<16xi32>,
        %bitcast3A_1439 = vector.bitcast %get3A_1438 : vector<16xi32> to vector<32xbf16>
        %mul3A_1440 = arith.mulf %bitcast3A_1433, %bitcast3A_1439 : vector<32xbf16>
        %add3A_1441 = arith.addf %add3A_1427, %mul3A_1440 : vector<32xbf16>
        %get3A_1442 = arith.constant 1 : i32
        %get3A_1443 = arith.index_cast %get3A_1442 : i32 to index
        %get3A_1444 = arith.index_cast %add3A_1400 : i32 to index
        %get3A_1445 = arith.constant 48 : index
        %get3A_1446 = tpu.vector_load %arg7[%get3A_1443, %get3A_1444, %get3A_1445] {strides = array<i32>} : memref<2x400x64xi32, #tpu.memory_space<vmem>>, vector<16xi32>,
        %bitcast3A_1447 = vector.bitcast %get3A_1446 : vector<16xi32> to vector<32xbf16>
        %get3A_1448 = arith.constant 1 : i32
        %get3A_1449 = arith.index_cast %get3A_1448 : i32 to index
        %get3A_1450 = arith.index_cast %add3A_1400 : i32 to index
        %get3A_1451 = arith.constant 48 : index
        %get3A_1452 = tpu.vector_load %arg8[%get3A_1449, %get3A_1450, %get3A_1451] {strides = array<i32>} : memref<2x400x64xi32, #tpu.memory_space<vmem>>, vector<16xi32>,
        %bitcast3A_1453 = vector.bitcast %get3A_1452 : vector<16xi32> to vector<32xbf16>
        %mul3A_1454 = arith.mulf %bitcast3A_1447, %bitcast3A_1453 : vector<32xbf16>
        %add3A_1455 = arith.addf %add3A_1441, %mul3A_1454 : vector<32xbf16>
        %unpack3A_1456 = tpu.unpack_subelements %add3A_1455, 0 {pack_format = #tpu.pack_format<interleaved>} : vector<32xbf16> -> vector<16xf32>
        %unpack3A_1457 = tpu.unpack_subelements %add3A_1455, 1 {pack_format = #tpu.pack_format<interleaved>} : vector<32xbf16> -> vector<16xf32>
        %eq3A_1458 = arith.constant 14 : i32
        %eq3A_1459 = vector.broadcast %eq3A_1458 : i32 to vector<16xi32>
        %eq3A_1460 = arith.cmpi eq, %iota3A, %eq3A_1459 : vector<16xi32>
        %add3A_1461 = arith.addf %unpack3A_1456, %unpack3A_1457 : vector<16xf32>
        %reduce_sum3A_1462 = arith.constant true
        %reduce_sum3A_1463 = vector.broadcast %reduce_sum3A_1462 : i1 to vector<16xi1>
        %reduce_sum3A_1464 = tpu.scan <sum>, %add3A_1461 masked %reduce_sum3A_1463 : vector<16xf32>, vector<16xi1> -> vector<16xf32>
        %reduce_sum3A_1465 = vector.extract %reduce_sum3A_1464[15] : f32 from vector<16xf32>
        %broadcast_in_dim3A_1466 = vector.broadcast %reduce_sum3A_1465 : f32 to vector<16xf32>
        %select_n3A_1467 = arith.select %eq3A_1460, %broadcast_in_dim3A_1466, %select_n3A_1398 : vector<16xi1>, vector<16xf32>
        %add3A_1468 = arith.constant 15 : i32
        %add3A_1469 = arith.addi %mul3A_437, %add3A_1468 : i32
        %get3A_1470 = arith.constant 1 : i32
        %get3A_1471 = arith.index_cast %get3A_1470 : i32 to index
        %get3A_1472 = arith.index_cast %add3A_1469 : i32 to index
        %get3A_1473 = arith.constant 0 : index
        %get3A_1474 = tpu.vector_load %arg7[%get3A_1471, %get3A_1472, %get3A_1473] {strides = array<i32>} : memref<2x400x64xi32, #tpu.memory_space<vmem>>, vector<16xi32>,
        %bitcast3A_1475 = vector.bitcast %get3A_1474 : vector<16xi32> to vector<32xbf16>
        %get3A_1476 = arith.constant 1 : i32
        %get3A_1477 = arith.index_cast %get3A_1476 : i32 to index
        %get3A_1478 = arith.index_cast %add3A_1469 : i32 to index
        %get3A_1479 = arith.constant 0 : index
        %get3A_1480 = tpu.vector_load %arg8[%get3A_1477, %get3A_1478, %get3A_1479] {strides = array<i32>} : memref<2x400x64xi32, #tpu.memory_space<vmem>>, vector<16xi32>,
        %bitcast3A_1481 = vector.bitcast %get3A_1480 : vector<16xi32> to vector<32xbf16>
        %mul3A_1482 = arith.mulf %bitcast3A_1475, %bitcast3A_1481 : vector<32xbf16>
        %get3A_1483 = arith.constant 1 : i32
        %get3A_1484 = arith.index_cast %get3A_1483 : i32 to index
        %get3A_1485 = arith.index_cast %add3A_1469 : i32 to index
        %get3A_1486 = arith.constant 16 : index
        %get3A_1487 = tpu.vector_load %arg7[%get3A_1484, %get3A_1485, %get3A_1486] {strides = array<i32>} : memref<2x400x64xi32, #tpu.memory_space<vmem>>, vector<16xi32>,
        %bitcast3A_1488 = vector.bitcast %get3A_1487 : vector<16xi32> to vector<32xbf16>
        %get3A_1489 = arith.constant 1 : i32
        %get3A_1490 = arith.index_cast %get3A_1489 : i32 to index
        %get3A_1491 = arith.index_cast %add3A_1469 : i32 to index
        %get3A_1492 = arith.constant 16 : index
        %get3A_1493 = tpu.vector_load %arg8[%get3A_1490, %get3A_1491, %get3A_1492] {strides = array<i32>} : memref<2x400x64xi32, #tpu.memory_space<vmem>>, vector<16xi32>,
        %bitcast3A_1494 = vector.bitcast %get3A_1493 : vector<16xi32> to vector<32xbf16>
        %mul3A_1495 = arith.mulf %bitcast3A_1488, %bitcast3A_1494 : vector<32xbf16>
        %add3A_1496 = arith.addf %mul3A_1482, %mul3A_1495 : vector<32xbf16>
        %get3A_1497 = arith.constant 1 : i32
        %get3A_1498 = arith.index_cast %get3A_1497 : i32 to index
        %get3A_1499 = arith.index_cast %add3A_1469 : i32 to index
        %get3A_1500 = arith.constant 32 : index
        %get3A_1501 = tpu.vector_load %arg7[%get3A_1498, %get3A_1499, %get3A_1500] {strides = array<i32>} : memref<2x400x64xi32, #tpu.memory_space<vmem>>, vector<16xi32>,
        %bitcast3A_1502 = vector.bitcast %get3A_1501 : vector<16xi32> to vector<32xbf16>
        %get3A_1503 = arith.constant 1 : i32
        %get3A_1504 = arith.index_cast %get3A_1503 : i32 to index
        %get3A_1505 = arith.index_cast %add3A_1469 : i32 to index
        %get3A_1506 = arith.constant 32 : index
        %get3A_1507 = tpu.vector_load %arg8[%get3A_1504, %get3A_1505, %get3A_1506] {strides = array<i32>} : memref<2x400x64xi32, #tpu.memory_space<vmem>>, vector<16xi32>,
        %bitcast3A_1508 = vector.bitcast %get3A_1507 : vector<16xi32> to vector<32xbf16>
        %mul3A_1509 = arith.mulf %bitcast3A_1502, %bitcast3A_1508 : vector<32xbf16>
        %add3A_1510 = arith.addf %add3A_1496, %mul3A_1509 : vector<32xbf16>
        %get3A_1511 = arith.constant 1 : i32
        %get3A_1512 = arith.index_cast %get3A_1511 : i32 to index
        %get3A_1513 = arith.index_cast %add3A_1469 : i32 to index
        %get3A_1514 = arith.constant 48 : index
        %get3A_1515 = tpu.vector_load %arg7[%get3A_1512, %get3A_1513, %get3A_1514] {strides = array<i32>} : memref<2x400x64xi32, #tpu.memory_space<vmem>>, vector<16xi32>,
        %bitcast3A_1516 = vector.bitcast %get3A_1515 : vector<16xi32> to vector<32xbf16>
        %get3A_1517 = arith.constant 1 : i32
        %get3A_1518 = arith.index_cast %get3A_1517 : i32 to index
        %get3A_1519 = arith.index_cast %add3A_1469 : i32 to index
        %get3A_1520 = arith.constant 48 : index
        %get3A_1521 = tpu.vector_load %arg8[%get3A_1518, %get3A_1519, %get3A_1520] {strides = array<i32>} : memref<2x400x64xi32, #tpu.memory_space<vmem>>, vector<16xi32>,
        %bitcast3A_1522 = vector.bitcast %get3A_1521 : vector<16xi32> to vector<32xbf16>
        %mul3A_1523 = arith.mulf %bitcast3A_1516, %bitcast3A_1522 : vector<32xbf16>
        %add3A_1524 = arith.addf %add3A_1510, %mul3A_1523 : vector<32xbf16>
        %unpack3A_1525 = tpu.unpack_subelements %add3A_1524, 0 {pack_format = #tpu.pack_format<interleaved>} : vector<32xbf16> -> vector<16xf32>
        %unpack3A_1526 = tpu.unpack_subelements %add3A_1524, 1 {pack_format = #tpu.pack_format<interleaved>} : vector<32xbf16> -> vector<16xf32>
        %eq3A_1527 = arith.constant 15 : i32
        %eq3A_1528 = vector.broadcast %eq3A_1527 : i32 to vector<16xi32>
        %eq3A_1529 = arith.cmpi eq, %iota3A, %eq3A_1528 : vector<16xi32>
        %add3A_1530 = arith.addf %unpack3A_1525, %unpack3A_1526 : vector<16xf32>
        %reduce_sum3A_1531 = arith.constant true
        %reduce_sum3A_1532 = vector.broadcast %reduce_sum3A_1531 : i1 to vector<16xi1>
        %reduce_sum3A_1533 = tpu.scan <sum>, %add3A_1530 masked %reduce_sum3A_1532 : vector<16xf32>, vector<16xi1> -> vector<16xf32>
        %reduce_sum3A_1534 = vector.extract %reduce_sum3A_1533[15] : f32 from vector<16xf32>
        %broadcast_in_dim3A_1535 = vector.broadcast %reduce_sum3A_1534 : f32 to vector<16xf32>
        %select_n3A_1536 = arith.select %eq3A_1529, %broadcast_in_dim3A_1535, %select_n3A_1467 : vector<16xi1>, vector<16xf32>
        %swap3A = arith.constant 1 : i32
        %swap3A_1537 = arith.index_cast %swap3A : i32 to index
        %swap3A_1538 = arith.index_cast %mul3A_437 : i32 to index
        %swap3A_1539 = tpu.vector_load %arg9[%swap3A_1537, %swap3A_1538] {strides = array<i32>} : memref<2x400xf32, #tpu.memory_space<vmem>>, vector<16xf32>,
        tpu.vector_store %arg9[%swap3A_1537, %swap3A_1538], %select_n3A_1536 {strides = array<i32>} : memref<2x400xf32, #tpu.memory_space<vmem>>, vector<16xf32>,
      }
      %scan3A_423 = arith.constant 25 : i32
      %add3A_424 = arith.constant 400 : i32
      %add3A_425 = arith.addi %add3A_191, %add3A_424 : i32
      %dma_start3A_426 = arith.constant 1 : i32
      %dma_start3A_427 = arith.constant 0 : i32
      %dma_start3A_428 = tpu.memref_slice %arg9[%dma_start3A_426, %dma_start3A_427] : memref<2x400xf32, #tpu.memory_space<vmem>> -> memref<1x400xf32, #tpu.memory_space<vmem>>
      %dma_start3A_429 = tpu.memref_squeeze %dma_start3A_428 : memref<1x400xf32, #tpu.memory_space<vmem>> -> memref<400xf32, #tpu.memory_space<vmem>>
      %dma_start3A_430 = tpu.memref_slice %arg4[%add3A_425] : memref<320000xf32, #tpu.memory_space<hbm>> -> memref<400xf32, #tpu.memory_space<hbm>>
      %dma_start3A_431 = tpu.memref_slice %arg4[%add3A_425] : memref<320000xf32, #tpu.memory_space<hbm>> -> memref<400xf32, #tpu.memory_space<hbm>>
      %dma_start3A_432 = arith.constant 0 : i32
      %dma_start3A_433 = tpu.memref_slice %arg9[%dma_start3A_426, %dma_start3A_432] : memref<2x400xf32, #tpu.memory_space<vmem>> -> memref<1x400xf32, #tpu.memory_space<vmem>>
      %dma_start3A_434 = tpu.memref_squeeze %dma_start3A_433 : memref<1x400xf32, #tpu.memory_space<vmem>> -> memref<400xf32, #tpu.memory_space<vmem>>
      tpu.enqueue_dma source(%dma_start3A_434 : memref<400xf32, #tpu.memory_space<vmem>>) target(%dma_start3A_431 : memref<400xf32, #tpu.memory_space<hbm>>) target_semaphore(%arg15 : memref<!tpu.dma_semaphore, #tpu.memory_space<semaphore_mem>>)
    }
    %scan3A_110 = arith.constant 12 : i32
    %dma_wait3A_111 = arith.constant 0 : i32
    %dma_wait3A_112 = arith.constant 0 : i32
    %dma_wait3A_113 = arith.constant 0 : i32
    %dma_wait3A_114 = arith.constant 0 : i32
    %dma_wait3A_115 = tpu.memref_slice %arg7[%dma_wait3A_112, %dma_wait3A_113, %dma_wait3A_114] : memref<2x400x64xi32, #tpu.memory_space<vmem>> -> memref<1x400x64xi32, #tpu.memory_space<vmem>>
    %dma_wait3A_116 = tpu.memref_squeeze %dma_wait3A_115 : memref<1x400x64xi32, #tpu.memory_space<vmem>> -> memref<400x64xi32, #tpu.memory_space<vmem>>
    %dma_wait3A_117 = arith.constant 0 : i32
    %dma_wait3A_118 = tpu.memref_slice %arg5[%dma_wait3A_111, %dma_wait3A_117] : memref<2x400xi32, #tpu.memory_space<vmem>> -> memref<1x400xi32, #tpu.memory_space<vmem>>
    %dma_wait3A_119 = tpu.memref_squeeze %dma_wait3A_118 : memref<1x400xi32, #tpu.memory_space<vmem>> -> memref<400xi32, #tpu.memory_space<vmem>>
    %dma_wait3A_120 = arith.constant 0 : i32
    %dma_wait3A_121 = arith.constant 0 : i32
    %dma_wait3A_122 = tpu.memref_slice %arg2[%arg0, %dma_wait3A_120, %dma_wait3A_121] : memref<2x10000x64xi32, #tpu.memory_space<hbm>> -> memref<1x10000x64xi32, #tpu.memory_space<hbm>>
    %dma_wait3A_123 = tpu.memref_squeeze %dma_wait3A_122 : memref<1x10000x64xi32, #tpu.memory_space<hbm>> -> memref<10000x64xi32, #tpu.memory_space<hbm>>
    %dma_wait3A_124 = arith.constant 0 : i32
    %dma_wait3A_125 = arith.constant 0 : i32
    %dma_wait3A_126 = tpu.memref_slice %dma_wait3A_123[%dma_wait3A_124, %dma_wait3A_125] : memref<10000x64xi32, #tpu.memory_space<hbm>> -> memref<10000x64xi32, #tpu.memory_space<hbm>>
    tpu.wait_indirect_dma semaphore(%arg12 : memref<!tpu.dma_semaphore, #tpu.memory_space<semaphore_mem>>) src(%dma_wait3A_126 : memref<10000x64xi32, #tpu.memory_space<hbm>>) dst(%dma_wait3A_116 : memref<400x64xi32, #tpu.memory_space<vmem>>)
    %dma_wait3A_127 = arith.constant 0 : i32
    %dma_wait3A_128 = arith.constant 0 : i32
    %dma_wait3A_129 = arith.constant 0 : i32
    %dma_wait3A_130 = arith.constant 0 : i32
    %dma_wait3A_131 = tpu.memref_slice %arg8[%dma_wait3A_128, %dma_wait3A_129, %dma_wait3A_130] : memref<2x400x64xi32, #tpu.memory_space<vmem>> -> memref<1x400x64xi32, #tpu.memory_space<vmem>>
    %dma_wait3A_132 = tpu.memref_squeeze %dma_wait3A_131 : memref<1x400x64xi32, #tpu.memory_space<vmem>> -> memref<400x64xi32, #tpu.memory_space<vmem>>
    %dma_wait3A_133 = arith.constant 0 : i32
    %dma_wait3A_134 = tpu.memref_slice %arg6[%dma_wait3A_127, %dma_wait3A_133] : memref<2x400xi32, #tpu.memory_space<vmem>> -> memref<1x400xi32, #tpu.memory_space<vmem>>
    %dma_wait3A_135 = tpu.memref_squeeze %dma_wait3A_134 : memref<1x400xi32, #tpu.memory_space<vmem>> -> memref<400xi32, #tpu.memory_space<vmem>>
    %dma_wait3A_136 = arith.constant 0 : i32
    %dma_wait3A_137 = arith.constant 0 : i32
    %dma_wait3A_138 = tpu.memref_slice %arg2[%arg0, %dma_wait3A_136, %dma_wait3A_137] : memref<2x10000x64xi32, #tpu.memory_space<hbm>> -> memref<1x10000x64xi32, #tpu.memory_space<hbm>>
    %dma_wait3A_139 = tpu.memref_squeeze %dma_wait3A_138 : memref<1x10000x64xi32, #tpu.memory_space<hbm>> -> memref<10000x64xi32, #tpu.memory_space<hbm>>
    %dma_wait3A_140 = arith.constant 0 : i32
    %dma_wait3A_141 = arith.constant 0 : i32
    %dma_wait3A_142 = tpu.memref_slice %dma_wait3A_139[%dma_wait3A_140, %dma_wait3A_141] : memref<10000x64xi32, #tpu.memory_space<hbm>> -> memref<10000x64xi32, #tpu.memory_space<hbm>>
    tpu.wait_indirect_dma semaphore(%arg12 : memref<!tpu.dma_semaphore, #tpu.memory_space<semaphore_mem>>) src(%dma_wait3A_142 : memref<10000x64xi32, #tpu.memory_space<hbm>>) dst(%dma_wait3A_132 : memref<400x64xi32, #tpu.memory_space<vmem>>)
    %dma_wait3A_143 = arith.constant 0 : i32
    %dma_wait3A_144 = arith.constant 0 : i32
    %dma_wait3A_145 = tpu.memref_slice %arg9[%dma_wait3A_143, %dma_wait3A_144] : memref<2x400xf32, #tpu.memory_space<vmem>> -> memref<1x400xf32, #tpu.memory_space<vmem>>
    %dma_wait3A_146 = tpu.memref_squeeze %dma_wait3A_145 : memref<1x400xf32, #tpu.memory_space<vmem>> -> memref<400xf32, #tpu.memory_space<vmem>>
    %dma_wait3A_147 = tpu.memref_slice %arg4[%mul3A_2] : memref<320000xf32, #tpu.memory_space<hbm>> -> memref<400xf32, #tpu.memory_space<hbm>>
    %dma_wait3A_148 = tpu.memref_slice %arg4[%mul3A_2] : memref<320000xf32, #tpu.memory_space<hbm>> -> memref<400xf32, #tpu.memory_space<hbm>>
    %dma_wait3A_149 = arith.constant 0 : i32
    %dma_wait3A_150 = tpu.memref_slice %arg9[%dma_wait3A_143, %dma_wait3A_149] : memref<2x400xf32, #tpu.memory_space<vmem>> -> memref<1x400xf32, #tpu.memory_space<vmem>>
    %dma_wait3A_151 = tpu.memref_squeeze %dma_wait3A_150 : memref<1x400xf32, #tpu.memory_space<vmem>> -> memref<400xf32, #tpu.memory_space<vmem>>
    tpu.wait_dma2 semaphore(%arg14 : memref<!tpu.dma_semaphore, #tpu.memory_space<semaphore_mem>>) src(%dma_wait3A_151 : memref<400xf32, #tpu.memory_space<vmem>>) dst(%dma_wait3A_148 : memref<400xf32, #tpu.memory_space<hbm>>)
    %scan3A_152 = arith.constant 0 : i32
    %scan3A_153 = arith.constant 25 : i32
    %scan3A_154 = arith.addi %scan3A_152, %scan3A_153 : i32
    %scan3A_155 = arith.constant 1 : i32
    scf.for %scan3A_186 = %scan3A_152 to %scan3A_154 step %scan3A_155  : i32 {
      %mul3A_187 = arith.constant 16 : i32
      %mul3A_188 = arith.muli %scan3A_186, %mul3A_187 : i32
      %broadcast_in_dim3A = arith.constant 0.000000e+00 : f32
      %broadcast_in_dim3A_189 = vector.broadcast %broadcast_in_dim3A : f32 to vector<16xf32>
      %add3A_190 = arith.constant 0 : i32
      %add3A_191 = arith.addi %mul3A_188, %add3A_190 : i32
      %get3A = arith.constant 0 : i32
      %get3A_192 = arith.index_cast %get3A : i32 to index
      %get3A_193 = arith.index_cast %add3A_191 : i32 to index
      %get3A_194 = arith.constant 0 : index
      %get3A_195 = tpu.vector_load %arg7[%get3A_192, %get3A_193, %get3A_194] {strides = array<i32>} : memref<2x400x64xi32, #tpu.memory_space<vmem>>, vector<16xi32>,
      %bitcast3A = vector.bitcast %get3A_195 : vector<16xi32> to vector<32xbf16>
      %get3A_196 = arith.constant 0 : i32
      %get3A_197 = arith.index_cast %get3A_196 : i32 to index
      %get3A_198 = arith.index_cast %add3A_191 : i32 to index
      %get3A_199 = arith.constant 0 : index
      %get3A_200 = tpu.vector_load %arg8[%get3A_197, %get3A_198, %get3A_199] {strides = array<i32>} : memref<2x400x64xi32, #tpu.memory_space<vmem>>, vector<16xi32>,
      %bitcast3A_201 = vector.bitcast %get3A_200 : vector<16xi32> to vector<32xbf16>
      %mul3A_202 = arith.mulf %bitcast3A, %bitcast3A_201 : vector<32xbf16>
      %get3A_203 = arith.constant 0 : i32
      %get3A_204 = arith.index_cast %get3A_203 : i32 to index
      %get3A_205 = arith.index_cast %add3A_191 : i32 to index
      %get3A_206 = arith.constant 16 : index
      %get3A_207 = tpu.vector_load %arg7[%get3A_204, %get3A_205, %get3A_206] {strides = array<i32>} : memref<2x400x64xi32, #tpu.memory_space<vmem>>, vector<16xi32>,
      %bitcast3A_208 = vector.bitcast %get3A_207 : vector<16xi32> to vector<32xbf16>
      %get3A_209 = arith.constant 0 : i32
      %get3A_210 = arith.index_cast %get3A_209 : i32 to index
      %get3A_211 = arith.index_cast %add3A_191 : i32 to index
      %get3A_212 = arith.constant 16 : index
      %get3A_213 = tpu.vector_load %arg8[%get3A_210, %get3A_211, %get3A_212] {strides = array<i32>} : memref<2x400x64xi32, #tpu.memory_space<vmem>>, vector<16xi32>,
      %bitcast3A_214 = vector.bitcast %get3A_213 : vector<16xi32> to vector<32xbf16>
      %mul3A_215 = arith.mulf %bitcast3A_208, %bitcast3A_214 : vector<32xbf16>
      %add3A_216 = arith.addf %mul3A_202, %mul3A_215 : vector<32xbf16>
      %get3A_217 = arith.constant 0 : i32
      %get3A_218 = arith.index_cast %get3A_217 : i32 to index
      %get3A_219 = arith.index_cast %add3A_191 : i32 to index
      %get3A_220 = arith.constant 32 : index
      %get3A_221 = tpu.vector_load %arg7[%get3A_218, %get3A_219, %get3A_220] {strides = array<i32>} : memref<2x400x64xi32, #tpu.memory_space<vmem>>, vector<16xi32>,
      %bitcast3A_222 = vector.bitcast %get3A_221 : vector<16xi32> to vector<32xbf16>
      %get3A_223 = arith.constant 0 : i32
      %get3A_224 = arith.index_cast %get3A_223 : i32 to index
      %get3A_225 = arith.index_cast %add3A_191 : i32 to index
      %get3A_226 = arith.constant 32 : index
      %get3A_227 = tpu.vector_load %arg8[%get3A_224, %get3A_225, %get3A_226] {strides = array<i32>} : memref<2x400x64xi32, #tpu.memory_space<vmem>>, vector<16xi32>,
      %bitcast3A_228 = vector.bitcast %get3A_227 : vector<16xi32> to vector<32xbf16>
      %mul3A_229 = arith.mulf %bitcast3A_222, %bitcast3A_228 : vector<32xbf16>
      %add3A_230 = arith.addf %add3A_216, %mul3A_229 : vector<32xbf16>
      %get3A_231 = arith.constant 0 : i32
      %get3A_232 = arith.index_cast %get3A_231 : i32 to index
      %get3A_233 = arith.index_cast %add3A_191 : i32 to index
      %get3A_234 = arith.constant 48 : index
      %get3A_235 = tpu.vector_load %arg7[%get3A_232, %get3A_233, %get3A_234] {strides = array<i32>} : memref<2x400x64xi32, #tpu.memory_space<vmem>>, vector<16xi32>,
      %bitcast3A_236 = vector.bitcast %get3A_235 : vector<16xi32> to vector<32xbf16>
      %get3A_237 = arith.constant 0 : i32
      %get3A_238 = arith.index_cast %get3A_237 : i32 to index
      %get3A_239 = arith.index_cast %add3A_191 : i32 to index
      %get3A_240 = arith.constant 48 : index
      %get3A_241 = tpu.vector_load %arg8[%get3A_238, %get3A_239, %get3A_240] {strides = array<i32>} : memref<2x400x64xi32, #tpu.memory_space<vmem>>, vector<16xi32>,
      %bitcast3A_242 = vector.bitcast %get3A_241 : vector<16xi32> to vector<32xbf16>
      %mul3A_243 = arith.mulf %bitcast3A_236, %bitcast3A_242 : vector<32xbf16>
      %add3A_244 = arith.addf %add3A_230, %mul3A_243 : vector<32xbf16>
      %unpack3A = tpu.unpack_subelements %add3A_244, 0 {pack_format = #tpu.pack_format<interleaved>} : vector<32xbf16> -> vector<16xf32>
      %unpack3A_245 = tpu.unpack_subelements %add3A_244, 1 {pack_format = #tpu.pack_format<interleaved>} : vector<32xbf16> -> vector<16xf32>
      %eq3A = arith.constant 0 : i32
      %eq3A_246 = vector.broadcast %eq3A : i32 to vector<16xi32>
      %eq3A_247 = arith.cmpi eq, %iota3A, %eq3A_246 : vector<16xi32>
      %add3A_248 = arith.addf %unpack3A, %unpack3A_245 : vector<16xf32>
      %reduce_sum3A = arith.constant true
      %reduce_sum3A_249 = vector.broadcast %reduce_sum3A : i1 to vector<16xi1>
      %reduce_sum3A_250 = tpu.scan <sum>, %add3A_248 masked %reduce_sum3A_249 : vector<16xf32>, vector<16xi1> -> vector<16xf32>
      %reduce_sum3A_251 = vector.extract %reduce_sum3A_250[15] : f32 from vector<16xf32>
      %broadcast_in_dim3A_252 = vector.broadcast %reduce_sum3A_251 : f32 to vector<16xf32>
      %select_n3A = arith.select %eq3A_247, %broadcast_in_dim3A_252, %broadcast_in_dim3A_189 : vector<16xi1>, vector<16xf32>
      %add3A_253 = arith.constant 1 : i32
      %add3A_254 = arith.addi %mul3A_188, %add3A_253 : i32
      %get3A_255 = arith.constant 0 : i32
      %get3A_256 = arith.index_cast %get3A_255 : i32 to index
      %get3A_257 = arith.index_cast %add3A_254 : i32 to index
      %get3A_258 = arith.constant 0 : index
      %get3A_259 = tpu.vector_load %arg7[%get3A_256, %get3A_257, %get3A_258] {strides = array<i32>} : memref<2x400x64xi32, #tpu.memory_space<vmem>>, vector<16xi32>,
      %bitcast3A_260 = vector.bitcast %get3A_259 : vector<16xi32> to vector<32xbf16>
      %get3A_261 = arith.constant 0 : i32
      %get3A_262 = arith.index_cast %get3A_261 : i32 to index
      %get3A_263 = arith.index_cast %add3A_254 : i32 to index
      %get3A_264 = arith.constant 0 : index
      %get3A_265 = tpu.vector_load %arg8[%get3A_262, %get3A_263, %get3A_264] {strides = array<i32>} : memref<2x400x64xi32, #tpu.memory_space<vmem>>, vector<16xi32>,
      %bitcast3A_266 = vector.bitcast %get3A_265 : vector<16xi32> to vector<32xbf16>
      %mul3A_267 = arith.mulf %bitcast3A_260, %bitcast3A_266 : vector<32xbf16>
      %get3A_268 = arith.constant 0 : i32
      %get3A_269 = arith.index_cast %get3A_268 : i32 to index
      %get3A_270 = arith.index_cast %add3A_254 : i32 to index
      %get3A_271 = arith.constant 16 : index
      %get3A_272 = tpu.vector_load %arg7[%get3A_269, %get3A_270, %get3A_271] {strides = array<i32>} : memref<2x400x64xi32, #tpu.memory_space<vmem>>, vector<16xi32>,
      %bitcast3A_273 = vector.bitcast %get3A_272 : vector<16xi32> to vector<32xbf16>
      %get3A_274 = arith.constant 0 : i32
      %get3A_275 = arith.index_cast %get3A_274 : i32 to index
      %get3A_276 = arith.index_cast %add3A_254 : i32 to index
      %get3A_277 = arith.constant 16 : index
      %get3A_278 = tpu.vector_load %arg8[%get3A_275, %get3A_276, %get3A_277] {strides = array<i32>} : memref<2x400x64xi32, #tpu.memory_space<vmem>>, vector<16xi32>,
      %bitcast3A_279 = vector.bitcast %get3A_278 : vector<16xi32> to vector<32xbf16>
      %mul3A_280 = arith.mulf %bitcast3A_273, %bitcast3A_279 : vector<32xbf16>
      %add3A_281 = arith.addf %mul3A_267, %mul3A_280 : vector<32xbf16>
      %get3A_282 = arith.constant 0 : i32
      %get3A_283 = arith.index_cast %get3A_282 : i32 to index
      %get3A_284 = arith.index_cast %add3A_254 : i32 to index
      %get3A_285 = arith.constant 32 : index
      %get3A_286 = tpu.vector_load %arg7[%get3A_283, %get3A_284, %get3A_285] {strides = array<i32>} : memref<2x400x64xi32, #tpu.memory_space<vmem>>, vector<16xi32>,
      %bitcast3A_287 = vector.bitcast %get3A_286 : vector<16xi32> to vector<32xbf16>
      %get3A_288 = arith.constant 0 : i32
      %get3A_289 = arith.index_cast %get3A_288 : i32 to index
      %get3A_290 = arith.index_cast %add3A_254 : i32 to index
      %get3A_291 = arith.constant 32 : index
      %get3A_292 = tpu.vector_load %arg8[%get3A_289, %get3A_290, %get3A_291] {strides = array<i32>} : memref<2x400x64xi32, #tpu.memory_space<vmem>>, vector<16xi32>,
      %bitcast3A_293 = vector.bitcast %get3A_292 : vector<16xi32> to vector<32xbf16>
      %mul3A_294 = arith.mulf %bitcast3A_287, %bitcast3A_293 : vector<32xbf16>
      %add3A_295 = arith.addf %add3A_281, %mul3A_294 : vector<32xbf16>
      %get3A_296 = arith.constant 0 : i32
      %get3A_297 = arith.index_cast %get3A_296 : i32 to index
      %get3A_298 = arith.index_cast %add3A_254 : i32 to index
      %get3A_299 = arith.constant 48 : index
      %get3A_300 = tpu.vector_load %arg7[%get3A_297, %get3A_298, %get3A_299] {strides = array<i32>} : memref<2x400x64xi32, #tpu.memory_space<vmem>>, vector<16xi32>,
      %bitcast3A_301 = vector.bitcast %get3A_300 : vector<16xi32> to vector<32xbf16>
      %get3A_302 = arith.constant 0 : i32
      %get3A_303 = arith.index_cast %get3A_302 : i32 to index
      %get3A_304 = arith.index_cast %add3A_254 : i32 to index
      %get3A_305 = arith.constant 48 : index
      %get3A_306 = tpu.vector_load %arg8[%get3A_303, %get3A_304, %get3A_305] {strides = array<i32>} : memref<2x400x64xi32, #tpu.memory_space<vmem>>, vector<16xi32>,
      %bitcast3A_307 = vector.bitcast %get3A_306 : vector<16xi32> to vector<32xbf16>
      %mul3A_308 = arith.mulf %bitcast3A_301, %bitcast3A_307 : vector<32xbf16>
      %add3A_309 = arith.addf %add3A_295, %mul3A_308 : vector<32xbf16>
      %unpack3A_310 = tpu.unpack_subelements %add3A_309, 0 {pack_format = #tpu.pack_format<interleaved>} : vector<32xbf16> -> vector<16xf32>
      %unpack3A_311 = tpu.unpack_subelements %add3A_309, 1 {pack_format = #tpu.pack_format<interleaved>} : vector<32xbf16> -> vector<16xf32>
      %eq3A_312 = arith.constant 1 : i32
      %eq3A_313 = vector.broadcast %eq3A_312 : i32 to vector<16xi32>
      %eq3A_314 = arith.cmpi eq, %iota3A, %eq3A_313 : vector<16xi32>
      %add3A_315 = arith.addf %unpack3A_310, %unpack3A_311 : vector<16xf32>
      %reduce_sum3A_316 = arith.constant true
      %reduce_sum3A_317 = vector.broadcast %reduce_sum3A_316 : i1 to vector<16xi1>
      %reduce_sum3A_318 = tpu.scan <sum>, %add3A_315 masked %reduce_sum3A_317 : vector<16xf32>, vector<16xi1> -> vector<16xf32>
      %reduce_sum3A_319 = vector.extract %reduce_sum3A_318[15] : f32 from vector<16xf32>
      %broadcast_in_dim3A_320 = vector.broadcast %reduce_sum3A_319 : f32 to vector<16xf32>
      %select_n3A_321 = arith.select %eq3A_314, %broadcast_in_dim3A_320, %select_n3A : vector<16xi1>, vector<16xf32>
      %add3A_322 = arith.constant 2 : i32
      %add3A_323 = arith.addi %mul3A_188, %add3A_322 : i32
      %get3A_324 = arith.constant 0 : i32
      %get3A_325 = arith.index_cast %get3A_324 : i32 to index
      %get3A_326 = arith.index_cast %add3A_323 : i32 to index
      %get3A_327 = arith.constant 0 : index
      %get3A_328 = tpu.vector_load %arg7[%get3A_325, %get3A_326, %get3A_327] {strides = array<i32>} : memref<2x400x64xi32, #tpu.memory_space<vmem>>, vector<16xi32>,
      %bitcast3A_329 = vector.bitcast %get3A_328 : vector<16xi32> to vector<32xbf16>
      %get3A_330 = arith.constant 0 : i32
      %get3A_331 = arith.index_cast %get3A_330 : i32 to index
      %get3A_332 = arith.index_cast %add3A_323 : i32 to index
      %get3A_333 = arith.constant 0 : index
      %get3A_334 = tpu.vector_load %arg8[%get3A_331, %get3A_332, %get3A_333] {strides = array<i32>} : memref<2x400x64xi32, #tpu.memory_space<vmem>>, vector<16xi32>,
      %bitcast3A_335 = vector.bitcast %get3A_334 : vector<16xi32> to vector<32xbf16>
      %mul3A_336 = arith.mulf %bitcast3A_329, %bitcast3A_335 : vector<32xbf16>
      %get3A_337 = arith.constant 0 : i32
      %get3A_338 = arith.index_cast %get3A_337 : i32 to index
      %get3A_339 = arith.index_cast %add3A_323 : i32 to index
      %get3A_340 = arith.constant 16 : index
      %get3A_341 = tpu.vector_load %arg7[%get3A_338, %get3A_339, %get3A_340] {strides = array<i32>} : memref<2x400x64xi32, #tpu.memory_space<vmem>>, vector<16xi32>,
      %bitcast3A_342 = vector.bitcast %get3A_341 : vector<16xi32> to vector<32xbf16>
      %get3A_343 = arith.constant 0 : i32
      %get3A_344 = arith.index_cast %get3A_343 : i32 to index
      %get3A_345 = arith.index_cast %add3A_323 : i32 to index
      %get3A_346 = arith.constant 16 : index
      %get3A_347 = tpu.vector_load %arg8[%get3A_344, %get3A_345, %get3A_346] {strides = array<i32>} : memref<2x400x64xi32, #tpu.memory_space<vmem>>, vector<16xi32>,
      %bitcast3A_348 = vector.bitcast %get3A_347 : vector<16xi32> to vector<32xbf16>
      %mul3A_349 = arith.mulf %bitcast3A_342, %bitcast3A_348 : vector<32xbf16>
      %add3A_350 = arith.addf %mul3A_336, %mul3A_349 : vector<32xbf16>
      %get3A_351 = arith.constant 0 : i32
      %get3A_352 = arith.index_cast %get3A_351 : i32 to index
      %get3A_353 = arith.index_cast %add3A_323 : i32 to index
      %get3A_354 = arith.constant 32 : index
      %get3A_355 = tpu.vector_load %arg7[%get3A_352, %get3A_353, %get3A_354] {strides = array<i32>} : memref<2x400x64xi32, #tpu.memory_space<vmem>>, vector<16xi32>,
      %bitcast3A_356 = vector.bitcast %get3A_355 : vector<16xi32> to vector<32xbf16>
      %get3A_357 = arith.constant 0 : i32
      %get3A_358 = arith.index_cast %get3A_357 : i32 to index
      %get3A_359 = arith.index_cast %add3A_323 : i32 to index
      %get3A_360 = arith.constant 32 : index
      %get3A_361 = tpu.vector_load %arg8[%get3A_358, %get3A_359, %get3A_360] {strides = array<i32>} : memref<2x400x64xi32, #tpu.memory_space<vmem>>, vector<16xi32>,
      %bitcast3A_362 = vector.bitcast %get3A_361 : vector<16xi32> to vector<32xbf16>
      %mul3A_363 = arith.mulf %bitcast3A_356, %bitcast3A_362 : vector<32xbf16>
      %add3A_364 = arith.addf %add3A_350, %mul3A_363 : vector<32xbf16>
      %get3A_365 = arith.constant 0 : i32
      %get3A_366 = arith.index_cast %get3A_365 : i32 to index
      %get3A_367 = arith.index_cast %add3A_323 : i32 to index
      %get3A_368 = arith.constant 48 : index
      %get3A_369 = tpu.vector_load %arg7[%get3A_366, %get3A_367, %get3A_368] {strides = array<i32>} : memref<2x400x64xi32, #tpu.memory_space<vmem>>, vector<16xi32>,
      %bitcast3A_370 = vector.bitcast %get3A_369 : vector<16xi32> to vector<32xbf16>
      %get3A_371 = arith.constant 0 : i32
      %get3A_372 = arith.index_cast %get3A_371 : i32 to index
      %get3A_373 = arith.index_cast %add3A_323 : i32 to index
      %get3A_374 = arith.constant 48 : index
      %get3A_375 = tpu.vector_load %arg8[%get3A_372, %get3A_373, %get3A_374] {strides = array<i32>} : memref<2x400x64xi32, #tpu.memory_space<vmem>>, vector<16xi32>,
      %bitcast3A_376 = vector.bitcast %get3A_375 : vector<16xi32> to vector<32xbf16>
      %mul3A_377 = arith.mulf %bitcast3A_370, %bitcast3A_376 : vector<32xbf16>
      %add3A_378 = arith.addf %add3A_364, %mul3A_377 : vector<32xbf16>
      %unpack3A_379 = tpu.unpack_subelements %add3A_378, 0 {pack_format = #tpu.pack_format<interleaved>} : vector<32xbf16> -> vector<16xf32>
      %unpack3A_380 = tpu.unpack_subelements %add3A_378, 1 {pack_format = #tpu.pack_format<interleaved>} : vector<32xbf16> -> vector<16xf32>
      %eq3A_381 = arith.constant 2 : i32
      %eq3A_382 = vector.broadcast %eq3A_381 : i32 to vector<16xi32>
      %eq3A_383 = arith.cmpi eq, %iota3A, %eq3A_382 : vector<16xi32>
      %add3A_384 = arith.addf %unpack3A_379, %unpack3A_380 : vector<16xf32>
      %reduce_sum3A_385 = arith.constant true
      %reduce_sum3A_386 = vector.broadcast %reduce_sum3A_385 : i1 to vector<16xi1>
      %reduce_sum3A_387 = tpu.scan <sum>, %add3A_384 masked %reduce_sum3A_386 : vector<16xf32>, vector<16xi1> -> vector<16xf32>
      %reduce_sum3A_388 = vector.extract %reduce_sum3A_387[15] : f32 from vector<16xf32>
      %broadcast_in_dim3A_389 = vector.broadcast %reduce_sum3A_388 : f32 to vector<16xf32>
      %select_n3A_390 = arith.select %eq3A_383, %broadcast_in_dim3A_389, %select_n3A_321 : vector<16xi1>, vector<16xf32>
      %add3A_391 = arith.constant 3 : i32
      %add3A_392 = arith.addi %mul3A_188, %add3A_391 : i32
      %get3A_393 = arith.constant 0 : i32
      %get3A_394 = arith.index_cast %get3A_393 : i32 to index
      %get3A_395 = arith.index_cast %add3A_392 : i32 to index
      %get3A_396 = arith.constant 0 : index
      %get3A_397 = tpu.vector_load %arg7[%get3A_394, %get3A_395, %get3A_396] {strides = array<i32>} : memref<2x400x64xi32, #tpu.memory_space<vmem>>, vector<16xi32>,
      %bitcast3A_398 = vector.bitcast %get3A_397 : vector<16xi32> to vector<32xbf16>
      %get3A_399 = arith.constant 0 : i32
      %get3A_400 = arith.index_cast %get3A_399 : i32 to index
      %get3A_401 = arith.index_cast %add3A_392 : i32 to index
      %get3A_402 = arith.constant 0 : index
      %get3A_403 = tpu.vector_load %arg8[%get3A_400, %get3A_401, %get3A_402] {strides = array<i32>} : memref<2x400x64xi32, #tpu.memory_space<vmem>>, vector<16xi32>,
      %bitcast3A_404 = vector.bitcast %get3A_403 : vector<16xi32> to vector<32xbf16>
      %mul3A_405 = arith.mulf %bitcast3A_398, %bitcast3A_404 : vector<32xbf16>
      %get3A_406 = arith.constant 0 : i32
      %get3A_407 = arith.index_cast %get3A_406 : i32 to index
      %get3A_408 = arith.index_cast %add3A_392 : i32 to index
      %get3A_409 = arith.constant 16 : index
      %get3A_410 = tpu.vector_load %arg7[%get3A_407, %get3A_408, %get3A_409] {strides = array<i32>} : memref<2x400x64xi32, #tpu.memory_space<vmem>>, vector<16xi32>,
      %bitcast3A_411 = vector.bitcast %get3A_410 : vector<16xi32> to vector<32xbf16>
      %get3A_412 = arith.constant 0 : i32
      %get3A_413 = arith.index_cast %get3A_412 : i32 to index
      %get3A_414 = arith.index_cast %add3A_392 : i32 to index
      %get3A_415 = arith.constant 16 : index
      %get3A_416 = tpu.vector_load %arg8[%get3A_413, %get3A_414, %get3A_415] {strides = array<i32>} : memref<2x400x64xi32, #tpu.memory_space<vmem>>, vector<16xi32>,
      %bitcast3A_417 = vector.bitcast %get3A_416 : vector<16xi32> to vector<32xbf16>
      %mul3A_418 = arith.mulf %bitcast3A_411, %bitcast3A_417 : vector<32xbf16>
      %add3A_419 = arith.addf %mul3A_405, %mul3A_418 : vector<32xbf16>
      %get3A_420 = arith.constant 0 : i32
      %get3A_421 = arith.index_cast %get3A_420 : i32 to index
      %get3A_422 = arith.index_cast %add3A_392 : i32 to index
      %get3A_423 = arith.constant 32 : index
      %get3A_424 = tpu.vector_load %arg7[%get3A_421, %get3A_422, %get3A_423] {strides = array<i32>} : memref<2x400x64xi32, #tpu.memory_space<vmem>>, vector<16xi32>,
      %bitcast3A_425 = vector.bitcast %get3A_424 : vector<16xi32> to vector<32xbf16>
      %get3A_426 = arith.constant 0 : i32
      %get3A_427 = arith.index_cast %get3A_426 : i32 to index
      %get3A_428 = arith.index_cast %add3A_392 : i32 to index
      %get3A_429 = arith.constant 32 : index
      %get3A_430 = tpu.vector_load %arg8[%get3A_427, %get3A_428, %get3A_429] {strides = array<i32>} : memref<2x400x64xi32, #tpu.memory_space<vmem>>, vector<16xi32>,
      %bitcast3A_431 = vector.bitcast %get3A_430 : vector<16xi32> to vector<32xbf16>
      %mul3A_432 = arith.mulf %bitcast3A_425, %bitcast3A_431 : vector<32xbf16>
      %add3A_433 = arith.addf %add3A_419, %mul3A_432 : vector<32xbf16>
      %get3A_434 = arith.constant 0 : i32
      %get3A_435 = arith.index_cast %get3A_434 : i32 to index
      %get3A_436 = arith.index_cast %add3A_392 : i32 to index
      %get3A_437 = arith.constant 48 : index
      %get3A_438 = tpu.vector_load %arg7[%get3A_435, %get3A_436, %get3A_437] {strides = array<i32>} : memref<2x400x64xi32, #tpu.memory_space<vmem>>, vector<16xi32>,
      %bitcast3A_439 = vector.bitcast %get3A_438 : vector<16xi32> to vector<32xbf16>
      %get3A_440 = arith.constant 0 : i32
      %get3A_441 = arith.index_cast %get3A_440 : i32 to index
      %get3A_442 = arith.index_cast %add3A_392 : i32 to index
      %get3A_443 = arith.constant 48 : index
      %get3A_444 = tpu.vector_load %arg8[%get3A_441, %get3A_442, %get3A_443] {strides = array<i32>} : memref<2x400x64xi32, #tpu.memory_space<vmem>>, vector<16xi32>,
      %bitcast3A_445 = vector.bitcast %get3A_444 : vector<16xi32> to vector<32xbf16>
      %mul3A_446 = arith.mulf %bitcast3A_439, %bitcast3A_445 : vector<32xbf16>
      %add3A_447 = arith.addf %add3A_433, %mul3A_446 : vector<32xbf16>
      %unpack3A_448 = tpu.unpack_subelements %add3A_447, 0 {pack_format = #tpu.pack_format<interleaved>} : vector<32xbf16> -> vector<16xf32>
      %unpack3A_449 = tpu.unpack_subelements %add3A_447, 1 {pack_format = #tpu.pack_format<interleaved>} : vector<32xbf16> -> vector<16xf32>
      %eq3A_450 = arith.constant 3 : i32
      %eq3A_451 = vector.broadcast %eq3A_450 : i32 to vector<16xi32>
      %eq3A_452 = arith.cmpi eq, %iota3A, %eq3A_451 : vector<16xi32>
      %add3A_453 = arith.addf %unpack3A_448, %unpack3A_449 : vector<16xf32>
      %reduce_sum3A_454 = arith.constant true
      %reduce_sum3A_455 = vector.broadcast %reduce_sum3A_454 : i1 to vector<16xi1>
      %reduce_sum3A_456 = tpu.scan <sum>, %add3A_453 masked %reduce_sum3A_455 : vector<16xf32>, vector<16xi1> -> vector<16xf32>
      %reduce_sum3A_457 = vector.extract %reduce_sum3A_456[15] : f32 from vector<16xf32>
      %broadcast_in_dim3A_458 = vector.broadcast %reduce_sum3A_457 : f32 to vector<16xf32>
      %select_n3A_459 = arith.select %eq3A_452, %broadcast_in_dim3A_458, %select_n3A_390 : vector<16xi1>, vector<16xf32>
      %add3A_460 = arith.constant 4 : i32
      %add3A_461 = arith.addi %mul3A_188, %add3A_460 : i32
      %get3A_462 = arith.constant 0 : i32
      %get3A_463 = arith.index_cast %get3A_462 : i32 to index
      %get3A_464 = arith.index_cast %add3A_461 : i32 to index
      %get3A_465 = arith.constant 0 : index
      %get3A_466 = tpu.vector_load %arg7[%get3A_463, %get3A_464, %get3A_465] {strides = array<i32>} : memref<2x400x64xi32, #tpu.memory_space<vmem>>, vector<16xi32>,
      %bitcast3A_467 = vector.bitcast %get3A_466 : vector<16xi32> to vector<32xbf16>
      %get3A_468 = arith.constant 0 : i32
      %get3A_469 = arith.index_cast %get3A_468 : i32 to index
      %get3A_470 = arith.index_cast %add3A_461 : i32 to index
      %get3A_471 = arith.constant 0 : index
      %get3A_472 = tpu.vector_load %arg8[%get3A_469, %get3A_470, %get3A_471] {strides = array<i32>} : memref<2x400x64xi32, #tpu.memory_space<vmem>>, vector<16xi32>,
      %bitcast3A_473 = vector.bitcast %get3A_472 : vector<16xi32> to vector<32xbf16>
      %mul3A_474 = arith.mulf %bitcast3A_467, %bitcast3A_473 : vector<32xbf16>
      %get3A_475 = arith.constant 0 : i32
      %get3A_476 = arith.index_cast %get3A_475 : i32 to index
      %get3A_477 = arith.index_cast %add3A_461 : i32 to index
      %get3A_478 = arith.constant 16 : index
      %get3A_479 = tpu.vector_load %arg7[%get3A_476, %get3A_477, %get3A_478] {strides = array<i32>} : memref<2x400x64xi32, #tpu.memory_space<vmem>>, vector<16xi32>,
      %bitcast3A_480 = vector.bitcast %get3A_479 : vector<16xi32> to vector<32xbf16>
      %get3A_481 = arith.constant 0 : i32
      %get3A_482 = arith.index_cast %get3A_481 : i32 to index
      %get3A_483 = arith.index_cast %add3A_461 : i32 to index
      %get3A_484 = arith.constant 16 : index
      %get3A_485 = tpu.vector_load %arg8[%get3A_482, %get3A_483, %get3A_484] {strides = array<i32>} : memref<2x400x64xi32, #tpu.memory_space<vmem>>, vector<16xi32>,
      %bitcast3A_486 = vector.bitcast %get3A_485 : vector<16xi32> to vector<32xbf16>
      %mul3A_487 = arith.mulf %bitcast3A_480, %bitcast3A_486 : vector<32xbf16>
      %add3A_488 = arith.addf %mul3A_474, %mul3A_487 : vector<32xbf16>
      %get3A_489 = arith.constant 0 : i32
      %get3A_490 = arith.index_cast %get3A_489 : i32 to index
      %get3A_491 = arith.index_cast %add3A_461 : i32 to index
      %get3A_492 = arith.constant 32 : index
      %get3A_493 = tpu.vector_load %arg7[%get3A_490, %get3A_491, %get3A_492] {strides = array<i32>} : memref<2x400x64xi32, #tpu.memory_space<vmem>>, vector<16xi32>,
      %bitcast3A_494 = vector.bitcast %get3A_493 : vector<16xi32> to vector<32xbf16>
      %get3A_495 = arith.constant 0 : i32
      %get3A_496 = arith.index_cast %get3A_495 : i32 to index
      %get3A_497 = arith.index_cast %add3A_461 : i32 to index
      %get3A_498 = arith.constant 32 : index
      %get3A_499 = tpu.vector_load %arg8[%get3A_496, %get3A_497, %get3A_498] {strides = array<i32>} : memref<2x400x64xi32, #tpu.memory_space<vmem>>, vector<16xi32>,
      %bitcast3A_500 = vector.bitcast %get3A_499 : vector<16xi32> to vector<32xbf16>
      %mul3A_501 = arith.mulf %bitcast3A_494, %bitcast3A_500 : vector<32xbf16>
      %add3A_502 = arith.addf %add3A_488, %mul3A_501 : vector<32xbf16>
      %get3A_503 = arith.constant 0 : i32
      %get3A_504 = arith.index_cast %get3A_503 : i32 to index
      %get3A_505 = arith.index_cast %add3A_461 : i32 to index
      %get3A_506 = arith.constant 48 : index
      %get3A_507 = tpu.vector_load %arg7[%get3A_504, %get3A_505, %get3A_506] {strides = array<i32>} : memref<2x400x64xi32, #tpu.memory_space<vmem>>, vector<16xi32>,
      %bitcast3A_508 = vector.bitcast %get3A_507 : vector<16xi32> to vector<32xbf16>
      %get3A_509 = arith.constant 0 : i32
      %get3A_510 = arith.index_cast %get3A_509 : i32 to index
      %get3A_511 = arith.index_cast %add3A_461 : i32 to index
      %get3A_512 = arith.constant 48 : index
      %get3A_513 = tpu.vector_load %arg8[%get3A_510, %get3A_511, %get3A_512] {strides = array<i32>} : memref<2x400x64xi32, #tpu.memory_space<vmem>>, vector<16xi32>,
      %bitcast3A_514 = vector.bitcast %get3A_513 : vector<16xi32> to vector<32xbf16>
      %mul3A_515 = arith.mulf %bitcast3A_508, %bitcast3A_514 : vector<32xbf16>
      %add3A_516 = arith.addf %add3A_502, %mul3A_515 : vector<32xbf16>
      %unpack3A_517 = tpu.unpack_subelements %add3A_516, 0 {pack_format = #tpu.pack_format<interleaved>} : vector<32xbf16> -> vector<16xf32>
      %unpack3A_518 = tpu.unpack_subelements %add3A_516, 1 {pack_format = #tpu.pack_format<interleaved>} : vector<32xbf16> -> vector<16xf32>
      %eq3A_519 = arith.constant 4 : i32
      %eq3A_520 = vector.broadcast %eq3A_519 : i32 to vector<16xi32>
      %eq3A_521 = arith.cmpi eq, %iota3A, %eq3A_520 : vector<16xi32>
      %add3A_522 = arith.addf %unpack3A_517, %unpack3A_518 : vector<16xf32>
      %reduce_sum3A_523 = arith.constant true
      %reduce_sum3A_524 = vector.broadcast %reduce_sum3A_523 : i1 to vector<16xi1>
      %reduce_sum3A_525 = tpu.scan <sum>, %add3A_522 masked %reduce_sum3A_524 : vector<16xf32>, vector<16xi1> -> vector<16xf32>
      %reduce_sum3A_526 = vector.extract %reduce_sum3A_525[15] : f32 from vector<16xf32>
      %broadcast_in_dim3A_527 = vector.broadcast %reduce_sum3A_526 : f32 to vector<16xf32>
      %select_n3A_528 = arith.select %eq3A_521, %broadcast_in_dim3A_527, %select_n3A_459 : vector<16xi1>, vector<16xf32>
      %add3A_529 = arith.constant 5 : i32
      %add3A_530 = arith.addi %mul3A_188, %add3A_529 : i32
      %get3A_531 = arith.constant 0 : i32
      %get3A_532 = arith.index_cast %get3A_531 : i32 to index
      %get3A_533 = arith.index_cast %add3A_530 : i32 to index
      %get3A_534 = arith.constant 0 : index
      %get3A_535 = tpu.vector_load %arg7[%get3A_532, %get3A_533, %get3A_534] {strides = array<i32>} : memref<2x400x64xi32, #tpu.memory_space<vmem>>, vector<16xi32>,
      %bitcast3A_536 = vector.bitcast %get3A_535 : vector<16xi32> to vector<32xbf16>
      %get3A_537 = arith.constant 0 : i32
      %get3A_538 = arith.index_cast %get3A_537 : i32 to index
      %get3A_539 = arith.index_cast %add3A_530 : i32 to index
      %get3A_540 = arith.constant 0 : index
      %get3A_541 = tpu.vector_load %arg8[%get3A_538, %get3A_539, %get3A_540] {strides = array<i32>} : memref<2x400x64xi32, #tpu.memory_space<vmem>>, vector<16xi32>,
      %bitcast3A_542 = vector.bitcast %get3A_541 : vector<16xi32> to vector<32xbf16>
      %mul3A_543 = arith.mulf %bitcast3A_536, %bitcast3A_542 : vector<32xbf16>
      %get3A_544 = arith.constant 0 : i32
      %get3A_545 = arith.index_cast %get3A_544 : i32 to index
      %get3A_546 = arith.index_cast %add3A_530 : i32 to index
      %get3A_547 = arith.constant 16 : index
      %get3A_548 = tpu.vector_load %arg7[%get3A_545, %get3A_546, %get3A_547] {strides = array<i32>} : memref<2x400x64xi32, #tpu.memory_space<vmem>>, vector<16xi32>,
      %bitcast3A_549 = vector.bitcast %get3A_548 : vector<16xi32> to vector<32xbf16>
      %get3A_550 = arith.constant 0 : i32
      %get3A_551 = arith.index_cast %get3A_550 : i32 to index
      %get3A_552 = arith.index_cast %add3A_530 : i32 to index
      %get3A_553 = arith.constant 16 : index
      %get3A_554 = tpu.vector_load %arg8[%get3A_551, %get3A_552, %get3A_553] {strides = array<i32>} : memref<2x400x64xi32, #tpu.memory_space<vmem>>, vector<16xi32>,
      %bitcast3A_555 = vector.bitcast %get3A_554 : vector<16xi32> to vector<32xbf16>
      %mul3A_556 = arith.mulf %bitcast3A_549, %bitcast3A_555 : vector<32xbf16>
      %add3A_557 = arith.addf %mul3A_543, %mul3A_556 : vector<32xbf16>
      %get3A_558 = arith.constant 0 : i32
      %get3A_559 = arith.index_cast %get3A_558 : i32 to index
      %get3A_560 = arith.index_cast %add3A_530 : i32 to index
      %get3A_561 = arith.constant 32 : index
      %get3A_562 = tpu.vector_load %arg7[%get3A_559, %get3A_560, %get3A_561] {strides = array<i32>} : memref<2x400x64xi32, #tpu.memory_space<vmem>>, vector<16xi32>,
      %bitcast3A_563 = vector.bitcast %get3A_562 : vector<16xi32> to vector<32xbf16>
      %get3A_564 = arith.constant 0 : i32
      %get3A_565 = arith.index_cast %get3A_564 : i32 to index
      %get3A_566 = arith.index_cast %add3A_530 : i32 to index
      %get3A_567 = arith.constant 32 : index
      %get3A_568 = tpu.vector_load %arg8[%get3A_565, %get3A_566, %get3A_567] {strides = array<i32>} : memref<2x400x64xi32, #tpu.memory_space<vmem>>, vector<16xi32>,
      %bitcast3A_569 = vector.bitcast %get3A_568 : vector<16xi32> to vector<32xbf16>
      %mul3A_570 = arith.mulf %bitcast3A_563, %bitcast3A_569 : vector<32xbf16>
      %add3A_571 = arith.addf %add3A_557, %mul3A_570 : vector<32xbf16>
      %get3A_572 = arith.constant 0 : i32
      %get3A_573 = arith.index_cast %get3A_572 : i32 to index
      %get3A_574 = arith.index_cast %add3A_530 : i32 to index
      %get3A_575 = arith.constant 48 : index
      %get3A_576 = tpu.vector_load %arg7[%get3A_573, %get3A_574, %get3A_575] {strides = array<i32>} : memref<2x400x64xi32, #tpu.memory_space<vmem>>, vector<16xi32>,
      %bitcast3A_577 = vector.bitcast %get3A_576 : vector<16xi32> to vector<32xbf16>
      %get3A_578 = arith.constant 0 : i32
      %get3A_579 = arith.index_cast %get3A_578 : i32 to index
      %get3A_580 = arith.index_cast %add3A_530 : i32 to index
      %get3A_581 = arith.constant 48 : index
      %get3A_582 = tpu.vector_load %arg8[%get3A_579, %get3A_580, %get3A_581] {strides = array<i32>} : memref<2x400x64xi32, #tpu.memory_space<vmem>>, vector<16xi32>,
      %bitcast3A_583 = vector.bitcast %get3A_582 : vector<16xi32> to vector<32xbf16>
      %mul3A_584 = arith.mulf %bitcast3A_577, %bitcast3A_583 : vector<32xbf16>
      %add3A_585 = arith.addf %add3A_571, %mul3A_584 : vector<32xbf16>
      %unpack3A_586 = tpu.unpack_subelements %add3A_585, 0 {pack_format = #tpu.pack_format<interleaved>} : vector<32xbf16> -> vector<16xf32>
      %unpack3A_587 = tpu.unpack_subelements %add3A_585, 1 {pack_format = #tpu.pack_format<interleaved>} : vector<32xbf16> -> vector<16xf32>
      %eq3A_588 = arith.constant 5 : i32
      %eq3A_589 = vector.broadcast %eq3A_588 : i32 to vector<16xi32>
      %eq3A_590 = arith.cmpi eq, %iota3A, %eq3A_589 : vector<16xi32>
      %add3A_591 = arith.addf %unpack3A_586, %unpack3A_587 : vector<16xf32>
      %reduce_sum3A_592 = arith.constant true
      %reduce_sum3A_593 = vector.broadcast %reduce_sum3A_592 : i1 to vector<16xi1>
      %reduce_sum3A_594 = tpu.scan <sum>, %add3A_591 masked %reduce_sum3A_593 : vector<16xf32>, vector<16xi1> -> vector<16xf32>
      %reduce_sum3A_595 = vector.extract %reduce_sum3A_594[15] : f32 from vector<16xf32>
      %broadcast_in_dim3A_596 = vector.broadcast %reduce_sum3A_595 : f32 to vector<16xf32>
      %select_n3A_597 = arith.select %eq3A_590, %broadcast_in_dim3A_596, %select_n3A_528 : vector<16xi1>, vector<16xf32>
      %add3A_598 = arith.constant 6 : i32
      %add3A_599 = arith.addi %mul3A_188, %add3A_598 : i32
      %get3A_600 = arith.constant 0 : i32
      %get3A_601 = arith.index_cast %get3A_600 : i32 to index
      %get3A_602 = arith.index_cast %add3A_599 : i32 to index
      %get3A_603 = arith.constant 0 : index
      %get3A_604 = tpu.vector_load %arg7[%get3A_601, %get3A_602, %get3A_603] {strides = array<i32>} : memref<2x400x64xi32, #tpu.memory_space<vmem>>, vector<16xi32>,
      %bitcast3A_605 = vector.bitcast %get3A_604 : vector<16xi32> to vector<32xbf16>
      %get3A_606 = arith.constant 0 : i32
      %get3A_607 = arith.index_cast %get3A_606 : i32 to index
      %get3A_608 = arith.index_cast %add3A_599 : i32 to index
      %get3A_609 = arith.constant 0 : index
      %get3A_610 = tpu.vector_load %arg8[%get3A_607, %get3A_608, %get3A_609] {strides = array<i32>} : memref<2x400x64xi32, #tpu.memory_space<vmem>>, vector<16xi32>,
      %bitcast3A_611 = vector.bitcast %get3A_610 : vector<16xi32> to vector<32xbf16>
      %mul3A_612 = arith.mulf %bitcast3A_605, %bitcast3A_611 : vector<32xbf16>
      %get3A_613 = arith.constant 0 : i32
      %get3A_614 = arith.index_cast %get3A_613 : i32 to index
      %get3A_615 = arith.index_cast %add3A_599 : i32 to index
      %get3A_616 = arith.constant 16 : index
      %get3A_617 = tpu.vector_load %arg7[%get3A_614, %get3A_615, %get3A_616] {strides = array<i32>} : memref<2x400x64xi32, #tpu.memory_space<vmem>>, vector<16xi32>,
      %bitcast3A_618 = vector.bitcast %get3A_617 : vector<16xi32> to vector<32xbf16>
      %get3A_619 = arith.constant 0 : i32
      %get3A_620 = arith.index_cast %get3A_619 : i32 to index
      %get3A_621 = arith.index_cast %add3A_599 : i32 to index
      %get3A_622 = arith.constant 16 : index
      %get3A_623 = tpu.vector_load %arg8[%get3A_620, %get3A_621, %get3A_622] {strides = array<i32>} : memref<2x400x64xi32, #tpu.memory_space<vmem>>, vector<16xi32>,
      %bitcast3A_624 = vector.bitcast %get3A_623 : vector<16xi32> to vector<32xbf16>
      %mul3A_625 = arith.mulf %bitcast3A_618, %bitcast3A_624 : vector<32xbf16>
      %add3A_626 = arith.addf %mul3A_612, %mul3A_625 : vector<32xbf16>
      %get3A_627 = arith.constant 0 : i32
      %get3A_628 = arith.index_cast %get3A_627 : i32 to index
      %get3A_629 = arith.index_cast %add3A_599 : i32 to index
      %get3A_630 = arith.constant 32 : index
      %get3A_631 = tpu.vector_load %arg7[%get3A_628, %get3A_629, %get3A_630] {strides = array<i32>} : memref<2x400x64xi32, #tpu.memory_space<vmem>>, vector<16xi32>,
      %bitcast3A_632 = vector.bitcast %get3A_631 : vector<16xi32> to vector<32xbf16>
      %get3A_633 = arith.constant 0 : i32
      %get3A_634 = arith.index_cast %get3A_633 : i32 to index
      %get3A_635 = arith.index_cast %add3A_599 : i32 to index
      %get3A_636 = arith.constant 32 : index
      %get3A_637 = tpu.vector_load %arg8[%get3A_634, %get3A_635, %get3A_636] {strides = array<i32>} : memref<2x400x64xi32, #tpu.memory_space<vmem>>, vector<16xi32>,
      %bitcast3A_638 = vector.bitcast %get3A_637 : vector<16xi32> to vector<32xbf16>
      %mul3A_639 = arith.mulf %bitcast3A_632, %bitcast3A_638 : vector<32xbf16>
      %add3A_640 = arith.addf %add3A_626, %mul3A_639 : vector<32xbf16>
      %get3A_641 = arith.constant 0 : i32
      %get3A_642 = arith.index_cast %get3A_641 : i32 to index
      %get3A_643 = arith.index_cast %add3A_599 : i32 to index
      %get3A_644 = arith.constant 48 : index
      %get3A_645 = tpu.vector_load %arg7[%get3A_642, %get3A_643, %get3A_644] {strides = array<i32>} : memref<2x400x64xi32, #tpu.memory_space<vmem>>, vector<16xi32>,
      %bitcast3A_646 = vector.bitcast %get3A_645 : vector<16xi32> to vector<32xbf16>
      %get3A_647 = arith.constant 0 : i32
      %get3A_648 = arith.index_cast %get3A_647 : i32 to index
      %get3A_649 = arith.index_cast %add3A_599 : i32 to index
      %get3A_650 = arith.constant 48 : index
      %get3A_651 = tpu.vector_load %arg8[%get3A_648, %get3A_649, %get3A_650] {strides = array<i32>} : memref<2x400x64xi32, #tpu.memory_space<vmem>>, vector<16xi32>,
      %bitcast3A_652 = vector.bitcast %get3A_651 : vector<16xi32> to vector<32xbf16>
      %mul3A_653 = arith.mulf %bitcast3A_646, %bitcast3A_652 : vector<32xbf16>
      %add3A_654 = arith.addf %add3A_640, %mul3A_653 : vector<32xbf16>
      %unpack3A_655 = tpu.unpack_subelements %add3A_654, 0 {pack_format = #tpu.pack_format<interleaved>} : vector<32xbf16> -> vector<16xf32>
      %unpack3A_656 = tpu.unpack_subelements %add3A_654, 1 {pack_format = #tpu.pack_format<interleaved>} : vector<32xbf16> -> vector<16xf32>
      %eq3A_657 = arith.constant 6 : i32
      %eq3A_658 = vector.broadcast %eq3A_657 : i32 to vector<16xi32>
      %eq3A_659 = arith.cmpi eq, %iota3A, %eq3A_658 : vector<16xi32>
      %add3A_660 = arith.addf %unpack3A_655, %unpack3A_656 : vector<16xf32>
      %reduce_sum3A_661 = arith.constant true
      %reduce_sum3A_662 = vector.broadcast %reduce_sum3A_661 : i1 to vector<16xi1>
      %reduce_sum3A_663 = tpu.scan <sum>, %add3A_660 masked %reduce_sum3A_662 : vector<16xf32>, vector<16xi1> -> vector<16xf32>
      %reduce_sum3A_664 = vector.extract %reduce_sum3A_663[15] : f32 from vector<16xf32>
      %broadcast_in_dim3A_665 = vector.broadcast %reduce_sum3A_664 : f32 to vector<16xf32>
      %select_n3A_666 = arith.select %eq3A_659, %broadcast_in_dim3A_665, %select_n3A_597 : vector<16xi1>, vector<16xf32>
      %add3A_667 = arith.constant 7 : i32
      %add3A_668 = arith.addi %mul3A_188, %add3A_667 : i32
      %get3A_669 = arith.constant 0 : i32
      %get3A_670 = arith.index_cast %get3A_669 : i32 to index
      %get3A_671 = arith.index_cast %add3A_668 : i32 to index
      %get3A_672 = arith.constant 0 : index
      %get3A_673 = tpu.vector_load %arg7[%get3A_670, %get3A_671, %get3A_672] {strides = array<i32>} : memref<2x400x64xi32, #tpu.memory_space<vmem>>, vector<16xi32>,
      %bitcast3A_674 = vector.bitcast %get3A_673 : vector<16xi32> to vector<32xbf16>
      %get3A_675 = arith.constant 0 : i32
      %get3A_676 = arith.index_cast %get3A_675 : i32 to index
      %get3A_677 = arith.index_cast %add3A_668 : i32 to index
      %get3A_678 = arith.constant 0 : index
      %get3A_679 = tpu.vector_load %arg8[%get3A_676, %get3A_677, %get3A_678] {strides = array<i32>} : memref<2x400x64xi32, #tpu.memory_space<vmem>>, vector<16xi32>,
      %bitcast3A_680 = vector.bitcast %get3A_679 : vector<16xi32> to vector<32xbf16>
      %mul3A_681 = arith.mulf %bitcast3A_674, %bitcast3A_680 : vector<32xbf16>
      %get3A_682 = arith.constant 0 : i32
      %get3A_683 = arith.index_cast %get3A_682 : i32 to index
      %get3A_684 = arith.index_cast %add3A_668 : i32 to index
      %get3A_685 = arith.constant 16 : index
      %get3A_686 = tpu.vector_load %arg7[%get3A_683, %get3A_684, %get3A_685] {strides = array<i32>} : memref<2x400x64xi32, #tpu.memory_space<vmem>>, vector<16xi32>,
      %bitcast3A_687 = vector.bitcast %get3A_686 : vector<16xi32> to vector<32xbf16>
      %get3A_688 = arith.constant 0 : i32
      %get3A_689 = arith.index_cast %get3A_688 : i32 to index
      %get3A_690 = arith.index_cast %add3A_668 : i32 to index
      %get3A_691 = arith.constant 16 : index
      %get3A_692 = tpu.vector_load %arg8[%get3A_689, %get3A_690, %get3A_691] {strides = array<i32>} : memref<2x400x64xi32, #tpu.memory_space<vmem>>, vector<16xi32>,
      %bitcast3A_693 = vector.bitcast %get3A_692 : vector<16xi32> to vector<32xbf16>
      %mul3A_694 = arith.mulf %bitcast3A_687, %bitcast3A_693 : vector<32xbf16>
      %add3A_695 = arith.addf %mul3A_681, %mul3A_694 : vector<32xbf16>
      %get3A_696 = arith.constant 0 : i32
      %get3A_697 = arith.index_cast %get3A_696 : i32 to index
      %get3A_698 = arith.index_cast %add3A_668 : i32 to index
      %get3A_699 = arith.constant 32 : index
      %get3A_700 = tpu.vector_load %arg7[%get3A_697, %get3A_698, %get3A_699] {strides = array<i32>} : memref<2x400x64xi32, #tpu.memory_space<vmem>>, vector<16xi32>,
      %bitcast3A_701 = vector.bitcast %get3A_700 : vector<16xi32> to vector<32xbf16>
      %get3A_702 = arith.constant 0 : i32
      %get3A_703 = arith.index_cast %get3A_702 : i32 to index
      %get3A_704 = arith.index_cast %add3A_668 : i32 to index
      %get3A_705 = arith.constant 32 : index
      %get3A_706 = tpu.vector_load %arg8[%get3A_703, %get3A_704, %get3A_705] {strides = array<i32>} : memref<2x400x64xi32, #tpu.memory_space<vmem>>, vector<16xi32>,
      %bitcast3A_707 = vector.bitcast %get3A_706 : vector<16xi32> to vector<32xbf16>
      %mul3A_708 = arith.mulf %bitcast3A_701, %bitcast3A_707 : vector<32xbf16>
      %add3A_709 = arith.addf %add3A_695, %mul3A_708 : vector<32xbf16>
      %get3A_710 = arith.constant 0 : i32
      %get3A_711 = arith.index_cast %get3A_710 : i32 to index
      %get3A_712 = arith.index_cast %add3A_668 : i32 to index
      %get3A_713 = arith.constant 48 : index
      %get3A_714 = tpu.vector_load %arg7[%get3A_711, %get3A_712, %get3A_713] {strides = array<i32>} : memref<2x400x64xi32, #tpu.memory_space<vmem>>, vector<16xi32>,
      %bitcast3A_715 = vector.bitcast %get3A_714 : vector<16xi32> to vector<32xbf16>
      %get3A_716 = arith.constant 0 : i32
      %get3A_717 = arith.index_cast %get3A_716 : i32 to index
      %get3A_718 = arith.index_cast %add3A_668 : i32 to index
      %get3A_719 = arith.constant 48 : index
      %get3A_720 = tpu.vector_load %arg8[%get3A_717, %get3A_718, %get3A_719] {strides = array<i32>} : memref<2x400x64xi32, #tpu.memory_space<vmem>>, vector<16xi32>,
      %bitcast3A_721 = vector.bitcast %get3A_720 : vector<16xi32> to vector<32xbf16>
      %mul3A_722 = arith.mulf %bitcast3A_715, %bitcast3A_721 : vector<32xbf16>
      %add3A_723 = arith.addf %add3A_709, %mul3A_722 : vector<32xbf16>
      %unpack3A_724 = tpu.unpack_subelements %add3A_723, 0 {pack_format = #tpu.pack_format<interleaved>} : vector<32xbf16> -> vector<16xf32>
      %unpack3A_725 = tpu.unpack_subelements %add3A_723, 1 {pack_format = #tpu.pack_format<interleaved>} : vector<32xbf16> -> vector<16xf32>
      %eq3A_726 = arith.constant 7 : i32
      %eq3A_727 = vector.broadcast %eq3A_726 : i32 to vector<16xi32>
      %eq3A_728 = arith.cmpi eq, %iota3A, %eq3A_727 : vector<16xi32>
      %add3A_729 = arith.addf %unpack3A_724, %unpack3A_725 : vector<16xf32>
      %reduce_sum3A_730 = arith.constant true
      %reduce_sum3A_731 = vector.broadcast %reduce_sum3A_730 : i1 to vector<16xi1>
      %reduce_sum3A_732 = tpu.scan <sum>, %add3A_729 masked %reduce_sum3A_731 : vector<16xf32>, vector<16xi1> -> vector<16xf32>
      %reduce_sum3A_733 = vector.extract %reduce_sum3A_732[15] : f32 from vector<16xf32>
      %broadcast_in_dim3A_734 = vector.broadcast %reduce_sum3A_733 : f32 to vector<16xf32>
      %select_n3A_735 = arith.select %eq3A_728, %broadcast_in_dim3A_734, %select_n3A_666 : vector<16xi1>, vector<16xf32>
      %add3A_736 = arith.constant 8 : i32
      %add3A_737 = arith.addi %mul3A_188, %add3A_736 : i32
      %get3A_738 = arith.constant 0 : i32
      %get3A_739 = arith.index_cast %get3A_738 : i32 to index
      %get3A_740 = arith.index_cast %add3A_737 : i32 to index
      %get3A_741 = arith.constant 0 : index
      %get3A_742 = tpu.vector_load %arg7[%get3A_739, %get3A_740, %get3A_741] {strides = array<i32>} : memref<2x400x64xi32, #tpu.memory_space<vmem>>, vector<16xi32>,
      %bitcast3A_743 = vector.bitcast %get3A_742 : vector<16xi32> to vector<32xbf16>
      %get3A_744 = arith.constant 0 : i32
      %get3A_745 = arith.index_cast %get3A_744 : i32 to index
      %get3A_746 = arith.index_cast %add3A_737 : i32 to index
      %get3A_747 = arith.constant 0 : index
      %get3A_748 = tpu.vector_load %arg8[%get3A_745, %get3A_746, %get3A_747] {strides = array<i32>} : memref<2x400x64xi32, #tpu.memory_space<vmem>>, vector<16xi32>,
      %bitcast3A_749 = vector.bitcast %get3A_748 : vector<16xi32> to vector<32xbf16>
      %mul3A_750 = arith.mulf %bitcast3A_743, %bitcast3A_749 : vector<32xbf16>
      %get3A_751 = arith.constant 0 : i32
      %get3A_752 = arith.index_cast %get3A_751 : i32 to index
      %get3A_753 = arith.index_cast %add3A_737 : i32 to index
      %get3A_754 = arith.constant 16 : index
      %get3A_755 = tpu.vector_load %arg7[%get3A_752, %get3A_753, %get3A_754] {strides = array<i32>} : memref<2x400x64xi32, #tpu.memory_space<vmem>>, vector<16xi32>,
      %bitcast3A_756 = vector.bitcast %get3A_755 : vector<16xi32> to vector<32xbf16>
      %get3A_757 = arith.constant 0 : i32
      %get3A_758 = arith.index_cast %get3A_757 : i32 to index
      %get3A_759 = arith.index_cast %add3A_737 : i32 to index
      %get3A_760 = arith.constant 16 : index
      %get3A_761 = tpu.vector_load %arg8[%get3A_758, %get3A_759, %get3A_760] {strides = array<i32>} : memref<2x400x64xi32, #tpu.memory_space<vmem>>, vector<16xi32>,
      %bitcast3A_762 = vector.bitcast %get3A_761 : vector<16xi32> to vector<32xbf16>
      %mul3A_763 = arith.mulf %bitcast3A_756, %bitcast3A_762 : vector<32xbf16>
      %add3A_764 = arith.addf %mul3A_750, %mul3A_763 : vector<32xbf16>
      %get3A_765 = arith.constant 0 : i32
      %get3A_766 = arith.index_cast %get3A_765 : i32 to index
      %get3A_767 = arith.index_cast %add3A_737 : i32 to index
      %get3A_768 = arith.constant 32 : index
      %get3A_769 = tpu.vector_load %arg7[%get3A_766, %get3A_767, %get3A_768] {strides = array<i32>} : memref<2x400x64xi32, #tpu.memory_space<vmem>>, vector<16xi32>,
      %bitcast3A_770 = vector.bitcast %get3A_769 : vector<16xi32> to vector<32xbf16>
      %get3A_771 = arith.constant 0 : i32
      %get3A_772 = arith.index_cast %get3A_771 : i32 to index
      %get3A_773 = arith.index_cast %add3A_737 : i32 to index
      %get3A_774 = arith.constant 32 : index
      %get3A_775 = tpu.vector_load %arg8[%get3A_772, %get3A_773, %get3A_774] {strides = array<i32>} : memref<2x400x64xi32, #tpu.memory_space<vmem>>, vector<16xi32>,
      %bitcast3A_776 = vector.bitcast %get3A_775 : vector<16xi32> to vector<32xbf16>
      %mul3A_777 = arith.mulf %bitcast3A_770, %bitcast3A_776 : vector<32xbf16>
      %add3A_778 = arith.addf %add3A_764, %mul3A_777 : vector<32xbf16>
      %get3A_779 = arith.constant 0 : i32
      %get3A_780 = arith.index_cast %get3A_779 : i32 to index
      %get3A_781 = arith.index_cast %add3A_737 : i32 to index
      %get3A_782 = arith.constant 48 : index
      %get3A_783 = tpu.vector_load %arg7[%get3A_780, %get3A_781, %get3A_782] {strides = array<i32>} : memref<2x400x64xi32, #tpu.memory_space<vmem>>, vector<16xi32>,
      %bitcast3A_784 = vector.bitcast %get3A_783 : vector<16xi32> to vector<32xbf16>
      %get3A_785 = arith.constant 0 : i32
      %get3A_786 = arith.index_cast %get3A_785 : i32 to index
      %get3A_787 = arith.index_cast %add3A_737 : i32 to index
      %get3A_788 = arith.constant 48 : index
      %get3A_789 = tpu.vector_load %arg8[%get3A_786, %get3A_787, %get3A_788] {strides = array<i32>} : memref<2x400x64xi32, #tpu.memory_space<vmem>>, vector<16xi32>,
      %bitcast3A_790 = vector.bitcast %get3A_789 : vector<16xi32> to vector<32xbf16>
      %mul3A_791 = arith.mulf %bitcast3A_784, %bitcast3A_790 : vector<32xbf16>
      %add3A_792 = arith.addf %add3A_778, %mul3A_791 : vector<32xbf16>
      %unpack3A_793 = tpu.unpack_subelements %add3A_792, 0 {pack_format = #tpu.pack_format<interleaved>} : vector<32xbf16> -> vector<16xf32>
      %unpack3A_794 = tpu.unpack_subelements %add3A_792, 1 {pack_format = #tpu.pack_format<interleaved>} : vector<32xbf16> -> vector<16xf32>
      %eq3A_795 = arith.constant 8 : i32
      %eq3A_796 = vector.broadcast %eq3A_795 : i32 to vector<16xi32>
      %eq3A_797 = arith.cmpi eq, %iota3A, %eq3A_796 : vector<16xi32>
      %add3A_798 = arith.addf %unpack3A_793, %unpack3A_794 : vector<16xf32>
      %reduce_sum3A_799 = arith.constant true
      %reduce_sum3A_800 = vector.broadcast %reduce_sum3A_799 : i1 to vector<16xi1>
      %reduce_sum3A_801 = tpu.scan <sum>, %add3A_798 masked %reduce_sum3A_800 : vector<16xf32>, vector<16xi1> -> vector<16xf32>
      %reduce_sum3A_802 = vector.extract %reduce_sum3A_801[15] : f32 from vector<16xf32>
      %broadcast_in_dim3A_803 = vector.broadcast %reduce_sum3A_802 : f32 to vector<16xf32>
      %select_n3A_804 = arith.select %eq3A_797, %broadcast_in_dim3A_803, %select_n3A_735 : vector<16xi1>, vector<16xf32>
      %add3A_805 = arith.constant 9 : i32
      %add3A_806 = arith.addi %mul3A_188, %add3A_805 : i32
      %get3A_807 = arith.constant 0 : i32
      %get3A_808 = arith.index_cast %get3A_807 : i32 to index
      %get3A_809 = arith.index_cast %add3A_806 : i32 to index
      %get3A_810 = arith.constant 0 : index
      %get3A_811 = tpu.vector_load %arg7[%get3A_808, %get3A_809, %get3A_810] {strides = array<i32>} : memref<2x400x64xi32, #tpu.memory_space<vmem>>, vector<16xi32>,
      %bitcast3A_812 = vector.bitcast %get3A_811 : vector<16xi32> to vector<32xbf16>
      %get3A_813 = arith.constant 0 : i32
      %get3A_814 = arith.index_cast %get3A_813 : i32 to index
      %get3A_815 = arith.index_cast %add3A_806 : i32 to index
      %get3A_816 = arith.constant 0 : index
      %get3A_817 = tpu.vector_load %arg8[%get3A_814, %get3A_815, %get3A_816] {strides = array<i32>} : memref<2x400x64xi32, #tpu.memory_space<vmem>>, vector<16xi32>,
      %bitcast3A_818 = vector.bitcast %get3A_817 : vector<16xi32> to vector<32xbf16>
      %mul3A_819 = arith.mulf %bitcast3A_812, %bitcast3A_818 : vector<32xbf16>
      %get3A_820 = arith.constant 0 : i32
      %get3A_821 = arith.index_cast %get3A_820 : i32 to index
      %get3A_822 = arith.index_cast %add3A_806 : i32 to index
      %get3A_823 = arith.constant 16 : index
      %get3A_824 = tpu.vector_load %arg7[%get3A_821, %get3A_822, %get3A_823] {strides = array<i32>} : memref<2x400x64xi32, #tpu.memory_space<vmem>>, vector<16xi32>,
      %bitcast3A_825 = vector.bitcast %get3A_824 : vector<16xi32> to vector<32xbf16>
      %get3A_826 = arith.constant 0 : i32
      %get3A_827 = arith.index_cast %get3A_826 : i32 to index
      %get3A_828 = arith.index_cast %add3A_806 : i32 to index
      %get3A_829 = arith.constant 16 : index
      %get3A_830 = tpu.vector_load %arg8[%get3A_827, %get3A_828, %get3A_829] {strides = array<i32>} : memref<2x400x64xi32, #tpu.memory_space<vmem>>, vector<16xi32>,
      %bitcast3A_831 = vector.bitcast %get3A_830 : vector<16xi32> to vector<32xbf16>
      %mul3A_832 = arith.mulf %bitcast3A_825, %bitcast3A_831 : vector<32xbf16>
      %add3A_833 = arith.addf %mul3A_819, %mul3A_832 : vector<32xbf16>
      %get3A_834 = arith.constant 0 : i32
      %get3A_835 = arith.index_cast %get3A_834 : i32 to index
      %get3A_836 = arith.index_cast %add3A_806 : i32 to index
      %get3A_837 = arith.constant 32 : index
      %get3A_838 = tpu.vector_load %arg7[%get3A_835, %get3A_836, %get3A_837] {strides = array<i32>} : memref<2x400x64xi32, #tpu.memory_space<vmem>>, vector<16xi32>,
      %bitcast3A_839 = vector.bitcast %get3A_838 : vector<16xi32> to vector<32xbf16>
      %get3A_840 = arith.constant 0 : i32
      %get3A_841 = arith.index_cast %get3A_840 : i32 to index
      %get3A_842 = arith.index_cast %add3A_806 : i32 to index
      %get3A_843 = arith.constant 32 : index
      %get3A_844 = tpu.vector_load %arg8[%get3A_841, %get3A_842, %get3A_843] {strides = array<i32>} : memref<2x400x64xi32, #tpu.memory_space<vmem>>, vector<16xi32>,
      %bitcast3A_845 = vector.bitcast %get3A_844 : vector<16xi32> to vector<32xbf16>
      %mul3A_846 = arith.mulf %bitcast3A_839, %bitcast3A_845 : vector<32xbf16>
      %add3A_847 = arith.addf %add3A_833, %mul3A_846 : vector<32xbf16>
      %get3A_848 = arith.constant 0 : i32
      %get3A_849 = arith.index_cast %get3A_848 : i32 to index
      %get3A_850 = arith.index_cast %add3A_806 : i32 to index
      %get3A_851 = arith.constant 48 : index
      %get3A_852 = tpu.vector_load %arg7[%get3A_849, %get3A_850, %get3A_851] {strides = array<i32>} : memref<2x400x64xi32, #tpu.memory_space<vmem>>, vector<16xi32>,
      %bitcast3A_853 = vector.bitcast %get3A_852 : vector<16xi32> to vector<32xbf16>
      %get3A_854 = arith.constant 0 : i32
      %get3A_855 = arith.index_cast %get3A_854 : i32 to index
      %get3A_856 = arith.index_cast %add3A_806 : i32 to index
      %get3A_857 = arith.constant 48 : index
      %get3A_858 = tpu.vector_load %arg8[%get3A_855, %get3A_856, %get3A_857] {strides = array<i32>} : memref<2x400x64xi32, #tpu.memory_space<vmem>>, vector<16xi32>,
      %bitcast3A_859 = vector.bitcast %get3A_858 : vector<16xi32> to vector<32xbf16>
      %mul3A_860 = arith.mulf %bitcast3A_853, %bitcast3A_859 : vector<32xbf16>
      %add3A_861 = arith.addf %add3A_847, %mul3A_860 : vector<32xbf16>
      %unpack3A_862 = tpu.unpack_subelements %add3A_861, 0 {pack_format = #tpu.pack_format<interleaved>} : vector<32xbf16> -> vector<16xf32>
      %unpack3A_863 = tpu.unpack_subelements %add3A_861, 1 {pack_format = #tpu.pack_format<interleaved>} : vector<32xbf16> -> vector<16xf32>
      %eq3A_864 = arith.constant 9 : i32
      %eq3A_865 = vector.broadcast %eq3A_864 : i32 to vector<16xi32>
      %eq3A_866 = arith.cmpi eq, %iota3A, %eq3A_865 : vector<16xi32>
      %add3A_867 = arith.addf %unpack3A_862, %unpack3A_863 : vector<16xf32>
      %reduce_sum3A_868 = arith.constant true
      %reduce_sum3A_869 = vector.broadcast %reduce_sum3A_868 : i1 to vector<16xi1>
      %reduce_sum3A_870 = tpu.scan <sum>, %add3A_867 masked %reduce_sum3A_869 : vector<16xf32>, vector<16xi1> -> vector<16xf32>
      %reduce_sum3A_871 = vector.extract %reduce_sum3A_870[15] : f32 from vector<16xf32>
      %broadcast_in_dim3A_872 = vector.broadcast %reduce_sum3A_871 : f32 to vector<16xf32>
      %select_n3A_873 = arith.select %eq3A_866, %broadcast_in_dim3A_872, %select_n3A_804 : vector<16xi1>, vector<16xf32>
      %add3A_874 = arith.constant 10 : i32
      %add3A_875 = arith.addi %mul3A_188, %add3A_874 : i32
      %get3A_876 = arith.constant 0 : i32
      %get3A_877 = arith.index_cast %get3A_876 : i32 to index
      %get3A_878 = arith.index_cast %add3A_875 : i32 to index
      %get3A_879 = arith.constant 0 : index
      %get3A_880 = tpu.vector_load %arg7[%get3A_877, %get3A_878, %get3A_879] {strides = array<i32>} : memref<2x400x64xi32, #tpu.memory_space<vmem>>, vector<16xi32>,
      %bitcast3A_881 = vector.bitcast %get3A_880 : vector<16xi32> to vector<32xbf16>
      %get3A_882 = arith.constant 0 : i32
      %get3A_883 = arith.index_cast %get3A_882 : i32 to index
      %get3A_884 = arith.index_cast %add3A_875 : i32 to index
      %get3A_885 = arith.constant 0 : index
      %get3A_886 = tpu.vector_load %arg8[%get3A_883, %get3A_884, %get3A_885] {strides = array<i32>} : memref<2x400x64xi32, #tpu.memory_space<vmem>>, vector<16xi32>,
      %bitcast3A_887 = vector.bitcast %get3A_886 : vector<16xi32> to vector<32xbf16>
      %mul3A_888 = arith.mulf %bitcast3A_881, %bitcast3A_887 : vector<32xbf16>
      %get3A_889 = arith.constant 0 : i32
      %get3A_890 = arith.index_cast %get3A_889 : i32 to index
      %get3A_891 = arith.index_cast %add3A_875 : i32 to index
      %get3A_892 = arith.constant 16 : index
      %get3A_893 = tpu.vector_load %arg7[%get3A_890, %get3A_891, %get3A_892] {strides = array<i32>} : memref<2x400x64xi32, #tpu.memory_space<vmem>>, vector<16xi32>,
      %bitcast3A_894 = vector.bitcast %get3A_893 : vector<16xi32> to vector<32xbf16>
      %get3A_895 = arith.constant 0 : i32
      %get3A_896 = arith.index_cast %get3A_895 : i32 to index
      %get3A_897 = arith.index_cast %add3A_875 : i32 to index
      %get3A_898 = arith.constant 16 : index
      %get3A_899 = tpu.vector_load %arg8[%get3A_896, %get3A_897, %get3A_898] {strides = array<i32>} : memref<2x400x64xi32, #tpu.memory_space<vmem>>, vector<16xi32>,
      %bitcast3A_900 = vector.bitcast %get3A_899 : vector<16xi32> to vector<32xbf16>
      %mul3A_901 = arith.mulf %bitcast3A_894, %bitcast3A_900 : vector<32xbf16>
      %add3A_902 = arith.addf %mul3A_888, %mul3A_901 : vector<32xbf16>
      %get3A_903 = arith.constant 0 : i32
      %get3A_904 = arith.index_cast %get3A_903 : i32 to index
      %get3A_905 = arith.index_cast %add3A_875 : i32 to index
      %get3A_906 = arith.constant 32 : index
      %get3A_907 = tpu.vector_load %arg7[%get3A_904, %get3A_905, %get3A_906] {strides = array<i32>} : memref<2x400x64xi32, #tpu.memory_space<vmem>>, vector<16xi32>,
      %bitcast3A_908 = vector.bitcast %get3A_907 : vector<16xi32> to vector<32xbf16>
      %get3A_909 = arith.constant 0 : i32
      %get3A_910 = arith.index_cast %get3A_909 : i32 to index
      %get3A_911 = arith.index_cast %add3A_875 : i32 to index
      %get3A_912 = arith.constant 32 : index
      %get3A_913 = tpu.vector_load %arg8[%get3A_910, %get3A_911, %get3A_912] {strides = array<i32>} : memref<2x400x64xi32, #tpu.memory_space<vmem>>, vector<16xi32>,
      %bitcast3A_914 = vector.bitcast %get3A_913 : vector<16xi32> to vector<32xbf16>
      %mul3A_915 = arith.mulf %bitcast3A_908, %bitcast3A_914 : vector<32xbf16>
      %add3A_916 = arith.addf %add3A_902, %mul3A_915 : vector<32xbf16>
      %get3A_917 = arith.constant 0 : i32
      %get3A_918 = arith.index_cast %get3A_917 : i32 to index
      %get3A_919 = arith.index_cast %add3A_875 : i32 to index
      %get3A_920 = arith.constant 48 : index
      %get3A_921 = tpu.vector_load %arg7[%get3A_918, %get3A_919, %get3A_920] {strides = array<i32>} : memref<2x400x64xi32, #tpu.memory_space<vmem>>, vector<16xi32>,
      %bitcast3A_922 = vector.bitcast %get3A_921 : vector<16xi32> to vector<32xbf16>
      %get3A_923 = arith.constant 0 : i32
      %get3A_924 = arith.index_cast %get3A_923 : i32 to index
      %get3A_925 = arith.index_cast %add3A_875 : i32 to index
      %get3A_926 = arith.constant 48 : index
      %get3A_927 = tpu.vector_load %arg8[%get3A_924, %get3A_925, %get3A_926] {strides = array<i32>} : memref<2x400x64xi32, #tpu.memory_space<vmem>>, vector<16xi32>,
      %bitcast3A_928 = vector.bitcast %get3A_927 : vector<16xi32> to vector<32xbf16>
      %mul3A_929 = arith.mulf %bitcast3A_922, %bitcast3A_928 : vector<32xbf16>
      %add3A_930 = arith.addf %add3A_916, %mul3A_929 : vector<32xbf16>
      %unpack3A_931 = tpu.unpack_subelements %add3A_930, 0 {pack_format = #tpu.pack_format<interleaved>} : vector<32xbf16> -> vector<16xf32>
      %unpack3A_932 = tpu.unpack_subelements %add3A_930, 1 {pack_format = #tpu.pack_format<interleaved>} : vector<32xbf16> -> vector<16xf32>
      %eq3A_933 = arith.constant 10 : i32
      %eq3A_934 = vector.broadcast %eq3A_933 : i32 to vector<16xi32>
      %eq3A_935 = arith.cmpi eq, %iota3A, %eq3A_934 : vector<16xi32>
      %add3A_936 = arith.addf %unpack3A_931, %unpack3A_932 : vector<16xf32>
      %reduce_sum3A_937 = arith.constant true
      %reduce_sum3A_938 = vector.broadcast %reduce_sum3A_937 : i1 to vector<16xi1>
      %reduce_sum3A_939 = tpu.scan <sum>, %add3A_936 masked %reduce_sum3A_938 : vector<16xf32>, vector<16xi1> -> vector<16xf32>
      %reduce_sum3A_940 = vector.extract %reduce_sum3A_939[15] : f32 from vector<16xf32>
      %broadcast_in_dim3A_941 = vector.broadcast %reduce_sum3A_940 : f32 to vector<16xf32>
      %select_n3A_942 = arith.select %eq3A_935, %broadcast_in_dim3A_941, %select_n3A_873 : vector<16xi1>, vector<16xf32>
      %add3A_943 = arith.constant 11 : i32
      %add3A_944 = arith.addi %mul3A_188, %add3A_943 : i32
      %get3A_945 = arith.constant 0 : i32
      %get3A_946 = arith.index_cast %get3A_945 : i32 to index
      %get3A_947 = arith.index_cast %add3A_944 : i32 to index
      %get3A_948 = arith.constant 0 : index
      %get3A_949 = tpu.vector_load %arg7[%get3A_946, %get3A_947, %get3A_948] {strides = array<i32>} : memref<2x400x64xi32, #tpu.memory_space<vmem>>, vector<16xi32>,
      %bitcast3A_950 = vector.bitcast %get3A_949 : vector<16xi32> to vector<32xbf16>
      %get3A_951 = arith.constant 0 : i32
      %get3A_952 = arith.index_cast %get3A_951 : i32 to index
      %get3A_953 = arith.index_cast %add3A_944 : i32 to index
      %get3A_954 = arith.constant 0 : index
      %get3A_955 = tpu.vector_load %arg8[%get3A_952, %get3A_953, %get3A_954] {strides = array<i32>} : memref<2x400x64xi32, #tpu.memory_space<vmem>>, vector<16xi32>,
      %bitcast3A_956 = vector.bitcast %get3A_955 : vector<16xi32> to vector<32xbf16>
      %mul3A_957 = arith.mulf %bitcast3A_950, %bitcast3A_956 : vector<32xbf16>
      %get3A_958 = arith.constant 0 : i32
      %get3A_959 = arith.index_cast %get3A_958 : i32 to index
      %get3A_960 = arith.index_cast %add3A_944 : i32 to index
      %get3A_961 = arith.constant 16 : index
      %get3A_962 = tpu.vector_load %arg7[%get3A_959, %get3A_960, %get3A_961] {strides = array<i32>} : memref<2x400x64xi32, #tpu.memory_space<vmem>>, vector<16xi32>,
      %bitcast3A_963 = vector.bitcast %get3A_962 : vector<16xi32> to vector<32xbf16>
      %get3A_964 = arith.constant 0 : i32
      %get3A_965 = arith.index_cast %get3A_964 : i32 to index
      %get3A_966 = arith.index_cast %add3A_944 : i32 to index
      %get3A_967 = arith.constant 16 : index
      %get3A_968 = tpu.vector_load %arg8[%get3A_965, %get3A_966, %get3A_967] {strides = array<i32>} : memref<2x400x64xi32, #tpu.memory_space<vmem>>, vector<16xi32>,
      %bitcast3A_969 = vector.bitcast %get3A_968 : vector<16xi32> to vector<32xbf16>
      %mul3A_970 = arith.mulf %bitcast3A_963, %bitcast3A_969 : vector<32xbf16>
      %add3A_971 = arith.addf %mul3A_957, %mul3A_970 : vector<32xbf16>
      %get3A_972 = arith.constant 0 : i32
      %get3A_973 = arith.index_cast %get3A_972 : i32 to index
      %get3A_974 = arith.index_cast %add3A_944 : i32 to index
      %get3A_975 = arith.constant 32 : index
      %get3A_976 = tpu.vector_load %arg7[%get3A_973, %get3A_974, %get3A_975] {strides = array<i32>} : memref<2x400x64xi32, #tpu.memory_space<vmem>>, vector<16xi32>,
      %bitcast3A_977 = vector.bitcast %get3A_976 : vector<16xi32> to vector<32xbf16>
      %get3A_978 = arith.constant 0 : i32
      %get3A_979 = arith.index_cast %get3A_978 : i32 to index
      %get3A_980 = arith.index_cast %add3A_944 : i32 to index
      %get3A_981 = arith.constant 32 : index
      %get3A_982 = tpu.vector_load %arg8[%get3A_979, %get3A_980, %get3A_981] {strides = array<i32>} : memref<2x400x64xi32, #tpu.memory_space<vmem>>, vector<16xi32>,
      %bitcast3A_983 = vector.bitcast %get3A_982 : vector<16xi32> to vector<32xbf16>
      %mul3A_984 = arith.mulf %bitcast3A_977, %bitcast3A_983 : vector<32xbf16>
      %add3A_985 = arith.addf %add3A_971, %mul3A_984 : vector<32xbf16>
      %get3A_986 = arith.constant 0 : i32
      %get3A_987 = arith.index_cast %get3A_986 : i32 to index
      %get3A_988 = arith.index_cast %add3A_944 : i32 to index
      %get3A_989 = arith.constant 48 : index
      %get3A_990 = tpu.vector_load %arg7[%get3A_987, %get3A_988, %get3A_989] {strides = array<i32>} : memref<2x400x64xi32, #tpu.memory_space<vmem>>, vector<16xi32>,
      %bitcast3A_991 = vector.bitcast %get3A_990 : vector<16xi32> to vector<32xbf16>
      %get3A_992 = arith.constant 0 : i32
      %get3A_993 = arith.index_cast %get3A_992 : i32 to index
      %get3A_994 = arith.index_cast %add3A_944 : i32 to index
      %get3A_995 = arith.constant 48 : index
      %get3A_996 = tpu.vector_load %arg8[%get3A_993, %get3A_994, %get3A_995] {strides = array<i32>} : memref<2x400x64xi32, #tpu.memory_space<vmem>>, vector<16xi32>,
      %bitcast3A_997 = vector.bitcast %get3A_996 : vector<16xi32> to vector<32xbf16>
      %mul3A_998 = arith.mulf %bitcast3A_991, %bitcast3A_997 : vector<32xbf16>
      %add3A_999 = arith.addf %add3A_985, %mul3A_998 : vector<32xbf16>
      %unpack3A_1000 = tpu.unpack_subelements %add3A_999, 0 {pack_format = #tpu.pack_format<interleaved>} : vector<32xbf16> -> vector<16xf32>
      %unpack3A_1001 = tpu.unpack_subelements %add3A_999, 1 {pack_format = #tpu.pack_format<interleaved>} : vector<32xbf16> -> vector<16xf32>
      %eq3A_1002 = arith.constant 11 : i32
      %eq3A_1003 = vector.broadcast %eq3A_1002 : i32 to vector<16xi32>
      %eq3A_1004 = arith.cmpi eq, %iota3A, %eq3A_1003 : vector<16xi32>
      %add3A_1005 = arith.addf %unpack3A_1000, %unpack3A_1001 : vector<16xf32>
      %reduce_sum3A_1006 = arith.constant true
      %reduce_sum3A_1007 = vector.broadcast %reduce_sum3A_1006 : i1 to vector<16xi1>
      %reduce_sum3A_1008 = tpu.scan <sum>, %add3A_1005 masked %reduce_sum3A_1007 : vector<16xf32>, vector<16xi1> -> vector<16xf32>
      %reduce_sum3A_1009 = vector.extract %reduce_sum3A_1008[15] : f32 from vector<16xf32>
      %broadcast_in_dim3A_1010 = vector.broadcast %reduce_sum3A_1009 : f32 to vector<16xf32>
      %select_n3A_1011 = arith.select %eq3A_1004, %broadcast_in_dim3A_1010, %select_n3A_942 : vector<16xi1>, vector<16xf32>
      %add3A_1012 = arith.constant 12 : i32
      %add3A_1013 = arith.addi %mul3A_188, %add3A_1012 : i32
      %get3A_1014 = arith.constant 0 : i32
      %get3A_1015 = arith.index_cast %get3A_1014 : i32 to index
      %get3A_1016 = arith.index_cast %add3A_1013 : i32 to index
      %get3A_1017 = arith.constant 0 : index
      %get3A_1018 = tpu.vector_load %arg7[%get3A_1015, %get3A_1016, %get3A_1017] {strides = array<i32>} : memref<2x400x64xi32, #tpu.memory_space<vmem>>, vector<16xi32>,
      %bitcast3A_1019 = vector.bitcast %get3A_1018 : vector<16xi32> to vector<32xbf16>
      %get3A_1020 = arith.constant 0 : i32
      %get3A_1021 = arith.index_cast %get3A_1020 : i32 to index
      %get3A_1022 = arith.index_cast %add3A_1013 : i32 to index
      %get3A_1023 = arith.constant 0 : index
      %get3A_1024 = tpu.vector_load %arg8[%get3A_1021, %get3A_1022, %get3A_1023] {strides = array<i32>} : memref<2x400x64xi32, #tpu.memory_space<vmem>>, vector<16xi32>,
      %bitcast3A_1025 = vector.bitcast %get3A_1024 : vector<16xi32> to vector<32xbf16>
      %mul3A_1026 = arith.mulf %bitcast3A_1019, %bitcast3A_1025 : vector<32xbf16>
      %get3A_1027 = arith.constant 0 : i32
      %get3A_1028 = arith.index_cast %get3A_1027 : i32 to index
      %get3A_1029 = arith.index_cast %add3A_1013 : i32 to index
      %get3A_1030 = arith.constant 16 : index
      %get3A_1031 = tpu.vector_load %arg7[%get3A_1028, %get3A_1029, %get3A_1030] {strides = array<i32>} : memref<2x400x64xi32, #tpu.memory_space<vmem>>, vector<16xi32>,
      %bitcast3A_1032 = vector.bitcast %get3A_1031 : vector<16xi32> to vector<32xbf16>
      %get3A_1033 = arith.constant 0 : i32
      %get3A_1034 = arith.index_cast %get3A_1033 : i32 to index
      %get3A_1035 = arith.index_cast %add3A_1013 : i32 to index
      %get3A_1036 = arith.constant 16 : index
      %get3A_1037 = tpu.vector_load %arg8[%get3A_1034, %get3A_1035, %get3A_1036] {strides = array<i32>} : memref<2x400x64xi32, #tpu.memory_space<vmem>>, vector<16xi32>,
      %bitcast3A_1038 = vector.bitcast %get3A_1037 : vector<16xi32> to vector<32xbf16>
      %mul3A_1039 = arith.mulf %bitcast3A_1032, %bitcast3A_1038 : vector<32xbf16>
      %add3A_1040 = arith.addf %mul3A_1026, %mul3A_1039 : vector<32xbf16>
      %get3A_1041 = arith.constant 0 : i32
      %get3A_1042 = arith.index_cast %get3A_1041 : i32 to index
      %get3A_1043 = arith.index_cast %add3A_1013 : i32 to index
      %get3A_1044 = arith.constant 32 : index
      %get3A_1045 = tpu.vector_load %arg7[%get3A_1042, %get3A_1043, %get3A_1044] {strides = array<i32>} : memref<2x400x64xi32, #tpu.memory_space<vmem>>, vector<16xi32>,
      %bitcast3A_1046 = vector.bitcast %get3A_1045 : vector<16xi32> to vector<32xbf16>
      %get3A_1047 = arith.constant 0 : i32
      %get3A_1048 = arith.index_cast %get3A_1047 : i32 to index
      %get3A_1049 = arith.index_cast %add3A_1013 : i32 to index
      %get3A_1050 = arith.constant 32 : index
      %get3A_1051 = tpu.vector_load %arg8[%get3A_1048, %get3A_1049, %get3A_1050] {strides = array<i32>} : memref<2x400x64xi32, #tpu.memory_space<vmem>>, vector<16xi32>,
      %bitcast3A_1052 = vector.bitcast %get3A_1051 : vector<16xi32> to vector<32xbf16>
      %mul3A_1053 = arith.mulf %bitcast3A_1046, %bitcast3A_1052 : vector<32xbf16>
      %add3A_1054 = arith.addf %add3A_1040, %mul3A_1053 : vector<32xbf16>
      %get3A_1055 = arith.constant 0 : i32
      %get3A_1056 = arith.index_cast %get3A_1055 : i32 to index
      %get3A_1057 = arith.index_cast %add3A_1013 : i32 to index
      %get3A_1058 = arith.constant 48 : index
      %get3A_1059 = tpu.vector_load %arg7[%get3A_1056, %get3A_1057, %get3A_1058] {strides = array<i32>} : memref<2x400x64xi32, #tpu.memory_space<vmem>>, vector<16xi32>,
      %bitcast3A_1060 = vector.bitcast %get3A_1059 : vector<16xi32> to vector<32xbf16>
      %get3A_1061 = arith.constant 0 : i32
      %get3A_1062 = arith.index_cast %get3A_1061 : i32 to index
      %get3A_1063 = arith.index_cast %add3A_1013 : i32 to index
      %get3A_1064 = arith.constant 48 : index
      %get3A_1065 = tpu.vector_load %arg8[%get3A_1062, %get3A_1063, %get3A_1064] {strides = array<i32>} : memref<2x400x64xi32, #tpu.memory_space<vmem>>, vector<16xi32>,
      %bitcast3A_1066 = vector.bitcast %get3A_1065 : vector<16xi32> to vector<32xbf16>
      %mul3A_1067 = arith.mulf %bitcast3A_1060, %bitcast3A_1066 : vector<32xbf16>
      %add3A_1068 = arith.addf %add3A_1054, %mul3A_1067 : vector<32xbf16>
      %unpack3A_1069 = tpu.unpack_subelements %add3A_1068, 0 {pack_format = #tpu.pack_format<interleaved>} : vector<32xbf16> -> vector<16xf32>
      %unpack3A_1070 = tpu.unpack_subelements %add3A_1068, 1 {pack_format = #tpu.pack_format<interleaved>} : vector<32xbf16> -> vector<16xf32>
      %eq3A_1071 = arith.constant 12 : i32
      %eq3A_1072 = vector.broadcast %eq3A_1071 : i32 to vector<16xi32>
      %eq3A_1073 = arith.cmpi eq, %iota3A, %eq3A_1072 : vector<16xi32>
      %add3A_1074 = arith.addf %unpack3A_1069, %unpack3A_1070 : vector<16xf32>
      %reduce_sum3A_1075 = arith.constant true
      %reduce_sum3A_1076 = vector.broadcast %reduce_sum3A_1075 : i1 to vector<16xi1>
      %reduce_sum3A_1077 = tpu.scan <sum>, %add3A_1074 masked %reduce_sum3A_1076 : vector<16xf32>, vector<16xi1> -> vector<16xf32>
      %reduce_sum3A_1078 = vector.extract %reduce_sum3A_1077[15] : f32 from vector<16xf32>
      %broadcast_in_dim3A_1079 = vector.broadcast %reduce_sum3A_1078 : f32 to vector<16xf32>
      %select_n3A_1080 = arith.select %eq3A_1073, %broadcast_in_dim3A_1079, %select_n3A_1011 : vector<16xi1>, vector<16xf32>
      %add3A_1081 = arith.constant 13 : i32
      %add3A_1082 = arith.addi %mul3A_188, %add3A_1081 : i32
      %get3A_1083 = arith.constant 0 : i32
      %get3A_1084 = arith.index_cast %get3A_1083 : i32 to index
      %get3A_1085 = arith.index_cast %add3A_1082 : i32 to index
      %get3A_1086 = arith.constant 0 : index
      %get3A_1087 = tpu.vector_load %arg7[%get3A_1084, %get3A_1085, %get3A_1086] {strides = array<i32>} : memref<2x400x64xi32, #tpu.memory_space<vmem>>, vector<16xi32>,
      %bitcast3A_1088 = vector.bitcast %get3A_1087 : vector<16xi32> to vector<32xbf16>
      %get3A_1089 = arith.constant 0 : i32
      %get3A_1090 = arith.index_cast %get3A_1089 : i32 to index
      %get3A_1091 = arith.index_cast %add3A_1082 : i32 to index
      %get3A_1092 = arith.constant 0 : index
      %get3A_1093 = tpu.vector_load %arg8[%get3A_1090, %get3A_1091, %get3A_1092] {strides = array<i32>} : memref<2x400x64xi32, #tpu.memory_space<vmem>>, vector<16xi32>,
      %bitcast3A_1094 = vector.bitcast %get3A_1093 : vector<16xi32> to vector<32xbf16>
      %mul3A_1095 = arith.mulf %bitcast3A_1088, %bitcast3A_1094 : vector<32xbf16>
      %get3A_1096 = arith.constant 0 : i32
      %get3A_1097 = arith.index_cast %get3A_1096 : i32 to index
      %get3A_1098 = arith.index_cast %add3A_1082 : i32 to index
      %get3A_1099 = arith.constant 16 : index
      %get3A_1100 = tpu.vector_load %arg7[%get3A_1097, %get3A_1098, %get3A_1099] {strides = array<i32>} : memref<2x400x64xi32, #tpu.memory_space<vmem>>, vector<16xi32>,
      %bitcast3A_1101 = vector.bitcast %get3A_1100 : vector<16xi32> to vector<32xbf16>
      %get3A_1102 = arith.constant 0 : i32
      %get3A_1103 = arith.index_cast %get3A_1102 : i32 to index
      %get3A_1104 = arith.index_cast %add3A_1082 : i32 to index
      %get3A_1105 = arith.constant 16 : index
      %get3A_1106 = tpu.vector_load %arg8[%get3A_1103, %get3A_1104, %get3A_1105] {strides = array<i32>} : memref<2x400x64xi32, #tpu.memory_space<vmem>>, vector<16xi32>,
      %bitcast3A_1107 = vector.bitcast %get3A_1106 : vector<16xi32> to vector<32xbf16>
      %mul3A_1108 = arith.mulf %bitcast3A_1101, %bitcast3A_1107 : vector<32xbf16>
      %add3A_1109 = arith.addf %mul3A_1095, %mul3A_1108 : vector<32xbf16>
      %get3A_1110 = arith.constant 0 : i32
      %get3A_1111 = arith.index_cast %get3A_1110 : i32 to index
      %get3A_1112 = arith.index_cast %add3A_1082 : i32 to index
      %get3A_1113 = arith.constant 32 : index
      %get3A_1114 = tpu.vector_load %arg7[%get3A_1111, %get3A_1112, %get3A_1113] {strides = array<i32>} : memref<2x400x64xi32, #tpu.memory_space<vmem>>, vector<16xi32>,
      %bitcast3A_1115 = vector.bitcast %get3A_1114 : vector<16xi32> to vector<32xbf16>
      %get3A_1116 = arith.constant 0 : i32
      %get3A_1117 = arith.index_cast %get3A_1116 : i32 to index
      %get3A_1118 = arith.index_cast %add3A_1082 : i32 to index
      %get3A_1119 = arith.constant 32 : index
      %get3A_1120 = tpu.vector_load %arg8[%get3A_1117, %get3A_1118, %get3A_1119] {strides = array<i32>} : memref<2x400x64xi32, #tpu.memory_space<vmem>>, vector<16xi32>,
      %bitcast3A_1121 = vector.bitcast %get3A_1120 : vector<16xi32> to vector<32xbf16>
      %mul3A_1122 = arith.mulf %bitcast3A_1115, %bitcast3A_1121 : vector<32xbf16>
      %add3A_1123 = arith.addf %add3A_1109, %mul3A_1122 : vector<32xbf16>
      %get3A_1124 = arith.constant 0 : i32
      %get3A_1125 = arith.index_cast %get3A_1124 : i32 to index
      %get3A_1126 = arith.index_cast %add3A_1082 : i32 to index
      %get3A_1127 = arith.constant 48 : index
      %get3A_1128 = tpu.vector_load %arg7[%get3A_1125, %get3A_1126, %get3A_1127] {strides = array<i32>} : memref<2x400x64xi32, #tpu.memory_space<vmem>>, vector<16xi32>,
      %bitcast3A_1129 = vector.bitcast %get3A_1128 : vector<16xi32> to vector<32xbf16>
      %get3A_1130 = arith.constant 0 : i32
      %get3A_1131 = arith.index_cast %get3A_1130 : i32 to index
      %get3A_1132 = arith.index_cast %add3A_1082 : i32 to index
      %get3A_1133 = arith.constant 48 : index
      %get3A_1134 = tpu.vector_load %arg8[%get3A_1131, %get3A_1132, %get3A_1133] {strides = array<i32>} : memref<2x400x64xi32, #tpu.memory_space<vmem>>, vector<16xi32>,
      %bitcast3A_1135 = vector.bitcast %get3A_1134 : vector<16xi32> to vector<32xbf16>
      %mul3A_1136 = arith.mulf %bitcast3A_1129, %bitcast3A_1135 : vector<32xbf16>
      %add3A_1137 = arith.addf %add3A_1123, %mul3A_1136 : vector<32xbf16>
      %unpack3A_1138 = tpu.unpack_subelements %add3A_1137, 0 {pack_format = #tpu.pack_format<interleaved>} : vector<32xbf16> -> vector<16xf32>
      %unpack3A_1139 = tpu.unpack_subelements %add3A_1137, 1 {pack_format = #tpu.pack_format<interleaved>} : vector<32xbf16> -> vector<16xf32>
      %eq3A_1140 = arith.constant 13 : i32
      %eq3A_1141 = vector.broadcast %eq3A_1140 : i32 to vector<16xi32>
      %eq3A_1142 = arith.cmpi eq, %iota3A, %eq3A_1141 : vector<16xi32>
      %add3A_1143 = arith.addf %unpack3A_1138, %unpack3A_1139 : vector<16xf32>
      %reduce_sum3A_1144 = arith.constant true
      %reduce_sum3A_1145 = vector.broadcast %reduce_sum3A_1144 : i1 to vector<16xi1>
      %reduce_sum3A_1146 = tpu.scan <sum>, %add3A_1143 masked %reduce_sum3A_1145 : vector<16xf32>, vector<16xi1> -> vector<16xf32>
      %reduce_sum3A_1147 = vector.extract %reduce_sum3A_1146[15] : f32 from vector<16xf32>
      %broadcast_in_dim3A_1148 = vector.broadcast %reduce_sum3A_1147 : f32 to vector<16xf32>
      %select_n3A_1149 = arith.select %eq3A_1142, %broadcast_in_dim3A_1148, %select_n3A_1080 : vector<16xi1>, vector<16xf32>
      %add3A_1150 = arith.constant 14 : i32
      %add3A_1151 = arith.addi %mul3A_188, %add3A_1150 : i32
      %get3A_1152 = arith.constant 0 : i32
      %get3A_1153 = arith.index_cast %get3A_1152 : i32 to index
      %get3A_1154 = arith.index_cast %add3A_1151 : i32 to index
      %get3A_1155 = arith.constant 0 : index
      %get3A_1156 = tpu.vector_load %arg7[%get3A_1153, %get3A_1154, %get3A_1155] {strides = array<i32>} : memref<2x400x64xi32, #tpu.memory_space<vmem>>, vector<16xi32>,
      %bitcast3A_1157 = vector.bitcast %get3A_1156 : vector<16xi32> to vector<32xbf16>
      %get3A_1158 = arith.constant 0 : i32
      %get3A_1159 = arith.index_cast %get3A_1158 : i32 to index
      %get3A_1160 = arith.index_cast %add3A_1151 : i32 to index
      %get3A_1161 = arith.constant 0 : index
      %get3A_1162 = tpu.vector_load %arg8[%get3A_1159, %get3A_1160, %get3A_1161] {strides = array<i32>} : memref<2x400x64xi32, #tpu.memory_space<vmem>>, vector<16xi32>,
      %bitcast3A_1163 = vector.bitcast %get3A_1162 : vector<16xi32> to vector<32xbf16>
      %mul3A_1164 = arith.mulf %bitcast3A_1157, %bitcast3A_1163 : vector<32xbf16>
      %get3A_1165 = arith.constant 0 : i32
      %get3A_1166 = arith.index_cast %get3A_1165 : i32 to index
      %get3A_1167 = arith.index_cast %add3A_1151 : i32 to index
      %get3A_1168 = arith.constant 16 : index
      %get3A_1169 = tpu.vector_load %arg7[%get3A_1166, %get3A_1167, %get3A_1168] {strides = array<i32>} : memref<2x400x64xi32, #tpu.memory_space<vmem>>, vector<16xi32>,
      %bitcast3A_1170 = vector.bitcast %get3A_1169 : vector<16xi32> to vector<32xbf16>
      %get3A_1171 = arith.constant 0 : i32
      %get3A_1172 = arith.index_cast %get3A_1171 : i32 to index
      %get3A_1173 = arith.index_cast %add3A_1151 : i32 to index
      %get3A_1174 = arith.constant 16 : index
      %get3A_1175 = tpu.vector_load %arg8[%get3A_1172, %get3A_1173, %get3A_1174] {strides = array<i32>} : memref<2x400x64xi32, #tpu.memory_space<vmem>>, vector<16xi32>,
      %bitcast3A_1176 = vector.bitcast %get3A_1175 : vector<16xi32> to vector<32xbf16>
      %mul3A_1177 = arith.mulf %bitcast3A_1170, %bitcast3A_1176 : vector<32xbf16>
      %add3A_1178 = arith.addf %mul3A_1164, %mul3A_1177 : vector<32xbf16>
      %get3A_1179 = arith.constant 0 : i32
      %get3A_1180 = arith.index_cast %get3A_1179 : i32 to index
      %get3A_1181 = arith.index_cast %add3A_1151 : i32 to index
      %get3A_1182 = arith.constant 32 : index
      %get3A_1183 = tpu.vector_load %arg7[%get3A_1180, %get3A_1181, %get3A_1182] {strides = array<i32>} : memref<2x400x64xi32, #tpu.memory_space<vmem>>, vector<16xi32>,
      %bitcast3A_1184 = vector.bitcast %get3A_1183 : vector<16xi32> to vector<32xbf16>
      %get3A_1185 = arith.constant 0 : i32
      %get3A_1186 = arith.index_cast %get3A_1185 : i32 to index
      %get3A_1187 = arith.index_cast %add3A_1151 : i32 to index
      %get3A_1188 = arith.constant 32 : index
      %get3A_1189 = tpu.vector_load %arg8[%get3A_1186, %get3A_1187, %get3A_1188] {strides = array<i32>} : memref<2x400x64xi32, #tpu.memory_space<vmem>>, vector<16xi32>,
      %bitcast3A_1190 = vector.bitcast %get3A_1189 : vector<16xi32> to vector<32xbf16>
      %mul3A_1191 = arith.mulf %bitcast3A_1184, %bitcast3A_1190 : vector<32xbf16>
      %add3A_1192 = arith.addf %add3A_1178, %mul3A_1191 : vector<32xbf16>
      %get3A_1193 = arith.constant 0 : i32
      %get3A_1194 = arith.index_cast %get3A_1193 : i32 to index
      %get3A_1195 = arith.index_cast %add3A_1151 : i32 to index
      %get3A_1196 = arith.constant 48 : index
      %get3A_1197 = tpu.vector_load %arg7[%get3A_1194, %get3A_1195, %get3A_1196] {strides = array<i32>} : memref<2x400x64xi32, #tpu.memory_space<vmem>>, vector<16xi32>,
      %bitcast3A_1198 = vector.bitcast %get3A_1197 : vector<16xi32> to vector<32xbf16>
      %get3A_1199 = arith.constant 0 : i32
      %get3A_1200 = arith.index_cast %get3A_1199 : i32 to index
      %get3A_1201 = arith.index_cast %add3A_1151 : i32 to index
      %get3A_1202 = arith.constant 48 : index
      %get3A_1203 = tpu.vector_load %arg8[%get3A_1200, %get3A_1201, %get3A_1202] {strides = array<i32>} : memref<2x400x64xi32, #tpu.memory_space<vmem>>, vector<16xi32>,
      %bitcast3A_1204 = vector.bitcast %get3A_1203 : vector<16xi32> to vector<32xbf16>
      %mul3A_1205 = arith.mulf %bitcast3A_1198, %bitcast3A_1204 : vector<32xbf16>
      %add3A_1206 = arith.addf %add3A_1192, %mul3A_1205 : vector<32xbf16>
      %unpack3A_1207 = tpu.unpack_subelements %add3A_1206, 0 {pack_format = #tpu.pack_format<interleaved>} : vector<32xbf16> -> vector<16xf32>
      %unpack3A_1208 = tpu.unpack_subelements %add3A_1206, 1 {pack_format = #tpu.pack_format<interleaved>} : vector<32xbf16> -> vector<16xf32>
      %eq3A_1209 = arith.constant 14 : i32
      %eq3A_1210 = vector.broadcast %eq3A_1209 : i32 to vector<16xi32>
      %eq3A_1211 = arith.cmpi eq, %iota3A, %eq3A_1210 : vector<16xi32>
      %add3A_1212 = arith.addf %unpack3A_1207, %unpack3A_1208 : vector<16xf32>
      %reduce_sum3A_1213 = arith.constant true
      %reduce_sum3A_1214 = vector.broadcast %reduce_sum3A_1213 : i1 to vector<16xi1>
      %reduce_sum3A_1215 = tpu.scan <sum>, %add3A_1212 masked %reduce_sum3A_1214 : vector<16xf32>, vector<16xi1> -> vector<16xf32>
      %reduce_sum3A_1216 = vector.extract %reduce_sum3A_1215[15] : f32 from vector<16xf32>
      %broadcast_in_dim3A_1217 = vector.broadcast %reduce_sum3A_1216 : f32 to vector<16xf32>
      %select_n3A_1218 = arith.select %eq3A_1211, %broadcast_in_dim3A_1217, %select_n3A_1149 : vector<16xi1>, vector<16xf32>
      %add3A_1219 = arith.constant 15 : i32
      %add3A_1220 = arith.addi %mul3A_188, %add3A_1219 : i32
      %get3A_1221 = arith.constant 0 : i32
      %get3A_1222 = arith.index_cast %get3A_1221 : i32 to index
      %get3A_1223 = arith.index_cast %add3A_1220 : i32 to index
      %get3A_1224 = arith.constant 0 : index
      %get3A_1225 = tpu.vector_load %arg7[%get3A_1222, %get3A_1223, %get3A_1224] {strides = array<i32>} : memref<2x400x64xi32, #tpu.memory_space<vmem>>, vector<16xi32>,
      %bitcast3A_1226 = vector.bitcast %get3A_1225 : vector<16xi32> to vector<32xbf16>
      %get3A_1227 = arith.constant 0 : i32
      %get3A_1228 = arith.index_cast %get3A_1227 : i32 to index
      %get3A_1229 = arith.index_cast %add3A_1220 : i32 to index
      %get3A_1230 = arith.constant 0 : index
      %get3A_1231 = tpu.vector_load %arg8[%get3A_1228, %get3A_1229, %get3A_1230] {strides = array<i32>} : memref<2x400x64xi32, #tpu.memory_space<vmem>>, vector<16xi32>,
      %bitcast3A_1232 = vector.bitcast %get3A_1231 : vector<16xi32> to vector<32xbf16>
      %mul3A_1233 = arith.mulf %bitcast3A_1226, %bitcast3A_1232 : vector<32xbf16>
      %get3A_1234 = arith.constant 0 : i32
      %get3A_1235 = arith.index_cast %get3A_1234 : i32 to index
      %get3A_1236 = arith.index_cast %add3A_1220 : i32 to index
      %get3A_1237 = arith.constant 16 : index
      %get3A_1238 = tpu.vector_load %arg7[%get3A_1235, %get3A_1236, %get3A_1237] {strides = array<i32>} : memref<2x400x64xi32, #tpu.memory_space<vmem>>, vector<16xi32>,
      %bitcast3A_1239 = vector.bitcast %get3A_1238 : vector<16xi32> to vector<32xbf16>
      %get3A_1240 = arith.constant 0 : i32
      %get3A_1241 = arith.index_cast %get3A_1240 : i32 to index
      %get3A_1242 = arith.index_cast %add3A_1220 : i32 to index
      %get3A_1243 = arith.constant 16 : index
      %get3A_1244 = tpu.vector_load %arg8[%get3A_1241, %get3A_1242, %get3A_1243] {strides = array<i32>} : memref<2x400x64xi32, #tpu.memory_space<vmem>>, vector<16xi32>,
      %bitcast3A_1245 = vector.bitcast %get3A_1244 : vector<16xi32> to vector<32xbf16>
      %mul3A_1246 = arith.mulf %bitcast3A_1239, %bitcast3A_1245 : vector<32xbf16>
      %add3A_1247 = arith.addf %mul3A_1233, %mul3A_1246 : vector<32xbf16>
      %get3A_1248 = arith.constant 0 : i32
      %get3A_1249 = arith.index_cast %get3A_1248 : i32 to index
      %get3A_1250 = arith.index_cast %add3A_1220 : i32 to index
      %get3A_1251 = arith.constant 32 : index
      %get3A_1252 = tpu.vector_load %arg7[%get3A_1249, %get3A_1250, %get3A_1251] {strides = array<i32>} : memref<2x400x64xi32, #tpu.memory_space<vmem>>, vector<16xi32>,
      %bitcast3A_1253 = vector.bitcast %get3A_1252 : vector<16xi32> to vector<32xbf16>
      %get3A_1254 = arith.constant 0 : i32
      %get3A_1255 = arith.index_cast %get3A_1254 : i32 to index
      %get3A_1256 = arith.index_cast %add3A_1220 : i32 to index
      %get3A_1257 = arith.constant 32 : index
      %get3A_1258 = tpu.vector_load %arg8[%get3A_1255, %get3A_1256, %get3A_1257] {strides = array<i32>} : memref<2x400x64xi32, #tpu.memory_space<vmem>>, vector<16xi32>,
      %bitcast3A_1259 = vector.bitcast %get3A_1258 : vector<16xi32> to vector<32xbf16>
      %mul3A_1260 = arith.mulf %bitcast3A_1253, %bitcast3A_1259 : vector<32xbf16>
      %add3A_1261 = arith.addf %add3A_1247, %mul3A_1260 : vector<32xbf16>
      %get3A_1262 = arith.constant 0 : i32
      %get3A_1263 = arith.index_cast %get3A_1262 : i32 to index
      %get3A_1264 = arith.index_cast %add3A_1220 : i32 to index
      %get3A_1265 = arith.constant 48 : index
      %get3A_1266 = tpu.vector_load %arg7[%get3A_1263, %get3A_1264, %get3A_1265] {strides = array<i32>} : memref<2x400x64xi32, #tpu.memory_space<vmem>>, vector<16xi32>,
      %bitcast3A_1267 = vector.bitcast %get3A_1266 : vector<16xi32> to vector<32xbf16>
      %get3A_1268 = arith.constant 0 : i32
      %get3A_1269 = arith.index_cast %get3A_1268 : i32 to index
      %get3A_1270 = arith.index_cast %add3A_1220 : i32 to index
      %get3A_1271 = arith.constant 48 : index
      %get3A_1272 = tpu.vector_load %arg8[%get3A_1269, %get3A_1270, %get3A_1271] {strides = array<i32>} : memref<2x400x64xi32, #tpu.memory_space<vmem>>, vector<16xi32>,
      %bitcast3A_1273 = vector.bitcast %get3A_1272 : vector<16xi32> to vector<32xbf16>
      %mul3A_1274 = arith.mulf %bitcast3A_1267, %bitcast3A_1273 : vector<32xbf16>
      %add3A_1275 = arith.addf %add3A_1261, %mul3A_1274 : vector<32xbf16>
      %unpack3A_1276 = tpu.unpack_subelements %add3A_1275, 0 {pack_format = #tpu.pack_format<interleaved>} : vector<32xbf16> -> vector<16xf32>
      %unpack3A_1277 = tpu.unpack_subelements %add3A_1275, 1 {pack_format = #tpu.pack_format<interleaved>} : vector<32xbf16> -> vector<16xf32>
      %eq3A_1278 = arith.constant 15 : i32
      %eq3A_1279 = vector.broadcast %eq3A_1278 : i32 to vector<16xi32>
      %eq3A_1280 = arith.cmpi eq, %iota3A, %eq3A_1279 : vector<16xi32>
      %add3A_1281 = arith.addf %unpack3A_1276, %unpack3A_1277 : vector<16xf32>
      %reduce_sum3A_1282 = arith.constant true
      %reduce_sum3A_1283 = vector.broadcast %reduce_sum3A_1282 : i1 to vector<16xi1>
      %reduce_sum3A_1284 = tpu.scan <sum>, %add3A_1281 masked %reduce_sum3A_1283 : vector<16xf32>, vector<16xi1> -> vector<16xf32>
      %reduce_sum3A_1285 = vector.extract %reduce_sum3A_1284[15] : f32 from vector<16xf32>
      %broadcast_in_dim3A_1286 = vector.broadcast %reduce_sum3A_1285 : f32 to vector<16xf32>
      %select_n3A_1287 = arith.select %eq3A_1280, %broadcast_in_dim3A_1286, %select_n3A_1218 : vector<16xi1>, vector<16xf32>
      %swap3A = arith.constant 0 : i32
      %swap3A_1288 = arith.index_cast %swap3A : i32 to index
      %swap3A_1289 = arith.index_cast %mul3A_188 : i32 to index
      %swap3A_1290 = tpu.vector_load %arg9[%swap3A_1288, %swap3A_1289] {strides = array<i32>} : memref<2x400xf32, #tpu.memory_space<vmem>>, vector<16xf32>,
      tpu.vector_store %arg9[%swap3A_1288, %swap3A_1289], %select_n3A_1287 {strides = array<i32>} : memref<2x400xf32, #tpu.memory_space<vmem>>, vector<16xf32>,
    }
    %scan3A_156 = arith.constant 25 : i32
    %add3A_157 = arith.constant 9600 : i32
    %add3A_158 = arith.addi %mul3A_2, %add3A_157 : i32
    %dma_start3A_159 = arith.constant 0 : i32
    %dma_start3A_160 = arith.constant 0 : i32
    %dma_start3A_161 = tpu.memref_slice %arg9[%dma_start3A_159, %dma_start3A_160] : memref<2x400xf32, #tpu.memory_space<vmem>> -> memref<1x400xf32, #tpu.memory_space<vmem>>
    %dma_start3A_162 = tpu.memref_squeeze %dma_start3A_161 : memref<1x400xf32, #tpu.memory_space<vmem>> -> memref<400xf32, #tpu.memory_space<vmem>>
    %dma_start3A_163 = tpu.memref_slice %arg4[%add3A_158] : memref<320000xf32, #tpu.memory_space<hbm>> -> memref<400xf32, #tpu.memory_space<hbm>>
    %dma_start3A_164 = tpu.memref_slice %arg4[%add3A_158] : memref<320000xf32, #tpu.memory_space<hbm>> -> memref<400xf32, #tpu.memory_space<hbm>>
    %dma_start3A_165 = arith.constant 0 : i32
    %dma_start3A_166 = tpu.memref_slice %arg9[%dma_start3A_159, %dma_start3A_165] : memref<2x400xf32, #tpu.memory_space<vmem>> -> memref<1x400xf32, #tpu.memory_space<vmem>>
    %dma_start3A_167 = tpu.memref_squeeze %dma_start3A_166 : memref<1x400xf32, #tpu.memory_space<vmem>> -> memref<400xf32, #tpu.memory_space<vmem>>
    tpu.enqueue_dma source(%dma_start3A_167 : memref<400xf32, #tpu.memory_space<vmem>>) target(%dma_start3A_164 : memref<400xf32, #tpu.memory_space<hbm>>) target_semaphore(%arg14 : memref<!tpu.dma_semaphore, #tpu.memory_space<semaphore_mem>>)
    %dma_wait3A_168 = arith.constant 1 : i32
    %dma_wait3A_169 = arith.constant 0 : i32
    %dma_wait3A_170 = tpu.memref_slice %arg9[%dma_wait3A_168, %dma_wait3A_169] : memref<2x400xf32, #tpu.memory_space<vmem>> -> memref<1x400xf32, #tpu.memory_space<vmem>>
    %dma_wait3A_171 = tpu.memref_squeeze %dma_wait3A_170 : memref<1x400xf32, #tpu.memory_space<vmem>> -> memref<400xf32, #tpu.memory_space<vmem>>
    %dma_wait3A_172 = tpu.memref_slice %arg4[%mul3A_2] : memref<320000xf32, #tpu.memory_space<hbm>> -> memref<400xf32, #tpu.memory_space<hbm>>
    %dma_wait3A_173 = tpu.memref_slice %arg4[%mul3A_2] : memref<320000xf32, #tpu.memory_space<hbm>> -> memref<400xf32, #tpu.memory_space<hbm>>
    %dma_wait3A_174 = arith.constant 0 : i32
    %dma_wait3A_175 = tpu.memref_slice %arg9[%dma_wait3A_168, %dma_wait3A_174] : memref<2x400xf32, #tpu.memory_space<vmem>> -> memref<1x400xf32, #tpu.memory_space<vmem>>
    %dma_wait3A_176 = tpu.memref_squeeze %dma_wait3A_175 : memref<1x400xf32, #tpu.memory_space<vmem>> -> memref<400xf32, #tpu.memory_space<vmem>>
    tpu.wait_dma2 semaphore(%arg15 : memref<!tpu.dma_semaphore, #tpu.memory_space<semaphore_mem>>) src(%dma_wait3A_176 : memref<400xf32, #tpu.memory_space<vmem>>) dst(%dma_wait3A_173 : memref<400xf32, #tpu.memory_space<hbm>>)
    %dma_wait3A_177 = arith.constant 0 : i32
    %dma_wait3A_178 = arith.constant 0 : i32
    %dma_wait3A_179 = tpu.memref_slice %arg9[%dma_wait3A_177, %dma_wait3A_178] : memref<2x400xf32, #tpu.memory_space<vmem>> -> memref<1x400xf32, #tpu.memory_space<vmem>>
    %dma_wait3A_180 = tpu.memref_squeeze %dma_wait3A_179 : memref<1x400xf32, #tpu.memory_space<vmem>> -> memref<400xf32, #tpu.memory_space<vmem>>
    %dma_wait3A_181 = tpu.memref_slice %arg4[%mul3A_2] : memref<320000xf32, #tpu.memory_space<hbm>> -> memref<400xf32, #tpu.memory_space<hbm>>
    %dma_wait3A_182 = tpu.memref_slice %arg4[%mul3A_2] : memref<320000xf32, #tpu.memory_space<hbm>> -> memref<400xf32, #tpu.memory_space<hbm>>
    %dma_wait3A_183 = arith.constant 0 : i32
    %dma_wait3A_184 = tpu.memref_slice %arg9[%dma_wait3A_177, %dma_wait3A_183] : memref<2x400xf32, #tpu.memory_space<vmem>> -> memref<1x400xf32, #tpu.memory_space<vmem>>
    %dma_wait3A_185 = tpu.memref_squeeze %dma_wait3A_184 : memref<1x400xf32, #tpu.memory_space<vmem>> -> memref<400xf32, #tpu.memory_space<vmem>>
    tpu.wait_dma2 semaphore(%arg14 : memref<!tpu.dma_semaphore, #tpu.memory_space<semaphore_mem>>) src(%dma_wait3A_185 : memref<400xf32, #tpu.memory_space<vmem>>) dst(%dma_wait3A_182 : memref<400xf32, #tpu.memory_space<hbm>>)
    return
  }
}

module attributes {stable_mosaic.version = 14 : i64} {
  func.func @_pack_body(%arg0: memref<10000x128xf32, #tpu.memory_space<vmem>>, %arg1: memref<2x10000x64xi32, #tpu.memory_space<vmem>>) attributes {dimension_semantics = [], scalar_prefetch = 0 : i64, scratch_operands = 0 : i64, tpu.core_type = #tpu.core_type<tc>} {
    %get3A = arith.constant 0 : index
    %get3A_0 = arith.constant 0 : index
    %get3A_1 = vector.load %arg0[%get3A, %get3A_0] : memref<10000x128xf32, #tpu.memory_space<vmem>>, vector<10000x64xf32>
    %convert_element_type3A = arith.truncf %get3A_1 : vector<10000x64xf32> to vector<10000x64xbf16>
    %get3A_2 = arith.constant 0 : index
    %get3A_3 = arith.constant 64 : index
    %get3A_4 = vector.load %arg0[%get3A_2, %get3A_3] : memref<10000x128xf32, #tpu.memory_space<vmem>>, vector<10000x64xf32>
    %convert_element_type3A_5 = arith.truncf %get3A_4 : vector<10000x64xf32> to vector<10000x64xbf16>
    %bitcast_convert_type3A = tpu.bitcast %convert_element_type3A : vector<10000x64xbf16> -> vector<10000x64xi16>
    %convert_element_type3A_6 = arith.extui %bitcast_convert_type3A : vector<10000x64xi16> to vector<10000x64xi32>
    %bitcast_convert_type3A_7 = tpu.bitcast %convert_element_type3A_5 : vector<10000x64xbf16> -> vector<10000x64xi16>
    %convert_element_type3A_8 = arith.extui %bitcast_convert_type3A_7 : vector<10000x64xi16> to vector<10000x64xi32>
    %shift_left3A = arith.constant 16 : i32
    %shift_left3A_9 = vector.broadcast %shift_left3A : i32 to vector<10000x64xi32>
    %shift_left3A_10 = arith.shli %convert_element_type3A_6, %shift_left3A_9 : vector<10000x64xi32>
    %or3A = arith.ori %shift_left3A_10, %convert_element_type3A_8 : vector<10000x64xi32>
    %bitcast_convert_type3A_11 = tpu.bitcast %or3A : vector<10000x64xi32> -> vector<10000x64xi32>
    %swap3A = arith.constant 0 : index
    %swap3A_12 = arith.constant 0 : index
    %swap3A_13 = arith.constant 0 : index
    %swap3A_14 = vector.load %arg1[%swap3A, %swap3A_12, %swap3A_13] : memref<2x10000x64xi32, #tpu.memory_space<vmem>>, vector<1x10000x64xi32>
    %swap3A_15 = vector.shape_cast %swap3A_14 : vector<1x10000x64xi32> to vector<10000x64xi32>
    %swap3A_16 = vector.shape_cast %bitcast_convert_type3A_11 : vector<10000x64xi32> to vector<1x10000x64xi32>
    tpu.vector_store %arg1[%swap3A, %swap3A_12, %swap3A_13], %swap3A_16 {strides = array<i32>} : memref<2x10000x64xi32, #tpu.memory_space<vmem>>, vector<1x10000x64xi32>,
    %swap3A_17 = arith.constant 1 : index
    %swap3A_18 = arith.constant 0 : index
    %swap3A_19 = arith.constant 0 : index
    %swap3A_20 = vector.load %arg1[%swap3A_17, %swap3A_18, %swap3A_19] : memref<2x10000x64xi32, #tpu.memory_space<vmem>>, vector<1x10000x64xi32>
    %swap3A_21 = vector.shape_cast %swap3A_20 : vector<1x10000x64xi32> to vector<10000x64xi32>
    %swap3A_22 = vector.shape_cast %bitcast_convert_type3A_11 : vector<10000x64xi32> to vector<1x10000x64xi32>
    tpu.vector_store %arg1[%swap3A_17, %swap3A_18, %swap3A_19], %swap3A_22 {strides = array<i32>} : memref<2x10000x64xi32, #tpu.memory_space<vmem>>, vector<1x10000x64xi32>,
    return
  }
}

</mosaic_0001>

<sc_bundles>
// kernel: kernel.4.cloned.1.call-start
scs
__scs_entry_jumppad:
0x0: {  	(pc) =	sbr.rel $0x88, $3  }
0x1: {  	(tag) =	ssettag $0x0;
	lr =	simm.s32 $0x1  }
0x2: {  	[smem:$0x3F9F] =	sst lr;
	_ =	strace $0xD0000000  }
0x3: {  	_ = 	snop  }
0x4: {  	_ = 	snop  }
0x5: {  	_ = 	snop  }
0x6: {  	_ = 	snop  }
0x7: {  	_ = 	snop  }
__scs_overlays_trampoline_lowered:
0x8: {  	[smem:$0x3FAE] =	sst s0  }
0x9: {  	[smem:$0x3FAF] =	sst s1  }
0xa: {  	[smem:$0x3FB0] =	sst s2  }
0xb: {  	[smem:$0x3FB1] =	sst s3  }
0xc: {  	[smem:$0x3FB2] =	sst s4  }
0xd: {  	[smem:$0x3FB3] =	sst s5  }
0xe: {  	[smem:$0x3FB4] =	sst s6  }
0xf: {  	[smem:$0x3FB5] =	sst s7  }
0x10: {  	[smem:$0x3FB6] =	sst s8  }
0x11: {  	[smem:$0x3FB7] =	sst s9;
	s0 =	simm.s32 @!p0 $0x0  }
0x12: {  	s1 =	sld [smem:$0x3F9D];
	s0 =	simm.s32 @p0 $0x1  }
0x13: {  	[smem:$0x3FB8] =	sst s0;
	s0 =	simm.s32 @!p1 $0x0  }
0x14: {  	s2 =	sld [smem:$0x3F9C];
	s0 =	simm.s32 @p1 $0x1  }
0x15: {  	[smem:$0x3FB9] =	sst s0;
	s0 =	simm.s32 @!p2 $0x0  }
0x16: {  	s3 =	sld [smem:$0x3FDB];
	s0 =	simm.s32 @p2 $0x1  }
0x17: {  	s4 =	simm.s32 $0x1BF5;
	[smem:$0x3FBB] =	sst s0  }
0x18: {  	s0 =	sld [smem:$0x3F9E];
	_ =	swait.ge [sflag:s4], $0x0  }
0x19: {  	s7 =	sld [smem:$0x3F9F]  }
0x1a: {  	s8 =	sadd.s32 $0xFFFFE003, lr  }
0x1b: {  	s9 =	sadd.s32 $0xFFFFFEF7, lr;
	s5 =	simm.s32 $0xFFFFFFFF;
	p2 =	slt.u32 s8, $0xFFFFF086  }
0x1c: {  	p1 =	slt.u32 s9, $0xF7A;
	s5 =	simm.s32 @!p2 $0x0  }
0x1d: {  	s5 =	simm.s32 @p1 $0x1;
	p0 =	seq.s32 s7, s2  }
0x1e: {  	s7 =	smul.u32 @!p0 $0xF7A, s2;
	p2 =	seq.s32 @!p0 s5, $0x0  }
0x1f: {  	s9 =	smul.u32 $0xF7A, s1;
	s8 =	simm.s32 @!p0 $0x1BF5;
	p2 =	por !p2, p0  }
0x20: {  	[sflag:s8] =	ssyncset.s32 @!p0 $0xFFFFF086;
	s6 =	sadd.s32 @!p0 s3, s7;
	s7 =	simm.s32 @!p0 $0x108  }
0x21: {  	s3 =	sadd.s32 s3, s9;
	s6 =	sadd.s32 @!p0 $0x88, s6;
	s7 =	simm.s32 @p2 $0x1082  }
0x22: {  	[simem:s7], [sflag:s8] =	dma.local @!p0 [hbm:s6], $0xF7A  }
0x23: {  	s9 =	sor.u32 $0xD0000000, s2;
	s6 =	simm.s32 $0x108;
	_ =	swait.ge @!p0 [sflag:s8], $0x0  }
0x24: {  	s3 =	sadd.s32 $0x88, s3;
	s6 =	simm.s32 @!p1 $0x1082;
	[sflag:s4] =	ssyncset.s32 $0xFFFFF086  }
0x25: {  	[simem:s6], [sflag:s4] =	dma.local [hbm:s3], $0xF7A  }
0x26: {  	[smem:$0x3F9F] =	sst s1;
	(tag) =	ssettag s2;
	_ =	strace s9  }
0x27: {  	s1 =	sld [smem:$0x3FAF]  }
0x28: {  	s2 =	sld [smem:$0x3FB0]  }
0x29: {  	s4 =	sld [smem:$0x3FB2]  }
0x2a: {  	p0 =	seq.s32 s5, $0x0;
	s5 =	sld [smem:$0x3FB3]  }
0x2b: {  	s6 =	sld [smem:$0x3FB4]  }
0x2c: {  	s7 =	sld [smem:$0x3FB5]  }
0x2d: {  	s3 =	simm.s32 $0x108;
	s8 =	sld [smem:$0x3FB6]  }
0x2e: {  	s3 =	simm.s32 @!p0 $0x1082;
	s9 =	sld [smem:$0x3FB7]  }
0x2f: {  	lr =	sadd.s32 s0, s3;
	s0 =	sld [smem:$0x3FAE]  }
0x30: {  	s3 =	sld [smem:$0x3FB1]  }
0x31: {  	[smem:$0x3FBA] =	sst s10  }
0x32: {  	s10 =	sld [smem:$0x3FB8];
	_ =	sdelay $0x3  }
0x33: {  	p0 =	seq.s32 s10, $0x1;
	s10 =	sld [smem:$0x3FBA];
	_ =	sdelay $0x3  }
0x34: {  	[smem:$0x3FBA] =	sst s10  }
0x35: {  	s10 =	sld [smem:$0x3FB9];
	_ =	sdelay $0x3  }
0x36: {  	p1 =	seq.s32 s10, $0x1;
	s10 =	sld [smem:$0x3FBA];
	_ =	sdelay $0x3  }
0x37: {  	[smem:$0x3FBA] =	sst s10  }
0x38: {  	s10 =	sld [smem:$0x3FBB]  }
0x39: {  	_ = 	snop;
	(pc) =	sbr.ind lr, $3  }
0x3a: {  	_ = 	snop  }
0x3b: {  	_ = 	snop  }
0x3c: {  	p2 =	seq.s32 s10, $0x1;
	s10 =	sld [smem:$0x3FBA]  }
0x3d: {  	_ =	shalt  }
0x3e: {  	_ =	shalt  }
0x3f: {  	_ =	shalt  }
0x40: {  	_ =	shalt  }
0x41: {  	_ =	shalt  }
0x42: {  	_ =	shalt  }
0x43: {  	_ =	shalt  }
0x44: {  	_ =	shalt  }
0x45: {  	_ =	shalt  }
0x46: {  	_ =	shalt  }
0x47: {  	_ =	shalt  }
0x48: {  	_ =	shalt  }
0x49: {  	_ =	shalt  }
0x4a: {  	_ =	shalt  }
0x4b: {  	_ =	shalt  }
0x4c: {  	_ =	shalt  }
0x4d: {  	_ =	shalt  }
0x4e: {  	_ =	shalt  }
0x4f: {  	_ =	shalt  }
0x50: {  	_ =	shalt  }
0x51: {  	_ =	shalt  }
0x52: {  	_ =	shalt  }
0x53: {  	_ =	shalt  }
0x54: {  	_ =	shalt  }
0x55: {  	_ =	shalt  }
0x56: {  	_ =	shalt  }
0x57: {  	_ =	shalt  }
0x58: {  	_ =	shalt  }
0x59: {  	_ =	shalt  }
0x5a: {  	_ =	shalt  }
0x5b: {  	_ =	shalt  }
0x5c: {  	_ =	shalt  }
0x5d: {  	_ =	shalt  }
0x5e: {  	_ =	shalt  }
0x5f: {  	_ =	shalt  }
0x60: {  	_ =	shalt  }
0x61: {  	_ =	shalt  }
0x62: {  	_ =	shalt  }
0x63: {  	_ =	shalt  }
0x64: {  	_ =	shalt  }
0x65: {  	_ =	shalt  }
0x66: {  	_ =	shalt  }
0x67: {  	_ =	shalt  }
0x68: {  	_ =	shalt  }
0x69: {  	_ =	shalt  }
0x6a: {  	_ =	shalt  }
0x6b: {  	_ =	shalt  }
0x6c: {  	_ =	shalt  }
0x6d: {  	_ =	shalt  }
0x6e: {  	_ =	shalt  }
0x6f: {  	_ =	shalt  }
0x70: {  	_ =	shalt  }
0x71: {  	_ =	shalt  }
0x72: {  	_ =	shalt  }
0x73: {  	_ =	shalt  }
0x74: {  	_ =	shalt  }
0x75: {  	_ =	shalt  }
0x76: {  	_ =	shalt  }
0x77: {  	_ =	shalt  }
0x78: {  	_ =	shalt  }
0x79: {  	_ =	shalt  }
0x7a: {  	_ =	shalt  }
0x7b: {  	_ =	shalt  }
0x7c: {  	_ =	shalt  }
0x7d: {  	_ =	shalt  }
0x7e: {  	_ =	shalt  }
0x7f: {  	_ =	shalt  }
0x80: {  	_ =	shalt  }
0x81: {  	_ =	shalt  }
0x82: {  	_ =	shalt  }
0x83: {  	_ =	shalt  }
0x84: {  	_ =	shalt  }
0x85: {  	_ =	shalt  }
0x86: {  	_ =	shalt  }
0x87: {  	_ =	shalt  }
.Lfunc_end0:
.L_simem_size_0:
called_computation_lowered:
.L_overlay_start_0:
0x88: {  	s2 =	sld [smem:$0x3FD9]  }
0x89: {  	s3 =	sld [smem:$0x3FFE];
	_ =	sdelay $0x1  }
0x8a: {  	s1 =	srdreg.scid  }
0x8b: {  	s0 =	sand.u32 $0x1, s1  }
0x8c: {  	s16 =	sshll.u32 s0, $0xA;
	s2 =	sadd.s32 s3, s2  }
0x8d: {  	s2 =	sadd.s32 s2, s16  }
0x8e: {  	[smem:$0x3FC6] =	sst s2  }
0x8f: {  	_ = 	snop  }
0x90: {  	(tm) =	ssettm $0x1  }
0x91: {  	s17 =	sld [smem:$0x3FFB];
	_ =	sdelay $0x3  }
0x92: {  	_ =	strace s17  }
0x93: {  	s2 =	sld [smem:$0x3FFC];
	_ =	sdelay $0x3  }
0x94: {  	_ =	strace s2  }
0x95: {  	s2 =	sld [smem:$0x3FFD];
	_ =	sdelay $0x3  }
0x96: {  	_ =	strace s2  }
0x97: {  	_ =	strace $0x8FFFFFFF  }
0x98: {  	s18 =	sld [smem:$0x3FDB];
	_ =	sdelay $0x1  }
0x99: {  	s19 =	simm.s32 $_scs_section_size  }
0x9a: {  	s4 =	simm.s32 $_size__tile_overlayer_lowered;
	s5 =	simm.s32 $_tile_overlayer_lowered  }
0x9b: {  	s22 =	simm.s32 $0x1BFF;
	s21 =	sshll.u32 s5, $0x1;
	s2 =	sadd.s32 s19, s18  }
0x9c: {  	s6 =	simm.s32 $0x0;
	s20 =	sshll.u32 s4, $0x1;
	s4 =	sadd.s32 s21, s2  }
0x9d: {  	[timem:s6], [sflag:s22] =	dma.local [hbm:s4], s20  }
0x9e: {  	_ =	swait.ge [sflag:s22], s20  }
0x9f: {  	s3 =	ssub.s32 $0x0, s20;
	[sflag:s22] =	ssyncset.done $0x0  }
0xa0: {  	[sflag:s22] =	ssyncadd.s32 s3;
	_ =	sdelay $0x1  }
0xa1: {  	s23 =	simm.s32 $0x1B8B  }
0xa2: {  	_ =	swait.ge [sflag:s23], $0x1  }
0xa3: {  	[sflag:s23] =	ssyncset.done $0x0  }
0xa4: {  	s25 =	simm.s32 $0x1B8E;
	s24 =	sld [smem:$0x3FFE];
	[sflag:s23] =	ssyncadd.s32 $0xFFFFFFFF  }
0xa5: {  	s26 =	simm.s32 $execute0_lowered;
	[smem:$0x3FD2] =	sst s25  }
0xa6: {  	s4 =	sshll.u32 s26, $0x1;
	_ =	strace $0x80000046;
	[dreg:$0x1] =	wrdreg $0xFFFFFFFF  }
0xa7: {  	s28 =	simm.s32 $_size_execute0_lowered;
	s2 =	sadd.s32 s2, s4;
	[dreg:$0x0] =	wrdreg $0x0  }
0xa8: {  	s4 =	sshll.u32 s28, $0x1;
	[dreg:$0x2] =	wrdreg s2  }
0xa9: {  	[dreg:$0x3] =	wrdreg s4  }
0xaa: {  	[dreg:$0x4] =	wrdreg $0xC0  }
0xab: {  	_ =	task [dreg:s6], $0x5FFFF  }
0xac: {  	[dreg:$0x1] =	wrdreg $0xFFFFFFFF  }
0xad: {  	[dreg:$0x0] =	wrdreg $0x60  }
0xae: {  	[dreg:$0x2] =	wrdreg s24  }
0xaf: {  	[dreg:$0x3] =	wrdreg $0x9  }
0xb0: {  	_ =	task.clear_ibuf [dreg:s6], $0x4FFFF;
	_ =	strace $0x90000046  }
0xb1: {  	s29 =	simm.s32 $0x9;
	_ =	strace $0x80000048  }
0xb2: {  	_ =	swait.ge [sflag:s29], $0x1  }
0xb3: {  	[sflag:s29] =	ssyncadd.s32 $0xFFFFFFFF  }
0xb4: {  	_ =	strace $0x90000048  }
0xb5: {  	_ =	sfence  }
0xb6: {  	s30 =	sld [smem:$0x0];
	_ =	sdelay $0x2  }
0xb7: {  	s31 =	sshll.u32 s1, $0xD;
	s1 =	sshrl.u32 s1, $0x2  }
0xb8: {  	s3 =	sand.u32 $0x4000, s31;
	s1 =	sadd.s32 s1, s30  }
0xb9: {  	s0 =	sor.u32 s3, s0;
	s1 =	sshll.u32 s1, $0x11  }
0xba: {  	s0 =	sor.u32 s1, s0  }
0xbb: {  	s0 =	sadd.s32 $0x8F2B, s0  }
0xbc: {  	[sflag:s0] =	ssyncadd.remote.s32 $0x1  }
0xbd: {  	_ =	sfence.sel $0xFFFF  }
0xbe: {  	[dreg:$0x0] =	wrdreg $0xFFFFFFFF;
	(pc) =	sbr.abs _section_cstart, $3  }
0xbf: {  	[dreg:$0x1] =	wrdreg $0xFFFFFFFF  }
0xc0: {  	_ =	task.clear_ibuf [dreg:s6], $0x2FFFF;
	_ =	strace $0x9FFFFFFF  }
0xc1: {  	(tm) =	ssettm $0x7FFFFFFF  }
tec
execute0_lowered:
.L_overlay_start_1:
0x0: {  	(tag) =	ssettag $0x1  }
0x1: {  	s0 =	rddreg [dreg:$0x0];
	s1 =	srdreg.scid  }
0x2: {  	s2 =	stileid.u32;
	s13 =	simm.s32 $0x320;
	s14 =	simm.s32 $0x1  }
0x3: {  	s15 =	simm.s32 $0x190;
	s16 =	simm.s32 $0x640;
	s17 =	simm.s32 $0xCE40  }
0x4: {  	s18 =	simm.s32 $0x4B0;
	s19 =	simm.s32 $0x2;
	s20 =	simm.s32 $0x6A40  }
0x5: {  	s21 =	simm.s32 $0x13240;
	s22 =	simm.s32 $0x3;
	s23 =	simm.s32 $0x19640  }
0x6: {  	s24 =	simm.s32 $0x4;
	s28 =	simm.s32 $0x6;
	s29 =	simm.s32 $0x0  }
0x7: {  	s1 =	sand.u32 $0x1, s1;
	s3 =	sshll.u32 s2, $0x1;
	s2 =	simm.s32 $0x0  }
0x8: {  	s5 =	sadd.s32 $0x3B400, s0;
	s4 =	smul.u32 $0x13880, s1;
	s3 =	sor.u32 s1, s3  }
0x9: {  	[smem:$0x7FF] =	sst s2;
	s1 =	ssub.s32 $0x2, s1;
	s3 =	smul.u32 $0x2710, s3  }
0xa: {  	_ =	strace $0x80000047;
	s25 =	sshrl.u32 s1, $0x1;
	s7 =	sadd.s32 s4, s0  }
0xb: {  	vm0 =	vmmov $0x1;
	vm1 =	vmmov $0x3;
	vm2 =	vmmov $0x7;
	s4 =	sadd.s32 $0x27A00, s0;
	s0 =	ssub.s32 s1, s25;
	s9 =	sshrl.u32 s3, $0x3  }
0xc: {  	vm3 =	vmmov $0xf;
	vm4 =	vmmov $0x1f;
	vm5 =	vmmov $0x3f;
	s25 =	simm.s32 $0x197D0;
	s8 =	sadd.s32 $0x800, s7;
	s6 =	sadd.s32 s4, s9  }
0xd: {  	vm6 =	vmmov $0x7f;
	vm7 =	vmmov $0xff;
	vm8 =	vmmov $0x1ff;
	s12 =	smax.u32 s0, $0x1;
	s31 =	sadd.s32 s5, s9;
	s26 =	sadd.s32 $0x9C40, s6  }
0xe: {  	vm9 =	vmmov $0x3ff;
	vm10 =	vmmov $0x7ff;
	vm11 =	vmmov $0xfff;
	s30 =	sadd.s32 $0x32, s6;
	s10 =	sadd.s32 $0x9C72, s6;
	[dreg:$0x2] =	wrdreg s26  }
0xf: {  	vm12 =	vmmov $0x1fff;
	vm13 =	vmmov $0x3fff;
	vm14 =	vmmov $0x7fff;
	s11 =	sadd.s32 $0x4B0, s31;
	[dreg:$0x3] =	wrdreg s30;
	s26 =	simm.s32 $0x5  }
.LBB2_1:
0x10: {  	[tilespmem:s2], [sflag:$0x1] =	stream.linear.gather [hbm4b:s6+s2], $0x190, $0x38;
	[tilespmem:$0x19960] =	vst v63  }
0x11: {  	s0 =	rddreg [dreg:$0x2]  }
0x12: {  	[tilespmem:s13], [sflag:$0x1] =	stream.linear.gather [hbm4b:s0+s2], $0x190, $0x38;
	[tilespmem:$0x19960] =	vst v63  }
0x13: {  	_ =	swait.ge [sflag:s14], $0x190  }
0x14: {  	[sflag:s14] =	ssyncset.done $0x0  }
0x15: {  	[sflag:s14] =	ssyncadd.s32 $0xFFFFFE70  }
0x16: {  	_ =	swait.ge [sflag:s14], $0x190  }
0x17: {  	[sflag:s14] =	ssyncset.done $0x0  }
0x18: {  	[sflag:s14] =	ssyncadd.s32 $0xFFFFFE70  }
0x19: {  	[tilespmem:s16], [sflag:$0x3] =	stream.indirect.gather [hbm4b:s8+s15], $0x40, s2, s15, $0xb8;
	[tilespmem:$0x19960] =	vst v63  }
0x1a: {  	_ = 	snop  }
0x1b: {  	[tilespmem:s17], [sflag:$0x3] =	stream.indirect.gather [hbm4b:s8+s15], $0x40, s13, s15, $0xb8;
	[tilespmem:$0x19960] =	vst v63  }
0x1c: {  	s31 =	rddreg [dreg:$0x3]  }
0x1d: {  	[tilespmem:s15], [sflag:$0x2] =	stream.linear.gather [hbm4b:s31+s2], $0x190, $0x38;
	[tilespmem:$0x19960] =	vst v63  }
0x1e: {  	s30 =	simm.s32 $0x0  }
0x1f: {  	[tilespmem:s18], [sflag:$0x2] =	stream.linear.gather [hbm4b:s10+s2], $0x190, $0x38;
	[tilespmem:$0x19960] =	vst v63  }
.LBB2_2:
0x20: {  	_ =	swait.ge [sflag:s19], $0x190  }
0x21: {  	[sflag:s19] =	ssyncset.done $0x0  }
0x22: {  	[sflag:s19] =	ssyncadd.s32 $0xFFFFFE70  }
0x23: {  	_ =	swait.ge [sflag:s19], $0x190  }
0x24: {  	[sflag:s19] =	ssyncset.done $0x0  }
0x25: {  	[sflag:s19] =	ssyncadd.s32 $0xFFFFFE70  }
0x26: {  	[tilespmem:s20], [sflag:$0x4] =	stream.indirect.gather [hbm4b:s8+s15], $0x40, s15, s15, $0xb8;
	[tilespmem:$0x19960] =	vst v63  }
0x27: {  	_ = 	snop  }
0x28: {  	[tilespmem:s21], [sflag:$0x4] =	stream.indirect.gather [hbm4b:s8+s15], $0x40, s18, s15, $0xb8;
	[tilespmem:$0x19960] =	vst v63  }
0x29: {  	s0 =	smul.u32 $0x320, s30;
	_ =	swait.ge [sflag:s22], $0x6400  }
0x2a: {  	[sflag:s22] =	ssyncset.done $0x0  }
0x2b: {  	s0 =	sadd.s32 s3, s0;
	[sflag:s22] =	ssyncadd.s32 $0xFFFF9C00  }
0x2c: {  	s31 =	sshrl.u32 s0, $0x3;
	_ =	swait.ge [sflag:s22], $0x6400  }
0x2d: {  	s1 =	sadd.s32 s4, s31;
	[sflag:s22] =	ssyncset.done $0x0  }
0x2e: {  	s7 =	sadd.s32 $0x64, s1;
	[sflag:s22] =	ssyncadd.s32 $0xFFFF9C00  }
0x2f: {  	[tilespmem:s2], [sflag:$0x1] =	stream.linear.gather [hbm4b:s7+s2], $0x190, $0x38;
	[tilespmem:$0x19960] =	vst v63  }
0x30: {  	p0 =	seq.s32 s30, $0x0;
	s1 =	sadd.s32 $0x9CA4, s1  }
0x31: {  	[tilespmem:s13], [sflag:$0x1] =	stream.linear.gather [hbm4b:s1+s2], $0x190, $0x38;
	[tilespmem:$0x19960] =	vst v63  }
0x32: {  	s1 =	simm.s32 @!p0 $0x5  }
0x33: {  	_ =	swait.ge @!p0 [sflag:s1], $0x190  }
0x34: {  	[sflag:s1] =	ssyncset.done @!p0 $0x0  }
0x35: {  	s9 =	simm.s32 $0x3F0;
	[sflag:s1] =	ssyncadd.s32 @!p0 $0xFFFFFE70  }
0x36: {  	v0 =	vld [tilespmem:s9+$0xCE30]  }
0x37: {  	v11 =	vld [tilespmem:s9+$0xCE00]  }
0x38: {  	v13 =	vld [tilespmem:s9+$0x600]  }
0x39: {  	v16 =	vld [tilespmem:s9+$0xCE20]  }
0x3a: {  	v17 =	vld [tilespmem:s9+$0x620]  }
0x3b: {  	v18 =	vld [tilespmem:s9+$0xCDF0]  }
0x3c: {  	v19 =	vld [tilespmem:s9+$0x5F0]  }
0x3d: {  	v20 =	vld [tilespmem:s9+$0xCD80]  }
0x3e: {  	v21 =	vld [tilespmem:s9+$0x580]  }
0x3f: {  	v22 =	vld [tilespmem:s9+$0xCDE0]  }
0x40: {  	v23 =	vld [tilespmem:s9+$0x5E0]  }
0x41: {  	v24 =	vld [tilespmem:s9+$0xCDD0]  }
0x42: {  	v25 =	vld [tilespmem:s9+$0x5D0]  }
0x43: {  	v26 =	vld [tilespmem:s9+$0xCD40]  }
0x44: {  	v27 =	vld [tilespmem:s9+$0x540]  }
0x45: {  	v28 =	vld [tilespmem:s9+$0xCD70]  }
0x46: {  	v29 =	vld [tilespmem:s9+$0x570]  }
0x47: {  	v30 =	vld [tilespmem:s9+$0xCDA0]  }
0x48: {  	v31 =	vld [tilespmem:s9+$0x5A0]  }
0x49: {  	v32 =	vld [tilespmem:s9+$0xCD30]  }
0x4a: {  	v33 =	vld [tilespmem:s9+$0x530]  }
0x4b: {  	v34 =	vld [tilespmem:s9+$0xCD60]  }
0x4c: {  	v35 =	vld [tilespmem:s9+$0x560]  }
0x4d: {  	v36 =	vld [tilespmem:s9+$0xCD50]  }
0x4e: {  	v37 =	vld [tilespmem:s9+$0x550]  }
0x4f: {  	v38 =	vld [tilespmem:s9+$0xCCC0]  }
0x50: {  	v39 =	vld [tilespmem:s9+$0x4C0]  }
0x51: {  	v40 =	vld [tilespmem:s9+$0xCD20]  }
0x52: {  	v41 =	vld [tilespmem:s9+$0x520]  }
0x53: {  	v42 =	vld [tilespmem:s9+$0xCD10]  }
0x54: {  	v43 =	vld [tilespmem:s9+$0x510]  }
0x55: {  	v44 =	vld [tilespmem:s9+$0xCC80]  }
0x56: {  	v45 =	vld [tilespmem:s9+$0x480]  }
0x57: {  	v46 =	vld [tilespmem:s9+$0xCCB0]  }
0x58: {  	v47 =	vld [tilespmem:s9+$0x4B0]  }
0x59: {  	v48 =	vld [tilespmem:s9+$0xCCE0]  }
0x5a: {  	v49 =	vld [tilespmem:s9+$0x4E0]  }
0x5b: {  	[tilespmem:$0x1FED0] =	vst v0;
	v0 =	vld [tilespmem:s9+$0x630]  }
0x5c: {  	v50 =	vld [tilespmem:s9+$0xCC70]  }
0x5d: {  	v51 =	vld [tilespmem:s9+$0x470]  }
0x5e: {  	v52 =	vld [tilespmem:s9+$0xCCA0]  }
0x5f: {  	v53 =	vld [tilespmem:s9+$0x4A0]  }
0x60: {  	[tilespmem:$0x1FEE0] =	vst v0;
	v0 =	vld [tilespmem:s9+$0xCE10]  }
0x61: {  	v54 =	vld [tilespmem:s9+$0xCC90]  }
0x62: {  	v55 =	vld [tilespmem:s9+$0x490]  }
0x63: {  	v56 =	vld [tilespmem:s9+$0xCC00]  }
0x64: {  	v57 =	vld [tilespmem:s9+$0x400]  }
0x65: {  	[tilespmem:$0x1FEC0] =	vst v0;
	v0 =	vld [tilespmem:s9+$0xCDB0]  }
0x66: {  	v58 =	vld [tilespmem:s9+$0xCC60]  }
0x67: {  	v59 =	vld [tilespmem:s9+$0x460]  }
0x68: {  	v60 =	vld [tilespmem:s9+$0xCC50]  }
0x69: {  	v61 =	vld [tilespmem:s9+$0x450]  }
0x6a: {  	[tilespmem:$0x1FEA0] =	vst v0;
	v0 =	vld [tilespmem:s9+$0x5B0]  }
0x6b: {  	v62 =	vld [tilespmem:s9+$0xCBC0]  }
0x6c: {  	v63 =	vld [tilespmem:s9+$0x3C0]  }
0x6d: {  	v9 =	vld [tilespmem:s9+$0xCBF0]  }
0x6e: {  	v8 =	vld [tilespmem:s9+$0x3F0]  }
0x6f: {  	[tilespmem:$0x1FEB0] =	vst v0;
	v0 =	vld [tilespmem:s9+$0xCD90]  }
0x70: {  	v12 =	vld [tilespmem:s9+$0xCBB0]  }
0x71: {  	v10 =	vld [tilespmem:s9+$0x3B0]  }
0x72: {  	v7 =	vld [tilespmem:s9+$0xCBE0]  }
0x73: {  	v4 =	vld [tilespmem:s9+$0x3E0]  }
0x74: {  	[tilespmem:$0x1FE90] =	vst v0;
	v0 =	vld [tilespmem:s9+$0xCCF0]  }
0x75: {  	v3 =	vld [tilespmem:s9+$0xCBD0]  }
0x76: {  	v1 =	vld [tilespmem:s9+$0xCB40]  }
0x77: {  	v14 =	vld [tilespmem:s9+$0x340]  }
0x78: {  	v6 =	vld [tilespmem:s9+$0xCBA0]  }
0x79: {  	[tilespmem:$0x1FE70] =	vst v0;
	v0 =	vld [tilespmem:s9+$0x4F0]  }
0x7a: {  	v5 =	vld [tilespmem:s9+$0x3A0]  }
0x7b: {  	v2 =	vld [tilespmem:s9+$0xCB90]  }
0x7c: {  	v15 =	vld [tilespmem:s9+$0xCB00]  }
0x7d: {  	[tilespmem:$0x1FDF0] =	vst v1;
	v1 =	vld [tilespmem:s9+$0xCB70]  }
0x7e: {  	[tilespmem:$0x1FE80] =	vst v0;
	v0 =	vld [tilespmem:s9+$0xCCD0]  }
0x7f: {  	v22 =	vmul.bf16 v22, v23;
	v23 =	vld [tilespmem:s9+$0x300]  }
0x80: {  	v24 =	vmul.bf16 v24, v25;
	v25 =	vld [tilespmem:s9+$0xCB30]  }
0x81: {  	v28 =	vmul.bf16 v28, v29;
	v29 =	vld [tilespmem:s9+$0x330]  }
0x82: {  	v18 =	vmul.bf16 v18, v19;
	v19 =	vmul.bf16 v36, v37;
	v36 =	vld [tilespmem:s9+$0xCB60]  }
0x83: {  	[tilespmem:$0x1FE60] =	vst v0;
	v0 =	vld [tilespmem:s9+$0xCC30]  }
0x84: {  	v60 =	vmul.bf16 v60, v61;
	v61 =	vmul.bf16 v58, v59;
	v58 =	vld [tilespmem:s9+$0x2E0]  }
0x85: {  	[tilespmem:$0x1FE00] =	vst v15;
	v15 =	vld [tilespmem:$0x1FDF0]  }
0x86: {  	v22 =	vadd.bf16 v22, v24;
	v24 =	vmul.bf16 v34, v35;
	v35 =	vld [tilespmem:s9+$0xCB10]  }
0x87: {  	v34 =	vmul.bf16 v42, v43;
	v42 =	vmul.bf16 v40, v41;
	v41 =	vld [tilespmem:s9+$0xCAC0]  }
0x88: {  	[tilespmem:$0x1FE40] =	vst v0;
	v0 =	vld [tilespmem:s9+$0x430]  }
0x89: {  	v43 =	vadd.bf16 v24, v19;
	v19 =	vld [tilespmem:s9+$0x360]  }
0x8a: {  	v24 =	vmul.bf16 v32, v33;
	v32 =	vld [tilespmem:s9+$0xCB50]  }
0x8b: {  	v18 =	vadd.bf16 v18, v22;
	v22 =	vadd.bf16 v42, v34;
	v34 =	vld [tilespmem:s9+$0xCAF0]  }
0x8c: {  	v33 =	vadd.bf16 v61, v60;
	v61 =	vld [tilespmem:s9+$0x260]  }
0x8d: {  	v11 =	vmul.bf16 v11, v13;
	[tilespmem:$0x1FE50] =	vst v0;
	v0 =	vld [tilespmem:s9+$0xCC20]  }
0x8e: {  	[tilespmem:$0x1FE10] =	vst v1;
	v1 =	vld [tilespmem:s9+$0x370]  }
0x8f: {  	v11 =	vadd.bf16 v11, v18;
	v18 =	vld [tilespmem:s9+$0xCA80]  }
0x90: {  	v20 =	vmul.bf16 v20, v21;
	v21 =	vadd.bf16 v24, v22;
	v22 =	vmul.bf16 v26, v27;
	v26 =	vld [tilespmem:s9+$0x280]  }
0x91: {  	v27 =	vmul.bf16 v52, v53;
	v52 =	vld [tilespmem:s9+$0x270]  }
0x92: {  	v13 =	vadd.bf16 v28, v43;
	[tilespmem:$0x1FDD0] =	vst v0;
	v0 =	vld [tilespmem:s9+$0x420]  }
0x93: {  	v24 =	vmul.bf16 v54, v55;
	v53 =	vmul.bf16 v50, v51;
	v50 =	vld [tilespmem:s9+$0x440];
	v28 =	vunpack.i.u.bf16.f32 v11  }
0x94: {  	v55 =	vunpack.i.l.bf16.f32 v11;
	v11 =	vmul.bf16 v16, v17;
	v16 =	vadd.bf16 v20, v13;
	v20 =	vld [tilespmem:s9+$0x2F0]  }
0x95: {  	v21 =	vadd.bf16 v22, v21;
	v22 =	vadd.bf16 v27, v24;
	v24 =	vld [tilespmem:s9+$0xCB20]  }
0x96: {  	v13 =	vmul.bf16 v30, v31;
	v27 =	vmul.bf16 v46, v47;
	v30 =	vld [tilespmem:s9+$0x320]  }
0x97: {  	v8 =	vmul.bf16 v9, v8;
	[tilespmem:$0x1FDE0] =	vst v0;
	v0 =	vld [tilespmem:s9+$0xCC10]  }
0x98: {  	v31 =	vmul.bf16 v38, v39;
	v46 =	vmul.bf16 v44, v45;
	[tilespmem:$0x1FE20] =	vst v1;
	v1 =	vld [tilespmem:s9+$0x390];
	v22 =	vadd.bf16 v27, v22  }
0x99: {  	v9 =	vadd.bf16 v53, v33;
	v17 =	vadd.f32 v55, v28;
	v28 =	vunpack.i.u.bf16.f32 v16;
	v27 =	vld [tilespmem:s9+$0x310]  }
0x9a: {  	v38 =	vld [tilespmem:s9+$0xCA50];
	v16 =	vunpack.i.l.bf16.f32 v16;
	v47 =	vunpack.i.u.bf16.f32 v21;
	v22 =	vadd.bf16 v31, v22  }
0x9b: {  	v55 =	vld [tilespmem:s9+$0xCAE0];
	v21 =	vunpack.i.l.bf16.f32 v21;
	v60 =	vadd.bf16 v46, v9;
	v28 =	vadd.f32 v16, v28  }
0x9c: {  	v16 =	vmul.bf16 v48, v49;
	v54 =	vadd.f32 v21, v47;
	v21 =	vunpack.i.u.bf16.f32 v22;
	[tilespmem:$0x1FE30] =	vst v0;
	v0 =	vld [tilespmem:s9+$0x3D0]  }
0x9d: {  	v49 =	vld [tilespmem:s9+$0xCA70];
	v9 =	vunpack.i.l.bf16.f32 v22;
	v1 =	vmul.bf16 v2, v1;
	v2 =	vmul.bf16 v6, v5  }
0x9e: {  	v47 =	vld [tilespmem:$0x1FE20];
	v24 =	vmul.bf16 v24, v30;
	v9 =	vadd.f32 v9, v21;
	v21 =	vmul.bf16 v35, v27  }
0x9f: {  	v22 =	vld [tilespmem:s9+$0x2D0];
	v6 =	vunpack.i.l.bf16.f32 v60;
	v1 =	vadd.bf16 v2, v1;
	v2 =	vmul.bf16 v12, v10  }
0xa0: {  	v10 =	vunpack.i.u.bf16.f32 v60;
	v21 =	vadd.bf16 v24, v21;
	v24 =	vmul.bf16 v25, v29;
	v25 =	vld [tilespmem:s9+$0x2A0]  }
0xa1: {  	v6 =	vadd.f32 v6, v10;
	v10 =	vld [tilespmem:s9+$0x250];
	v0 =	vmul.bf16 v3, v0;
	v3 =	vmul.bf16 v7, v4  }
0xa2: {  	v27 =	vld [tilespmem:$0x1FDD0]  }
0xa3: {  	v30 =	vld [tilespmem:$0x1FDE0];
	v0 =	vadd.bf16 v3, v0  }
0xa4: {  	v3 =	vld [tilespmem:s9+$0xCAD0]  }
0xa5: {  	v59 =	vmul.bf16 v56, v57;
	v21 =	vadd.bf16 v24, v21;
	v24 =	vld [tilespmem:$0x1FE00];
	v0 =	vadd.bf16 v8, v0  }
0xa6: {  	v1 =	vadd.bf16 v2, v1;
	v2 =	vmul.bf16 v62, v63;
	v5 =	vmul.bf16 v38, v10;
	v10 =	vld [tilespmem:s9+$0x350]  }
0xa7: {  	v8 =	vld [tilespmem:s9+$0xCA60];
	v0 =	vadd.bf16 v59, v0  }
0xa8: {  	v1 =	vadd.bf16 v2, v1;
	v27 =	vmul.bf16 v27, v30;
	v30 =	vld [tilespmem:s9+$0xCAA0]  }
0xa9: {  	v3 =	vmul.bf16 v3, v22;
	v22 =	vld [tilespmem:s9+$0x290];
	v2 =	vunpack.i.u.bf16.f32 v0;
	v0 =	vunpack.i.l.bf16.f32 v0  }
0xaa: {  	v14 =	vmul.bf16 v15, v14;
	v0 =	vadd.f32 v0, v2;
	v2 =	vld [tilespmem:s9+$0xCA90]  }
0xab: {  	v19 =	vmul.bf16 v36, v19;
	v31 =	vld [tilespmem:s9+$0xCAB0];
	v39 =	vmul.bf16 v34, v20  }
0xac: {  	v15 =	vunpack.i.u.bf16.f32 v1;
	v23 =	vmul.bf16 v24, v23;
	v24 =	vld [tilespmem:s9+$0x2B0];
	v8 =	vmul.bf16 v8, v61  }
0xad: {  	v1 =	vunpack.i.l.bf16.f32 v1;
	v46 =	vmul.bf16 v32, v10;
	v10 =	vld [tilespmem:$0x1FE10];
	v7 =	vmul.bf16 v55, v58  }
0xae: {  	(xrf2) =	vadd.scan.msk.f32 $0xffff, v17;
	v1 =	vadd.f32 v1, v15;
	v15 =	vld [tilespmem:s9+$0x2C0];
	v5 =	vadd.bf16 v8, v5;
	v8 =	vmul.bf16 v49, v52  }
0xaf: {  	v48 =	vld [tilespmem:s9+$0xCC40];
	(xrf2) =	vadd.scan.msk.f32 $0xffff, v28;
	v43 =	vmul.bf16 v30, v25;
	v3 =	vadd.bf16 v7, v3;
	v2 =	vmul.bf16 v2, v22  }
0xb0: {  	v20 =	vld [tilespmem:s9+$0x410];
	(xrf2) =	vadd.scan.msk.f32 $0xffff, v54;
	v14 =	vadd.bf16 v14, v21;
	v5 =	vadd.bf16 v8, v5;
	v8 =	vmul.bf16 v18, v26  }
0xb1: {  	(xrf2) =	vadd.scan.msk.f32 $0xffff, v9;
	v21 =	vld [tilespmem:s9+$0x380];
	v17 =	vmul.bf16 v31, v24;
	v3 =	vadd.bf16 v39, v3;
	v2 =	vadd.bf16 v43, v2  }
0xb2: {  	(xrf2) =	vadd.scan.msk.f32 $0xffff, v6;
	v63 =	vld [tilespmem:$0x1FEB0];
	v10 =	vmul.bf16 v10, v47;
	v45 =	vadd.bf16 v8, v5;
	v5 =	vadd.bf16 v19, v46  }
0xb3: {  	v9 =	vmul.bf16 v41, v15;
	v15 =	vld [tilespmem:s9+$0x500];
	(xrf2) =	vadd.scan.msk.f32 $0xffff, v0;
	v2 =	vadd.bf16 v17, v2  }
0xb4: {  	(xrf2) =	vadd.scan.msk.f32 $0xffff, v1;
	v3 =	vadd.bf16 v23, v3;
	v1 =	vadd.bf16 v10, v5;
	v10 =	vld [tilespmem:$0x1FE50]  }
0xb5: {  	v42 =	vunpack.i.u.bf16.f32 v14;
	v14 =	vunpack.i.l.bf16.f32 v14;
	v2 =	vadd.bf16 v9, v2;
	v9 =	vld [tilespmem:$0x1FE40]  }
0xb6: {  	v51 =	vld [tilespmem:$0x1FE30];
	v7 =	vadd.f32 v14, v42;
	v44 =	vunpack.i.u.bf16.f32 v3;
	v3 =	vunpack.i.l.bf16.f32 v3  }
0xb7: {  	v18 =	vld [tilespmem:s9+$0xCB80];
	v3 =	vadd.f32 v3, v44  }
0xb8: {  	(xrf2) =	vadd.scan.msk.f32 $0xffff, v7;
	v8 =	vld [tilespmem:s9+$0x4D0]  }
0xb9: {  	(xrf2) =	vadd.scan.msk.f32 $0xffff, v3;
	v3 =	vld [tilespmem:$0x1FE60]  }
0xba: {  	v9 =	vmul.bf16 v9, v10;
	v10 =	vld [tilespmem:s9+$0xCD00]  }
0xbb: {  	v60 =	vld [tilespmem:$0x1FE90]  }
0xbc: {  	v57 =	vld [tilespmem:$0x1FE70]  }
0xbd: {  	v52 =	vld [tilespmem:s9+$0x590];
	v49 =	vunpack.i.u.bf16.f32 v45;
	v4 =	vunpack.i.l.bf16.f32 v45;
	v53 =	vmul.bf16 v18, v21  }
0xbe: {  	v0 =	vadd.f32 v4, v49;
	v4 =	vmul.bf16 v51, v20;
	v3 =	vmul.bf16 v3, v8;
	v8 =	vld [tilespmem:$0x1FE80]  }
0xbf: {  	v1 =	vadd.bf16 v53, v1;
	v62 =	vmul.bf16 v10, v15;
	v10 =	vld [tilespmem:$0x1FEA0]  }
0xc0: {  	v4 =	vadd.bf16 v27, v4;
	v54 =	vunpack.i.u.bf16.f32 v2;
	v2 =	vunpack.i.l.bf16.f32 v2  }
0xc1: {  	v34 =	vld [tilespmem:$0x1FEC0];
	v56 =	vmul.bf16 v48, v50;
	v58 =	vunpack.i.u.bf16.f32 v1;
	v2 =	vadd.f32 v2, v54  }
0xc2: {  	v59 =	vld [tilespmem:s9+$0x5C0];
	(xrf2) =	vadd.scan.msk.f32 $0xffff, v0;
	v1 =	vunpack.i.l.bf16.f32 v1;
	v0 =	vadd.bf16 v9, v4;
	v4 =	vmul.bf16 v60, v52  }
0xc3: {  	v1 =	vadd.f32 v1, v58;
	v3 =	vadd.bf16 v16, v3;
	v7 =	vmul.bf16 v57, v8;
	v8 =	vld [tilespmem:s9+$0xCDC0]  }
0xc4: {  	v55 =	vld [tilespmem:s9+$0x610];
	v9, _, _ =	vpop (xrf2);
	(xrf2) =	vadd.scan.msk.f32 $0xffff, v2;
	v0 =	vadd.bf16 v56, v0;
	v4 =	vadd.bf16 v13, v4;
	v10 =	vmul.bf16 v10, v63  }
0xc5: {  	v36 =	vld [tilespmem:$0x1FEE0];
	v2, _, _ =	vpop (xrf2);
	v3 =	vadd.bf16 v7, v3  }
0xc6: {  	v61, _, _ =	vpop (xrf2);
	v16 =	vunpack.i.u.bf16.f32 v0;
	v0 =	vunpack.i.l.bf16.f32 v0;
	v4 =	vadd.bf16 v10, v4;
	v10 =	vld [tilespmem:$0x1FED0]  }
0xc7: {  	v33 =	vld [tilespmem:s9+$0x640];
	(xrf2) =	vadd.scan.msk.f32 $0xffff, v1;
	v15, _, _ =	vpop (xrf2);
	v0 =	vadd.f32 v0, v16  }
0xc8: {  	v32 =	vld [tilespmem:s9+$0xCE40];
	v3 =	vadd.bf16 v62, v3;
	v1, _, _ =	vpop (xrf2);
	v8 =	vmul.bf16 v8, v59  }
0xc9: {  	v5 =	vmul.bf16 v34, v55;
	v35, _, _ =	vpop (xrf2)  }
0xca: {  	v16 =	vunpack.i.u.bf16.f32 v3;
	v3 =	vunpack.i.l.bf16.f32 v3;
	(xrf2) =	vadd.scan.msk.f32 $0xffff, v0;
	v37, _, _ =	vpop (xrf2);
	v4 =	vadd.bf16 v8, v4  }
0xcb: {  	v5 =	vadd.bf16 v11, v5;
	v3 =	vadd.f32 v3, v16;
	v0, _, _ =	vpop (xrf2);
	v10 =	vmul.bf16 v10, v36  }
0xcc: {  	v8, _, _ =	vpop (xrf2);
	v38 =	vunpack.i.u.bf16.f32 v4  }
0xcd: {  	(xrf2) =	vadd.scan.msk.f32 $0xffff, v3;
	v11, _, _ =	vpop (xrf2);
	v4 =	vunpack.i.l.bf16.f32 v4;
	v5 =	vadd.bf16 v10, v5;
	v10 =	vmul.bf16 v32, v33  }
0xce: {  	v40, _, _ =	vpop (xrf2);
	v3 =	vadd.f32 v4, v38  }
0xcf: {  	v39 =	vadd.bf16 v10, v5;
	v10 =	vbroadcast v11, $0xF;
	v5 =	vbroadcast v40, $0xF  }
0xd0: {  	v8 =	vbroadcast v8, $0xF  }
0xd1: {  	v0 =	vbroadcast v0, $0xF;
	v41, _, _ =	vpop (xrf2);
	(xrf2) =	vadd.scan.msk.f32 $0xffff, v3;
	v3 =	vsel vm0, v10, v5  }
0xd2: {  	v11 =	vunpack.i.u.bf16.f32 v39;
	v5 =	vbroadcast v41, $0xF;
	v3 =	vsel vm1, v3, v8  }
0xd3: {  	v4 =	vunpack.i.l.bf16.f32 v39;
	v0 =	vsel vm2, v3, v0;
	v3 =	vbroadcast v37, $0xF  }
0xd4: {  	v42 =	vbroadcast v35, $0xF;
	v43, _, _ =	vpop (xrf2);
	v4 =	vadd.f32 v4, v11;
	v0 =	vsel vm3, v0, v5  }
0xd5: {  	v0 =	vsel vm4, v0, v3;
	v3 =	vbroadcast v43, $0xF  }
0xd6: {  	v1 =	vbroadcast v1, $0xF;
	(xrf2) =	vadd.scan.msk.f32 $0xffff, v4;
	v0 =	vsel vm5, v0, v42  }
0xd7: {  	v44, _, _ =	vpop (xrf2);
	v0 =	vsel vm6, v0, v3;
	v3 =	vbroadcast v15, $0xF  }
0xd8: {  	v0 =	vsel vm7, v0, v1;
	v1 =	vbroadcast v44, $0xF  }
0xd9: {  	v0 =	vsel vm8, v0, v3;
	v3 =	vbroadcast v61, $0xF  }
0xda: {  	v0 =	vsel vm9, v0, v1;
	v1 =	vbroadcast v2, $0xF  }
0xdb: {  	v0 =	vsel vm10, v0, v3  }
0xdc: {  	v2, _, _ =	vpop (xrf2);
	v0 =	vsel vm11, v0, v1;
	v1 =	vbroadcast v9, $0xF  }
0xdd: {  	v2 =	vbroadcast v2, $0xF;
	_ =	sdelay $0x1  }
0xde: {  	v0 =	vsel vm12, v0, v2  }
0xdf: {  	v0 =	vsel vm13, v0, v1;
	v1, _, _ =	vpop (xrf2)  }
0xe0: {  	s1 =	simm.s32 $0x19640;
	v0 =	vsel vm14, v0, v1  }
0xe1: {  	s7 =	simm.s32 $0x7F0;
	[tilespmem:s1+$0x0] =	vst v0  }
0xe2: {  	v0 =	vld [tilespmem:s7+$0xCE30]  }
0xe3: {  	v58 =	vld [tilespmem:s7+$0xCE00]  }
0xe4: {  	v29 =	vld [tilespmem:s7+$0x600]  }
0xe5: {  	v15 =	vld [tilespmem:s7+$0xCE20]  }
0xe6: {  	v20 =	vld [tilespmem:s7+$0x620]  }
0xe7: {  	v22 =	vld [tilespmem:s7+$0xCDF0]  }
0xe8: {  	v19 =	vld [tilespmem:s7+$0x5F0]  }
0xe9: {  	v57 =	vld [tilespmem:s7+$0xCD80]  }
0xea: {  	v26 =	vld [tilespmem:s7+$0x580]  }
0xeb: {  	v23 =	vld [tilespmem:s7+$0xCDE0]  }
0xec: {  	v24 =	vld [tilespmem:s7+$0x5E0]  }
0xed: {  	v25 =	vld [tilespmem:s7+$0xCDD0]  }
0xee: {  	v27 =	vld [tilespmem:s7+$0x5D0]  }
0xef: {  	v18 =	vld [tilespmem:s7+$0xCD70]  }
0xf0: {  	v5 =	vld [tilespmem:s7+$0xCDA0]  }
0xf1: {  	v6 =	vld [tilespmem:s7+$0x5A0]  }
0xf2: {  	v1 =	vld [tilespmem:s7+$0xCD90]  }
0xf3: {  	v34 =	vld [tilespmem:s7+$0xCD30]  }
0xf4: {  	v35 =	vld [tilespmem:s7+$0x530]  }
0xf5: {  	v36 =	vld [tilespmem:s7+$0xCD60]  }
0xf6: {  	v37 =	vld [tilespmem:s7+$0x560]  }
0xf7: {  	v38 =	vld [tilespmem:s7+$0xCD50]  }
0xf8: {  	v39 =	vld [tilespmem:s7+$0x550]  }
0xf9: {  	v40 =	vld [tilespmem:s7+$0xCCC0]  }
0xfa: {  	v41 =	vld [tilespmem:s7+$0x4C0]  }
0xfb: {  	v42 =	vld [tilespmem:s7+$0xCD20]  }
0xfc: {  	v43 =	vld [tilespmem:s7+$0x520]  }
0xfd: {  	v44 =	vld [tilespmem:s7+$0xCD10]  }
0xfe: {  	v45 =	vld [tilespmem:s7+$0x510]  }
0xff: {  	v63 =	vld [tilespmem:s7+$0x480]  }
0x100: {  	v48 =	vld [tilespmem:s7+$0xCCB0]  }
0x101: {  	v49 =	vld [tilespmem:s7+$0x4B0]  }
0x102: {  	v3 =	vld [tilespmem:s7+$0xCCE0]  }
0x103: {  	v4 =	vld [tilespmem:s7+$0x4E0]  }
0x104: {  	v51 =	vld [tilespmem:s7+$0xCC70]  }
0x105: {  	v52 =	vld [tilespmem:s7+$0x470]  }
0x106: {  	v53 =	vld [tilespmem:s7+$0xCCA0]  }
0x107: {  	v54 =	vld [tilespmem:s7+$0x4A0]  }
0x108: {  	v55 =	vld [tilespmem:s7+$0xCC90]  }
0x109: {  	v56 =	vld [tilespmem:s7+$0x490]  }
0x10a: {  	v11 =	vld [tilespmem:s7+$0xCC00]  }
0x10b: {  	v12 =	vld [tilespmem:s7+$0x400]  }
0x10c: {  	v59 =	vld [tilespmem:s7+$0xCC60]  }
0x10d: {  	v60 =	vld [tilespmem:s7+$0x460]  }
0x10e: {  	v61 =	vld [tilespmem:s7+$0xCC50]  }
0x10f: {  	v62 =	vld [tilespmem:s7+$0x450]  }
0x110: {  	v13 =	vld [tilespmem:s7+$0xCBC0]  }
0x111: {  	v14 =	vld [tilespmem:s7+$0x3C0]  }
0x112: {  	v50 =	vld [tilespmem:s7+$0xCBF0]  }
0x113: {  	v33 =	vld [tilespmem:s7+$0x3F0]  }
0x114: {  	v7 =	vld [tilespmem:s7+$0xCC20]  }
0x115: {  	v9 =	vld [tilespmem:s7+$0x420]  }
0x116: {  	[tilespmem:$0x1FF40] =	vst v1;
	v1 =	vld [tilespmem:s7+$0xCCF0]  }
0x117: {  	v47 =	vld [tilespmem:s7+$0xCBB0]  }
0x118: {  	[tilespmem:$0x1FEF0] =	vst v0;
	v0 =	vld [tilespmem:s7+$0x630]  }
0x119: {  	v46 =	vld [tilespmem:s7+$0x3B0]  }
0x11a: {  	v32 =	vld [tilespmem:s7+$0xCBE0]  }
0x11b: {  	[tilespmem:$0x1FF50] =	vst v1;
	v1 =	vld [tilespmem:s7+$0x4F0]  }
0x11c: {  	v31 =	vld [tilespmem:s7+$0x3E0]  }
0x11d: {  	[tilespmem:$0x1FF00] =	vst v0;
	v0 =	vld [tilespmem:s7+$0xCE10]  }
0x11e: {  	v21 =	vld [tilespmem:s7+$0xCBD0]  }
0x11f: {  	v17 =	vld [tilespmem:s7+$0x3D0]  }
0x120: {  	[tilespmem:$0x1FF60] =	vst v1;
	v1 =	vld [tilespmem:s7+$0xCC80]  }
0x121: {  	v8 =	vld [tilespmem:s7+$0xCB40]  }
0x122: {  	[tilespmem:$0x1FF10] =	vst v0;
	v0 =	vld [tilespmem:s7+$0xCDB0]  }
0x123: {  	v10 =	vld [tilespmem:s7+$0x340]  }
0x124: {  	v30 =	vld [tilespmem:s7+$0xCBA0]  }
0x125: {  	[tilespmem:$0x1FFF0] =	vst v1;
	v1 =	vld [tilespmem:s7+$0xCCD0]  }
0x126: {  	v28 =	vld [tilespmem:s7+$0x3A0]  }
0x127: {  	[tilespmem:$0x1FF20] =	vst v0;
	v0 =	vld [tilespmem:s7+$0x5B0]  }
0x128: {  	v2 =	vld [tilespmem:s7+$0xCB90]  }
0x129: {  	v16 =	vld [tilespmem:s7+$0xCB00]  }
0x12a: {  	[tilespmem:$0x1FF70] =	vst v1;
	v1 =	vld [tilespmem:s7+$0xCC30]  }
0x12b: {  	v24 =	vmul.bf16 v23, v24;
	v23 =	vld [tilespmem:s7+$0x300]  }
0x12c: {  	[tilespmem:$0x1FF30] =	vst v0;
	v0 =	vld [tilespmem:s7+$0xCD40]  }
0x12d: {  	v19 =	vmul.bf16 v22, v19;
	v22 =	vmul.bf16 v38, v39;
	v39 =	vld [tilespmem:s7+$0xCB30]  }
0x12e: {  	v25 =	vmul.bf16 v25, v27;
	v27 =	vmul.bf16 v36, v37;
	v37 =	vld [tilespmem:s7+$0x330]  }
0x12f: {  	[tilespmem:$0x1FF80] =	vst v1;
	v1 =	vld [tilespmem:s7+$0x430]  }
0x130: {  	v40 =	vmul.bf16 v40, v41;
	v41 =	vld [tilespmem:s7+$0xCB20]  }
0x131: {  	[tilespmem:$0x1FFD0] =	vst v0;
	v0 =	vld [tilespmem:s7+$0x540]  }
0x132: {  	v17 =	vmul.bf16 v21, v17;
	v21 =	vmul.bf16 v32, v31;
	v31 =	vld [tilespmem:s7+$0x270]  }
0x133: {  	v30 =	vmul.bf16 v30, v28;
	v28 =	vld [tilespmem:s7+$0xCAB0]  }
0x134: {  	[tilespmem:$0x1FF90] =	vst v1;
	v1 =	vld [tilespmem:s7+$0xCC10]  }
0x135: {  	v55 =	vmul.bf16 v55, v56;
	v56 =	vmul.bf16 v53, v54;
	v25 =	vadd.bf16 v24, v25;
	v24 =	vld [tilespmem:s7+$0xCB60]  }
0x136: {  	[tilespmem:$0x1FFE0] =	vst v0;
	v0 =	vld [tilespmem:s7+$0x570]  }
0x137: {  	v36 =	vadd.bf16 v56, v55;
	v56 =	vmul.bf16 v59, v60;
	v60 =	vld [tilespmem:s7+$0x310]  }
0x138: {  	v17 =	vadd.bf16 v21, v17;
	v21 =	vmul.bf16 v50, v33;
	v33 =	vld [tilespmem:s7+$0xCA60]  }
0x139: {  	v29 =	vmul.bf16 v58, v29;
	v19 =	vadd.bf16 v19, v25;
	[tilespmem:$0x1FFA0] =	vst v1;
	v1 =	vld [tilespmem:s7+$0xCB70]  }
0x13a: {  	v34 =	vmul.bf16 v34, v35;
	v35 =	vmul.bf16 v57, v26;
	v25 =	vld [tilespmem:s7+$0x360]  }
0x13b: {  	v22 =	vadd.bf16 v27, v22;
	v26 =	vadd.bf16 v29, v19;
	v19 =	vld [tilespmem:s7+$0xCA80];
	v0 =	vmul.bf16 v18, v0  }
0x13c: {  	v57 =	vmul.bf16 v15, v20;
	v15 =	vld [tilespmem:$0x1FFE0]  }
0x13d: {  	v54 =	vmul.bf16 v48, v49;
	v29 =	vadd.bf16 v0, v22;
	v0 =	vld [tilespmem:$0x1FFD0]  }
0x13e: {  	v18 =	vmul.bf16 v44, v45;
	v45 =	vmul.bf16 v42, v43;
	[tilespmem:$0x1FFB0] =	vst v1;
	v1 =	vld [tilespmem:s7+$0x370]  }
0x13f: {  	v44 =	vld [tilespmem:s7+$0x320]  }
0x140: {  	v36 =	vadd.bf16 v54, v36;
	v27 =	vadd.bf16 v45, v18;
	v18 =	vld [tilespmem:s7+$0xCB50]  }
0x141: {  	v55 =	vmul.bf16 v61, v62;
	v59 =	vmul.bf16 v51, v52;
	v22 =	vld [tilespmem:s7+$0x280]  }
0x142: {  	v36 =	vadd.bf16 v40, v36;
	v29 =	vadd.bf16 v35, v29;
	v45 =	vmul.bf16 v0, v15;
	v0 =	vld [tilespmem:$0x1FFF0]  }
0x143: {  	v58 =	vunpack.i.l.bf16.f32 v26;
	v34 =	vadd.bf16 v34, v27;
	v27 =	vunpack.i.u.bf16.f32 v26;
	[tilespmem:$0x1FFC0] =	vst v1;
	v1 =	vld [tilespmem:s7+$0x390]  }
0x144: {  	v26 =	vld [tilespmem:s7+$0xCAF0];
	v53 =	vadd.f32 v58, v27;
	v58 =	vunpack.i.u.bf16.f32 v29;
	v29 =	vunpack.i.l.bf16.f32 v29  }
0x145: {  	v52 =	vmul.bf16 v47, v46;
	v42 =	vadd.bf16 v56, v55;
	v35 =	vld [tilespmem:s7+$0x260];
	v38 =	vadd.f32 v29, v58  }
0x146: {  	v17 =	vadd.bf16 v21, v17;
	v54 =	vunpack.i.l.bf16.f32 v36;
	(xrf2) =	vadd.scan.msk.f32 $0xffff, v53;
	v34 =	vadd.bf16 v45, v34;
	v45 =	vld [tilespmem:s7+$0xCB10]  }
0x147: {  	v55 =	vmul.bf16 v11, v12;
	v62 =	vadd.bf16 v59, v42;
	v27 =	vld [tilespmem:s7+$0x2F0];
	(xrf2) =	vadd.scan.msk.f32 $0xffff, v38;
	v61 =	vmul.bf16 v0, v63  }
0x148: {  	v53 =	vld [tilespmem:s7+$0xCAD0];
	v63 =	vunpack.i.u.bf16.f32 v34;
	v34 =	vunpack.i.l.bf16.f32 v34;
	v0 =	vmul.bf16 v2, v1  }
0x149: {  	v17 =	vadd.bf16 v55, v17;
	v41 =	vmul.bf16 v41, v44;
	v58 =	vld [tilespmem:s7+$0x2D0];
	v34 =	vadd.f32 v34, v63  }
0x14a: {  	v63 =	vmul.bf16 v39, v37;
	v1 =	vmul.bf16 v5, v6;
	v5 =	vld [tilespmem:s7+$0xCAE0];
	v0 =	vadd.bf16 v30, v0  }
0x14b: {  	v32 =	vadd.bf16 v61, v62;
	v59 =	vmul.bf16 v45, v60;
	v6 =	vld [tilespmem:s7+$0x2E0];
	v30 =	vunpack.i.u.bf16.f32 v36  }
0x14c: {  	v29 =	vld [tilespmem:s7+$0xCA70];
	v56 =	vadd.f32 v54, v30;
	v30 =	vmul.bf16 v13, v14;
	v0 =	vadd.bf16 v52, v0  }
0x14d: {  	v38 =	vld [tilespmem:s7+$0x250];
	v60 =	vunpack.i.u.bf16.f32 v32;
	v32 =	vunpack.i.l.bf16.f32 v32;
	v62 =	vadd.bf16 v41, v59  }
0x14e: {  	v37 =	vld [tilespmem:s7+$0x2A0];
	v42 =	vadd.bf16 v30, v0;
	v0 =	vunpack.i.u.bf16.f32 v17;
	v17 =	vunpack.i.l.bf16.f32 v17  }
0x14f: {  	v21 =	vmul.bf16 v3, v4;
	v43 =	vmul.bf16 v53, v58;
	v39 =	vld [tilespmem:s7+$0xCA90];
	(xrf2) =	vadd.scan.msk.f32 $0xffff, v34;
	v61 =	vadd.f32 v32, v60  }
0x150: {  	v41 =	vmul.bf16 v8, v10;
	v36 =	vld [tilespmem:s7+$0xCA50];
	v11, _, _ =	vpop (xrf2);
	v44 =	vadd.bf16 v63, v62;
	(xrf2) =	vadd.scan.msk.f32 $0xffff, v56;
	v45 =	vmul.bf16 v5, v6  }
0x151: {  	s9 =	simm.s32 $0x2FC0;
	v32 =	vld [tilespmem:s7+$0xCAA0];
	v30 =	vmul.bf16 v7, v9;
	(xrf2) =	vadd.scan.msk.f32 $0xffff, v61;
	v34 =	vadd.f32 v17, v0;
	v40 =	vunpack.i.u.bf16.f32 v42;
	v17, _, _ =	vpop (xrf2)  }
.LBB2_3:
0x152: {  	_ =	sdelay $0x3  }
0x153: {  	v7 =	vmul.bf16 v36, v38;
	v33 =	vmul.bf16 v33, v35;
	_ =	sdelay $0x1  }
0x154: {  	v29 =	vmul.bf16 v29, v31;
	v33 =	vadd.bf16 v33, v7  }
0x155: {  	v0 =	vunpack.i.l.bf16.f32 v42  }
0x156: {  	v46 =	vld [tilespmem:s7+$0x290];
	v13 =	vadd.f32 v0, v40;
	v19 =	vmul.bf16 v19, v22;
	v0 =	vadd.bf16 v29, v33  }
0x157: {  	v2 =	vld [tilespmem:$0x1FFC0]  }
0x158: {  	v19 =	vadd.bf16 v19, v0;
	v0 =	vld [tilespmem:$0x1FFB0];
	_ =	sdelay $0x2  }
0x159: {  	v12 =	vld [tilespmem:s7+$0x350]  }
0x15a: {  	v6 =	vadd.bf16 v45, v43;
	(xrf2) =	vadd.scan.msk.f32 $0xffff, v34;
	v45 =	vmul.bf16 v39, v46;
	v46 =	vld [tilespmem:s7+$0x410]  }
0x15b: {  	v20, _, _ =	vpop (xrf2);
	(xrf2) =	vadd.scan.msk.f32 $0xffff, v13;
	v13 =	vmul.bf16 v0, v2;
	v0 =	vld [tilespmem:$0x1FFA0]  }
0x15c: {  	v14 =	vld [tilespmem:s7+$0xCAC0]  }
0x15d: {  	v24 =	vmul.bf16 v24, v25;
	v25 =	vld [tilespmem:s7+$0x2B0];
	v26 =	vmul.bf16 v26, v27  }
0x15e: {  	v23 =	vmul.bf16 v16, v23;
	v27 =	vadd.bf16 v41, v44;
	v31 =	vld [tilespmem:s7+$0x2C0]  }
0x15f: {  	v32 =	vmul.bf16 v32, v37;
	v18 =	vmul.bf16 v18, v12;
	v26 =	vadd.bf16 v26, v6;
	v2 =	vld [tilespmem:$0x1FF90]  }
0x160: {  	v44 =	vunpack.i.u.bf16.f32 v27;
	v27 =	vunpack.i.l.bf16.f32 v27;
	v12 =	vmul.bf16 v0, v46;
	v0 =	vld [tilespmem:$0x1FF80]  }
0x161: {  	v27 =	vadd.f32 v27, v44  }
0x162: {  	v48 =	vld [tilespmem:s7+$0x380];
	v26 =	vadd.bf16 v23, v26;
	v22 =	vmul.bf16 v28, v25;
	v28 =	vadd.bf16 v32, v45  }
0x163: {  	v25 =	vld [tilespmem:s7+$0xCB80];
	v3 =	vmul.bf16 v14, v31  }
0x164: {  	v23, _, _ =	vpop (xrf2);
	(xrf2) =	vadd.scan.msk.f32 $0xffff, v27;
	v27 =	vld [tilespmem:s7+$0x4D0];
	v47 =	vunpack.i.u.bf16.f32 v26;
	v26 =	vunpack.i.l.bf16.f32 v26;
	v22 =	vadd.bf16 v22, v28  }
0x165: {  	v18 =	vadd.bf16 v24, v18;
	v26 =	vadd.f32 v26, v47;
	v9 =	vmul.bf16 v0, v2;
	v0 =	vld [tilespmem:$0x1FF70]  }
0x166: {  	v31 =	vunpack.i.u.bf16.f32 v19;
	v19 =	vunpack.i.l.bf16.f32 v19;
	v3 =	vadd.bf16 v3, v22  }
0x167: {  	v19 =	vadd.f32 v19, v31;
	v13 =	vadd.bf16 v13, v18  }
0x168: {  	v29, _, _ =	vpop (xrf2);
	(xrf2) =	vadd.scan.msk.f32 $0xffff, v26;
	v18 =	vmul.bf16 v25, v48;
	v25 =	vunpack.i.u.bf16.f32 v3;
	v2 =	vunpack.i.l.bf16.f32 v3  }
0x169: {  	v28, _, _ =	vpop (xrf2);
	(xrf2) =	vadd.scan.msk.f32 $0xffff, v19;
	v19 =	vadd.f32 v2, v25;
	v2 =	vld [tilespmem:$0x1FF60]  }
0x16a: {  	v8 =	vmul.bf16 v0, v27;
	v0 =	vld [tilespmem:$0x1FF50];
	_ =	sdelay $0x3  }
0x16b: {  	v26 =	vld [tilespmem:s7+$0x590]  }
0x16c: {  	v6 =	vmul.bf16 v0, v2;
	v0 =	vld [tilespmem:$0x1FF40];
	_ =	sdelay $0x1  }
0x16d: {  	v24 =	vld [tilespmem:s7+$0x440]  }
0x16e: {  	v14 =	vld [tilespmem:s7+$0xCC40]  }
0x16f: {  	v2 =	vld [tilespmem:$0x1FF30]  }
0x170: {  	v5 =	vmul.bf16 v0, v26;
	v0 =	vld [tilespmem:$0x1FF20]  }
0x171: {  	v12 =	vadd.bf16 v30, v12;
	_ =	sdelay $0x1  }
0x172: {  	v10 =	vld [tilespmem:s7+$0xCD00];
	v3 =	vmul.bf16 v14, v24;
	v9 =	vadd.bf16 v9, v12  }
0x173: {  	v13 =	vadd.bf16 v18, v13;
	v18 =	vld [tilespmem:s7+$0x610]  }
0x174: {  	v9 =	vadd.bf16 v3, v9;
	v3 =	vmul.bf16 v0, v2;
	v0 =	vld [tilespmem:$0x1FF10]  }
0x175: {  	v30 =	vld [tilespmem:s7+$0x500]  }
0x176: {  	v7 =	vld [tilespmem:s7+$0xCDC0]  }
0x177: {  	v22, _, _ =	vpop (xrf2);
	(xrf2) =	vadd.scan.msk.f32 $0xffff, v19;
	v8 =	vadd.bf16 v21, v8;
	v21 =	vld [tilespmem:s7+$0x5C0]  }
0x178: {  	v49 =	vunpack.i.u.bf16.f32 v13;
	v13 =	vunpack.i.l.bf16.f32 v13;
	v5 =	vadd.bf16 v1, v5;
	v1 =	vld [tilespmem:$0x1FF00]  }
0x179: {  	v13 =	vadd.f32 v13, v49;
	v2 =	vmul.bf16 v0, v18;
	v0 =	vld [tilespmem:$0x1FEF0]  }
0x17a: {  	v4 =	vld [tilespmem:s7+$0xCE40];
	v15 =	vmul.bf16 v10, v30;
	v6 =	vadd.bf16 v6, v8  }
0x17b: {  	v51 =	vld [tilespmem:s7+$0x640];
	v50, _, _ =	vpop (xrf2);
	(xrf2) =	vadd.scan.msk.f32 $0xffff, v13;
	v10 =	vunpack.i.u.bf16.f32 v9;
	v9 =	vunpack.i.l.bf16.f32 v9  }
0x17c: {  	v9 =	vadd.f32 v9, v10;
	v6 =	vadd.bf16 v15, v6  }
0x17d: {  	v7 =	vmul.bf16 v7, v21;
	v3 =	vadd.bf16 v3, v5;
	v2 =	vadd.bf16 v57, v2  }
0x17e: {  	v8, _, _ =	vpop (xrf2);
	(xrf2) =	vadd.scan.msk.f32 $0xffff, v9;
	v0 =	vmul.bf16 v0, v1;
	v1 =	vunpack.i.u.bf16.f32 v6;
	v6 =	vunpack.i.l.bf16.f32 v6  }
0x17f: {  	v3 =	vadd.bf16 v7, v3;
	v1 =	vadd.f32 v6, v1  }
0x180: {  	v53 =	vmul.bf16 v4, v51;
	v52, _, _ =	vpop (xrf2)  }
0x181: {  	v54 =	vunpack.i.u.bf16.f32 v3;
	v3 =	vunpack.i.l.bf16.f32 v3;
	v0 =	vadd.bf16 v0, v2;
	v2, _, _ =	vpop (xrf2);
	(xrf2) =	vadd.scan.msk.f32 $0xffff, v1  }
0x182: {  	v55 =	vbroadcast v52, $0xF;
	v1 =	vadd.f32 v3, v54;
	v2 =	vbroadcast v2, $0xF  }
0x183: {  	v0 =	vadd.bf16 v53, v0  }
0x184: {  	v56 =	vbroadcast v8, $0xF;
	(xrf2) =	vadd.scan.msk.f32 $0xffff, v1;
	v1 =	vsel vm0, v55, v2  }
0x185: {  	v3, _, _ =	vpop (xrf2);
	v2 =	vbroadcast v50, $0xF;
	v57 =	vunpack.i.u.bf16.f32 v0;
	v0 =	vunpack.i.l.bf16.f32 v0  }
0x186: {  	v3 =	vbroadcast v3, $0xF;
	v1 =	vsel vm1, v1, v56;
	v0 =	vadd.f32 v0, v57  }
0x187: {  	v1 =	vsel vm2, v1, v2;
	v2 =	vbroadcast v22, $0xF  }
0x188: {  	v58 =	vbroadcast v28, $0xF;
	v59, _, _ =	vpop (xrf2);
	v1 =	vsel vm3, v1, v3;
	(xrf2) =	vadd.scan.msk.f32 $0xffff, v0  }
0x189: {  	v0 =	vsel vm4, v1, v2;
	v1 =	vbroadcast v59, $0xF  }
0x18a: {  	v2 =	vbroadcast v29, $0xF;
	v0 =	vsel vm5, v0, v58  }
0x18b: {  	v0 =	vsel vm6, v0, v1;
	v1 =	vbroadcast v23, $0xF;
	v3, _, _ =	vpop (xrf2)  }
0x18c: {  	v0 =	vsel vm7, v0, v2;
	v2 =	vbroadcast v3, $0xF  }
0x18d: {  	v0 =	vsel vm8, v0, v1;
	v1 =	vbroadcast v20, $0xF  }
0x18e: {  	v3, _, _ =	vpop (xrf2);
	v0 =	vsel vm9, v0, v2;
	v2 =	vbroadcast v17, $0xF  }
0x18f: {  	v3 =	vbroadcast v3, $0xF;
	v0 =	vsel vm10, v0, v1  }
0x190: {  	v0 =	vsel vm11, v0, v2;
	v2 =	vbroadcast v11, $0xF  }
0x191: {  	v0 =	vsel vm12, v0, v3  }
0x192: {  	v1, _, _ =	vpop (xrf2);
	v0 =	vsel vm13, v0, v2  }
0x193: {  	s1 =	sadd.s32 $0x10, s1;
	v0 =	vsel vm14, v0, v1  }
0x194: {  	s7 =	sshra.s32 s9, $0x2;
	[tilespmem:s1+$0x0] =	vst v0  }
0x195: {  	v0 =	vld [tilespmem:s7+$0xCE30]  }
0x196: {  	v17 =	vld [tilespmem:s7+$0x600]  }
0x197: {  	v18 =	vld [tilespmem:s7+$0xCDF0]  }
0x198: {  	v24 =	vld [tilespmem:s7+$0x5F0]  }
0x199: {  	v19 =	vld [tilespmem:s7+$0xCD80]  }
0x19a: {  	v22 =	vld [tilespmem:s7+$0x580]  }
0x19b: {  	v23 =	vld [tilespmem:s7+$0xCDE0]  }
0x19c: {  	v49 =	vld [tilespmem:s7+$0x5E0]  }
0x19d: {  	v51 =	vld [tilespmem:s7+$0xCDD0]  }
0x19e: {  	v53 =	vld [tilespmem:s7+$0x5D0]  }
0x19f: {  	v27 =	vld [tilespmem:s7+$0xCD40]  }
0x1a0: {  	v29 =	vld [tilespmem:s7+$0x540]  }
0x1a1: {  	v25 =	vld [tilespmem:s7+$0xCD70]  }
0x1a2: {  	v48 =	vld [tilespmem:s7+$0x570]  }
0x1a3: {  	v21 =	vld [tilespmem:s7+$0xCDA0]  }
0x1a4: {  	v28 =	vld [tilespmem:s7+$0x5A0]  }
0x1a5: {  	v26 =	vld [tilespmem:s7+$0xCD30]  }
0x1a6: {  	v46 =	vld [tilespmem:s7+$0x530]  }
0x1a7: {  	v54 =	vld [tilespmem:s7+$0xCD60]  }
0x1a8: {  	v55 =	vld [tilespmem:s7+$0x560]  }
0x1a9: {  	v56 =	vld [tilespmem:s7+$0xCD50]  }
0x1aa: {  	v57 =	vld [tilespmem:s7+$0x550]  }
0x1ab: {  	v31 =	vld [tilespmem:s7+$0xCCC0]  }
0x1ac: {  	v33 =	vld [tilespmem:s7+$0x4C0]  }
0x1ad: {  	v58 =	vld [tilespmem:s7+$0xCD20]  }
0x1ae: {  	v59 =	vld [tilespmem:s7+$0x520]  }
0x1af: {  	v60 =	vld [tilespmem:s7+$0xCD10]  }
0x1b0: {  	v61 =	vld [tilespmem:s7+$0x510]  }
0x1b1: {  	v37 =	vld [tilespmem:s7+$0xCC80]  }
0x1b2: {  	v39 =	vld [tilespmem:s7+$0x480]  }
0x1b3: {  	v47 =	vld [tilespmem:s7+$0xCCB0]  }
0x1b4: {  	v50 =	vld [tilespmem:s7+$0x4B0]  }
0x1b5: {  	v43 =	vld [tilespmem:s7+$0xCCE0]  }
0x1b6: {  	v45 =	vld [tilespmem:s7+$0x4E0]  }
0x1b7: {  	v42 =	vld [tilespmem:s7+$0xCC70]  }
0x1b8: {  	v44 =	vld [tilespmem:s7+$0x470]  }
0x1b9: {  	v62 =	vld [tilespmem:s7+$0xCCA0]  }
0x1ba: {  	v63 =	vld [tilespmem:s7+$0x4A0]  }
0x1bb: {  	[tilespmem:$0x1FEF0] =	vst v0;
	v0 =	vld [tilespmem:s7+$0x630]  }
0x1bc: {  	v1 =	vld [tilespmem:s7+$0x490]  }
0x1bd: {  	v35 =	vld [tilespmem:s7+$0xCC00]  }
0x1be: {  	v38 =	vld [tilespmem:s7+$0x400]  }
0x1bf: {  	v2 =	vld [tilespmem:s7+$0xCC30]  }
0x1c0: {  	[tilespmem:$0x1FF00] =	vst v0;
	v0 =	vld [tilespmem:s7+$0xCE00]  }
0x1c1: {  	v3 =	vld [tilespmem:s7+$0x460]  }
0x1c2: {  	v4 =	vld [tilespmem:s7+$0xCC50]  }
0x1c3: {  	v5 =	vld [tilespmem:s7+$0x450]  }
0x1c4: {  	v34 =	vld [tilespmem:s7+$0xCBC0]  }
0x1c5: {  	[tilespmem:$0x1FDA0] =	vst v0;
	v0 =	vld [tilespmem:s7+$0xCE20]  }
0x1c6: {  	v36 =	vld [tilespmem:s7+$0x3C0]  }
0x1c7: {  	v6 =	vld [tilespmem:s7+$0xCBF0]  }
0x1c8: {  	v7 =	vld [tilespmem:s7+$0x3F0]  }
0x1c9: {  	v30 =	vld [tilespmem:s7+$0xCC20]  }
0x1ca: {  	[tilespmem:$0x1FDB0] =	vst v0;
	v0 =	vld [tilespmem:s7+$0x620]  }
0x1cb: {  	v32 =	vld [tilespmem:s7+$0x420]  }
0x1cc: {  	v8 =	vld [tilespmem:s7+$0xCC10]  }
0x1cd: {  	v52 =	vld [tilespmem:s7+$0xCBB0]  }
0x1ce: {  	v9 =	vld [tilespmem:s7+$0xCBE0]  }
0x1cf: {  	[tilespmem:$0x1FDC0] =	vst v0;
	v0 =	vld [tilespmem:s7+$0xCE10]  }
0x1d0: {  	v10 =	vld [tilespmem:s7+$0x3E0]  }
0x1d1: {  	v12 =	vld [tilespmem:s7+$0xCBD0]  }
0x1d2: {  	v13 =	vld [tilespmem:s7+$0x3D0]  }
0x1d3: {  	v40 =	vld [tilespmem:s7+$0xCB40]  }
0x1d4: {  	[tilespmem:$0x1FF10] =	vst v0;
	v0 =	vld [tilespmem:s7+$0xCDB0]  }
0x1d5: {  	v41 =	vld [tilespmem:s7+$0x340]  }
0x1d6: {  	v11 =	vld [tilespmem:s7+$0xCB70]  }
0x1d7: {  	v14 =	vld [tilespmem:s7+$0x3A0]  }
0x1d8: {  	v20 =	vld [tilespmem:s7+$0xCB90]  }
0x1d9: {  	[tilespmem:$0x1FF20] =	vst v0;
	v0 =	vld [tilespmem:s7+$0x5B0]  }
0x1da: {  	v15 =	vld [tilespmem:s7+$0x390]  }
0x1db: {  	v16 =	vld [tilespmem:s7+$0xCB00]  }
0x1dc: {  	[tilespmem:$0x1FF80] =	vst v2;
	v2 =	vld [tilespmem:s7+$0x430]  }
0x1dd: {  	[tilespmem:$0x1FFA0] =	vst v8;
	v8 =	vld [tilespmem:s7+$0x3B0]  }
0x1de: {  	[tilespmem:$0x1FF30] =	vst v0;
	v0 =	vld [tilespmem:s7+$0xCD90]  }
0x1df: {  	[tilespmem:$0x1FFB0] =	vst v11;
	v11 =	vld [tilespmem:s7+$0x370]  }
0x1e0: {  	v49 =	vmul.bf16 v23, v49;
	v23 =	vld [tilespmem:s7+$0x300]  }
0x1e1: {  	v51 =	vmul.bf16 v51, v53;
	v53 =	vld [tilespmem:s7+$0xCB30]  }
0x1e2: {  	v18 =	vmul.bf16 v18, v24;
	v24 =	vld [tilespmem:s7+$0xCB60]  }
0x1e3: {  	[tilespmem:$0x1FF40] =	vst v0;
	v0 =	vld [tilespmem:s7+$0xCCF0]  }
0x1e4: {  	v48 =	vmul.bf16 v25, v48;
	v25 =	vld [tilespmem:s7+$0x360]  }
0x1e5: {  	v29 =	vmul.bf16 v27, v29;
	v27 =	vld [tilespmem:s7+$0x2F0]  }
0x1e6: {  	v54 =	vmul.bf16 v54, v55;
	v55 =	vld [tilespmem:s7+$0x320]  }
0x1e7: {  	v33 =	vmul.bf16 v31, v33;
	v31 =	vld [tilespmem:s7+$0x270]  }
0x1e8: {  	[tilespmem:$0x1FF50] =	vst v0;
	v0 =	vld [tilespmem:s7+$0x4F0]  }
0x1e9: {  	v60 =	vmul.bf16 v60, v61;
	v9 =	vmul.bf16 v9, v10;
	v10 =	vld [tilespmem:s7+$0xCAE0]  }
0x1ea: {  	v61 =	vmul.bf16 v58, v59;
	v58 =	vmul.bf16 v35, v38;
	v35 =	vld [tilespmem:s7+$0x260];
	v49 =	vadd.bf16 v49, v51  }
0x1eb: {  	v38 =	vld [tilespmem:s7+$0x250]  }
0x1ec: {  	v49 =	vadd.bf16 v18, v49;
	v18 =	vld [tilespmem:$0x1FDA0]  }
0x1ed: {  	v56 =	vmul.bf16 v56, v57;
	[tilespmem:$0x1FF60] =	vst v0;
	v0 =	vld [tilespmem:s7+$0xCCD0]  }
0x1ee: {  	v30 =	vmul.bf16 v30, v32;
	v32 =	vld [tilespmem:s7+$0xCAA0]  }
0x1ef: {  	v46 =	vmul.bf16 v26, v46;
	v51 =	vld [tilespmem:s7+$0x330];
	v54 =	vadd.bf16 v54, v56  }
0x1f0: {  	v12 =	vmul.bf16 v12, v13;
	v56 =	vmul.bf16 v19, v22;
	v19 =	vld [tilespmem:s7+$0xCA80];
	v60 =	vadd.bf16 v61, v60  }
0x1f1: {  	v4 =	vmul.bf16 v4, v5;
	v48 =	vadd.bf16 v48, v54;
	[tilespmem:$0x1FFC0] =	vst v11;
	v11 =	vld [tilespmem:s7+$0xCBA0];
	v17 =	vmul.bf16 v18, v17  }
0x1f2: {  	v6 =	vmul.bf16 v6, v7;
	v9 =	vadd.bf16 v9, v12;
	v46 =	vadd.bf16 v46, v60;
	[tilespmem:$0x1FF70] =	vst v0;
	v0 =	vld [tilespmem:s7+$0xCC90]  }
0x1f3: {  	v60 =	vmul.bf16 v62, v63;
	[tilespmem:$0x1FF90] =	vst v2;
	v2 =	vld [tilespmem:s7+$0xCC60];
	v48 =	vadd.bf16 v56, v48;
	v17 =	vadd.bf16 v17, v49  }
0x1f4: {  	v22 =	vld [tilespmem:s7+$0x280];
	v6 =	vadd.bf16 v6, v9;
	v8 =	vmul.bf16 v52, v8;
	v46 =	vadd.bf16 v29, v46  }
0x1f5: {  	v54 =	vld [tilespmem:s7+$0xCB20];
	v29 =	vunpack.i.u.bf16.f32 v48;
	v61 =	vunpack.i.u.bf16.f32 v17;
	v17 =	vunpack.i.l.bf16.f32 v17  }
0x1f6: {  	v63 =	vld [tilespmem:s7+$0x310];
	v11 =	vmul.bf16 v11, v14;
	v49 =	vmul.bf16 v20, v15;
	v17 =	vadd.f32 v17, v61  }
0x1f7: {  	v56 =	vld [tilespmem:s7+$0xCAD0];
	v0 =	vmul.bf16 v0, v1;
	v1 =	vmul.bf16 v21, v28;
	v28 =	vunpack.i.l.bf16.f32 v48  }
0x1f8: {  	v2 =	vmul.bf16 v2, v3;
	v26 =	vld [tilespmem:$0x1FDB0];
	v11 =	vadd.bf16 v11, v49;
	v62 =	vadd.f32 v28, v29  }
0x1f9: {  	v3 =	vmul.bf16 v37, v39;
	v59 =	vld [tilespmem:$0x1FDC0];
	(xrf2) =	vadd.scan.msk.f32 $0xffff, v17;
	v21 =	vmul.bf16 v47, v50;
	v0 =	vadd.bf16 v60, v0  }
0x1fa: {  	v2 =	vadd.bf16 v2, v4;
	v47 =	vld [tilespmem:s7+$0xCB10];
	v60 =	vadd.bf16 v8, v11;
	v8 =	vmul.bf16 v34, v36;
	(xrf2) =	vadd.scan.msk.f32 $0xffff, v62  }
0x1fb: {  	v37 =	vld [tilespmem:s7+$0x2A0];
	v0 =	vadd.bf16 v21, v0;
	v21 =	vmul.bf16 v43, v45;
	v45 =	vmul.bf16 v42, v44  }
0x1fc: {  	v41 =	vmul.bf16 v40, v41;
	v6 =	vadd.bf16 v58, v6;
	v39 =	vld [tilespmem:s7+$0xCA90];
	v61 =	vunpack.i.u.bf16.f32 v46  }
0x1fd: {  	v18 =	vld [tilespmem:s7+$0xCB50];
	v43 =	vunpack.i.l.bf16.f32 v46;
	v42 =	vadd.bf16 v8, v60;
	v2 =	vadd.bf16 v45, v2  }
0x1fe: {  	v57 =	vmul.bf16 v26, v59;
	v48 =	vld [tilespmem:s7+$0x2E0];
	v5 =	vadd.f32 v43, v61;
	v0 =	vadd.bf16 v33, v0  }
0x1ff: {  	p0 =	sne.s32 s9, $0x18FC0;
	v9 =	vmul.bf16 v47, v63;
	v61 =	vmul.bf16 v54, v55;
	v2 =	vadd.bf16 v3, v2;
	v3 =	vld [tilespmem:s7+$0x2D0]  }
.Ltmp0:
0x200: {  	v26 =	vld [tilespmem:s7+$0xCAF0];
	v63 =	vmul.bf16 v53, v51;
	v46 =	vunpack.i.u.bf16.f32 v0;
	v0 =	vunpack.i.l.bf16.f32 v0;
	(pc) =	sbr.rel @p0 .LBB2_3-.Ltmp0, $4  }
0x201: {  	v29 =	vld [tilespmem:s7+$0xCA70];
	v0 =	vadd.f32 v0, v46;
	v59 =	vunpack.i.u.bf16.f32 v2;
	v2 =	vunpack.i.l.bf16.f32 v2  }
0x202: {  	v28 =	vld [tilespmem:s7+$0xCAB0];
	v40 =	vunpack.i.u.bf16.f32 v42;
	(xrf2) =	vadd.scan.msk.f32 $0xffff, v5;
	v62 =	vadd.bf16 v61, v9;
	v2 =	vadd.f32 v2, v59  }
0x203: {  	v36 =	vld [tilespmem:s7+$0xCA50];
	v11, _, _ =	vpop (xrf2);
	v45 =	vmul.bf16 v10, v48;
	(xrf2) =	vadd.scan.msk.f32 $0xffff, v0;
	v0 =	vunpack.i.u.bf16.f32 v6;
	v6 =	vunpack.i.l.bf16.f32 v6  }
0x204: {  	s9 =	sadd.s32 $0x1000, s9;
	v33 =	vld [tilespmem:s7+$0xCA60];
	v44 =	vadd.bf16 v63, v62;
	v34 =	vadd.f32 v6, v0;
	(xrf2) =	vadd.scan.msk.f32 $0xffff, v2;
	v43 =	vmul.bf16 v56, v3;
	v17, _, _ =	vpop (xrf2)  }
0x205: {  	v0 =	vld [tilespmem:s7+$0x290]  }
0x206: {  	v4 =	vunpack.i.l.bf16.f32 v42;
	v5 =	vld [tilespmem:s7+$0x2B0]  }
0x207: {  	v7 =	vmul.bf16 v26, v27;
	v12 =	vld [tilespmem:s7+$0x350];
	v6 =	vadd.bf16 v45, v43;
	v8 =	vadd.bf16 v41, v44  }
0x208: {  	v2 =	vmul.bf16 v16, v23;
	v13 =	vld [tilespmem:s7+$0xCAC0];
	v4 =	vadd.f32 v4, v40  }
0x209: {  	v14 =	vld [tilespmem:s7+$0x2C0];
	v6 =	vadd.bf16 v7, v6;
	v40 =	vunpack.i.u.bf16.f32 v8;
	v8 =	vunpack.i.l.bf16.f32 v8  }
0x20a: {  	v43 =	vld [tilespmem:$0x1FFB0];
	v9 =	vmul.bf16 v36, v38;
	v10 =	vmul.bf16 v33, v35;
	v7 =	vadd.f32 v8, v40  }
0x20b: {  	v44 =	vld [tilespmem:$0x1FFC0];
	v8 =	vmul.bf16 v32, v37;
	v0 =	vmul.bf16 v39, v0;
	v2 =	vadd.bf16 v2, v6  }
0x20c: {  	v15 =	vld [tilespmem:s7+$0xCB80];
	v9 =	vadd.bf16 v10, v9;
	v10 =	vmul.bf16 v29, v31  }
0x20d: {  	v16 =	vld [tilespmem:s7+$0x380];
	v0 =	vadd.bf16 v8, v0;
	v8 =	vunpack.i.u.bf16.f32 v2;
	v2 =	vunpack.i.l.bf16.f32 v2  }
0x20e: {  	v3 =	vmul.bf16 v24, v25;
	v47 =	vld [tilespmem:$0x1FFA0];
	v2 =	vadd.f32 v2, v8;
	v8 =	vmul.bf16 v18, v12  }
0x20f: {  	v45 =	vld [tilespmem:s7+$0xCC40];
	v9 =	vadd.bf16 v10, v9;
	v10 =	vmul.bf16 v19, v22  }
0x210: {  	v12 =	vmul.bf16 v43, v44;
	v3 =	vadd.bf16 v3, v8;
	v8 =	vld [tilespmem:s7+$0x440]  }
0x211: {  	v50 =	vld [tilespmem:$0x1FF80];
	(xrf2) =	vadd.scan.msk.f32 $0xffff, v34;
	v9 =	vadd.bf16 v10, v9  }
0x212: {  	v41 =	vld [tilespmem:s7+$0x410];
	(xrf2) =	vadd.scan.msk.f32 $0xffff, v4;
	v49 =	vmul.bf16 v15, v16;
	v3 =	vadd.bf16 v12, v3  }
0x213: {  	v5 =	vmul.bf16 v28, v5;
	(xrf2) =	vadd.scan.msk.f32 $0xffff, v7;
	v10 =	vld [tilespmem:s7+$0x4D0];
	v46 =	vunpack.i.u.bf16.f32 v9;
	v9 =	vunpack.i.l.bf16.f32 v9  }
0x214: {  	(xrf2) =	vadd.scan.msk.f32 $0xffff, v2;
	v9 =	vadd.f32 v9, v46;
	v2 =	vadd.bf16 v49, v3;
	v3 =	vld [tilespmem:$0x1FF70]  }
0x215: {  	v42 =	vmul.bf16 v13, v14;
	v0 =	vadd.bf16 v5, v0;
	v55 =	vmul.bf16 v45, v8;
	v8 =	vld [tilespmem:$0x1FF50]  }
0x216: {  	(xrf2) =	vadd.scan.msk.f32 $0xffff, v9;
	v9 =	vld [tilespmem:$0x1FF60]  }
0x217: {  	v51 =	vld [tilespmem:$0x1FF90];
	v0 =	vadd.bf16 v42, v0;
	_ =	sdelay $0x1  }
0x218: {  	v48 =	vld [tilespmem:s7+$0x590];
	v53 =	vunpack.i.u.bf16.f32 v0;
	v0 =	vunpack.i.l.bf16.f32 v0;
	v3 =	vmul.bf16 v3, v10  }
0x219: {  	v52 =	vld [tilespmem:s7+$0xCD00];
	v5 =	vmul.bf16 v47, v41;
	v0 =	vadd.f32 v0, v53;
	v10 =	vunpack.i.u.bf16.f32 v2  }
0x21a: {  	v58 =	vld [tilespmem:$0x1FF40];
	v2 =	vunpack.i.l.bf16.f32 v2;
	v8 =	vmul.bf16 v8, v9;
	v3 =	vadd.bf16 v21, v3  }
0x21b: {  	v5 =	vadd.bf16 v30, v5;
	v12 =	vmul.bf16 v50, v51;
	(xrf2) =	vadd.scan.msk.f32 $0xffff, v0;
	v0 =	vadd.f32 v2, v10;
	v10 =	vld [tilespmem:$0x1FF30]  }
0x21c: {  	v3 =	vadd.bf16 v8, v3;
	v8 =	vld [tilespmem:$0x1FF20]  }
0x21d: {  	v56 =	vld [tilespmem:s7+$0x5C0];
	v5 =	vadd.bf16 v12, v5  }
0x21e: {  	v9 =	vld [tilespmem:s7+$0xCDC0]  }
0x21f: {  	v54 =	vld [tilespmem:s7+$0x610];
	v2 =	vadd.bf16 v55, v5;
	v5 =	vmul.bf16 v58, v48  }
0x220: {  	v15 =	vld [tilespmem:s7+$0x500]  }
0x221: {  	v34 =	vld [tilespmem:$0x1FF00];
	v1 =	vadd.bf16 v1, v5;
	v8 =	vmul.bf16 v8, v10  }
0x222: {  	v32 =	vld [tilespmem:$0x1FF10]  }
0x223: {  	v1 =	vadd.bf16 v8, v1;
	v8 =	vmul.bf16 v9, v56;
	v9 =	vld [tilespmem:$0x1FEF0];
	_ =	sdelay $0x1  }
0x224: {  	v63 =	vld [tilespmem:s7+$0x640];
	v59, _, _ =	vpop (xrf2);
	v60 =	vmul.bf16 v52, v15;
	v62 =	vunpack.i.u.bf16.f32 v2;
	v2 =	vunpack.i.l.bf16.f32 v2  }
0x225: {  	v61, _, _ =	vpop (xrf2);
	(xrf2) =	vadd.scan.msk.f32 $0xffff, v0;
	v2 =	vadd.f32 v2, v62;
	v10 =	vld [tilespmem:s7+$0xCE40]  }
0x226: {  	v4 =	vmul.bf16 v32, v54;
	v0, _, _ =	vpop (xrf2);
	v3 =	vadd.bf16 v60, v3  }
0x227: {  	v33, _, _ =	vpop (xrf2);
	v9 =	vmul.bf16 v9, v34  }
0x228: {  	v4 =	vadd.bf16 v57, v4;
	v35, _, _ =	vpop (xrf2);
	(xrf2) =	vadd.scan.msk.f32 $0xffff, v2;
	v36 =	vunpack.i.u.bf16.f32 v3;
	v3 =	vunpack.i.l.bf16.f32 v3  }
0x229: {  	v2, _, _ =	vpop (xrf2);
	v3 =	vadd.f32 v3, v36;
	v1 =	vadd.bf16 v8, v1  }
0x22a: {  	v5 =	vmul.bf16 v10, v63;
	v8, _, _ =	vpop (xrf2)  }
0x22b: {  	v10 =	vunpack.i.u.bf16.f32 v1;
	v1 =	vunpack.i.l.bf16.f32 v1;
	v4 =	vadd.bf16 v9, v4;
	v9, _, _ =	vpop (xrf2);
	(xrf2) =	vadd.scan.msk.f32 $0xffff, v3  }
0x22c: {  	v1 =	vadd.f32 v1, v10;
	v37, _, _ =	vpop (xrf2)  }
0x22d: {  	v3 =	vadd.bf16 v5, v4;
	v38 =	vbroadcast v9, $0xF;
	v4 =	vbroadcast v37, $0xF  }
0x22e: {  	v8 =	vbroadcast v8, $0xF  }
0x22f: {  	v2 =	vbroadcast v2, $0xF;
	(xrf2) =	vadd.scan.msk.f32 $0xffff, v1;
	v9 =	vunpack.i.u.bf16.f32 v3;
	v39, _, _ =	vpop (xrf2);
	v1 =	vsel vm0, v38, v4  }
0x230: {  	v3 =	vunpack.i.l.bf16.f32 v3;
	v4 =	vbroadcast v39, $0xF;
	v1 =	vsel vm1, v1, v8  }
0x231: {  	v3 =	vadd.f32 v3, v9;
	v1 =	vsel vm2, v1, v2;
	v2 =	vbroadcast v35, $0xF  }
0x232: {  	v40 =	vbroadcast v33, $0xF;
	v41, _, _ =	vpop (xrf2);
	v1 =	vsel vm3, v1, v4  }
0x233: {  	v1 =	vsel vm4, v1, v2;
	v2 =	vbroadcast v41, $0xF  }
0x234: {  	v0 =	vbroadcast v0, $0xF;
	(xrf2) =	vadd.scan.msk.f32 $0xffff, v3;
	v1 =	vsel vm5, v1, v40  }
0x235: {  	v1 =	vsel vm6, v1, v2;
	v2 =	vbroadcast v61, $0xF;
	v3, _, _ =	vpop (xrf2)  }
0x236: {  	v0 =	vsel vm7, v1, v0;
	v1 =	vbroadcast v3, $0xF  }
0x237: {  	v0 =	vsel vm8, v0, v2;
	v2 =	vbroadcast v59, $0xF  }
0x238: {  	v0 =	vsel vm9, v0, v1;
	v1 =	vbroadcast v17, $0xF  }
0x239: {  	v0 =	vsel vm10, v0, v2  }
0x23a: {  	v3, _, _ =	vpop (xrf2);
	v0 =	vsel vm11, v0, v1;
	v1 =	vbroadcast v11, $0xF  }
0x23b: {  	v2 =	vbroadcast v3, $0xF;
	_ =	sdelay $0x1  }
0x23c: {  	v0 =	vsel vm12, v0, v2  }
0x23d: {  	v0 =	vsel vm13, v0, v1;
	v1, _, _ =	vpop (xrf2)  }
0x23e: {  	s1 =	sadd.s32 $0x10, s1;
	v0 =	vsel vm14, v0, v1  }
0x23f: {  	s31 =	sadd.s32 s5, s31;
	[tilespmem:s1+$0x0] =	vst v0  }
0x240: {  	[hbm4b:s31+s2] =	stream.linear.scatter [tilespmem:s23], [sflag:$0x5], $0x190, $0x38;
	[tilespmem:$0x19960] =	vst v63  }
0x241: {  	_ =	swait.ge [sflag:s14], $0x190  }
0x242: {  	[sflag:s14] =	ssyncset.done $0x0  }
0x243: {  	[sflag:s14] =	ssyncadd.s32 $0xFFFFFE70  }
0x244: {  	_ =	swait.ge [sflag:s14], $0x190  }
0x245: {  	[sflag:s14] =	ssyncset.done $0x0  }
0x246: {  	[sflag:s14] =	ssyncadd.s32 $0xFFFFFE70  }
0x247: {  	[tilespmem:s16], [sflag:$0x3] =	stream.indirect.gather [hbm4b:s8+s15], $0x40, s2, s15, $0xb8;
	[tilespmem:$0x19960] =	vst v63  }
0x248: {  	_ = 	snop  }
0x249: {  	[tilespmem:s17], [sflag:$0x3] =	stream.indirect.gather [hbm4b:s8+s15], $0x40, s13, s15, $0xb8;
	[tilespmem:$0x19960] =	vst v63  }
0x24a: {  	_ =	swait.ge [sflag:s24], $0x6400  }
0x24b: {  	[sflag:s24] =	ssyncset.done $0x0  }
0x24c: {  	p0 =	seq.s32 s30, $0xB;
	[sflag:s24] =	ssyncadd.s32 $0xFFFF9C00  }
0x24d: {  	s0 =	sshrl.u32 @!p0 s0, $0x3;
	_ =	swait.ge [sflag:s24], $0x6400  }
0x24e: {  	s9 =	simm.s32 @!p0 $0x190;
	s0 =	sadd.s32 @!p0 s4, s0;
	[sflag:s24] =	ssyncset.done $0x0  }
0x24f: {  	s7 =	simm.s32 @!p0 $0x0;
	s1 =	sadd.s32 @!p0 $0x96, s0;
	[sflag:s24] =	ssyncadd.s32 $0xFFFF9C00  }
0x250: {  	[tilespmem:s9], [sflag:$0x2] =	stream.linear.gather @!p0 [hbm4b:s1+s7], $0x190, $0x38;
	[tilespmem:$0x19960] =	vst v63  }
0x251: {  	p1 =	seq.s32 @!p0 s30, $0x0;
	s0 =	sadd.s32 @!p0 $0x9CD6, s0;
	s1 =	simm.s32 @!p0 $0x4B0  }
0x252: {  	[tilespmem:s1], [sflag:$0x2] =	stream.linear.gather @!p0 [hbm4b:s0+s7], $0x190, $0x38;
	[tilespmem:$0x19960] =	vst v63  }
0x253: {  	p0 =	por p0, !p1  }
0x254: {  	_ =	swait.ge @p0 [sflag:s28], $0x190  }
0x255: {  	[sflag:s28] =	ssyncset.done @p0 $0x0  }
0x256: {  	s9 =	simm.s32 $0x0;
	[sflag:s28] =	ssyncadd.s32 @p0 $0xFFFFFE70  }
0x257: {  	v0 =	vld [tilespmem:s9+$0x13620]  }
0x258: {  	v11 =	vld [tilespmem:s9+$0x135F0]  }
0x259: {  	v13 =	vld [tilespmem:s9+$0x6DF0]  }
0x25a: {  	v16 =	vld [tilespmem:s9+$0x13610]  }
0x25b: {  	v17 =	vld [tilespmem:s9+$0x6E10]  }
0x25c: {  	v18 =	vld [tilespmem:s9+$0x135E0]  }
0x25d: {  	v19 =	vld [tilespmem:s9+$0x6DE0]  }
0x25e: {  	v20 =	vld [tilespmem:s9+$0x13570]  }
0x25f: {  	v21 =	vld [tilespmem:s9+$0x6D70]  }
0x260: {  	v22 =	vld [tilespmem:s9+$0x135D0]  }
0x261: {  	v23 =	vld [tilespmem:s9+$0x6DD0]  }
0x262: {  	v24 =	vld [tilespmem:s9+$0x135C0]  }
0x263: {  	v25 =	vld [tilespmem:s9+$0x6DC0]  }
0x264: {  	v26 =	vld [tilespmem:s9+$0x13530]  }
0x265: {  	v27 =	vld [tilespmem:s9+$0x6D30]  }
0x266: {  	v28 =	vld [tilespmem:s9+$0x13560]  }
0x267: {  	v29 =	vld [tilespmem:s9+$0x6D60]  }
0x268: {  	v30 =	vld [tilespmem:s9+$0x13590]  }
0x269: {  	v31 =	vld [tilespmem:s9+$0x6D90]  }
0x26a: {  	v32 =	vld [tilespmem:s9+$0x13520]  }
0x26b: {  	v33 =	vld [tilespmem:s9+$0x6D20]  }
0x26c: {  	v34 =	vld [tilespmem:s9+$0x13550]  }
0x26d: {  	v35 =	vld [tilespmem:s9+$0x6D50]  }
0x26e: {  	v36 =	vld [tilespmem:s9+$0x13540]  }
0x26f: {  	v37 =	vld [tilespmem:s9+$0x6D40]  }
0x270: {  	v38 =	vld [tilespmem:s9+$0x134B0]  }
0x271: {  	v39 =	vld [tilespmem:s9+$0x6CB0]  }
0x272: {  	v40 =	vld [tilespmem:s9+$0x13510]  }
0x273: {  	v41 =	vld [tilespmem:s9+$0x6D10]  }
0x274: {  	v42 =	vld [tilespmem:s9+$0x13500]  }
0x275: {  	v43 =	vld [tilespmem:s9+$0x6D00]  }
0x276: {  	v44 =	vld [tilespmem:s9+$0x13470]  }
0x277: {  	v45 =	vld [tilespmem:s9+$0x6C70]  }
0x278: {  	v46 =	vld [tilespmem:s9+$0x134A0]  }
0x279: {  	v47 =	vld [tilespmem:s9+$0x6CA0]  }
0x27a: {  	v48 =	vld [tilespmem:s9+$0x134D0]  }
0x27b: {  	v49 =	vld [tilespmem:s9+$0x6CD0]  }
0x27c: {  	[tilespmem:$0x1FC70] =	vst v0;
	v0 =	vld [tilespmem:s9+$0x6E20]  }
0x27d: {  	v50 =	vld [tilespmem:s9+$0x13460]  }
0x27e: {  	v51 =	vld [tilespmem:s9+$0x6C60]  }
0x27f: {  	v52 =	vld [tilespmem:s9+$0x13490]  }
0x280: {  	v53 =	vld [tilespmem:s9+$0x6C90]  }
0x281: {  	[tilespmem:$0x1FC80] =	vst v0;
	v0 =	vld [tilespmem:s9+$0x13600]  }
0x282: {  	v54 =	vld [tilespmem:s9+$0x13480]  }
0x283: {  	v55 =	vld [tilespmem:s9+$0x6C80]  }
0x284: {  	v56 =	vld [tilespmem:s9+$0x133F0]  }
0x285: {  	v57 =	vld [tilespmem:s9+$0x6BF0]  }
0x286: {  	[tilespmem:$0x1FC60] =	vst v0;
	v0 =	vld [tilespmem:s9+$0x135A0]  }
0x287: {  	v58 =	vld [tilespmem:s9+$0x13450]  }
0x288: {  	v59 =	vld [tilespmem:s9+$0x6C50]  }
0x289: {  	v60 =	vld [tilespmem:s9+$0x13440]  }
0x28a: {  	v61 =	vld [tilespmem:s9+$0x6C40]  }
0x28b: {  	[tilespmem:$0x1FC40] =	vst v0;
	v0 =	vld [tilespmem:s9+$0x6DA0]  }
0x28c: {  	v62 =	vld [tilespmem:s9+$0x133B0]  }
0x28d: {  	v63 =	vld [tilespmem:s9+$0x6BB0]  }
0x28e: {  	v9 =	vld [tilespmem:s9+$0x133E0]  }
0x28f: {  	v8 =	vld [tilespmem:s9+$0x6BE0]  }
0x290: {  	[tilespmem:$0x1FC50] =	vst v0;
	v0 =	vld [tilespmem:s9+$0x13580]  }
0x291: {  	v12 =	vld [tilespmem:s9+$0x133A0]  }
0x292: {  	v10 =	vld [tilespmem:s9+$0x6BA0]  }
0x293: {  	v7 =	vld [tilespmem:s9+$0x133D0]  }
0x294: {  	v4 =	vld [tilespmem:s9+$0x6BD0]  }
0x295: {  	[tilespmem:$0x1FC30] =	vst v0;
	v0 =	vld [tilespmem:s9+$0x134E0]  }
0x296: {  	v3 =	vld [tilespmem:s9+$0x133C0]  }
0x297: {  	v1 =	vld [tilespmem:s9+$0x13330]  }
0x298: {  	v14 =	vld [tilespmem:s9+$0x6B30]  }
0x299: {  	v6 =	vld [tilespmem:s9+$0x13390]  }
0x29a: {  	[tilespmem:$0x1FC10] =	vst v0;
	v0 =	vld [tilespmem:s9+$0x6CE0]  }
0x29b: {  	v5 =	vld [tilespmem:s9+$0x6B90]  }
0x29c: {  	v2 =	vld [tilespmem:s9+$0x13380]  }
0x29d: {  	v15 =	vld [tilespmem:s9+$0x132F0]  }
0x29e: {  	[tilespmem:$0x1FB90] =	vst v1;
	v1 =	vld [tilespmem:s9+$0x13360]  }
0x29f: {  	[tilespmem:$0x1FC20] =	vst v0;
	v0 =	vld [tilespmem:s9+$0x134C0]  }
0x2a0: {  	v22 =	vmul.bf16 v22, v23;
	v23 =	vld [tilespmem:s9+$0x6AF0]  }
0x2a1: {  	v24 =	vmul.bf16 v24, v25;
	v25 =	vld [tilespmem:s9+$0x13320]  }
0x2a2: {  	v28 =	vmul.bf16 v28, v29;
	v29 =	vld [tilespmem:s9+$0x6B20]  }
0x2a3: {  	v18 =	vmul.bf16 v18, v19;
	v19 =	vmul.bf16 v36, v37;
	v36 =	vld [tilespmem:s9+$0x13350]  }
0x2a4: {  	[tilespmem:$0x1FC00] =	vst v0;
	v0 =	vld [tilespmem:s9+$0x13420]  }
0x2a5: {  	v60 =	vmul.bf16 v60, v61;
	v61 =	vmul.bf16 v58, v59;
	v58 =	vld [tilespmem:s9+$0x6AD0]  }
0x2a6: {  	[tilespmem:$0x1FBA0] =	vst v15;
	v15 =	vld [tilespmem:$0x1FB90]  }
0x2a7: {  	v22 =	vadd.bf16 v22, v24;
	v24 =	vmul.bf16 v34, v35;
	v35 =	vld [tilespmem:s9+$0x13300]  }
0x2a8: {  	v34 =	vmul.bf16 v42, v43;
	v42 =	vmul.bf16 v40, v41;
	v41 =	vld [tilespmem:s9+$0x132B0]  }
0x2a9: {  	[tilespmem:$0x1FBE0] =	vst v0;
	v0 =	vld [tilespmem:s9+$0x6C20]  }
0x2aa: {  	v43 =	vadd.bf16 v24, v19;
	v19 =	vld [tilespmem:s9+$0x6B50]  }
0x2ab: {  	v24 =	vmul.bf16 v32, v33;
	v32 =	vld [tilespmem:s9+$0x13340]  }
0x2ac: {  	v18 =	vadd.bf16 v18, v22;
	v22 =	vadd.bf16 v42, v34;
	v34 =	vld [tilespmem:s9+$0x132E0]  }
0x2ad: {  	v33 =	vadd.bf16 v61, v60;
	v61 =	vld [tilespmem:s9+$0x6A50]  }
0x2ae: {  	v11 =	vmul.bf16 v11, v13;
	[tilespmem:$0x1FBF0] =	vst v0;
	v0 =	vld [tilespmem:s9+$0x13410]  }
0x2af: {  	[tilespmem:$0x1FBB0] =	vst v1;
	v1 =	vld [tilespmem:s9+$0x6B60]  }
0x2b0: {  	v11 =	vadd.bf16 v11, v18;
	v18 =	vld [tilespmem:s9+$0x13270]  }
0x2b1: {  	v20 =	vmul.bf16 v20, v21;
	v21 =	vadd.bf16 v24, v22;
	v22 =	vmul.bf16 v26, v27;
	v26 =	vld [tilespmem:s9+$0x6A70]  }
0x2b2: {  	v27 =	vmul.bf16 v52, v53;
	v52 =	vld [tilespmem:s9+$0x6A60]  }
0x2b3: {  	v13 =	vadd.bf16 v28, v43;
	[tilespmem:$0x1FB70] =	vst v0;
	v0 =	vld [tilespmem:s9+$0x6C10]  }
0x2b4: {  	v24 =	vmul.bf16 v54, v55;
	v53 =	vmul.bf16 v50, v51;
	v50 =	vld [tilespmem:s9+$0x6C30];
	v28 =	vunpack.i.u.bf16.f32 v11  }
0x2b5: {  	v55 =	vunpack.i.l.bf16.f32 v11;
	v11 =	vmul.bf16 v16, v17;
	v16 =	vadd.bf16 v20, v13;
	v20 =	vld [tilespmem:s9+$0x6AE0]  }
0x2b6: {  	v21 =	vadd.bf16 v22, v21;
	v22 =	vadd.bf16 v27, v24;
	v24 =	vld [tilespmem:s9+$0x13310]  }
0x2b7: {  	v13 =	vmul.bf16 v30, v31;
	v27 =	vmul.bf16 v46, v47;
	v30 =	vld [tilespmem:s9+$0x6B10]  }
0x2b8: {  	v8 =	vmul.bf16 v9, v8;
	[tilespmem:$0x1FB80] =	vst v0;
	v0 =	vld [tilespmem:s9+$0x13400]  }
0x2b9: {  	v31 =	vmul.bf16 v38, v39;
	v46 =	vmul.bf16 v44, v45;
	[tilespmem:$0x1FBC0] =	vst v1;
	v1 =	vld [tilespmem:s9+$0x6B80];
	v22 =	vadd.bf16 v27, v22  }
0x2ba: {  	v9 =	vadd.bf16 v53, v33;
	v17 =	vadd.f32 v55, v28;
	v28 =	vunpack.i.u.bf16.f32 v16;
	v27 =	vld [tilespmem:s9+$0x6B00]  }
0x2bb: {  	v38 =	vld [tilespmem:s9+$0x13240];
	v16 =	vunpack.i.l.bf16.f32 v16;
	v47 =	vunpack.i.u.bf16.f32 v21;
	v22 =	vadd.bf16 v31, v22  }
0x2bc: {  	v55 =	vld [tilespmem:s9+$0x132D0];
	v21 =	vunpack.i.l.bf16.f32 v21;
	v60 =	vadd.bf16 v46, v9;
	v28 =	vadd.f32 v16, v28  }
0x2bd: {  	v16 =	vmul.bf16 v48, v49;
	v54 =	vadd.f32 v21, v47;
	v21 =	vunpack.i.u.bf16.f32 v22;
	[tilespmem:$0x1FBD0] =	vst v0;
	v0 =	vld [tilespmem:s9+$0x6BC0]  }
0x2be: {  	v49 =	vld [tilespmem:s9+$0x13260];
	v9 =	vunpack.i.l.bf16.f32 v22;
	v1 =	vmul.bf16 v2, v1;
	v2 =	vmul.bf16 v6, v5  }
0x2bf: {  	v47 =	vld [tilespmem:$0x1FBC0];
	v24 =	vmul.bf16 v24, v30;
	v9 =	vadd.f32 v9, v21;
	v21 =	vmul.bf16 v35, v27  }
0x2c0: {  	v22 =	vld [tilespmem:s9+$0x6AC0];
	v6 =	vunpack.i.l.bf16.f32 v60;
	v1 =	vadd.bf16 v2, v1;
	v2 =	vmul.bf16 v12, v10  }
0x2c1: {  	v10 =	vunpack.i.u.bf16.f32 v60;
	v21 =	vadd.bf16 v24, v21;
	v24 =	vmul.bf16 v25, v29;
	v25 =	vld [tilespmem:s9+$0x6A90]  }
0x2c2: {  	v6 =	vadd.f32 v6, v10;
	v10 =	vld [tilespmem:s9+$0x6A40];
	v0 =	vmul.bf16 v3, v0;
	v3 =	vmul.bf16 v7, v4  }
0x2c3: {  	v27 =	vld [tilespmem:$0x1FB70]  }
0x2c4: {  	v30 =	vld [tilespmem:$0x1FB80];
	v0 =	vadd.bf16 v3, v0  }
0x2c5: {  	v3 =	vld [tilespmem:s9+$0x132C0]  }
0x2c6: {  	v59 =	vmul.bf16 v56, v57;
	v21 =	vadd.bf16 v24, v21;
	v24 =	vld [tilespmem:$0x1FBA0];
	v0 =	vadd.bf16 v8, v0  }
0x2c7: {  	v1 =	vadd.bf16 v2, v1;
	v2 =	vmul.bf16 v62, v63;
	v5 =	vmul.bf16 v38, v10;
	v10 =	vld [tilespmem:s9+$0x6B40]  }
0x2c8: {  	v8 =	vld [tilespmem:s9+$0x13250];
	v0 =	vadd.bf16 v59, v0  }
0x2c9: {  	v1 =	vadd.bf16 v2, v1;
	v27 =	vmul.bf16 v27, v30;
	v30 =	vld [tilespmem:s9+$0x13290]  }
0x2ca: {  	v3 =	vmul.bf16 v3, v22;
	v22 =	vld [tilespmem:s9+$0x6A80];
	v2 =	vunpack.i.u.bf16.f32 v0;
	v0 =	vunpack.i.l.bf16.f32 v0  }
0x2cb: {  	v14 =	vmul.bf16 v15, v14;
	v0 =	vadd.f32 v0, v2;
	v2 =	vld [tilespmem:s9+$0x13280]  }
0x2cc: {  	v19 =	vmul.bf16 v36, v19;
	v31 =	vld [tilespmem:s9+$0x132A0];
	v39 =	vmul.bf16 v34, v20  }
0x2cd: {  	v15 =	vunpack.i.u.bf16.f32 v1;
	v23 =	vmul.bf16 v24, v23;
	v24 =	vld [tilespmem:s9+$0x6AA0];
	v8 =	vmul.bf16 v8, v61  }
0x2ce: {  	v1 =	vunpack.i.l.bf16.f32 v1;
	v46 =	vmul.bf16 v32, v10;
	v10 =	vld [tilespmem:$0x1FBB0];
	v7 =	vmul.bf16 v55, v58  }
0x2cf: {  	(xrf2) =	vadd.scan.msk.f32 $0xffff, v17;
	v1 =	vadd.f32 v1, v15;
	v15 =	vld [tilespmem:s9+$0x6AB0];
	v5 =	vadd.bf16 v8, v5;
	v8 =	vmul.bf16 v49, v52  }
0x2d0: {  	v48 =	vld [tilespmem:s9+$0x13430];
	(xrf2) =	vadd.scan.msk.f32 $0xffff, v28;
	v43 =	vmul.bf16 v30, v25;
	v3 =	vadd.bf16 v7, v3;
	v2 =	vmul.bf16 v2, v22  }
0x2d1: {  	v20 =	vld [tilespmem:s9+$0x6C00];
	(xrf2) =	vadd.scan.msk.f32 $0xffff, v54;
	v14 =	vadd.bf16 v14, v21;
	v5 =	vadd.bf16 v8, v5;
	v8 =	vmul.bf16 v18, v26  }
0x2d2: {  	(xrf2) =	vadd.scan.msk.f32 $0xffff, v9;
	v21 =	vld [tilespmem:s9+$0x6B70];
	v17 =	vmul.bf16 v31, v24;
	v3 =	vadd.bf16 v39, v3;
	v2 =	vadd.bf16 v43, v2  }
0x2d3: {  	(xrf2) =	vadd.scan.msk.f32 $0xffff, v6;
	v63 =	vld [tilespmem:$0x1FC50];
	v10 =	vmul.bf16 v10, v47;
	v45 =	vadd.bf16 v8, v5;
	v5 =	vadd.bf16 v19, v46  }
0x2d4: {  	v9 =	vmul.bf16 v41, v15;
	v15 =	vld [tilespmem:s9+$0x6CF0];
	(xrf2) =	vadd.scan.msk.f32 $0xffff, v0;
	v2 =	vadd.bf16 v17, v2  }
0x2d5: {  	(xrf2) =	vadd.scan.msk.f32 $0xffff, v1;
	v3 =	vadd.bf16 v23, v3;
	v1 =	vadd.bf16 v10, v5;
	v10 =	vld [tilespmem:$0x1FBF0]  }
0x2d6: {  	v42 =	vunpack.i.u.bf16.f32 v14;
	v14 =	vunpack.i.l.bf16.f32 v14;
	v2 =	vadd.bf16 v9, v2;
	v9 =	vld [tilespmem:$0x1FBE0]  }
0x2d7: {  	v51 =	vld [tilespmem:$0x1FBD0];
	v7 =	vadd.f32 v14, v42;
	v44 =	vunpack.i.u.bf16.f32 v3;
	v3 =	vunpack.i.l.bf16.f32 v3  }
0x2d8: {  	v18 =	vld [tilespmem:s9+$0x13370];
	v3 =	vadd.f32 v3, v44  }
0x2d9: {  	(xrf2) =	vadd.scan.msk.f32 $0xffff, v7;
	v8 =	vld [tilespmem:s9+$0x6CC0]  }
0x2da: {  	(xrf2) =	vadd.scan.msk.f32 $0xffff, v3;
	v3 =	vld [tilespmem:$0x1FC00]  }
0x2db: {  	v9 =	vmul.bf16 v9, v10;
	v10 =	vld [tilespmem:s9+$0x134F0]  }
0x2dc: {  	v60 =	vld [tilespmem:$0x1FC30]  }
0x2dd: {  	v57 =	vld [tilespmem:$0x1FC10]  }
0x2de: {  	v52 =	vld [tilespmem:s9+$0x6D80];
	v49 =	vunpack.i.u.bf16.f32 v45;
	v4 =	vunpack.i.l.bf16.f32 v45;
	v53 =	vmul.bf16 v18, v21  }
0x2df: {  	v0 =	vadd.f32 v4, v49;
	v4 =	vmul.bf16 v51, v20;
	v3 =	vmul.bf16 v3, v8;
	v8 =	vld [tilespmem:$0x1FC20]  }
0x2e0: {  	v1 =	vadd.bf16 v53, v1;
	v62 =	vmul.bf16 v10, v15;
	v10 =	vld [tilespmem:$0x1FC40]  }
0x2e1: {  	v4 =	vadd.bf16 v27, v4;
	v54 =	vunpack.i.u.bf16.f32 v2;
	v2 =	vunpack.i.l.bf16.f32 v2  }
0x2e2: {  	v34 =	vld [tilespmem:$0x1FC60];
	v56 =	vmul.bf16 v48, v50;
	v58 =	vunpack.i.u.bf16.f32 v1;
	v2 =	vadd.f32 v2, v54  }
0x2e3: {  	v59 =	vld [tilespmem:s9+$0x6DB0];
	(xrf2) =	vadd.scan.msk.f32 $0xffff, v0;
	v1 =	vunpack.i.l.bf16.f32 v1;
	v0 =	vadd.bf16 v9, v4;
	v4 =	vmul.bf16 v60, v52  }
0x2e4: {  	v1 =	vadd.f32 v1, v58;
	v3 =	vadd.bf16 v16, v3;
	v7 =	vmul.bf16 v57, v8;
	v8 =	vld [tilespmem:s9+$0x135B0]  }
0x2e5: {  	v55 =	vld [tilespmem:s9+$0x6E00];
	v9, _, _ =	vpop (xrf2);
	(xrf2) =	vadd.scan.msk.f32 $0xffff, v2;
	v0 =	vadd.bf16 v56, v0;
	v4 =	vadd.bf16 v13, v4;
	v10 =	vmul.bf16 v10, v63  }
0x2e6: {  	v36 =	vld [tilespmem:$0x1FC80];
	v2, _, _ =	vpop (xrf2);
	v3 =	vadd.bf16 v7, v3  }
0x2e7: {  	v61, _, _ =	vpop (xrf2);
	v16 =	vunpack.i.u.bf16.f32 v0;
	v0 =	vunpack.i.l.bf16.f32 v0;
	v4 =	vadd.bf16 v10, v4;
	v10 =	vld [tilespmem:$0x1FC70]  }
0x2e8: {  	v33 =	vld [tilespmem:s9+$0x6E30];
	(xrf2) =	vadd.scan.msk.f32 $0xffff, v1;
	v15, _, _ =	vpop (xrf2);
	v0 =	vadd.f32 v0, v16  }
0x2e9: {  	v32 =	vld [tilespmem:s9+$0x13630];
	v3 =	vadd.bf16 v62, v3;
	v1, _, _ =	vpop (xrf2);
	v8 =	vmul.bf16 v8, v59  }
0x2ea: {  	v5 =	vmul.bf16 v34, v55;
	v35, _, _ =	vpop (xrf2)  }
0x2eb: {  	v16 =	vunpack.i.u.bf16.f32 v3;
	v3 =	vunpack.i.l.bf16.f32 v3;
	(xrf2) =	vadd.scan.msk.f32 $0xffff, v0;
	v37, _, _ =	vpop (xrf2);
	v4 =	vadd.bf16 v8, v4  }
0x2ec: {  	v5 =	vadd.bf16 v11, v5;
	v3 =	vadd.f32 v3, v16;
	v0, _, _ =	vpop (xrf2);
	v10 =	vmul.bf16 v10, v36  }
0x2ed: {  	v8, _, _ =	vpop (xrf2);
	v38 =	vunpack.i.u.bf16.f32 v4  }
0x2ee: {  	(xrf2) =	vadd.scan.msk.f32 $0xffff, v3;
	v11, _, _ =	vpop (xrf2);
	v4 =	vunpack.i.l.bf16.f32 v4;
	v5 =	vadd.bf16 v10, v5;
	v10 =	vmul.bf16 v32, v33  }
0x2ef: {  	v40, _, _ =	vpop (xrf2);
	v3 =	vadd.f32 v4, v38  }
0x2f0: {  	v39 =	vadd.bf16 v10, v5;
	v10 =	vbroadcast v11, $0xF;
	v5 =	vbroadcast v40, $0xF  }
0x2f1: {  	v8 =	vbroadcast v8, $0xF  }
0x2f2: {  	v0 =	vbroadcast v0, $0xF;
	v41, _, _ =	vpop (xrf2);
	(xrf2) =	vadd.scan.msk.f32 $0xffff, v3;
	v3 =	vsel vm0, v10, v5  }
0x2f3: {  	v11 =	vunpack.i.u.bf16.f32 v39;
	v5 =	vbroadcast v41, $0xF;
	v3 =	vsel vm1, v3, v8  }
0x2f4: {  	v4 =	vunpack.i.l.bf16.f32 v39;
	v0 =	vsel vm2, v3, v0;
	v3 =	vbroadcast v37, $0xF  }
0x2f5: {  	v42 =	vbroadcast v35, $0xF;
	v43, _, _ =	vpop (xrf2);
	v4 =	vadd.f32 v4, v11;
	v0 =	vsel vm3, v0, v5  }
0x2f6: {  	v0 =	vsel vm4, v0, v3;
	v3 =	vbroadcast v43, $0xF  }
0x2f7: {  	v1 =	vbroadcast v1, $0xF;
	(xrf2) =	vadd.scan.msk.f32 $0xffff, v4;
	v0 =	vsel vm5, v0, v42  }
0x2f8: {  	v44, _, _ =	vpop (xrf2);
	v0 =	vsel vm6, v0, v3;
	v3 =	vbroadcast v15, $0xF  }
0x2f9: {  	v0 =	vsel vm7, v0, v1;
	v1 =	vbroadcast v44, $0xF  }
0x2fa: {  	v0 =	vsel vm8, v0, v3;
	v3 =	vbroadcast v61, $0xF  }
0x2fb: {  	v0 =	vsel vm9, v0, v1;
	v1 =	vbroadcast v2, $0xF  }
0x2fc: {  	v0 =	vsel vm10, v0, v3  }
0x2fd: {  	v2, _, _ =	vpop (xrf2);
	v0 =	vsel vm11, v0, v1;
	v1 =	vbroadcast v9, $0xF  }
0x2fe: {  	v2 =	vbroadcast v2, $0xF;
	_ =	sdelay $0x1  }
0x2ff: {  	v0 =	vsel vm12, v0, v2  }
0x300: {  	v0 =	vsel vm13, v0, v1;
	v1, _, _ =	vpop (xrf2)  }
0x301: {  	s0 =	simm.s32 $0x197D0;
	v0 =	vsel vm14, v0, v1  }
0x302: {  	s1 =	simm.s32 $0x400;
	[tilespmem:s0+$0x0] =	vst v0  }
0x303: {  	v0 =	vld [tilespmem:s1+$0x13620]  }
0x304: {  	v58 =	vld [tilespmem:s1+$0x135F0]  }
0x305: {  	v29 =	vld [tilespmem:s1+$0x6DF0]  }
0x306: {  	v15 =	vld [tilespmem:s1+$0x13610]  }
0x307: {  	v20 =	vld [tilespmem:s1+$0x6E10]  }
0x308: {  	v22 =	vld [tilespmem:s1+$0x135E0]  }
0x309: {  	v19 =	vld [tilespmem:s1+$0x6DE0]  }
0x30a: {  	v57 =	vld [tilespmem:s1+$0x13570]  }
0x30b: {  	v26 =	vld [tilespmem:s1+$0x6D70]  }
0x30c: {  	v23 =	vld [tilespmem:s1+$0x135D0]  }
0x30d: {  	v24 =	vld [tilespmem:s1+$0x6DD0]  }
0x30e: {  	v25 =	vld [tilespmem:s1+$0x135C0]  }
0x30f: {  	v27 =	vld [tilespmem:s1+$0x6DC0]  }
0x310: {  	v18 =	vld [tilespmem:s1+$0x13560]  }
0x311: {  	v5 =	vld [tilespmem:s1+$0x13590]  }
0x312: {  	v6 =	vld [tilespmem:s1+$0x6D90]  }
0x313: {  	v1 =	vld [tilespmem:s1+$0x13580]  }
0x314: {  	v34 =	vld [tilespmem:s1+$0x13520]  }
0x315: {  	v35 =	vld [tilespmem:s1+$0x6D20]  }
0x316: {  	v36 =	vld [tilespmem:s1+$0x13550]  }
0x317: {  	v37 =	vld [tilespmem:s1+$0x6D50]  }
0x318: {  	v38 =	vld [tilespmem:s1+$0x13540]  }
0x319: {  	v39 =	vld [tilespmem:s1+$0x6D40]  }
0x31a: {  	v40 =	vld [tilespmem:s1+$0x134B0]  }
0x31b: {  	v41 =	vld [tilespmem:s1+$0x6CB0]  }
0x31c: {  	v42 =	vld [tilespmem:s1+$0x13510]  }
0x31d: {  	v43 =	vld [tilespmem:s1+$0x6D10]  }
0x31e: {  	v44 =	vld [tilespmem:s1+$0x13500]  }
0x31f: {  	v45 =	vld [tilespmem:s1+$0x6D00]  }
0x320: {  	v63 =	vld [tilespmem:s1+$0x6C70]  }
0x321: {  	v48 =	vld [tilespmem:s1+$0x134A0]  }
0x322: {  	v49 =	vld [tilespmem:s1+$0x6CA0]  }
0x323: {  	v3 =	vld [tilespmem:s1+$0x134D0]  }
0x324: {  	v4 =	vld [tilespmem:s1+$0x6CD0]  }
0x325: {  	v51 =	vld [tilespmem:s1+$0x13460]  }
0x326: {  	v52 =	vld [tilespmem:s1+$0x6C60]  }
0x327: {  	v53 =	vld [tilespmem:s1+$0x13490]  }
0x328: {  	v54 =	vld [tilespmem:s1+$0x6C90]  }
0x329: {  	v55 =	vld [tilespmem:s1+$0x13480]  }
0x32a: {  	v56 =	vld [tilespmem:s1+$0x6C80]  }
0x32b: {  	v11 =	vld [tilespmem:s1+$0x133F0]  }
0x32c: {  	v12 =	vld [tilespmem:s1+$0x6BF0]  }
0x32d: {  	v59 =	vld [tilespmem:s1+$0x13450]  }
0x32e: {  	v60 =	vld [tilespmem:s1+$0x6C50]  }
0x32f: {  	v61 =	vld [tilespmem:s1+$0x13440]  }
0x330: {  	v62 =	vld [tilespmem:s1+$0x6C40]  }
0x331: {  	v13 =	vld [tilespmem:s1+$0x133B0]  }
0x332: {  	v14 =	vld [tilespmem:s1+$0x6BB0]  }
0x333: {  	v50 =	vld [tilespmem:s1+$0x133E0]  }
0x334: {  	v33 =	vld [tilespmem:s1+$0x6BE0]  }
0x335: {  	v7 =	vld [tilespmem:s1+$0x13410]  }
0x336: {  	v9 =	vld [tilespmem:s1+$0x6C10]  }
0x337: {  	[tilespmem:$0x1FCE0] =	vst v1;
	v1 =	vld [tilespmem:s1+$0x134E0]  }
0x338: {  	v47 =	vld [tilespmem:s1+$0x133A0]  }
0x339: {  	[tilespmem:$0x1FC90] =	vst v0;
	v0 =	vld [tilespmem:s1+$0x6E20]  }
0x33a: {  	v46 =	vld [tilespmem:s1+$0x6BA0]  }
0x33b: {  	v32 =	vld [tilespmem:s1+$0x133D0]  }
0x33c: {  	[tilespmem:$0x1FCF0] =	vst v1;
	v1 =	vld [tilespmem:s1+$0x6CE0]  }
0x33d: {  	v31 =	vld [tilespmem:s1+$0x6BD0]  }
0x33e: {  	[tilespmem:$0x1FCA0] =	vst v0;
	v0 =	vld [tilespmem:s1+$0x13600]  }
0x33f: {  	v21 =	vld [tilespmem:s1+$0x133C0]  }
0x340: {  	v17 =	vld [tilespmem:s1+$0x6BC0]  }
0x341: {  	[tilespmem:$0x1FD00] =	vst v1;
	v1 =	vld [tilespmem:s1+$0x13470]  }
0x342: {  	v8 =	vld [tilespmem:s1+$0x13330]  }
0x343: {  	[tilespmem:$0x1FCB0] =	vst v0;
	v0 =	vld [tilespmem:s1+$0x135A0]  }
0x344: {  	v10 =	vld [tilespmem:s1+$0x6B30]  }
0x345: {  	v30 =	vld [tilespmem:s1+$0x13390]  }
0x346: {  	[tilespmem:$0x1FD90] =	vst v1;
	v1 =	vld [tilespmem:s1+$0x134C0]  }
0x347: {  	v28 =	vld [tilespmem:s1+$0x6B90]  }
0x348: {  	[tilespmem:$0x1FCC0] =	vst v0;
	v0 =	vld [tilespmem:s1+$0x6DA0]  }
0x349: {  	v2 =	vld [tilespmem:s1+$0x13380]  }
0x34a: {  	v16 =	vld [tilespmem:s1+$0x132F0]  }
0x34b: {  	[tilespmem:$0x1FD10] =	vst v1;
	v1 =	vld [tilespmem:s1+$0x13420]  }
0x34c: {  	v24 =	vmul.bf16 v23, v24;
	v23 =	vld [tilespmem:s1+$0x6AF0]  }
0x34d: {  	[tilespmem:$0x1FCD0] =	vst v0;
	v0 =	vld [tilespmem:s1+$0x13530]  }
0x34e: {  	v19 =	vmul.bf16 v22, v19;
	v22 =	vmul.bf16 v38, v39;
	v39 =	vld [tilespmem:s1+$0x13320]  }
0x34f: {  	v25 =	vmul.bf16 v25, v27;
	v27 =	vmul.bf16 v36, v37;
	v37 =	vld [tilespmem:s1+$0x6B20]  }
0x350: {  	[tilespmem:$0x1FD20] =	vst v1;
	v1 =	vld [tilespmem:s1+$0x6C20]  }
0x351: {  	v40 =	vmul.bf16 v40, v41;
	v41 =	vld [tilespmem:s1+$0x13310]  }
0x352: {  	[tilespmem:$0x1FD70] =	vst v0;
	v0 =	vld [tilespmem:s1+$0x6D30]  }
0x353: {  	v17 =	vmul.bf16 v21, v17;
	v21 =	vmul.bf16 v32, v31;
	v31 =	vld [tilespmem:s1+$0x6A60]  }
0x354: {  	v30 =	vmul.bf16 v30, v28;
	v28 =	vld [tilespmem:s1+$0x132A0]  }
0x355: {  	[tilespmem:$0x1FD30] =	vst v1;
	v1 =	vld [tilespmem:s1+$0x13400]  }
0x356: {  	v55 =	vmul.bf16 v55, v56;
	v56 =	vmul.bf16 v53, v54;
	v25 =	vadd.bf16 v24, v25;
	v24 =	vld [tilespmem:s1+$0x13350]  }
0x357: {  	[tilespmem:$0x1FD80] =	vst v0;
	v0 =	vld [tilespmem:s1+$0x6D60]  }
0x358: {  	v36 =	vadd.bf16 v56, v55;
	v56 =	vmul.bf16 v59, v60;
	v60 =	vld [tilespmem:s1+$0x6B00]  }
0x359: {  	v17 =	vadd.bf16 v21, v17;
	v21 =	vmul.bf16 v50, v33;
	v33 =	vld [tilespmem:s1+$0x13250]  }
0x35a: {  	v29 =	vmul.bf16 v58, v29;
	v19 =	vadd.bf16 v19, v25;
	[tilespmem:$0x1FD40] =	vst v1;
	v1 =	vld [tilespmem:s1+$0x13360]  }
0x35b: {  	v34 =	vmul.bf16 v34, v35;
	v35 =	vmul.bf16 v57, v26;
	v25 =	vld [tilespmem:s1+$0x6B50]  }
0x35c: {  	v22 =	vadd.bf16 v27, v22;
	v26 =	vadd.bf16 v29, v19;
	v19 =	vld [tilespmem:s1+$0x13270];
	v0 =	vmul.bf16 v18, v0  }
0x35d: {  	v57 =	vmul.bf16 v15, v20;
	v15 =	vld [tilespmem:$0x1FD80]  }
0x35e: {  	v54 =	vmul.bf16 v48, v49;
	v29 =	vadd.bf16 v0, v22;
	v0 =	vld [tilespmem:$0x1FD70]  }
0x35f: {  	v18 =	vmul.bf16 v44, v45;
	v45 =	vmul.bf16 v42, v43;
	[tilespmem:$0x1FD50] =	vst v1;
	v1 =	vld [tilespmem:s1+$0x6B60]  }
0x360: {  	v44 =	vld [tilespmem:s1+$0x6B10]  }
0x361: {  	v36 =	vadd.bf16 v54, v36;
	v27 =	vadd.bf16 v45, v18;
	v18 =	vld [tilespmem:s1+$0x13340]  }
0x362: {  	v55 =	vmul.bf16 v61, v62;
	v59 =	vmul.bf16 v51, v52;
	v22 =	vld [tilespmem:s1+$0x6A70]  }
0x363: {  	v36 =	vadd.bf16 v40, v36;
	v29 =	vadd.bf16 v35, v29;
	v45 =	vmul.bf16 v0, v15;
	v0 =	vld [tilespmem:$0x1FD90]  }
0x364: {  	v58 =	vunpack.i.l.bf16.f32 v26;
	v34 =	vadd.bf16 v34, v27;
	v27 =	vunpack.i.u.bf16.f32 v26;
	[tilespmem:$0x1FD60] =	vst v1;
	v1 =	vld [tilespmem:s1+$0x6B80]  }
0x365: {  	v26 =	vld [tilespmem:s1+$0x132E0];
	v53 =	vadd.f32 v58, v27;
	v58 =	vunpack.i.u.bf16.f32 v29;
	v29 =	vunpack.i.l.bf16.f32 v29  }
0x366: {  	v52 =	vmul.bf16 v47, v46;
	v42 =	vadd.bf16 v56, v55;
	v35 =	vld [tilespmem:s1+$0x6A50];
	v38 =	vadd.f32 v29, v58  }
0x367: {  	v17 =	vadd.bf16 v21, v17;
	v54 =	vunpack.i.l.bf16.f32 v36;
	(xrf2) =	vadd.scan.msk.f32 $0xffff, v53;
	v34 =	vadd.bf16 v45, v34;
	v45 =	vld [tilespmem:s1+$0x13300]  }
0x368: {  	v55 =	vmul.bf16 v11, v12;
	v62 =	vadd.bf16 v59, v42;
	v27 =	vld [tilespmem:s1+$0x6AE0];
	(xrf2) =	vadd.scan.msk.f32 $0xffff, v38;
	v61 =	vmul.bf16 v0, v63  }
0x369: {  	v53 =	vld [tilespmem:s1+$0x132C0];
	v63 =	vunpack.i.u.bf16.f32 v34;
	v34 =	vunpack.i.l.bf16.f32 v34;
	v0 =	vmul.bf16 v2, v1  }
0x36a: {  	v17 =	vadd.bf16 v55, v17;
	v41 =	vmul.bf16 v41, v44;
	v58 =	vld [tilespmem:s1+$0x6AC0];
	v34 =	vadd.f32 v34, v63  }
0x36b: {  	v63 =	vmul.bf16 v39, v37;
	v1 =	vmul.bf16 v5, v6;
	v5 =	vld [tilespmem:s1+$0x132D0];
	v0 =	vadd.bf16 v30, v0  }
0x36c: {  	v32 =	vadd.bf16 v61, v62;
	v59 =	vmul.bf16 v45, v60;
	v6 =	vld [tilespmem:s1+$0x6AD0];
	v30 =	vunpack.i.u.bf16.f32 v36  }
0x36d: {  	v29 =	vld [tilespmem:s1+$0x13260];
	v56 =	vadd.f32 v54, v30;
	v30 =	vmul.bf16 v13, v14;
	v0 =	vadd.bf16 v52, v0  }
0x36e: {  	v38 =	vld [tilespmem:s1+$0x6A40];
	v60 =	vunpack.i.u.bf16.f32 v32;
	v32 =	vunpack.i.l.bf16.f32 v32;
	v62 =	vadd.bf16 v41, v59  }
0x36f: {  	v37 =	vld [tilespmem:s1+$0x6A90];
	v42 =	vadd.bf16 v30, v0;
	v0 =	vunpack.i.u.bf16.f32 v17;
	v17 =	vunpack.i.l.bf16.f32 v17  }
0x370: {  	v21 =	vmul.bf16 v3, v4;
	v43 =	vmul.bf16 v53, v58;
	v39 =	vld [tilespmem:s1+$0x13280];
	(xrf2) =	vadd.scan.msk.f32 $0xffff, v34;
	v61 =	vadd.f32 v32, v60  }
0x371: {  	v41 =	vmul.bf16 v8, v10;
	v36 =	vld [tilespmem:s1+$0x13240];
	v11, _, _ =	vpop (xrf2);
	v44 =	vadd.bf16 v63, v62;
	(xrf2) =	vadd.scan.msk.f32 $0xffff, v56;
	v45 =	vmul.bf16 v5, v6  }
0x372: {  	s7 =	simm.s32 $0x2000;
	v32 =	vld [tilespmem:s1+$0x13290];
	v30 =	vmul.bf16 v7, v9;
	(xrf2) =	vadd.scan.msk.f32 $0xffff, v61;
	v34 =	vadd.f32 v17, v0;
	v40 =	vunpack.i.u.bf16.f32 v42;
	v17, _, _ =	vpop (xrf2)  }
.LBB2_5:
0x373: {  	_ =	sdelay $0x3  }
0x374: {  	v7 =	vmul.bf16 v36, v38;
	v33 =	vmul.bf16 v33, v35;
	_ =	sdelay $0x1  }
0x375: {  	v29 =	vmul.bf16 v29, v31;
	v33 =	vadd.bf16 v33, v7  }
0x376: {  	v0 =	vunpack.i.l.bf16.f32 v42  }
0x377: {  	v46 =	vld [tilespmem:s1+$0x6A80];
	v13 =	vadd.f32 v0, v40;
	v19 =	vmul.bf16 v19, v22;
	v0 =	vadd.bf16 v29, v33  }
0x378: {  	v2 =	vld [tilespmem:$0x1FD60]  }
0x379: {  	v19 =	vadd.bf16 v19, v0;
	v0 =	vld [tilespmem:$0x1FD50];
	_ =	sdelay $0x2  }
0x37a: {  	v12 =	vld [tilespmem:s1+$0x6B40]  }
0x37b: {  	v6 =	vadd.bf16 v45, v43;
	(xrf2) =	vadd.scan.msk.f32 $0xffff, v34;
	v45 =	vmul.bf16 v39, v46;
	v46 =	vld [tilespmem:s1+$0x6C00]  }
0x37c: {  	v20, _, _ =	vpop (xrf2);
	(xrf2) =	vadd.scan.msk.f32 $0xffff, v13;
	v13 =	vmul.bf16 v0, v2;
	v0 =	vld [tilespmem:$0x1FD40]  }
0x37d: {  	v14 =	vld [tilespmem:s1+$0x132B0]  }
0x37e: {  	v24 =	vmul.bf16 v24, v25;
	v25 =	vld [tilespmem:s1+$0x6AA0];
	v26 =	vmul.bf16 v26, v27  }
0x37f: {  	v23 =	vmul.bf16 v16, v23;
	v27 =	vadd.bf16 v41, v44;
	v31 =	vld [tilespmem:s1+$0x6AB0]  }
0x380: {  	v32 =	vmul.bf16 v32, v37;
	v18 =	vmul.bf16 v18, v12;
	v26 =	vadd.bf16 v26, v6;
	v2 =	vld [tilespmem:$0x1FD30]  }
0x381: {  	v44 =	vunpack.i.u.bf16.f32 v27;
	v27 =	vunpack.i.l.bf16.f32 v27;
	v12 =	vmul.bf16 v0, v46;
	v0 =	vld [tilespmem:$0x1FD20]  }
0x382: {  	v27 =	vadd.f32 v27, v44  }
0x383: {  	v48 =	vld [tilespmem:s1+$0x6B70];
	v26 =	vadd.bf16 v23, v26;
	v22 =	vmul.bf16 v28, v25;
	v28 =	vadd.bf16 v32, v45  }
0x384: {  	v25 =	vld [tilespmem:s1+$0x13370];
	v3 =	vmul.bf16 v14, v31  }
0x385: {  	v23, _, _ =	vpop (xrf2);
	(xrf2) =	vadd.scan.msk.f32 $0xffff, v27;
	v27 =	vld [tilespmem:s1+$0x6CC0];
	v47 =	vunpack.i.u.bf16.f32 v26;
	v26 =	vunpack.i.l.bf16.f32 v26;
	v22 =	vadd.bf16 v22, v28  }
0x386: {  	v18 =	vadd.bf16 v24, v18;
	v26 =	vadd.f32 v26, v47;
	v9 =	vmul.bf16 v0, v2;
	v0 =	vld [tilespmem:$0x1FD10]  }
0x387: {  	v31 =	vunpack.i.u.bf16.f32 v19;
	v19 =	vunpack.i.l.bf16.f32 v19;
	v3 =	vadd.bf16 v3, v22  }
0x388: {  	v19 =	vadd.f32 v19, v31;
	v13 =	vadd.bf16 v13, v18  }
0x389: {  	v29, _, _ =	vpop (xrf2);
	(xrf2) =	vadd.scan.msk.f32 $0xffff, v26;
	v18 =	vmul.bf16 v25, v48;
	v25 =	vunpack.i.u.bf16.f32 v3;
	v2 =	vunpack.i.l.bf16.f32 v3  }
0x38a: {  	v28, _, _ =	vpop (xrf2);
	(xrf2) =	vadd.scan.msk.f32 $0xffff, v19;
	v19 =	vadd.f32 v2, v25;
	v2 =	vld [tilespmem:$0x1FD00]  }
0x38b: {  	v8 =	vmul.bf16 v0, v27;
	v0 =	vld [tilespmem:$0x1FCF0];
	_ =	sdelay $0x3  }
0x38c: {  	v26 =	vld [tilespmem:s1+$0x6D80]  }
0x38d: {  	v6 =	vmul.bf16 v0, v2;
	v0 =	vld [tilespmem:$0x1FCE0];
	_ =	sdelay $0x1  }
0x38e: {  	v24 =	vld [tilespmem:s1+$0x6C30]  }
0x38f: {  	v14 =	vld [tilespmem:s1+$0x13430]  }
0x390: {  	v2 =	vld [tilespmem:$0x1FCD0]  }
0x391: {  	v5 =	vmul.bf16 v0, v26;
	v0 =	vld [tilespmem:$0x1FCC0]  }
0x392: {  	v12 =	vadd.bf16 v30, v12;
	_ =	sdelay $0x1  }
0x393: {  	v10 =	vld [tilespmem:s1+$0x134F0];
	v3 =	vmul.bf16 v14, v24;
	v9 =	vadd.bf16 v9, v12  }
0x394: {  	v13 =	vadd.bf16 v18, v13;
	v18 =	vld [tilespmem:s1+$0x6E00]  }
0x395: {  	v9 =	vadd.bf16 v3, v9;
	v3 =	vmul.bf16 v0, v2;
	v0 =	vld [tilespmem:$0x1FCB0]  }
0x396: {  	v30 =	vld [tilespmem:s1+$0x6CF0]  }
0x397: {  	v7 =	vld [tilespmem:s1+$0x135B0]  }
0x398: {  	v22, _, _ =	vpop (xrf2);
	(xrf2) =	vadd.scan.msk.f32 $0xffff, v19;
	v8 =	vadd.bf16 v21, v8;
	v21 =	vld [tilespmem:s1+$0x6DB0]  }
0x399: {  	v49 =	vunpack.i.u.bf16.f32 v13;
	v13 =	vunpack.i.l.bf16.f32 v13;
	v5 =	vadd.bf16 v1, v5;
	v1 =	vld [tilespmem:$0x1FCA0]  }
0x39a: {  	v13 =	vadd.f32 v13, v49;
	v2 =	vmul.bf16 v0, v18;
	v0 =	vld [tilespmem:$0x1FC90]  }
0x39b: {  	v4 =	vld [tilespmem:s1+$0x13630];
	v15 =	vmul.bf16 v10, v30;
	v6 =	vadd.bf16 v6, v8  }
0x39c: {  	v51 =	vld [tilespmem:s1+$0x6E30];
	v50, _, _ =	vpop (xrf2);
	(xrf2) =	vadd.scan.msk.f32 $0xffff, v13;
	v10 =	vunpack.i.u.bf16.f32 v9;
	v9 =	vunpack.i.l.bf16.f32 v9  }
0x39d: {  	v9 =	vadd.f32 v9, v10;
	v6 =	vadd.bf16 v15, v6  }
0x39e: {  	v7 =	vmul.bf16 v7, v21;
	v3 =	vadd.bf16 v3, v5;
	v2 =	vadd.bf16 v57, v2  }
0x39f: {  	v8, _, _ =	vpop (xrf2);
	(xrf2) =	vadd.scan.msk.f32 $0xffff, v9;
	v0 =	vmul.bf16 v0, v1;
	v1 =	vunpack.i.u.bf16.f32 v6;
	v6 =	vunpack.i.l.bf16.f32 v6  }
0x3a0: {  	v3 =	vadd.bf16 v7, v3;
	v1 =	vadd.f32 v6, v1  }
0x3a1: {  	v53 =	vmul.bf16 v4, v51;
	v52, _, _ =	vpop (xrf2)  }
0x3a2: {  	v54 =	vunpack.i.u.bf16.f32 v3;
	v3 =	vunpack.i.l.bf16.f32 v3;
	v0 =	vadd.bf16 v0, v2;
	v2, _, _ =	vpop (xrf2);
	(xrf2) =	vadd.scan.msk.f32 $0xffff, v1  }
0x3a3: {  	v55 =	vbroadcast v52, $0xF;
	v1 =	vadd.f32 v3, v54;
	v2 =	vbroadcast v2, $0xF  }
0x3a4: {  	v0 =	vadd.bf16 v53, v0  }
0x3a5: {  	v56 =	vbroadcast v8, $0xF;
	(xrf2) =	vadd.scan.msk.f32 $0xffff, v1;
	v1 =	vsel vm0, v55, v2  }
0x3a6: {  	v3, _, _ =	vpop (xrf2);
	v2 =	vbroadcast v50, $0xF;
	v57 =	vunpack.i.u.bf16.f32 v0;
	v0 =	vunpack.i.l.bf16.f32 v0  }
0x3a7: {  	v3 =	vbroadcast v3, $0xF;
	v1 =	vsel vm1, v1, v56;
	v0 =	vadd.f32 v0, v57  }
0x3a8: {  	v1 =	vsel vm2, v1, v2;
	v2 =	vbroadcast v22, $0xF  }
0x3a9: {  	v58 =	vbroadcast v28, $0xF;
	v59, _, _ =	vpop (xrf2);
	v1 =	vsel vm3, v1, v3;
	(xrf2) =	vadd.scan.msk.f32 $0xffff, v0  }
0x3aa: {  	v0 =	vsel vm4, v1, v2;
	v1 =	vbroadcast v59, $0xF  }
0x3ab: {  	v2 =	vbroadcast v29, $0xF;
	v0 =	vsel vm5, v0, v58  }
0x3ac: {  	v0 =	vsel vm6, v0, v1;
	v1 =	vbroadcast v23, $0xF;
	v3, _, _ =	vpop (xrf2)  }
0x3ad: {  	v0 =	vsel vm7, v0, v2;
	v2 =	vbroadcast v3, $0xF  }
0x3ae: {  	v0 =	vsel vm8, v0, v1;
	v1 =	vbroadcast v20, $0xF  }
0x3af: {  	v3, _, _ =	vpop (xrf2);
	v0 =	vsel vm9, v0, v2;
	v2 =	vbroadcast v17, $0xF  }
0x3b0: {  	v3 =	vbroadcast v3, $0xF;
	v0 =	vsel vm10, v0, v1  }
0x3b1: {  	v0 =	vsel vm11, v0, v2;
	v2 =	vbroadcast v11, $0xF  }
0x3b2: {  	v0 =	vsel vm12, v0, v3  }
0x3b3: {  	v1, _, _ =	vpop (xrf2);
	v0 =	vsel vm13, v0, v2  }
0x3b4: {  	s0 =	sadd.s32 $0x10, s0;
	v0 =	vsel vm14, v0, v1  }
0x3b5: {  	s1 =	sshra.s32 s7, $0x2;
	[tilespmem:s0+$0x0] =	vst v0  }
0x3b6: {  	v0 =	vld [tilespmem:s1+$0x13620]  }
0x3b7: {  	v17 =	vld [tilespmem:s1+$0x6DF0]  }
0x3b8: {  	v18 =	vld [tilespmem:s1+$0x135E0]  }
0x3b9: {  	v24 =	vld [tilespmem:s1+$0x6DE0]  }
0x3ba: {  	v19 =	vld [tilespmem:s1+$0x13570]  }
0x3bb: {  	v22 =	vld [tilespmem:s1+$0x6D70]  }
0x3bc: {  	v23 =	vld [tilespmem:s1+$0x135D0]  }
0x3bd: {  	v49 =	vld [tilespmem:s1+$0x6DD0]  }
0x3be: {  	v51 =	vld [tilespmem:s1+$0x135C0]  }
0x3bf: {  	v53 =	vld [tilespmem:s1+$0x6DC0]  }
0x3c0: {  	v27 =	vld [tilespmem:s1+$0x13530]  }
0x3c1: {  	v29 =	vld [tilespmem:s1+$0x6D30]  }
0x3c2: {  	v25 =	vld [tilespmem:s1+$0x13560]  }
0x3c3: {  	v48 =	vld [tilespmem:s1+$0x6D60]  }
0x3c4: {  	v21 =	vld [tilespmem:s1+$0x13590]  }
0x3c5: {  	v28 =	vld [tilespmem:s1+$0x6D90]  }
0x3c6: {  	v26 =	vld [tilespmem:s1+$0x13520]  }
0x3c7: {  	v46 =	vld [tilespmem:s1+$0x6D20]  }
0x3c8: {  	v54 =	vld [tilespmem:s1+$0x13550]  }
0x3c9: {  	v55 =	vld [tilespmem:s1+$0x6D50]  }
0x3ca: {  	v56 =	vld [tilespmem:s1+$0x13540]  }
0x3cb: {  	v57 =	vld [tilespmem:s1+$0x6D40]  }
0x3cc: {  	v31 =	vld [tilespmem:s1+$0x134B0]  }
0x3cd: {  	v33 =	vld [tilespmem:s1+$0x6CB0]  }
0x3ce: {  	v58 =	vld [tilespmem:s1+$0x13510]  }
0x3cf: {  	v59 =	vld [tilespmem:s1+$0x6D10]  }
0x3d0: {  	v60 =	vld [tilespmem:s1+$0x13500]  }
0x3d1: {  	v61 =	vld [tilespmem:s1+$0x6D00]  }
0x3d2: {  	v37 =	vld [tilespmem:s1+$0x13470]  }
0x3d3: {  	v39 =	vld [tilespmem:s1+$0x6C70]  }
0x3d4: {  	v47 =	vld [tilespmem:s1+$0x134A0]  }
0x3d5: {  	v50 =	vld [tilespmem:s1+$0x6CA0]  }
0x3d6: {  	v43 =	vld [tilespmem:s1+$0x134D0]  }
0x3d7: {  	v45 =	vld [tilespmem:s1+$0x6CD0]  }
0x3d8: {  	v42 =	vld [tilespmem:s1+$0x13460]  }
0x3d9: {  	v44 =	vld [tilespmem:s1+$0x6C60]  }
0x3da: {  	v62 =	vld [tilespmem:s1+$0x13490]  }
0x3db: {  	v63 =	vld [tilespmem:s1+$0x6C90]  }
0x3dc: {  	[tilespmem:$0x1FC90] =	vst v0;
	v0 =	vld [tilespmem:s1+$0x6E20]  }
0x3dd: {  	v1 =	vld [tilespmem:s1+$0x6C80]  }
0x3de: {  	v35 =	vld [tilespmem:s1+$0x133F0]  }
0x3df: {  	v38 =	vld [tilespmem:s1+$0x6BF0]  }
0x3e0: {  	v2 =	vld [tilespmem:s1+$0x13420]  }
0x3e1: {  	[tilespmem:$0x1FCA0] =	vst v0;
	v0 =	vld [tilespmem:s1+$0x135F0]  }
0x3e2: {  	v3 =	vld [tilespmem:s1+$0x6C50]  }
0x3e3: {  	v4 =	vld [tilespmem:s1+$0x13440]  }
0x3e4: {  	v5 =	vld [tilespmem:s1+$0x6C40]  }
0x3e5: {  	v34 =	vld [tilespmem:s1+$0x133B0]  }
0x3e6: {  	[tilespmem:$0x1FB40] =	vst v0;
	v0 =	vld [tilespmem:s1+$0x13610]  }
0x3e7: {  	v36 =	vld [tilespmem:s1+$0x6BB0]  }
0x3e8: {  	v6 =	vld [tilespmem:s1+$0x133E0]  }
0x3e9: {  	v7 =	vld [tilespmem:s1+$0x6BE0]  }
0x3ea: {  	v30 =	vld [tilespmem:s1+$0x13410]  }
0x3eb: {  	[tilespmem:$0x1FB50] =	vst v0;
	v0 =	vld [tilespmem:s1+$0x6E10]  }
0x3ec: {  	v32 =	vld [tilespmem:s1+$0x6C10]  }
0x3ed: {  	v8 =	vld [tilespmem:s1+$0x13400]  }
0x3ee: {  	v52 =	vld [tilespmem:s1+$0x133A0]  }
0x3ef: {  	v9 =	vld [tilespmem:s1+$0x133D0]  }
0x3f0: {  	[tilespmem:$0x1FB60] =	vst v0;
	v0 =	vld [tilespmem:s1+$0x13600]  }
0x3f1: {  	v10 =	vld [tilespmem:s1+$0x6BD0]  }
0x3f2: {  	v12 =	vld [tilespmem:s1+$0x133C0]  }
0x3f3: {  	v13 =	vld [tilespmem:s1+$0x6BC0]  }
0x3f4: {  	v40 =	vld [tilespmem:s1+$0x13330]  }
0x3f5: {  	[tilespmem:$0x1FCB0] =	vst v0;
	v0 =	vld [tilespmem:s1+$0x135A0]  }
0x3f6: {  	v41 =	vld [tilespmem:s1+$0x6B30]  }
0x3f7: {  	v11 =	vld [tilespmem:s1+$0x13360]  }
0x3f8: {  	v14 =	vld [tilespmem:s1+$0x6B90]  }
0x3f9: {  	v20 =	vld [tilespmem:s1+$0x13380]  }
0x3fa: {  	[tilespmem:$0x1FCC0] =	vst v0;
	v0 =	vld [tilespmem:s1+$0x6DA0]  }
0x3fb: {  	v15 =	vld [tilespmem:s1+$0x6B80]  }
0x3fc: {  	v16 =	vld [tilespmem:s1+$0x132F0]  }
0x3fd: {  	[tilespmem:$0x1FD20] =	vst v2;
	v2 =	vld [tilespmem:s1+$0x6C20]  }
0x3fe: {  	[tilespmem:$0x1FD40] =	vst v8;
	v8 =	vld [tilespmem:s1+$0x6BA0]  }
0x3ff: {  	[tilespmem:$0x1FCD0] =	vst v0;
	v0 =	vld [tilespmem:s1+$0x13580]  }
0x400: {  	[tilespmem:$0x1FD50] =	vst v11;
	v11 =	vld [tilespmem:s1+$0x6B60]  }
0x401: {  	v49 =	vmul.bf16 v23, v49;
	v23 =	vld [tilespmem:s1+$0x6AF0]  }
0x402: {  	v51 =	vmul.bf16 v51, v53;
	v53 =	vld [tilespmem:s1+$0x13320]  }
0x403: {  	v18 =	vmul.bf16 v18, v24;
	v24 =	vld [tilespmem:s1+$0x13350]  }
0x404: {  	[tilespmem:$0x1FCE0] =	vst v0;
	v0 =	vld [tilespmem:s1+$0x134E0]  }
0x405: {  	v48 =	vmul.bf16 v25, v48;
	v25 =	vld [tilespmem:s1+$0x6B50]  }
0x406: {  	v29 =	vmul.bf16 v27, v29;
	v27 =	vld [tilespmem:s1+$0x6AE0]  }
0x407: {  	v54 =	vmul.bf16 v54, v55;
	v55 =	vld [tilespmem:s1+$0x6B10]  }
0x408: {  	v33 =	vmul.bf16 v31, v33;
	v31 =	vld [tilespmem:s1+$0x6A60]  }
0x409: {  	[tilespmem:$0x1FCF0] =	vst v0;
	v0 =	vld [tilespmem:s1+$0x6CE0]  }
0x40a: {  	v60 =	vmul.bf16 v60, v61;
	v9 =	vmul.bf16 v9, v10;
	v10 =	vld [tilespmem:s1+$0x132D0]  }
0x40b: {  	v61 =	vmul.bf16 v58, v59;
	v58 =	vmul.bf16 v35, v38;
	v35 =	vld [tilespmem:s1+$0x6A50];
	v49 =	vadd.bf16 v49, v51  }
0x40c: {  	v38 =	vld [tilespmem:s1+$0x6A40]  }
0x40d: {  	v49 =	vadd.bf16 v18, v49;
	v18 =	vld [tilespmem:$0x1FB40]  }
0x40e: {  	v56 =	vmul.bf16 v56, v57;
	[tilespmem:$0x1FD00] =	vst v0;
	v0 =	vld [tilespmem:s1+$0x134C0]  }
0x40f: {  	v30 =	vmul.bf16 v30, v32;
	v32 =	vld [tilespmem:s1+$0x13290]  }
0x410: {  	v46 =	vmul.bf16 v26, v46;
	v51 =	vld [tilespmem:s1+$0x6B20];
	v54 =	vadd.bf16 v54, v56  }
0x411: {  	v12 =	vmul.bf16 v12, v13;
	v56 =	vmul.bf16 v19, v22;
	v19 =	vld [tilespmem:s1+$0x13270];
	v60 =	vadd.bf16 v61, v60  }
0x412: {  	v4 =	vmul.bf16 v4, v5;
	v48 =	vadd.bf16 v48, v54;
	[tilespmem:$0x1FD60] =	vst v11;
	v11 =	vld [tilespmem:s1+$0x13390];
	v17 =	vmul.bf16 v18, v17  }
0x413: {  	v6 =	vmul.bf16 v6, v7;
	v9 =	vadd.bf16 v9, v12;
	v46 =	vadd.bf16 v46, v60;
	[tilespmem:$0x1FD10] =	vst v0;
	v0 =	vld [tilespmem:s1+$0x13480]  }
0x414: {  	v60 =	vmul.bf16 v62, v63;
	[tilespmem:$0x1FD30] =	vst v2;
	v2 =	vld [tilespmem:s1+$0x13450];
	v48 =	vadd.bf16 v56, v48;
	v17 =	vadd.bf16 v17, v49  }
0x415: {  	v22 =	vld [tilespmem:s1+$0x6A70];
	v6 =	vadd.bf16 v6, v9;
	v8 =	vmul.bf16 v52, v8;
	v46 =	vadd.bf16 v29, v46  }
0x416: {  	v54 =	vld [tilespmem:s1+$0x13310];
	v29 =	vunpack.i.u.bf16.f32 v48;
	v61 =	vunpack.i.u.bf16.f32 v17;
	v17 =	vunpack.i.l.bf16.f32 v17  }
0x417: {  	v63 =	vld [tilespmem:s1+$0x6B00];
	v11 =	vmul.bf16 v11, v14;
	v49 =	vmul.bf16 v20, v15;
	v17 =	vadd.f32 v17, v61  }
0x418: {  	v56 =	vld [tilespmem:s1+$0x132C0];
	v0 =	vmul.bf16 v0, v1;
	v1 =	vmul.bf16 v21, v28;
	v28 =	vunpack.i.l.bf16.f32 v48  }
0x419: {  	v2 =	vmul.bf16 v2, v3;
	v26 =	vld [tilespmem:$0x1FB50];
	v11 =	vadd.bf16 v11, v49;
	v62 =	vadd.f32 v28, v29  }
0x41a: {  	v3 =	vmul.bf16 v37, v39;
	v59 =	vld [tilespmem:$0x1FB60];
	(xrf2) =	vadd.scan.msk.f32 $0xffff, v17;
	v21 =	vmul.bf16 v47, v50;
	v0 =	vadd.bf16 v60, v0  }
0x41b: {  	v2 =	vadd.bf16 v2, v4;
	v47 =	vld [tilespmem:s1+$0x13300];
	v60 =	vadd.bf16 v8, v11;
	v8 =	vmul.bf16 v34, v36;
	(xrf2) =	vadd.scan.msk.f32 $0xffff, v62  }
0x41c: {  	v37 =	vld [tilespmem:s1+$0x6A90];
	v0 =	vadd.bf16 v21, v0;
	v21 =	vmul.bf16 v43, v45;
	v45 =	vmul.bf16 v42, v44  }
0x41d: {  	v41 =	vmul.bf16 v40, v41;
	v6 =	vadd.bf16 v58, v6;
	v39 =	vld [tilespmem:s1+$0x13280];
	v61 =	vunpack.i.u.bf16.f32 v46  }
0x41e: {  	v18 =	vld [tilespmem:s1+$0x13340];
	v43 =	vunpack.i.l.bf16.f32 v46;
	v42 =	vadd.bf16 v8, v60;
	v2 =	vadd.bf16 v45, v2  }
0x41f: {  	v57 =	vmul.bf16 v26, v59;
	v48 =	vld [tilespmem:s1+$0x6AD0];
	v5 =	vadd.f32 v43, v61;
	v0 =	vadd.bf16 v33, v0  }
0x420: {  	p0 =	sne.s32 s7, $0x18000;
	v9 =	vmul.bf16 v47, v63;
	v61 =	vmul.bf16 v54, v55;
	v2 =	vadd.bf16 v3, v2;
	v3 =	vld [tilespmem:s1+$0x6AC0]  }
.Ltmp1:
0x421: {  	v26 =	vld [tilespmem:s1+$0x132E0];
	v63 =	vmul.bf16 v53, v51;
	v46 =	vunpack.i.u.bf16.f32 v0;
	v0 =	vunpack.i.l.bf16.f32 v0;
	(pc) =	sbr.rel @p0 .LBB2_5-.Ltmp1, $4  }
0x422: {  	v29 =	vld [tilespmem:s1+$0x13260];
	v0 =	vadd.f32 v0, v46;
	v59 =	vunpack.i.u.bf16.f32 v2;
	v2 =	vunpack.i.l.bf16.f32 v2  }
0x423: {  	v28 =	vld [tilespmem:s1+$0x132A0];
	v40 =	vunpack.i.u.bf16.f32 v42;
	(xrf2) =	vadd.scan.msk.f32 $0xffff, v5;
	v62 =	vadd.bf16 v61, v9;
	v2 =	vadd.f32 v2, v59  }
0x424: {  	v36 =	vld [tilespmem:s1+$0x13240];
	v11, _, _ =	vpop (xrf2);
	v45 =	vmul.bf16 v10, v48;
	(xrf2) =	vadd.scan.msk.f32 $0xffff, v0;
	v0 =	vunpack.i.u.bf16.f32 v6;
	v6 =	vunpack.i.l.bf16.f32 v6  }
0x425: {  	s7 =	sadd.s32 $0x1000, s7;
	v33 =	vld [tilespmem:s1+$0x13250];
	v44 =	vadd.bf16 v63, v62;
	v34 =	vadd.f32 v6, v0;
	(xrf2) =	vadd.scan.msk.f32 $0xffff, v2;
	v43 =	vmul.bf16 v56, v3;
	v17, _, _ =	vpop (xrf2)  }
0x426: {  	v0 =	vld [tilespmem:s1+$0x6A80]  }
0x427: {  	v5 =	vld [tilespmem:s1+$0x6AA0]  }
0x428: {  	v12 =	vld [tilespmem:s1+$0x6B40]  }
0x429: {  	v13 =	vld [tilespmem:s1+$0x132B0]  }
0x42a: {  	v14 =	vld [tilespmem:s1+$0x6AB0]  }
0x42b: {  	v15 =	vld [tilespmem:s1+$0x13370]  }
0x42c: {  	v4 =	vunpack.i.l.bf16.f32 v42;
	v42 =	vld [tilespmem:s1+$0x6B70]  }
0x42d: {  	v46 =	vld [tilespmem:$0x1FD50]  }
0x42e: {  	v47 =	vld [tilespmem:$0x1FD60]  }
0x42f: {  	v48 =	vld [tilespmem:s1+$0x13430]  }
0x430: {  	v50 =	vld [tilespmem:s1+$0x6C30]  }
0x431: {  	v51 =	vld [tilespmem:$0x1FD40]  }
0x432: {  	v52 =	vld [tilespmem:s1+$0x6D80]  }
0x433: {  	v2 =	vmul.bf16 v16, v23;
	v7 =	vmul.bf16 v26, v27;
	v54 =	vld [tilespmem:$0x1FD20];
	v6 =	vadd.bf16 v45, v43  }
0x434: {  	v3 =	vmul.bf16 v24, v25;
	v55 =	vld [tilespmem:$0x1FD30];
	v8 =	vadd.bf16 v41, v44;
	v4 =	vadd.f32 v4, v40  }
0x435: {  	v56 =	vld [tilespmem:s1+$0x134F0];
	v40 =	vmul.bf16 v19, v22;
	v9 =	vmul.bf16 v36, v38;
	v6 =	vadd.bf16 v7, v6  }
0x436: {  	v59 =	vld [tilespmem:s1+$0x6CF0];
	v10 =	vmul.bf16 v33, v35;
	v35 =	vunpack.i.u.bf16.f32 v8;
	v8 =	vunpack.i.l.bf16.f32 v8  }
0x437: {  	v61 =	vld [tilespmem:$0x1FD10];
	v36 =	vmul.bf16 v29, v31;
	v38 =	vmul.bf16 v32, v37;
	v7 =	vadd.f32 v8, v35  }
0x438: {  	v0 =	vmul.bf16 v39, v0;
	v2 =	vadd.bf16 v2, v6;
	v39 =	vld [tilespmem:s1+$0x6C00];
	v5 =	vmul.bf16 v28, v5  }
0x439: {  	v62 =	vld [tilespmem:s1+$0x6E00];
	v43 =	vmul.bf16 v18, v12;
	v45 =	vmul.bf16 v13, v14;
	v9 =	vadd.bf16 v10, v9  }
0x43a: {  	v16 =	vld [tilespmem:$0x1FCF0];
	v12 =	vmul.bf16 v46, v47;
	v53 =	vmul.bf16 v15, v42;
	v0 =	vadd.bf16 v38, v0  }
0x43b: {  	v24 =	vld [tilespmem:$0x1FCE0];
	v63 =	vmul.bf16 v48, v50;
	v41 =	vunpack.i.u.bf16.f32 v2;
	v9 =	vadd.bf16 v36, v9  }
0x43c: {  	v44 =	vld [tilespmem:s1+$0x6CC0];
	v2 =	vunpack.i.l.bf16.f32 v2;
	v3 =	vadd.bf16 v3, v43;
	v0 =	vadd.bf16 v5, v0  }
0x43d: {  	v18 =	vld [tilespmem:$0x1FD00];
	v2 =	vadd.f32 v2, v41;
	v9 =	vadd.bf16 v40, v9;
	v5 =	vmul.bf16 v51, v39  }
0x43e: {  	v27 =	vld [tilespmem:$0x1FCC0];
	(xrf2) =	vadd.scan.msk.f32 $0xffff, v34;
	v3 =	vadd.bf16 v12, v3;
	v12 =	vmul.bf16 v54, v55;
	v0 =	vadd.bf16 v45, v0  }
0x43f: {  	v34 =	vld [tilespmem:$0x1FCB0];
	(xrf2) =	vadd.scan.msk.f32 $0xffff, v4;
	v49 =	vunpack.i.u.bf16.f32 v9;
	v9 =	vunpack.i.l.bf16.f32 v9;
	v5 =	vadd.bf16 v30, v5  }
0x440: {  	v28 =	vld [tilespmem:$0x1FCD0];
	(xrf2) =	vadd.scan.msk.f32 $0xffff, v7;
	v9 =	vadd.f32 v9, v49;
	v58 =	vunpack.i.u.bf16.f32 v0;
	v0 =	vunpack.i.l.bf16.f32 v0  }
0x441: {  	v19 =	vld [tilespmem:s1+$0x135B0];
	(xrf2) =	vadd.scan.msk.f32 $0xffff, v2;
	v60 =	vadd.bf16 v53, v3;
	v3 =	vmul.bf16 v61, v44;
	v0 =	vadd.f32 v0, v58  }
0x442: {  	v37 =	vld [tilespmem:$0x1FC90];
	v26 =	vmul.bf16 v56, v59;
	v8 =	vmul.bf16 v16, v18;
	v5 =	vadd.bf16 v12, v5;
	(xrf2) =	vadd.scan.msk.f32 $0xffff, v9  }
0x443: {  	v20 =	vunpack.i.u.bf16.f32 v60;
	v2 =	vunpack.i.l.bf16.f32 v60;
	v3 =	vadd.bf16 v21, v3;
	v21 =	vld [tilespmem:s1+$0x6DB0];
	(xrf2) =	vadd.scan.msk.f32 $0xffff, v0  }
0x444: {  	v38 =	vld [tilespmem:$0x1FCA0];
	v22 =	vadd.f32 v2, v20;
	v23 =	vadd.bf16 v63, v5;
	v5 =	vmul.bf16 v24, v52  }
0x445: {  	v4 =	vmul.bf16 v34, v62;
	v25, _, _ =	vpop (xrf2);
	v3 =	vadd.bf16 v8, v3;
	v8 =	vmul.bf16 v27, v28  }
0x446: {  	v29 =	vld [tilespmem:s1+$0x13630];
	v30, _, _ =	vpop (xrf2);
	(xrf2) =	vadd.scan.msk.f32 $0xffff, v22;
	v31 =	vunpack.i.u.bf16.f32 v23;
	v2 =	vunpack.i.l.bf16.f32 v23;
	v1 =	vadd.bf16 v1, v5  }
0x447: {  	v32 =	vld [tilespmem:s1+$0x6E30];
	v33, _, _ =	vpop (xrf2);
	v3 =	vadd.bf16 v26, v3;
	v2 =	vadd.f32 v2, v31  }
0x448: {  	v4 =	vadd.bf16 v57, v4;
	v35, _, _ =	vpop (xrf2);
	v36 =	vmul.bf16 v19, v21;
	v1 =	vadd.bf16 v8, v1  }
0x449: {  	v9 =	vmul.bf16 v37, v38;
	v39, _, _ =	vpop (xrf2);
	v40 =	vunpack.i.u.bf16.f32 v3;
	v3 =	vunpack.i.l.bf16.f32 v3;
	(xrf2) =	vadd.scan.msk.f32 $0xffff, v2  }
0x44a: {  	v41, _, _ =	vpop (xrf2);
	v3 =	vadd.f32 v3, v40;
	v1 =	vadd.bf16 v36, v1  }
0x44b: {  	v4 =	vadd.bf16 v9, v4;
	v42, _, _ =	vpop (xrf2)  }
0x44c: {  	v5 =	vmul.bf16 v29, v32;
	(xrf2) =	vadd.scan.msk.f32 $0xffff, v3;
	v44 =	vunpack.i.u.bf16.f32 v1;
	v1 =	vunpack.i.l.bf16.f32 v1;
	v43, _, _ =	vpop (xrf2)  }
0x44d: {  	v1 =	vadd.f32 v1, v44;
	v46, _, _ =	vpop (xrf2)  }
0x44e: {  	v45 =	vadd.bf16 v5, v4;
	v47 =	vbroadcast v43, $0xF;
	v4 =	vbroadcast v46, $0xF  }
0x44f: {  	v8 =	vbroadcast v42, $0xF;
	v2 =	vbroadcast v41, $0xF;
	(xrf2) =	vadd.scan.msk.f32 $0xffff, v1  }
0x450: {  	v48 =	vunpack.i.u.bf16.f32 v45;
	v3 =	vunpack.i.l.bf16.f32 v45;
	v50, _, _ =	vpop (xrf2);
	v49 =	vsel vm0, v47, v4  }
0x451: {  	v3 =	vadd.f32 v3, v48;
	v4 =	vbroadcast v50, $0xF;
	v1 =	vsel vm1, v49, v8  }
0x452: {  	v51 =	vbroadcast v39, $0xF;
	v1 =	vsel vm2, v1, v2  }
0x453: {  	v52 =	vbroadcast v35, $0xF;
	(xrf2) =	vadd.scan.msk.f32 $0xffff, v3;
	v53, _, _ =	vpop (xrf2);
	v1 =	vsel vm3, v1, v4  }
0x454: {  	v54 =	vbroadcast v53, $0xF;
	v1 =	vsel vm4, v1, v51  }
0x455: {  	v0 =	vbroadcast v33, $0xF;
	v1 =	vsel vm5, v1, v52  }
0x456: {  	v55 =	vbroadcast v30, $0xF;
	v56, _, _ =	vpop (xrf2);
	v1 =	vsel vm6, v1, v54  }
0x457: {  	v57 =	vbroadcast v56, $0xF;
	v0 =	vsel vm7, v1, v0  }
0x458: {  	v58 =	vbroadcast v25, $0xF;
	v0 =	vsel vm8, v0, v55  }
0x459: {  	v59 =	vbroadcast v17, $0xF;
	v60, _, _ =	vpop (xrf2);
	v0 =	vsel vm9, v0, v57  }
0x45a: {  	s30 =	sadd.s32 $0x1, s30;
	v61 =	vbroadcast v60, $0xF;
	v0 =	vsel vm10, v0, v58  }
0x45b: {  	p0 =	sne.s32 s30, $0xC;
	v62 =	vbroadcast v11, $0xF;
	v0 =	vsel vm11, v0, v59  }
.Ltmp2:
0x45c: {  	v0 =	vsel vm12, v0, v61;
	(pc) =	sbr.rel @p0 .LBB2_2-.Ltmp2, $4  }
0x45d: {  	v63, _, _ =	vpop (xrf2);
	v0 =	vsel vm13, v0, v62  }
0x45e: {  	s0 =	sadd.s32 $0x10, s0;
	v0 =	vsel vm14, v0, v63  }
0x45f: {  	s31 =	sadd.s32 $0x32, s31;
	[tilespmem:s0+$0x0] =	vst v0  }
0x460: {  	[hbm4b:s31+s2] =	stream.linear.scatter [tilespmem:s25], [sflag:$0x6], $0x190, $0x38;
	[tilespmem:$0x19960] =	vst v63  }
0x461: {  	_ =	swait.ge [sflag:s22], $0x6400  }
0x462: {  	[sflag:s22] =	ssyncset.done $0x0  }
0x463: {  	[sflag:s22] =	ssyncadd.s32 $0xFFFF9C00  }
0x464: {  	_ =	swait.ge [sflag:s22], $0x6400  }
0x465: {  	[sflag:s22] =	ssyncset.done $0x0  }
0x466: {  	[sflag:s22] =	ssyncadd.s32 $0xFFFF9C00  }
0x467: {  	_ =	swait.ge [sflag:s26], $0x190  }
0x468: {  	[sflag:s26] =	ssyncset.done $0x0  }
0x469: {  	s0 =	simm.s32 $0x3F0;
	[sflag:s26] =	ssyncadd.s32 $0xFFFFFE70  }
0x46a: {  	v0 =	vld [tilespmem:s0+$0xCE30]  }
0x46b: {  	v11 =	vld [tilespmem:s0+$0xCE00]  }
0x46c: {  	v13 =	vld [tilespmem:s0+$0x600]  }
0x46d: {  	v16 =	vld [tilespmem:s0+$0xCE20]  }
0x46e: {  	v17 =	vld [tilespmem:s0+$0x620]  }
0x46f: {  	v18 =	vld [tilespmem:s0+$0xCDF0]  }
0x470: {  	v19 =	vld [tilespmem:s0+$0x5F0]  }
0x471: {  	v20 =	vld [tilespmem:s0+$0xCD80]  }
0x472: {  	v21 =	vld [tilespmem:s0+$0x580]  }
0x473: {  	v22 =	vld [tilespmem:s0+$0xCDE0]  }
0x474: {  	v23 =	vld [tilespmem:s0+$0x5E0]  }
0x475: {  	v24 =	vld [tilespmem:s0+$0xCDD0]  }
0x476: {  	v25 =	vld [tilespmem:s0+$0x5D0]  }
0x477: {  	v26 =	vld [tilespmem:s0+$0xCD40]  }
0x478: {  	v27 =	vld [tilespmem:s0+$0x540]  }
0x479: {  	v28 =	vld [tilespmem:s0+$0xCD70]  }
0x47a: {  	v29 =	vld [tilespmem:s0+$0x570]  }
0x47b: {  	v30 =	vld [tilespmem:s0+$0xCDA0]  }
0x47c: {  	v31 =	vld [tilespmem:s0+$0x5A0]  }
0x47d: {  	v32 =	vld [tilespmem:s0+$0xCD30]  }
0x47e: {  	v33 =	vld [tilespmem:s0+$0x530]  }
0x47f: {  	v34 =	vld [tilespmem:s0+$0xCD60]  }
0x480: {  	v35 =	vld [tilespmem:s0+$0x560]  }
0x481: {  	v36 =	vld [tilespmem:s0+$0xCD50]  }
0x482: {  	v37 =	vld [tilespmem:s0+$0x550]  }
0x483: {  	v38 =	vld [tilespmem:s0+$0xCCC0]  }
0x484: {  	v39 =	vld [tilespmem:s0+$0x4C0]  }
0x485: {  	v40 =	vld [tilespmem:s0+$0xCD20]  }
0x486: {  	v41 =	vld [tilespmem:s0+$0x520]  }
0x487: {  	v42 =	vld [tilespmem:s0+$0xCD10]  }
0x488: {  	v43 =	vld [tilespmem:s0+$0x510]  }
0x489: {  	v44 =	vld [tilespmem:s0+$0xCC80]  }
0x48a: {  	v45 =	vld [tilespmem:s0+$0x480]  }
0x48b: {  	v46 =	vld [tilespmem:s0+$0xCCB0]  }
0x48c: {  	v47 =	vld [tilespmem:s0+$0x4B0]  }
0x48d: {  	v48 =	vld [tilespmem:s0+$0xCCE0]  }
0x48e: {  	v49 =	vld [tilespmem:s0+$0x4E0]  }
0x48f: {  	[tilespmem:$0x1FA10] =	vst v0;
	v0 =	vld [tilespmem:s0+$0x630]  }
0x490: {  	v50 =	vld [tilespmem:s0+$0xCC70]  }
0x491: {  	v51 =	vld [tilespmem:s0+$0x470]  }
0x492: {  	v52 =	vld [tilespmem:s0+$0xCCA0]  }
0x493: {  	v53 =	vld [tilespmem:s0+$0x4A0]  }
0x494: {  	[tilespmem:$0x1FA20] =	vst v0;
	v0 =	vld [tilespmem:s0+$0xCE10]  }
0x495: {  	v54 =	vld [tilespmem:s0+$0xCC90]  }
0x496: {  	v55 =	vld [tilespmem:s0+$0x490]  }
0x497: {  	v56 =	vld [tilespmem:s0+$0xCC00]  }
0x498: {  	v57 =	vld [tilespmem:s0+$0x400]  }
0x499: {  	[tilespmem:$0x1FA00] =	vst v0;
	v0 =	vld [tilespmem:s0+$0xCDB0]  }
0x49a: {  	v58 =	vld [tilespmem:s0+$0xCC60]  }
0x49b: {  	v59 =	vld [tilespmem:s0+$0x460]  }
0x49c: {  	v60 =	vld [tilespmem:s0+$0xCC50]  }
0x49d: {  	v61 =	vld [tilespmem:s0+$0x450]  }
0x49e: {  	[tilespmem:$0x1F9E0] =	vst v0;
	v0 =	vld [tilespmem:s0+$0x5B0]  }
0x49f: {  	v62 =	vld [tilespmem:s0+$0xCBC0]  }
0x4a0: {  	v63 =	vld [tilespmem:s0+$0x3C0]  }
0x4a1: {  	v9 =	vld [tilespmem:s0+$0xCBF0]  }
0x4a2: {  	v8 =	vld [tilespmem:s0+$0x3F0]  }
0x4a3: {  	[tilespmem:$0x1F9F0] =	vst v0;
	v0 =	vld [tilespmem:s0+$0xCD90]  }
0x4a4: {  	v12 =	vld [tilespmem:s0+$0xCBB0]  }
0x4a5: {  	v10 =	vld [tilespmem:s0+$0x3B0]  }
0x4a6: {  	v7 =	vld [tilespmem:s0+$0xCBE0]  }
0x4a7: {  	v4 =	vld [tilespmem:s0+$0x3E0]  }
0x4a8: {  	[tilespmem:$0x1F9D0] =	vst v0;
	v0 =	vld [tilespmem:s0+$0xCCF0]  }
0x4a9: {  	v3 =	vld [tilespmem:s0+$0xCBD0]  }
0x4aa: {  	v1 =	vld [tilespmem:s0+$0xCB40]  }
0x4ab: {  	v14 =	vld [tilespmem:s0+$0x340]  }
0x4ac: {  	v6 =	vld [tilespmem:s0+$0xCBA0]  }
0x4ad: {  	[tilespmem:$0x1F9B0] =	vst v0;
	v0 =	vld [tilespmem:s0+$0x4F0]  }
0x4ae: {  	v5 =	vld [tilespmem:s0+$0x3A0]  }
0x4af: {  	v2 =	vld [tilespmem:s0+$0xCB90]  }
0x4b0: {  	v15 =	vld [tilespmem:s0+$0xCB00]  }
0x4b1: {  	[tilespmem:$0x1F930] =	vst v1;
	v1 =	vld [tilespmem:s0+$0xCB70]  }
0x4b2: {  	[tilespmem:$0x1F9C0] =	vst v0;
	v0 =	vld [tilespmem:s0+$0xCCD0]  }
0x4b3: {  	v22 =	vmul.bf16 v22, v23;
	v23 =	vld [tilespmem:s0+$0x300]  }
0x4b4: {  	v24 =	vmul.bf16 v24, v25;
	v25 =	vld [tilespmem:s0+$0xCB30]  }
0x4b5: {  	v28 =	vmul.bf16 v28, v29;
	v29 =	vld [tilespmem:s0+$0x330]  }
0x4b6: {  	v18 =	vmul.bf16 v18, v19;
	v19 =	vmul.bf16 v36, v37;
	v36 =	vld [tilespmem:s0+$0xCB60]  }
0x4b7: {  	[tilespmem:$0x1F9A0] =	vst v0;
	v0 =	vld [tilespmem:s0+$0xCC30]  }
0x4b8: {  	v60 =	vmul.bf16 v60, v61;
	v61 =	vmul.bf16 v58, v59;
	v58 =	vld [tilespmem:s0+$0x2E0]  }
0x4b9: {  	[tilespmem:$0x1F940] =	vst v15;
	v15 =	vld [tilespmem:$0x1F930]  }
0x4ba: {  	v22 =	vadd.bf16 v22, v24;
	v24 =	vmul.bf16 v34, v35;
	v35 =	vld [tilespmem:s0+$0xCB10]  }
0x4bb: {  	v34 =	vmul.bf16 v42, v43;
	v42 =	vmul.bf16 v40, v41;
	v41 =	vld [tilespmem:s0+$0xCAC0]  }
0x4bc: {  	[tilespmem:$0x1F980] =	vst v0;
	v0 =	vld [tilespmem:s0+$0x430]  }
0x4bd: {  	v43 =	vadd.bf16 v24, v19;
	v19 =	vld [tilespmem:s0+$0x360]  }
0x4be: {  	v24 =	vmul.bf16 v32, v33;
	v32 =	vld [tilespmem:s0+$0xCB50]  }
0x4bf: {  	v18 =	vadd.bf16 v18, v22;
	v22 =	vadd.bf16 v42, v34;
	v34 =	vld [tilespmem:s0+$0xCAF0]  }
0x4c0: {  	v33 =	vadd.bf16 v61, v60;
	v61 =	vld [tilespmem:s0+$0x260]  }
0x4c1: {  	v11 =	vmul.bf16 v11, v13;
	[tilespmem:$0x1F990] =	vst v0;
	v0 =	vld [tilespmem:s0+$0xCC20]  }
0x4c2: {  	[tilespmem:$0x1F950] =	vst v1;
	v1 =	vld [tilespmem:s0+$0x370]  }
0x4c3: {  	v11 =	vadd.bf16 v11, v18;
	v18 =	vld [tilespmem:s0+$0xCA80]  }
0x4c4: {  	v20 =	vmul.bf16 v20, v21;
	v21 =	vadd.bf16 v24, v22;
	v22 =	vmul.bf16 v26, v27;
	v26 =	vld [tilespmem:s0+$0x280]  }
0x4c5: {  	v27 =	vmul.bf16 v52, v53;
	v52 =	vld [tilespmem:s0+$0x270]  }
0x4c6: {  	v13 =	vadd.bf16 v28, v43;
	[tilespmem:$0x1F910] =	vst v0;
	v0 =	vld [tilespmem:s0+$0x420]  }
0x4c7: {  	v24 =	vmul.bf16 v54, v55;
	v53 =	vmul.bf16 v50, v51;
	v50 =	vld [tilespmem:s0+$0x440];
	v28 =	vunpack.i.u.bf16.f32 v11  }
0x4c8: {  	v55 =	vunpack.i.l.bf16.f32 v11;
	v11 =	vmul.bf16 v16, v17;
	v16 =	vadd.bf16 v20, v13;
	v20 =	vld [tilespmem:s0+$0x2F0]  }
0x4c9: {  	v21 =	vadd.bf16 v22, v21;
	v22 =	vadd.bf16 v27, v24;
	v24 =	vld [tilespmem:s0+$0xCB20]  }
0x4ca: {  	v13 =	vmul.bf16 v30, v31;
	v27 =	vmul.bf16 v46, v47;
	v30 =	vld [tilespmem:s0+$0x320]  }
0x4cb: {  	v8 =	vmul.bf16 v9, v8;
	[tilespmem:$0x1F920] =	vst v0;
	v0 =	vld [tilespmem:s0+$0xCC10]  }
0x4cc: {  	v31 =	vmul.bf16 v38, v39;
	v46 =	vmul.bf16 v44, v45;
	[tilespmem:$0x1F960] =	vst v1;
	v1 =	vld [tilespmem:s0+$0x390];
	v22 =	vadd.bf16 v27, v22  }
0x4cd: {  	v9 =	vadd.bf16 v53, v33;
	v17 =	vadd.f32 v55, v28;
	v28 =	vunpack.i.u.bf16.f32 v16;
	v27 =	vld [tilespmem:s0+$0x310]  }
0x4ce: {  	v38 =	vld [tilespmem:s0+$0xCA50];
	v16 =	vunpack.i.l.bf16.f32 v16;
	v47 =	vunpack.i.u.bf16.f32 v21;
	v22 =	vadd.bf16 v31, v22  }
0x4cf: {  	v55 =	vld [tilespmem:s0+$0xCAE0];
	v21 =	vunpack.i.l.bf16.f32 v21;
	v60 =	vadd.bf16 v46, v9;
	v28 =	vadd.f32 v16, v28  }
0x4d0: {  	v16 =	vmul.bf16 v48, v49;
	v54 =	vadd.f32 v21, v47;
	v21 =	vunpack.i.u.bf16.f32 v22;
	[tilespmem:$0x1F970] =	vst v0;
	v0 =	vld [tilespmem:s0+$0x3D0]  }
0x4d1: {  	v49 =	vld [tilespmem:s0+$0xCA70];
	v9 =	vunpack.i.l.bf16.f32 v22;
	v1 =	vmul.bf16 v2, v1;
	v2 =	vmul.bf16 v6, v5  }
0x4d2: {  	v47 =	vld [tilespmem:$0x1F960];
	v24 =	vmul.bf16 v24, v30;
	v9 =	vadd.f32 v9, v21;
	v21 =	vmul.bf16 v35, v27  }
0x4d3: {  	v22 =	vld [tilespmem:s0+$0x2D0];
	v6 =	vunpack.i.l.bf16.f32 v60;
	v1 =	vadd.bf16 v2, v1;
	v2 =	vmul.bf16 v12, v10  }
0x4d4: {  	v10 =	vunpack.i.u.bf16.f32 v60;
	v21 =	vadd.bf16 v24, v21;
	v24 =	vmul.bf16 v25, v29;
	v25 =	vld [tilespmem:s0+$0x2A0]  }
0x4d5: {  	v6 =	vadd.f32 v6, v10;
	v10 =	vld [tilespmem:s0+$0x250];
	v0 =	vmul.bf16 v3, v0;
	v3 =	vmul.bf16 v7, v4  }
0x4d6: {  	v27 =	vld [tilespmem:$0x1F910]  }
0x4d7: {  	v30 =	vld [tilespmem:$0x1F920];
	v0 =	vadd.bf16 v3, v0  }
0x4d8: {  	v3 =	vld [tilespmem:s0+$0xCAD0]  }
0x4d9: {  	v59 =	vmul.bf16 v56, v57;
	v21 =	vadd.bf16 v24, v21;
	v24 =	vld [tilespmem:$0x1F940];
	v0 =	vadd.bf16 v8, v0  }
0x4da: {  	v1 =	vadd.bf16 v2, v1;
	v2 =	vmul.bf16 v62, v63;
	v5 =	vmul.bf16 v38, v10;
	v10 =	vld [tilespmem:s0+$0x350]  }
0x4db: {  	v8 =	vld [tilespmem:s0+$0xCA60];
	v0 =	vadd.bf16 v59, v0  }
0x4dc: {  	v1 =	vadd.bf16 v2, v1;
	v27 =	vmul.bf16 v27, v30;
	v30 =	vld [tilespmem:s0+$0xCAA0]  }
0x4dd: {  	v3 =	vmul.bf16 v3, v22;
	v22 =	vld [tilespmem:s0+$0x290];
	v2 =	vunpack.i.u.bf16.f32 v0;
	v0 =	vunpack.i.l.bf16.f32 v0  }
0x4de: {  	v14 =	vmul.bf16 v15, v14;
	v0 =	vadd.f32 v0, v2;
	v2 =	vld [tilespmem:s0+$0xCA90]  }
0x4df: {  	v19 =	vmul.bf16 v36, v19;
	v31 =	vld [tilespmem:s0+$0xCAB0];
	v39 =	vmul.bf16 v34, v20  }
0x4e0: {  	v15 =	vunpack.i.u.bf16.f32 v1;
	v23 =	vmul.bf16 v24, v23;
	v24 =	vld [tilespmem:s0+$0x2B0];
	v8 =	vmul.bf16 v8, v61  }
0x4e1: {  	v1 =	vunpack.i.l.bf16.f32 v1;
	v46 =	vmul.bf16 v32, v10;
	v10 =	vld [tilespmem:$0x1F950];
	v7 =	vmul.bf16 v55, v58  }
0x4e2: {  	(xrf2) =	vadd.scan.msk.f32 $0xffff, v17;
	v1 =	vadd.f32 v1, v15;
	v15 =	vld [tilespmem:s0+$0x2C0];
	v5 =	vadd.bf16 v8, v5;
	v8 =	vmul.bf16 v49, v52  }
0x4e3: {  	v48 =	vld [tilespmem:s0+$0xCC40];
	(xrf2) =	vadd.scan.msk.f32 $0xffff, v28;
	v43 =	vmul.bf16 v30, v25;
	v3 =	vadd.bf16 v7, v3;
	v2 =	vmul.bf16 v2, v22  }
0x4e4: {  	v20 =	vld [tilespmem:s0+$0x410];
	(xrf2) =	vadd.scan.msk.f32 $0xffff, v54;
	v14 =	vadd.bf16 v14, v21;
	v5 =	vadd.bf16 v8, v5;
	v8 =	vmul.bf16 v18, v26  }
0x4e5: {  	(xrf2) =	vadd.scan.msk.f32 $0xffff, v9;
	v21 =	vld [tilespmem:s0+$0x380];
	v17 =	vmul.bf16 v31, v24;
	v3 =	vadd.bf16 v39, v3;
	v2 =	vadd.bf16 v43, v2  }
0x4e6: {  	(xrf2) =	vadd.scan.msk.f32 $0xffff, v6;
	v63 =	vld [tilespmem:$0x1F9F0];
	v10 =	vmul.bf16 v10, v47;
	v45 =	vadd.bf16 v8, v5;
	v5 =	vadd.bf16 v19, v46  }
0x4e7: {  	v9 =	vmul.bf16 v41, v15;
	v15 =	vld [tilespmem:s0+$0x500];
	(xrf2) =	vadd.scan.msk.f32 $0xffff, v0;
	v2 =	vadd.bf16 v17, v2  }
0x4e8: {  	(xrf2) =	vadd.scan.msk.f32 $0xffff, v1;
	v3 =	vadd.bf16 v23, v3;
	v1 =	vadd.bf16 v10, v5;
	v10 =	vld [tilespmem:$0x1F990]  }
0x4e9: {  	v42 =	vunpack.i.u.bf16.f32 v14;
	v14 =	vunpack.i.l.bf16.f32 v14;
	v2 =	vadd.bf16 v9, v2;
	v9 =	vld [tilespmem:$0x1F980]  }
0x4ea: {  	v51 =	vld [tilespmem:$0x1F970];
	v7 =	vadd.f32 v14, v42;
	v44 =	vunpack.i.u.bf16.f32 v3;
	v3 =	vunpack.i.l.bf16.f32 v3  }
0x4eb: {  	v18 =	vld [tilespmem:s0+$0xCB80];
	v3 =	vadd.f32 v3, v44  }
0x4ec: {  	(xrf2) =	vadd.scan.msk.f32 $0xffff, v7;
	v8 =	vld [tilespmem:s0+$0x4D0]  }
0x4ed: {  	(xrf2) =	vadd.scan.msk.f32 $0xffff, v3;
	v3 =	vld [tilespmem:$0x1F9A0]  }
0x4ee: {  	v9 =	vmul.bf16 v9, v10;
	v10 =	vld [tilespmem:s0+$0xCD00]  }
0x4ef: {  	v60 =	vld [tilespmem:$0x1F9D0]  }
0x4f0: {  	v57 =	vld [tilespmem:$0x1F9B0]  }
0x4f1: {  	v52 =	vld [tilespmem:s0+$0x590];
	v49 =	vunpack.i.u.bf16.f32 v45;
	v4 =	vunpack.i.l.bf16.f32 v45;
	v53 =	vmul.bf16 v18, v21  }
0x4f2: {  	v0 =	vadd.f32 v4, v49;
	v4 =	vmul.bf16 v51, v20;
	v3 =	vmul.bf16 v3, v8;
	v8 =	vld [tilespmem:$0x1F9C0]  }
0x4f3: {  	v1 =	vadd.bf16 v53, v1;
	v62 =	vmul.bf16 v10, v15;
	v10 =	vld [tilespmem:$0x1F9E0]  }
0x4f4: {  	v4 =	vadd.bf16 v27, v4;
	v54 =	vunpack.i.u.bf16.f32 v2;
	v2 =	vunpack.i.l.bf16.f32 v2  }
0x4f5: {  	v34 =	vld [tilespmem:$0x1FA00];
	v56 =	vmul.bf16 v48, v50;
	v58 =	vunpack.i.u.bf16.f32 v1;
	v2 =	vadd.f32 v2, v54  }
0x4f6: {  	v59 =	vld [tilespmem:s0+$0x5C0];
	(xrf2) =	vadd.scan.msk.f32 $0xffff, v0;
	v1 =	vunpack.i.l.bf16.f32 v1;
	v0 =	vadd.bf16 v9, v4;
	v4 =	vmul.bf16 v60, v52  }
0x4f7: {  	v1 =	vadd.f32 v1, v58;
	v3 =	vadd.bf16 v16, v3;
	v7 =	vmul.bf16 v57, v8;
	v8 =	vld [tilespmem:s0+$0xCDC0]  }
0x4f8: {  	v55 =	vld [tilespmem:s0+$0x610];
	v9, _, _ =	vpop (xrf2);
	(xrf2) =	vadd.scan.msk.f32 $0xffff, v2;
	v0 =	vadd.bf16 v56, v0;
	v4 =	vadd.bf16 v13, v4;
	v10 =	vmul.bf16 v10, v63  }
0x4f9: {  	v36 =	vld [tilespmem:$0x1FA20];
	v2, _, _ =	vpop (xrf2);
	v3 =	vadd.bf16 v7, v3  }
0x4fa: {  	v61, _, _ =	vpop (xrf2);
	v16 =	vunpack.i.u.bf16.f32 v0;
	v0 =	vunpack.i.l.bf16.f32 v0;
	v4 =	vadd.bf16 v10, v4;
	v10 =	vld [tilespmem:$0x1FA10]  }
0x4fb: {  	v33 =	vld [tilespmem:s0+$0x640];
	(xrf2) =	vadd.scan.msk.f32 $0xffff, v1;
	v15, _, _ =	vpop (xrf2);
	v0 =	vadd.f32 v0, v16  }
0x4fc: {  	v32 =	vld [tilespmem:s0+$0xCE40];
	v3 =	vadd.bf16 v62, v3;
	v1, _, _ =	vpop (xrf2);
	v8 =	vmul.bf16 v8, v59  }
0x4fd: {  	v5 =	vmul.bf16 v34, v55;
	v35, _, _ =	vpop (xrf2)  }
0x4fe: {  	v16 =	vunpack.i.u.bf16.f32 v3;
	v3 =	vunpack.i.l.bf16.f32 v3;
	(xrf2) =	vadd.scan.msk.f32 $0xffff, v0;
	v37, _, _ =	vpop (xrf2);
	v4 =	vadd.bf16 v8, v4  }
0x4ff: {  	v5 =	vadd.bf16 v11, v5;
	v3 =	vadd.f32 v3, v16;
	v0, _, _ =	vpop (xrf2);
	v10 =	vmul.bf16 v10, v36  }
0x500: {  	v8, _, _ =	vpop (xrf2);
	v38 =	vunpack.i.u.bf16.f32 v4  }
0x501: {  	(xrf2) =	vadd.scan.msk.f32 $0xffff, v3;
	v11, _, _ =	vpop (xrf2);
	v4 =	vunpack.i.l.bf16.f32 v4;
	v5 =	vadd.bf16 v10, v5;
	v10 =	vmul.bf16 v32, v33  }
0x502: {  	v40, _, _ =	vpop (xrf2);
	v3 =	vadd.f32 v4, v38  }
0x503: {  	v39 =	vadd.bf16 v10, v5;
	v10 =	vbroadcast v11, $0xF;
	v5 =	vbroadcast v40, $0xF  }
0x504: {  	v8 =	vbroadcast v8, $0xF  }
0x505: {  	v0 =	vbroadcast v0, $0xF;
	v41, _, _ =	vpop (xrf2);
	(xrf2) =	vadd.scan.msk.f32 $0xffff, v3;
	v3 =	vsel vm0, v10, v5  }
0x506: {  	v11 =	vunpack.i.u.bf16.f32 v39;
	v5 =	vbroadcast v41, $0xF;
	v3 =	vsel vm1, v3, v8  }
0x507: {  	v4 =	vunpack.i.l.bf16.f32 v39;
	v0 =	vsel vm2, v3, v0;
	v3 =	vbroadcast v37, $0xF  }
0x508: {  	v42 =	vbroadcast v35, $0xF;
	v43, _, _ =	vpop (xrf2);
	v4 =	vadd.f32 v4, v11;
	v0 =	vsel vm3, v0, v5  }
0x509: {  	v0 =	vsel vm4, v0, v3;
	v3 =	vbroadcast v43, $0xF  }
0x50a: {  	v1 =	vbroadcast v1, $0xF;
	(xrf2) =	vadd.scan.msk.f32 $0xffff, v4;
	v0 =	vsel vm5, v0, v42  }
0x50b: {  	v44, _, _ =	vpop (xrf2);
	v0 =	vsel vm6, v0, v3;
	v3 =	vbroadcast v15, $0xF  }
0x50c: {  	v0 =	vsel vm7, v0, v1;
	v1 =	vbroadcast v44, $0xF  }
0x50d: {  	v0 =	vsel vm8, v0, v3;
	v3 =	vbroadcast v61, $0xF  }
0x50e: {  	v0 =	vsel vm9, v0, v1;
	v1 =	vbroadcast v2, $0xF  }
0x50f: {  	v0 =	vsel vm10, v0, v3  }
0x510: {  	v2, _, _ =	vpop (xrf2);
	v0 =	vsel vm11, v0, v1;
	v1 =	vbroadcast v9, $0xF  }
0x511: {  	v2 =	vbroadcast v2, $0xF;
	_ =	sdelay $0x1  }
0x512: {  	v0 =	vsel vm12, v0, v2  }
0x513: {  	v0 =	vsel vm13, v0, v1;
	v1, _, _ =	vpop (xrf2)  }
0x514: {  	s0 =	simm.s32 $0x19640;
	v0 =	vsel vm14, v0, v1  }
0x515: {  	s1 =	simm.s32 $0x7F0;
	[tilespmem:s0+$0x0] =	vst v0  }
0x516: {  	v0 =	vld [tilespmem:s1+$0xCE30]  }
0x517: {  	v58 =	vld [tilespmem:s1+$0xCE00]  }
0x518: {  	v29 =	vld [tilespmem:s1+$0x600]  }
0x519: {  	v15 =	vld [tilespmem:s1+$0xCE20]  }
0x51a: {  	v20 =	vld [tilespmem:s1+$0x620]  }
0x51b: {  	v22 =	vld [tilespmem:s1+$0xCDF0]  }
0x51c: {  	v19 =	vld [tilespmem:s1+$0x5F0]  }
0x51d: {  	v57 =	vld [tilespmem:s1+$0xCD80]  }
0x51e: {  	v26 =	vld [tilespmem:s1+$0x580]  }
0x51f: {  	v23 =	vld [tilespmem:s1+$0xCDE0]  }
0x520: {  	v24 =	vld [tilespmem:s1+$0x5E0]  }
0x521: {  	v25 =	vld [tilespmem:s1+$0xCDD0]  }
0x522: {  	v27 =	vld [tilespmem:s1+$0x5D0]  }
0x523: {  	v18 =	vld [tilespmem:s1+$0xCD70]  }
0x524: {  	v5 =	vld [tilespmem:s1+$0xCDA0]  }
0x525: {  	v6 =	vld [tilespmem:s1+$0x5A0]  }
0x526: {  	v1 =	vld [tilespmem:s1+$0xCD90]  }
0x527: {  	v34 =	vld [tilespmem:s1+$0xCD30]  }
0x528: {  	v35 =	vld [tilespmem:s1+$0x530]  }
0x529: {  	v36 =	vld [tilespmem:s1+$0xCD60]  }
0x52a: {  	v37 =	vld [tilespmem:s1+$0x560]  }
0x52b: {  	v38 =	vld [tilespmem:s1+$0xCD50]  }
0x52c: {  	v39 =	vld [tilespmem:s1+$0x550]  }
0x52d: {  	v40 =	vld [tilespmem:s1+$0xCCC0]  }
0x52e: {  	v41 =	vld [tilespmem:s1+$0x4C0]  }
0x52f: {  	v42 =	vld [tilespmem:s1+$0xCD20]  }
0x530: {  	v43 =	vld [tilespmem:s1+$0x520]  }
0x531: {  	v44 =	vld [tilespmem:s1+$0xCD10]  }
0x532: {  	v45 =	vld [tilespmem:s1+$0x510]  }
0x533: {  	v63 =	vld [tilespmem:s1+$0x480]  }
0x534: {  	v48 =	vld [tilespmem:s1+$0xCCB0]  }
0x535: {  	v49 =	vld [tilespmem:s1+$0x4B0]  }
0x536: {  	v3 =	vld [tilespmem:s1+$0xCCE0]  }
0x537: {  	v4 =	vld [tilespmem:s1+$0x4E0]  }
0x538: {  	v51 =	vld [tilespmem:s1+$0xCC70]  }
0x539: {  	v52 =	vld [tilespmem:s1+$0x470]  }
0x53a: {  	v53 =	vld [tilespmem:s1+$0xCCA0]  }
0x53b: {  	v54 =	vld [tilespmem:s1+$0x4A0]  }
0x53c: {  	v55 =	vld [tilespmem:s1+$0xCC90]  }
0x53d: {  	v56 =	vld [tilespmem:s1+$0x490]  }
0x53e: {  	v11 =	vld [tilespmem:s1+$0xCC00]  }
0x53f: {  	v12 =	vld [tilespmem:s1+$0x400]  }
0x540: {  	v59 =	vld [tilespmem:s1+$0xCC60]  }
0x541: {  	v60 =	vld [tilespmem:s1+$0x460]  }
0x542: {  	v61 =	vld [tilespmem:s1+$0xCC50]  }
0x543: {  	v62 =	vld [tilespmem:s1+$0x450]  }
0x544: {  	v13 =	vld [tilespmem:s1+$0xCBC0]  }
0x545: {  	v14 =	vld [tilespmem:s1+$0x3C0]  }
0x546: {  	v50 =	vld [tilespmem:s1+$0xCBF0]  }
0x547: {  	v33 =	vld [tilespmem:s1+$0x3F0]  }
0x548: {  	v7 =	vld [tilespmem:s1+$0xCC20]  }
0x549: {  	v9 =	vld [tilespmem:s1+$0x420]  }
0x54a: {  	[tilespmem:$0x1FA80] =	vst v1;
	v1 =	vld [tilespmem:s1+$0xCCF0]  }
0x54b: {  	v47 =	vld [tilespmem:s1+$0xCBB0]  }
0x54c: {  	[tilespmem:$0x1FA30] =	vst v0;
	v0 =	vld [tilespmem:s1+$0x630]  }
0x54d: {  	v46 =	vld [tilespmem:s1+$0x3B0]  }
0x54e: {  	v32 =	vld [tilespmem:s1+$0xCBE0]  }
0x54f: {  	[tilespmem:$0x1FA90] =	vst v1;
	v1 =	vld [tilespmem:s1+$0x4F0]  }
0x550: {  	v31 =	vld [tilespmem:s1+$0x3E0]  }
0x551: {  	[tilespmem:$0x1FA40] =	vst v0;
	v0 =	vld [tilespmem:s1+$0xCE10]  }
0x552: {  	v21 =	vld [tilespmem:s1+$0xCBD0]  }
0x553: {  	v17 =	vld [tilespmem:s1+$0x3D0]  }
0x554: {  	[tilespmem:$0x1FAA0] =	vst v1;
	v1 =	vld [tilespmem:s1+$0xCC80]  }
0x555: {  	v8 =	vld [tilespmem:s1+$0xCB40]  }
0x556: {  	[tilespmem:$0x1FA50] =	vst v0;
	v0 =	vld [tilespmem:s1+$0xCDB0]  }
0x557: {  	v10 =	vld [tilespmem:s1+$0x340]  }
0x558: {  	v30 =	vld [tilespmem:s1+$0xCBA0]  }
0x559: {  	[tilespmem:$0x1FB30] =	vst v1;
	v1 =	vld [tilespmem:s1+$0xCCD0]  }
0x55a: {  	v28 =	vld [tilespmem:s1+$0x3A0]  }
0x55b: {  	[tilespmem:$0x1FA60] =	vst v0;
	v0 =	vld [tilespmem:s1+$0x5B0]  }
0x55c: {  	v2 =	vld [tilespmem:s1+$0xCB90]  }
0x55d: {  	v16 =	vld [tilespmem:s1+$0xCB00]  }
0x55e: {  	[tilespmem:$0x1FAB0] =	vst v1;
	v1 =	vld [tilespmem:s1+$0xCC30]  }
0x55f: {  	v24 =	vmul.bf16 v23, v24;
	v23 =	vld [tilespmem:s1+$0x300]  }
0x560: {  	[tilespmem:$0x1FA70] =	vst v0;
	v0 =	vld [tilespmem:s1+$0xCD40]  }
0x561: {  	v19 =	vmul.bf16 v22, v19;
	v22 =	vmul.bf16 v38, v39;
	v39 =	vld [tilespmem:s1+$0xCB30]  }
0x562: {  	v25 =	vmul.bf16 v25, v27;
	v27 =	vmul.bf16 v36, v37;
	v37 =	vld [tilespmem:s1+$0x330]  }
0x563: {  	[tilespmem:$0x1FAC0] =	vst v1;
	v1 =	vld [tilespmem:s1+$0x430]  }
0x564: {  	v40 =	vmul.bf16 v40, v41;
	v41 =	vld [tilespmem:s1+$0xCB20]  }
0x565: {  	[tilespmem:$0x1FB10] =	vst v0;
	v0 =	vld [tilespmem:s1+$0x540]  }
0x566: {  	v17 =	vmul.bf16 v21, v17;
	v21 =	vmul.bf16 v32, v31;
	v31 =	vld [tilespmem:s1+$0x270]  }
0x567: {  	v30 =	vmul.bf16 v30, v28;
	v28 =	vld [tilespmem:s1+$0xCAB0]  }
0x568: {  	[tilespmem:$0x1FAD0] =	vst v1;
	v1 =	vld [tilespmem:s1+$0xCC10]  }
0x569: {  	v55 =	vmul.bf16 v55, v56;
	v56 =	vmul.bf16 v53, v54;
	v25 =	vadd.bf16 v24, v25;
	v24 =	vld [tilespmem:s1+$0xCB60]  }
0x56a: {  	[tilespmem:$0x1FB20] =	vst v0;
	v0 =	vld [tilespmem:s1+$0x570]  }
0x56b: {  	v36 =	vadd.bf16 v56, v55;
	v56 =	vmul.bf16 v59, v60;
	v60 =	vld [tilespmem:s1+$0x310]  }
0x56c: {  	v17 =	vadd.bf16 v21, v17;
	v21 =	vmul.bf16 v50, v33;
	v33 =	vld [tilespmem:s1+$0xCA60]  }
0x56d: {  	v29 =	vmul.bf16 v58, v29;
	v19 =	vadd.bf16 v19, v25;
	[tilespmem:$0x1FAE0] =	vst v1;
	v1 =	vld [tilespmem:s1+$0xCB70]  }
0x56e: {  	v34 =	vmul.bf16 v34, v35;
	v35 =	vmul.bf16 v57, v26;
	v25 =	vld [tilespmem:s1+$0x360]  }
0x56f: {  	v22 =	vadd.bf16 v27, v22;
	v26 =	vadd.bf16 v29, v19;
	v19 =	vld [tilespmem:s1+$0xCA80];
	v0 =	vmul.bf16 v18, v0  }
0x570: {  	v57 =	vmul.bf16 v15, v20;
	v15 =	vld [tilespmem:$0x1FB20]  }
0x571: {  	v54 =	vmul.bf16 v48, v49;
	v29 =	vadd.bf16 v0, v22;
	v0 =	vld [tilespmem:$0x1FB10]  }
0x572: {  	v18 =	vmul.bf16 v44, v45;
	v45 =	vmul.bf16 v42, v43;
	[tilespmem:$0x1FAF0] =	vst v1;
	v1 =	vld [tilespmem:s1+$0x370]  }
0x573: {  	v44 =	vld [tilespmem:s1+$0x320]  }
0x574: {  	v36 =	vadd.bf16 v54, v36;
	v27 =	vadd.bf16 v45, v18;
	v18 =	vld [tilespmem:s1+$0xCB50]  }
0x575: {  	v55 =	vmul.bf16 v61, v62;
	v59 =	vmul.bf16 v51, v52;
	v22 =	vld [tilespmem:s1+$0x280]  }
0x576: {  	v36 =	vadd.bf16 v40, v36;
	v29 =	vadd.bf16 v35, v29;
	v45 =	vmul.bf16 v0, v15;
	v0 =	vld [tilespmem:$0x1FB30]  }
0x577: {  	v58 =	vunpack.i.l.bf16.f32 v26;
	v34 =	vadd.bf16 v34, v27;
	v27 =	vunpack.i.u.bf16.f32 v26;
	[tilespmem:$0x1FB00] =	vst v1;
	v1 =	vld [tilespmem:s1+$0x390]  }
0x578: {  	v26 =	vld [tilespmem:s1+$0xCAF0];
	v53 =	vadd.f32 v58, v27;
	v58 =	vunpack.i.u.bf16.f32 v29;
	v29 =	vunpack.i.l.bf16.f32 v29  }
0x579: {  	v52 =	vmul.bf16 v47, v46;
	v42 =	vadd.bf16 v56, v55;
	v35 =	vld [tilespmem:s1+$0x260];
	v38 =	vadd.f32 v29, v58  }
0x57a: {  	v17 =	vadd.bf16 v21, v17;
	v54 =	vunpack.i.l.bf16.f32 v36;
	(xrf2) =	vadd.scan.msk.f32 $0xffff, v53;
	v34 =	vadd.bf16 v45, v34;
	v45 =	vld [tilespmem:s1+$0xCB10]  }
0x57b: {  	v55 =	vmul.bf16 v11, v12;
	v62 =	vadd.bf16 v59, v42;
	v27 =	vld [tilespmem:s1+$0x2F0];
	(xrf2) =	vadd.scan.msk.f32 $0xffff, v38;
	v61 =	vmul.bf16 v0, v63  }
0x57c: {  	v53 =	vld [tilespmem:s1+$0xCAD0];
	v63 =	vunpack.i.u.bf16.f32 v34;
	v34 =	vunpack.i.l.bf16.f32 v34;
	v0 =	vmul.bf16 v2, v1  }
0x57d: {  	v17 =	vadd.bf16 v55, v17;
	v41 =	vmul.bf16 v41, v44;
	v58 =	vld [tilespmem:s1+$0x2D0];
	v34 =	vadd.f32 v34, v63  }
0x57e: {  	v63 =	vmul.bf16 v39, v37;
	v1 =	vmul.bf16 v5, v6;
	v5 =	vld [tilespmem:s1+$0xCAE0];
	v0 =	vadd.bf16 v30, v0  }
0x57f: {  	v32 =	vadd.bf16 v61, v62;
	v59 =	vmul.bf16 v45, v60;
	v6 =	vld [tilespmem:s1+$0x2E0];
	v30 =	vunpack.i.u.bf16.f32 v36  }
0x580: {  	v29 =	vld [tilespmem:s1+$0xCA70];
	v56 =	vadd.f32 v54, v30;
	v30 =	vmul.bf16 v13, v14;
	v0 =	vadd.bf16 v52, v0  }
0x581: {  	v38 =	vld [tilespmem:s1+$0x250];
	v60 =	vunpack.i.u.bf16.f32 v32;
	v32 =	vunpack.i.l.bf16.f32 v32;
	v62 =	vadd.bf16 v41, v59  }
0x582: {  	v37 =	vld [tilespmem:s1+$0x2A0];
	v42 =	vadd.bf16 v30, v0;
	v0 =	vunpack.i.u.bf16.f32 v17;
	v17 =	vunpack.i.l.bf16.f32 v17  }
0x583: {  	v21 =	vmul.bf16 v3, v4;
	v43 =	vmul.bf16 v53, v58;
	v39 =	vld [tilespmem:s1+$0xCA90];
	(xrf2) =	vadd.scan.msk.f32 $0xffff, v34;
	v61 =	vadd.f32 v32, v60  }
0x584: {  	v41 =	vmul.bf16 v8, v10;
	v36 =	vld [tilespmem:s1+$0xCA50];
	v11, _, _ =	vpop (xrf2);
	v44 =	vadd.bf16 v63, v62;
	(xrf2) =	vadd.scan.msk.f32 $0xffff, v56;
	v45 =	vmul.bf16 v5, v6  }
0x585: {  	s7 =	simm.s32 $0x2FC0;
	v32 =	vld [tilespmem:s1+$0xCAA0];
	v30 =	vmul.bf16 v7, v9;
	(xrf2) =	vadd.scan.msk.f32 $0xffff, v61;
	v34 =	vadd.f32 v17, v0;
	v40 =	vunpack.i.u.bf16.f32 v42;
	v17, _, _ =	vpop (xrf2)  }
.LBB2_8:
0x586: {  	_ =	sdelay $0x3  }
0x587: {  	v7 =	vmul.bf16 v36, v38;
	v33 =	vmul.bf16 v33, v35;
	_ =	sdelay $0x1  }
0x588: {  	v29 =	vmul.bf16 v29, v31;
	v33 =	vadd.bf16 v33, v7  }
0x589: {  	v0 =	vunpack.i.l.bf16.f32 v42  }
0x58a: {  	v46 =	vld [tilespmem:s1+$0x290];
	v13 =	vadd.f32 v0, v40;
	v19 =	vmul.bf16 v19, v22;
	v0 =	vadd.bf16 v29, v33  }
0x58b: {  	v2 =	vld [tilespmem:$0x1FB00]  }
0x58c: {  	v19 =	vadd.bf16 v19, v0;
	v0 =	vld [tilespmem:$0x1FAF0];
	_ =	sdelay $0x2  }
0x58d: {  	v12 =	vld [tilespmem:s1+$0x350]  }
0x58e: {  	v6 =	vadd.bf16 v45, v43;
	(xrf2) =	vadd.scan.msk.f32 $0xffff, v34;
	v45 =	vmul.bf16 v39, v46;
	v46 =	vld [tilespmem:s1+$0x410]  }
0x58f: {  	v20, _, _ =	vpop (xrf2);
	(xrf2) =	vadd.scan.msk.f32 $0xffff, v13;
	v13 =	vmul.bf16 v0, v2;
	v0 =	vld [tilespmem:$0x1FAE0]  }
0x590: {  	v14 =	vld [tilespmem:s1+$0xCAC0]  }
0x591: {  	v24 =	vmul.bf16 v24, v25;
	v25 =	vld [tilespmem:s1+$0x2B0];
	v26 =	vmul.bf16 v26, v27  }
0x592: {  	v23 =	vmul.bf16 v16, v23;
	v27 =	vadd.bf16 v41, v44;
	v31 =	vld [tilespmem:s1+$0x2C0]  }
0x593: {  	v32 =	vmul.bf16 v32, v37;
	v18 =	vmul.bf16 v18, v12;
	v26 =	vadd.bf16 v26, v6;
	v2 =	vld [tilespmem:$0x1FAD0]  }
0x594: {  	v44 =	vunpack.i.u.bf16.f32 v27;
	v27 =	vunpack.i.l.bf16.f32 v27;
	v12 =	vmul.bf16 v0, v46;
	v0 =	vld [tilespmem:$0x1FAC0]  }
0x595: {  	v27 =	vadd.f32 v27, v44  }
0x596: {  	v48 =	vld [tilespmem:s1+$0x380];
	v26 =	vadd.bf16 v23, v26;
	v22 =	vmul.bf16 v28, v25;
	v28 =	vadd.bf16 v32, v45  }
0x597: {  	v25 =	vld [tilespmem:s1+$0xCB80];
	v3 =	vmul.bf16 v14, v31  }
0x598: {  	v23, _, _ =	vpop (xrf2);
	(xrf2) =	vadd.scan.msk.f32 $0xffff, v27;
	v27 =	vld [tilespmem:s1+$0x4D0];
	v47 =	vunpack.i.u.bf16.f32 v26;
	v26 =	vunpack.i.l.bf16.f32 v26;
	v22 =	vadd.bf16 v22, v28  }
0x599: {  	v18 =	vadd.bf16 v24, v18;
	v26 =	vadd.f32 v26, v47;
	v9 =	vmul.bf16 v0, v2;
	v0 =	vld [tilespmem:$0x1FAB0]  }
0x59a: {  	v31 =	vunpack.i.u.bf16.f32 v19;
	v19 =	vunpack.i.l.bf16.f32 v19;
	v3 =	vadd.bf16 v3, v22  }
0x59b: {  	v19 =	vadd.f32 v19, v31;
	v13 =	vadd.bf16 v13, v18  }
0x59c: {  	v29, _, _ =	vpop (xrf2);
	(xrf2) =	vadd.scan.msk.f32 $0xffff, v26;
	v18 =	vmul.bf16 v25, v48;
	v25 =	vunpack.i.u.bf16.f32 v3;
	v2 =	vunpack.i.l.bf16.f32 v3  }
0x59d: {  	v28, _, _ =	vpop (xrf2);
	(xrf2) =	vadd.scan.msk.f32 $0xffff, v19;
	v19 =	vadd.f32 v2, v25;
	v2 =	vld [tilespmem:$0x1FAA0]  }
0x59e: {  	v8 =	vmul.bf16 v0, v27;
	v0 =	vld [tilespmem:$0x1FA90];
	_ =	sdelay $0x3  }
0x59f: {  	v26 =	vld [tilespmem:s1+$0x590]  }
0x5a0: {  	v6 =	vmul.bf16 v0, v2;
	v0 =	vld [tilespmem:$0x1FA80];
	_ =	sdelay $0x1  }
0x5a1: {  	v24 =	vld [tilespmem:s1+$0x440]  }
0x5a2: {  	v14 =	vld [tilespmem:s1+$0xCC40]  }
0x5a3: {  	v2 =	vld [tilespmem:$0x1FA70]  }
0x5a4: {  	v5 =	vmul.bf16 v0, v26;
	v0 =	vld [tilespmem:$0x1FA60]  }
0x5a5: {  	v12 =	vadd.bf16 v30, v12;
	_ =	sdelay $0x1  }
0x5a6: {  	v10 =	vld [tilespmem:s1+$0xCD00];
	v3 =	vmul.bf16 v14, v24;
	v9 =	vadd.bf16 v9, v12  }
0x5a7: {  	v13 =	vadd.bf16 v18, v13;
	v18 =	vld [tilespmem:s1+$0x610]  }
0x5a8: {  	v9 =	vadd.bf16 v3, v9;
	v3 =	vmul.bf16 v0, v2;
	v0 =	vld [tilespmem:$0x1FA50]  }
0x5a9: {  	v30 =	vld [tilespmem:s1+$0x500]  }
0x5aa: {  	v7 =	vld [tilespmem:s1+$0xCDC0]  }
0x5ab: {  	v22, _, _ =	vpop (xrf2);
	(xrf2) =	vadd.scan.msk.f32 $0xffff, v19;
	v8 =	vadd.bf16 v21, v8;
	v21 =	vld [tilespmem:s1+$0x5C0]  }
0x5ac: {  	v49 =	vunpack.i.u.bf16.f32 v13;
	v13 =	vunpack.i.l.bf16.f32 v13;
	v5 =	vadd.bf16 v1, v5;
	v1 =	vld [tilespmem:$0x1FA40]  }
0x5ad: {  	v13 =	vadd.f32 v13, v49;
	v2 =	vmul.bf16 v0, v18;
	v0 =	vld [tilespmem:$0x1FA30]  }
0x5ae: {  	v4 =	vld [tilespmem:s1+$0xCE40];
	v15 =	vmul.bf16 v10, v30;
	v6 =	vadd.bf16 v6, v8  }
0x5af: {  	v51 =	vld [tilespmem:s1+$0x640];
	v50, _, _ =	vpop (xrf2);
	(xrf2) =	vadd.scan.msk.f32 $0xffff, v13;
	v10 =	vunpack.i.u.bf16.f32 v9;
	v9 =	vunpack.i.l.bf16.f32 v9  }
0x5b0: {  	v9 =	vadd.f32 v9, v10;
	v6 =	vadd.bf16 v15, v6  }
0x5b1: {  	v7 =	vmul.bf16 v7, v21;
	v3 =	vadd.bf16 v3, v5;
	v2 =	vadd.bf16 v57, v2  }
0x5b2: {  	v8, _, _ =	vpop (xrf2);
	(xrf2) =	vadd.scan.msk.f32 $0xffff, v9;
	v0 =	vmul.bf16 v0, v1;
	v1 =	vunpack.i.u.bf16.f32 v6;
	v6 =	vunpack.i.l.bf16.f32 v6  }
0x5b3: {  	v3 =	vadd.bf16 v7, v3;
	v1 =	vadd.f32 v6, v1  }
0x5b4: {  	v53 =	vmul.bf16 v4, v51;
	v52, _, _ =	vpop (xrf2)  }
0x5b5: {  	v54 =	vunpack.i.u.bf16.f32 v3;
	v3 =	vunpack.i.l.bf16.f32 v3;
	v0 =	vadd.bf16 v0, v2;
	v2, _, _ =	vpop (xrf2);
	(xrf2) =	vadd.scan.msk.f32 $0xffff, v1  }
0x5b6: {  	v55 =	vbroadcast v52, $0xF;
	v1 =	vadd.f32 v3, v54;
	v2 =	vbroadcast v2, $0xF  }
0x5b7: {  	v0 =	vadd.bf16 v53, v0  }
0x5b8: {  	v56 =	vbroadcast v8, $0xF;
	(xrf2) =	vadd.scan.msk.f32 $0xffff, v1;
	v1 =	vsel vm0, v55, v2  }
0x5b9: {  	v3, _, _ =	vpop (xrf2);
	v2 =	vbroadcast v50, $0xF;
	v57 =	vunpack.i.u.bf16.f32 v0;
	v0 =	vunpack.i.l.bf16.f32 v0  }
0x5ba: {  	v3 =	vbroadcast v3, $0xF;
	v1 =	vsel vm1, v1, v56;
	v0 =	vadd.f32 v0, v57  }
0x5bb: {  	v1 =	vsel vm2, v1, v2;
	v2 =	vbroadcast v22, $0xF  }
0x5bc: {  	v58 =	vbroadcast v28, $0xF;
	v59, _, _ =	vpop (xrf2);
	v1 =	vsel vm3, v1, v3;
	(xrf2) =	vadd.scan.msk.f32 $0xffff, v0  }
0x5bd: {  	v0 =	vsel vm4, v1, v2;
	v1 =	vbroadcast v59, $0xF  }
0x5be: {  	v2 =	vbroadcast v29, $0xF;
	v0 =	vsel vm5, v0, v58  }
0x5bf: {  	v0 =	vsel vm6, v0, v1;
	v1 =	vbroadcast v23, $0xF;
	v3, _, _ =	vpop (xrf2)  }
0x5c0: {  	v0 =	vsel vm7, v0, v2;
	v2 =	vbroadcast v3, $0xF  }
0x5c1: {  	v0 =	vsel vm8, v0, v1;
	v1 =	vbroadcast v20, $0xF  }
0x5c2: {  	v3, _, _ =	vpop (xrf2);
	v0 =	vsel vm9, v0, v2;
	v2 =	vbroadcast v17, $0xF  }
0x5c3: {  	v3 =	vbroadcast v3, $0xF;
	v0 =	vsel vm10, v0, v1  }
0x5c4: {  	v0 =	vsel vm11, v0, v2;
	v2 =	vbroadcast v11, $0xF  }
0x5c5: {  	v0 =	vsel vm12, v0, v3  }
0x5c6: {  	v1, _, _ =	vpop (xrf2);
	v0 =	vsel vm13, v0, v2  }
0x5c7: {  	s0 =	sadd.s32 $0x10, s0;
	v0 =	vsel vm14, v0, v1  }
0x5c8: {  	s1 =	sshra.s32 s7, $0x2;
	[tilespmem:s0+$0x0] =	vst v0  }
0x5c9: {  	v0 =	vld [tilespmem:s1+$0xCE30]  }
0x5ca: {  	v17 =	vld [tilespmem:s1+$0x600]  }
0x5cb: {  	v18 =	vld [tilespmem:s1+$0xCDF0]  }
0x5cc: {  	v24 =	vld [tilespmem:s1+$0x5F0]  }
0x5cd: {  	v19 =	vld [tilespmem:s1+$0xCD80]  }
0x5ce: {  	v22 =	vld [tilespmem:s1+$0x580]  }
0x5cf: {  	v23 =	vld [tilespmem:s1+$0xCDE0]  }
0x5d0: {  	v49 =	vld [tilespmem:s1+$0x5E0]  }
0x5d1: {  	v51 =	vld [tilespmem:s1+$0xCDD0]  }
0x5d2: {  	v53 =	vld [tilespmem:s1+$0x5D0]  }
0x5d3: {  	v27 =	vld [tilespmem:s1+$0xCD40]  }
0x5d4: {  	v29 =	vld [tilespmem:s1+$0x540]  }
0x5d5: {  	v25 =	vld [tilespmem:s1+$0xCD70]  }
0x5d6: {  	v48 =	vld [tilespmem:s1+$0x570]  }
0x5d7: {  	v21 =	vld [tilespmem:s1+$0xCDA0]  }
0x5d8: {  	v28 =	vld [tilespmem:s1+$0x5A0]  }
0x5d9: {  	v26 =	vld [tilespmem:s1+$0xCD30]  }
0x5da: {  	v46 =	vld [tilespmem:s1+$0x530]  }
0x5db: {  	v54 =	vld [tilespmem:s1+$0xCD60]  }
0x5dc: {  	v55 =	vld [tilespmem:s1+$0x560]  }
0x5dd: {  	v56 =	vld [tilespmem:s1+$0xCD50]  }
0x5de: {  	v57 =	vld [tilespmem:s1+$0x550]  }
0x5df: {  	v31 =	vld [tilespmem:s1+$0xCCC0]  }
0x5e0: {  	v33 =	vld [tilespmem:s1+$0x4C0]  }
0x5e1: {  	v58 =	vld [tilespmem:s1+$0xCD20]  }
0x5e2: {  	v59 =	vld [tilespmem:s1+$0x520]  }
0x5e3: {  	v60 =	vld [tilespmem:s1+$0xCD10]  }
0x5e4: {  	v61 =	vld [tilespmem:s1+$0x510]  }
0x5e5: {  	v37 =	vld [tilespmem:s1+$0xCC80]  }
0x5e6: {  	v39 =	vld [tilespmem:s1+$0x480]  }
0x5e7: {  	v47 =	vld [tilespmem:s1+$0xCCB0]  }
0x5e8: {  	v50 =	vld [tilespmem:s1+$0x4B0]  }
0x5e9: {  	v43 =	vld [tilespmem:s1+$0xCCE0]  }
0x5ea: {  	v45 =	vld [tilespmem:s1+$0x4E0]  }
0x5eb: {  	v42 =	vld [tilespmem:s1+$0xCC70]  }
0x5ec: {  	v44 =	vld [tilespmem:s1+$0x470]  }
0x5ed: {  	v62 =	vld [tilespmem:s1+$0xCCA0]  }
0x5ee: {  	v63 =	vld [tilespmem:s1+$0x4A0]  }
0x5ef: {  	[tilespmem:$0x1FA30] =	vst v0;
	v0 =	vld [tilespmem:s1+$0x630]  }
0x5f0: {  	v1 =	vld [tilespmem:s1+$0x490]  }
0x5f1: {  	v35 =	vld [tilespmem:s1+$0xCC00]  }
0x5f2: {  	v38 =	vld [tilespmem:s1+$0x400]  }
0x5f3: {  	v2 =	vld [tilespmem:s1+$0xCC30]  }
0x5f4: {  	[tilespmem:$0x1FA40] =	vst v0;
	v0 =	vld [tilespmem:s1+$0xCE00]  }
0x5f5: {  	v3 =	vld [tilespmem:s1+$0x460]  }
0x5f6: {  	v4 =	vld [tilespmem:s1+$0xCC50]  }
0x5f7: {  	v5 =	vld [tilespmem:s1+$0x450]  }
0x5f8: {  	v34 =	vld [tilespmem:s1+$0xCBC0]  }
0x5f9: {  	[tilespmem:$0x1F8E0] =	vst v0;
	v0 =	vld [tilespmem:s1+$0xCE20]  }
0x5fa: {  	v36 =	vld [tilespmem:s1+$0x3C0]  }
0x5fb: {  	v6 =	vld [tilespmem:s1+$0xCBF0]  }
0x5fc: {  	v7 =	vld [tilespmem:s1+$0x3F0]  }
0x5fd: {  	v30 =	vld [tilespmem:s1+$0xCC20]  }
0x5fe: {  	[tilespmem:$0x1F8F0] =	vst v0;
	v0 =	vld [tilespmem:s1+$0x620]  }
0x5ff: {  	v32 =	vld [tilespmem:s1+$0x420]  }
0x600: {  	v8 =	vld [tilespmem:s1+$0xCC10]  }
0x601: {  	v52 =	vld [tilespmem:s1+$0xCBB0]  }
0x602: {  	v9 =	vld [tilespmem:s1+$0xCBE0]  }
0x603: {  	[tilespmem:$0x1F900] =	vst v0;
	v0 =	vld [tilespmem:s1+$0xCE10]  }
0x604: {  	v10 =	vld [tilespmem:s1+$0x3E0]  }
0x605: {  	v12 =	vld [tilespmem:s1+$0xCBD0]  }
0x606: {  	v13 =	vld [tilespmem:s1+$0x3D0]  }
0x607: {  	v40 =	vld [tilespmem:s1+$0xCB40]  }
0x608: {  	[tilespmem:$0x1FA50] =	vst v0;
	v0 =	vld [tilespmem:s1+$0xCDB0]  }
0x609: {  	v41 =	vld [tilespmem:s1+$0x340]  }
0x60a: {  	v11 =	vld [tilespmem:s1+$0xCB70]  }
0x60b: {  	v14 =	vld [tilespmem:s1+$0x3A0]  }
0x60c: {  	v20 =	vld [tilespmem:s1+$0xCB90]  }
0x60d: {  	[tilespmem:$0x1FA60] =	vst v0;
	v0 =	vld [tilespmem:s1+$0x5B0]  }
0x60e: {  	v15 =	vld [tilespmem:s1+$0x390]  }
0x60f: {  	v16 =	vld [tilespmem:s1+$0xCB00]  }
0x610: {  	[tilespmem:$0x1FAC0] =	vst v2;
	v2 =	vld [tilespmem:s1+$0x430]  }
0x611: {  	[tilespmem:$0x1FAE0] =	vst v8;
	v8 =	vld [tilespmem:s1+$0x3B0]  }
0x612: {  	[tilespmem:$0x1FA70] =	vst v0;
	v0 =	vld [tilespmem:s1+$0xCD90]  }
0x613: {  	[tilespmem:$0x1FAF0] =	vst v11;
	v11 =	vld [tilespmem:s1+$0x370]  }
0x614: {  	v49 =	vmul.bf16 v23, v49;
	v23 =	vld [tilespmem:s1+$0x300]  }
0x615: {  	v51 =	vmul.bf16 v51, v53;
	v53 =	vld [tilespmem:s1+$0xCB30]  }
0x616: {  	v18 =	vmul.bf16 v18, v24;
	v24 =	vld [tilespmem:s1+$0xCB60]  }
0x617: {  	[tilespmem:$0x1FA80] =	vst v0;
	v0 =	vld [tilespmem:s1+$0xCCF0]  }
0x618: {  	v48 =	vmul.bf16 v25, v48;
	v25 =	vld [tilespmem:s1+$0x360]  }
0x619: {  	v29 =	vmul.bf16 v27, v29;
	v27 =	vld [tilespmem:s1+$0x2F0]  }
0x61a: {  	v54 =	vmul.bf16 v54, v55;
	v55 =	vld [tilespmem:s1+$0x320]  }
0x61b: {  	v33 =	vmul.bf16 v31, v33;
	v31 =	vld [tilespmem:s1+$0x270]  }
0x61c: {  	[tilespmem:$0x1FA90] =	vst v0;
	v0 =	vld [tilespmem:s1+$0x4F0]  }
0x61d: {  	v60 =	vmul.bf16 v60, v61;
	v9 =	vmul.bf16 v9, v10;
	v10 =	vld [tilespmem:s1+$0xCAE0]  }
0x61e: {  	v61 =	vmul.bf16 v58, v59;
	v58 =	vmul.bf16 v35, v38;
	v35 =	vld [tilespmem:s1+$0x260];
	v49 =	vadd.bf16 v49, v51  }
0x61f: {  	v38 =	vld [tilespmem:s1+$0x250]  }
0x620: {  	v49 =	vadd.bf16 v18, v49;
	v18 =	vld [tilespmem:$0x1F8E0]  }
0x621: {  	v56 =	vmul.bf16 v56, v57;
	[tilespmem:$0x1FAA0] =	vst v0;
	v0 =	vld [tilespmem:s1+$0xCCD0]  }
0x622: {  	v30 =	vmul.bf16 v30, v32;
	v32 =	vld [tilespmem:s1+$0xCAA0]  }
0x623: {  	v46 =	vmul.bf16 v26, v46;
	v51 =	vld [tilespmem:s1+$0x330];
	v54 =	vadd.bf16 v54, v56  }
0x624: {  	v12 =	vmul.bf16 v12, v13;
	v56 =	vmul.bf16 v19, v22;
	v19 =	vld [tilespmem:s1+$0xCA80];
	v60 =	vadd.bf16 v61, v60  }
0x625: {  	v4 =	vmul.bf16 v4, v5;
	v48 =	vadd.bf16 v48, v54;
	[tilespmem:$0x1FB00] =	vst v11;
	v11 =	vld [tilespmem:s1+$0xCBA0];
	v17 =	vmul.bf16 v18, v17  }
0x626: {  	v6 =	vmul.bf16 v6, v7;
	v9 =	vadd.bf16 v9, v12;
	v46 =	vadd.bf16 v46, v60;
	[tilespmem:$0x1FAB0] =	vst v0;
	v0 =	vld [tilespmem:s1+$0xCC90]  }
0x627: {  	v60 =	vmul.bf16 v62, v63;
	[tilespmem:$0x1FAD0] =	vst v2;
	v2 =	vld [tilespmem:s1+$0xCC60];
	v48 =	vadd.bf16 v56, v48;
	v17 =	vadd.bf16 v17, v49  }
0x628: {  	v22 =	vld [tilespmem:s1+$0x280];
	v6 =	vadd.bf16 v6, v9;
	v8 =	vmul.bf16 v52, v8;
	v46 =	vadd.bf16 v29, v46  }
0x629: {  	v54 =	vld [tilespmem:s1+$0xCB20];
	v29 =	vunpack.i.u.bf16.f32 v48;
	v61 =	vunpack.i.u.bf16.f32 v17;
	v17 =	vunpack.i.l.bf16.f32 v17  }
0x62a: {  	v63 =	vld [tilespmem:s1+$0x310];
	v11 =	vmul.bf16 v11, v14;
	v49 =	vmul.bf16 v20, v15;
	v17 =	vadd.f32 v17, v61  }
0x62b: {  	v56 =	vld [tilespmem:s1+$0xCAD0];
	v0 =	vmul.bf16 v0, v1;
	v1 =	vmul.bf16 v21, v28;
	v28 =	vunpack.i.l.bf16.f32 v48  }
0x62c: {  	v2 =	vmul.bf16 v2, v3;
	v26 =	vld [tilespmem:$0x1F8F0];
	v11 =	vadd.bf16 v11, v49;
	v62 =	vadd.f32 v28, v29  }
0x62d: {  	v3 =	vmul.bf16 v37, v39;
	v59 =	vld [tilespmem:$0x1F900];
	(xrf2) =	vadd.scan.msk.f32 $0xffff, v17;
	v21 =	vmul.bf16 v47, v50;
	v0 =	vadd.bf16 v60, v0  }
0x62e: {  	v2 =	vadd.bf16 v2, v4;
	v47 =	vld [tilespmem:s1+$0xCB10];
	v60 =	vadd.bf16 v8, v11;
	v8 =	vmul.bf16 v34, v36;
	(xrf2) =	vadd.scan.msk.f32 $0xffff, v62  }
0x62f: {  	v37 =	vld [tilespmem:s1+$0x2A0];
	v0 =	vadd.bf16 v21, v0;
	v21 =	vmul.bf16 v43, v45;
	v45 =	vmul.bf16 v42, v44  }
0x630: {  	v41 =	vmul.bf16 v40, v41;
	v6 =	vadd.bf16 v58, v6;
	v39 =	vld [tilespmem:s1+$0xCA90];
	v61 =	vunpack.i.u.bf16.f32 v46  }
0x631: {  	v18 =	vld [tilespmem:s1+$0xCB50];
	v43 =	vunpack.i.l.bf16.f32 v46;
	v42 =	vadd.bf16 v8, v60;
	v2 =	vadd.bf16 v45, v2  }
0x632: {  	v57 =	vmul.bf16 v26, v59;
	v48 =	vld [tilespmem:s1+$0x2E0];
	v5 =	vadd.f32 v43, v61;
	v0 =	vadd.bf16 v33, v0  }
0x633: {  	p0 =	sne.s32 s7, $0x18FC0;
	v9 =	vmul.bf16 v47, v63;
	v61 =	vmul.bf16 v54, v55;
	v2 =	vadd.bf16 v3, v2;
	v3 =	vld [tilespmem:s1+$0x2D0]  }
.Ltmp3:
0x634: {  	v26 =	vld [tilespmem:s1+$0xCAF0];
	v63 =	vmul.bf16 v53, v51;
	v46 =	vunpack.i.u.bf16.f32 v0;
	v0 =	vunpack.i.l.bf16.f32 v0;
	(pc) =	sbr.rel @p0 .LBB2_8-.Ltmp3, $4  }
0x635: {  	v29 =	vld [tilespmem:s1+$0xCA70];
	v0 =	vadd.f32 v0, v46;
	v59 =	vunpack.i.u.bf16.f32 v2;
	v2 =	vunpack.i.l.bf16.f32 v2  }
0x636: {  	v28 =	vld [tilespmem:s1+$0xCAB0];
	v40 =	vunpack.i.u.bf16.f32 v42;
	(xrf2) =	vadd.scan.msk.f32 $0xffff, v5;
	v62 =	vadd.bf16 v61, v9;
	v2 =	vadd.f32 v2, v59  }
0x637: {  	v36 =	vld [tilespmem:s1+$0xCA50];
	v11, _, _ =	vpop (xrf2);
	v45 =	vmul.bf16 v10, v48;
	(xrf2) =	vadd.scan.msk.f32 $0xffff, v0;
	v0 =	vunpack.i.u.bf16.f32 v6;
	v6 =	vunpack.i.l.bf16.f32 v6  }
0x638: {  	s7 =	sadd.s32 $0x1000, s7;
	v33 =	vld [tilespmem:s1+$0xCA60];
	v44 =	vadd.bf16 v63, v62;
	v34 =	vadd.f32 v6, v0;
	(xrf2) =	vadd.scan.msk.f32 $0xffff, v2;
	v43 =	vmul.bf16 v56, v3;
	v17, _, _ =	vpop (xrf2)  }
0x639: {  	v0 =	vld [tilespmem:s1+$0x290]  }
0x63a: {  	v5 =	vld [tilespmem:s1+$0x2B0]  }
0x63b: {  	v12 =	vld [tilespmem:s1+$0x350]  }
0x63c: {  	v13 =	vld [tilespmem:s1+$0xCAC0]  }
0x63d: {  	v14 =	vld [tilespmem:s1+$0x2C0]  }
0x63e: {  	v15 =	vld [tilespmem:s1+$0xCB80]  }
0x63f: {  	v4 =	vunpack.i.l.bf16.f32 v42;
	v42 =	vld [tilespmem:s1+$0x380]  }
0x640: {  	v46 =	vld [tilespmem:$0x1FAF0]  }
0x641: {  	v47 =	vld [tilespmem:$0x1FB00]  }
0x642: {  	v48 =	vld [tilespmem:s1+$0xCC40]  }
0x643: {  	v50 =	vld [tilespmem:s1+$0x440]  }
0x644: {  	v51 =	vld [tilespmem:$0x1FAE0]  }
0x645: {  	v52 =	vld [tilespmem:s1+$0x590]  }
0x646: {  	v2 =	vmul.bf16 v16, v23;
	v7 =	vmul.bf16 v26, v27;
	v54 =	vld [tilespmem:$0x1FAC0];
	v6 =	vadd.bf16 v45, v43  }
0x647: {  	v3 =	vmul.bf16 v24, v25;
	v55 =	vld [tilespmem:$0x1FAD0];
	v8 =	vadd.bf16 v41, v44;
	v4 =	vadd.f32 v4, v40  }
0x648: {  	v56 =	vld [tilespmem:s1+$0xCD00];
	v40 =	vmul.bf16 v19, v22;
	v9 =	vmul.bf16 v36, v38;
	v6 =	vadd.bf16 v7, v6  }
0x649: {  	v59 =	vld [tilespmem:s1+$0x500];
	v10 =	vmul.bf16 v33, v35;
	v35 =	vunpack.i.u.bf16.f32 v8;
	v8 =	vunpack.i.l.bf16.f32 v8  }
0x64a: {  	v61 =	vld [tilespmem:$0x1FAB0];
	v36 =	vmul.bf16 v29, v31;
	v38 =	vmul.bf16 v32, v37;
	v7 =	vadd.f32 v8, v35  }
0x64b: {  	v0 =	vmul.bf16 v39, v0;
	v2 =	vadd.bf16 v2, v6;
	v39 =	vld [tilespmem:s1+$0x410];
	v5 =	vmul.bf16 v28, v5  }
0x64c: {  	v62 =	vld [tilespmem:s1+$0x610];
	v43 =	vmul.bf16 v18, v12;
	v45 =	vmul.bf16 v13, v14;
	v9 =	vadd.bf16 v10, v9  }
0x64d: {  	v16 =	vld [tilespmem:$0x1FA90];
	v12 =	vmul.bf16 v46, v47;
	v53 =	vmul.bf16 v15, v42;
	v0 =	vadd.bf16 v38, v0  }
0x64e: {  	v24 =	vld [tilespmem:$0x1FA80];
	v63 =	vmul.bf16 v48, v50;
	v41 =	vunpack.i.u.bf16.f32 v2;
	v9 =	vadd.bf16 v36, v9  }
0x64f: {  	v44 =	vld [tilespmem:s1+$0x4D0];
	v2 =	vunpack.i.l.bf16.f32 v2;
	v3 =	vadd.bf16 v3, v43;
	v0 =	vadd.bf16 v5, v0  }
0x650: {  	v18 =	vld [tilespmem:$0x1FAA0];
	v2 =	vadd.f32 v2, v41;
	v9 =	vadd.bf16 v40, v9;
	v5 =	vmul.bf16 v51, v39  }
0x651: {  	v27 =	vld [tilespmem:$0x1FA60];
	(xrf2) =	vadd.scan.msk.f32 $0xffff, v34;
	v3 =	vadd.bf16 v12, v3;
	v12 =	vmul.bf16 v54, v55;
	v0 =	vadd.bf16 v45, v0  }
0x652: {  	v34 =	vld [tilespmem:$0x1FA50];
	(xrf2) =	vadd.scan.msk.f32 $0xffff, v4;
	v49 =	vunpack.i.u.bf16.f32 v9;
	v9 =	vunpack.i.l.bf16.f32 v9;
	v5 =	vadd.bf16 v30, v5  }
0x653: {  	v28 =	vld [tilespmem:$0x1FA70];
	(xrf2) =	vadd.scan.msk.f32 $0xffff, v7;
	v9 =	vadd.f32 v9, v49;
	v58 =	vunpack.i.u.bf16.f32 v0;
	v0 =	vunpack.i.l.bf16.f32 v0  }
0x654: {  	v19 =	vld [tilespmem:s1+$0xCDC0];
	(xrf2) =	vadd.scan.msk.f32 $0xffff, v2;
	v60 =	vadd.bf16 v53, v3;
	v3 =	vmul.bf16 v61, v44;
	v0 =	vadd.f32 v0, v58  }
0x655: {  	v37 =	vld [tilespmem:$0x1FA30];
	v26 =	vmul.bf16 v56, v59;
	v8 =	vmul.bf16 v16, v18;
	v5 =	vadd.bf16 v12, v5;
	(xrf2) =	vadd.scan.msk.f32 $0xffff, v9  }
0x656: {  	v20 =	vunpack.i.u.bf16.f32 v60;
	v2 =	vunpack.i.l.bf16.f32 v60;
	v3 =	vadd.bf16 v21, v3;
	v21 =	vld [tilespmem:s1+$0x5C0];
	(xrf2) =	vadd.scan.msk.f32 $0xffff, v0  }
0x657: {  	v38 =	vld [tilespmem:$0x1FA40];
	v22 =	vadd.f32 v2, v20;
	v23 =	vadd.bf16 v63, v5;
	v5 =	vmul.bf16 v24, v52  }
0x658: {  	v4 =	vmul.bf16 v34, v62;
	v25, _, _ =	vpop (xrf2);
	v3 =	vadd.bf16 v8, v3;
	v8 =	vmul.bf16 v27, v28  }
0x659: {  	v29 =	vld [tilespmem:s1+$0xCE40];
	v30, _, _ =	vpop (xrf2);
	(xrf2) =	vadd.scan.msk.f32 $0xffff, v22;
	v31 =	vunpack.i.u.bf16.f32 v23;
	v2 =	vunpack.i.l.bf16.f32 v23;
	v1 =	vadd.bf16 v1, v5  }
0x65a: {  	v32 =	vld [tilespmem:s1+$0x640];
	v33, _, _ =	vpop (xrf2);
	v3 =	vadd.bf16 v26, v3;
	v2 =	vadd.f32 v2, v31  }
0x65b: {  	v4 =	vadd.bf16 v57, v4;
	v35, _, _ =	vpop (xrf2);
	v36 =	vmul.bf16 v19, v21;
	v1 =	vadd.bf16 v8, v1  }
0x65c: {  	v9 =	vmul.bf16 v37, v38;
	v39, _, _ =	vpop (xrf2);
	v40 =	vunpack.i.u.bf16.f32 v3;
	v3 =	vunpack.i.l.bf16.f32 v3;
	(xrf2) =	vadd.scan.msk.f32 $0xffff, v2  }
0x65d: {  	v41, _, _ =	vpop (xrf2);
	v3 =	vadd.f32 v3, v40;
	v1 =	vadd.bf16 v36, v1  }
0x65e: {  	v4 =	vadd.bf16 v9, v4;
	v42, _, _ =	vpop (xrf2)  }
0x65f: {  	v5 =	vmul.bf16 v29, v32;
	(xrf2) =	vadd.scan.msk.f32 $0xffff, v3;
	v44 =	vunpack.i.u.bf16.f32 v1;
	v1 =	vunpack.i.l.bf16.f32 v1;
	v43, _, _ =	vpop (xrf2)  }
0x660: {  	v1 =	vadd.f32 v1, v44;
	v46, _, _ =	vpop (xrf2)  }
0x661: {  	v45 =	vadd.bf16 v5, v4;
	v47 =	vbroadcast v43, $0xF;
	v4 =	vbroadcast v46, $0xF  }
0x662: {  	v8 =	vbroadcast v42, $0xF;
	v2 =	vbroadcast v41, $0xF;
	(xrf2) =	vadd.scan.msk.f32 $0xffff, v1  }
0x663: {  	v48 =	vunpack.i.u.bf16.f32 v45;
	v3 =	vunpack.i.l.bf16.f32 v45;
	v50, _, _ =	vpop (xrf2);
	v49 =	vsel vm0, v47, v4  }
0x664: {  	v3 =	vadd.f32 v3, v48;
	v4 =	vbroadcast v50, $0xF;
	v1 =	vsel vm1, v49, v8  }
0x665: {  	v51 =	vbroadcast v39, $0xF;
	v1 =	vsel vm2, v1, v2  }
0x666: {  	v52 =	vbroadcast v35, $0xF;
	(xrf2) =	vadd.scan.msk.f32 $0xffff, v3;
	v53, _, _ =	vpop (xrf2);
	v1 =	vsel vm3, v1, v4  }
0x667: {  	v54 =	vbroadcast v53, $0xF;
	v1 =	vsel vm4, v1, v51  }
0x668: {  	v0 =	vbroadcast v33, $0xF;
	v1 =	vsel vm5, v1, v52  }
0x669: {  	v55 =	vbroadcast v30, $0xF;
	v56, _, _ =	vpop (xrf2);
	v1 =	vsel vm6, v1, v54  }
0x66a: {  	v57 =	vbroadcast v56, $0xF;
	v0 =	vsel vm7, v1, v0  }
0x66b: {  	v58 =	vbroadcast v25, $0xF;
	v0 =	vsel vm8, v0, v55  }
0x66c: {  	v59 =	vbroadcast v17, $0xF;
	v60, _, _ =	vpop (xrf2);
	v0 =	vsel vm9, v0, v57  }
0x66d: {  	v61 =	vbroadcast v60, $0xF;
	v0 =	vsel vm10, v0, v58  }
0x66e: {  	v62 =	vbroadcast v11, $0xF;
	v0 =	vsel vm11, v0, v59  }
0x66f: {  	v0 =	vsel vm12, v0, v61  }
0x670: {  	v63, _, _ =	vpop (xrf2);
	v0 =	vsel vm13, v0, v62  }
0x671: {  	s0 =	sadd.s32 $0x10, s0;
	v0 =	vsel vm14, v0, v63  }
0x672: {  	s29 =	sadd.s32 $0x1, s29;
	[tilespmem:s0+$0x0] =	vst v0  }
0x673: {  	[hbm4b:s11+s2] =	stream.linear.scatter [tilespmem:s23], [sflag:$0x5], $0x190, $0x38;
	[tilespmem:$0x19960] =	vst v63  }
0x674: {  	p0 =	sne.s32 s29, s12;
	_ =	swait.ge [sflag:s28], $0x190  }
.Ltmp4:
0x675: {  	[sflag:s28] =	ssyncset.done $0x0;
	(pc) =	sbr.rel @p0 .LBB2_1-.Ltmp4, $4  }
0x676: {  	[sflag:s28] =	ssyncadd.s32 $0xFFFFFE70  }
0x677: {  	_ =	swait.ge [sflag:s26], $0x190  }
0x678: {  	[sflag:s26] =	ssyncset.done $0x0  }
0x679: {  	[sflag:s26] =	ssyncadd.s32 $0xFFFFFE70  }
0x67a: {  	_ =	sfence.sel $0x180000  }
0x67b: {  	[bflag:$0x0] =	sbarrier.arrive $0xFFFF  }
0x67c: {  	_ =	strace $0x90000047  }
0x67d: {  	s0 =	stileid.u32;
	[bflag:$0x2] =	sbarrier.arrive $0xFFFF  }
0x67e: {  	p0 =	sne.s32 s0, $0x0;
	s0 =	rddreg [dreg:$0x1]  }
0x67f: {  	s0 =	sadd.s32 @!p0 $0x100000, s0  }
0x680: {  	[sflag:s0] =	ssyncadd.tile.s32 @!p0 $0x1;
	_ =	shalt  }
.Lfunc_end2:
_tile_overlayer_lowered:
.L_overlay_start_2:
0x681: {  	(tag) =	ssettag $0x2  }
0x682: {  	s0 =	rddreg [dreg:$0x0];
	s2 =	stileid.u32  }
0x683: {  	s1 =	rddreg [dreg:$0x1];
	p0 =	sne.s32 s2, $0x0  }
0x684: {  	s3 =	rddreg [dreg:$0x2];
	[bflag:$0x3] =	sbarrier.arrive $0xFFFF;
	s2 =	simm.s32 @!p0 $0x1C07  }
0x685: {  	[timem:s3], [sflag:s2] =	dma.local @!p0 [hbm:s0], s1  }
0x686: {  	s0 =	simm.s32 @!p0 $0x7  }
0x687: {  	_ =	swait.ge @!p0 [sflag:s0], s1  }
0x688: {  	s1 =	ssub.s32 @!p0 $0x0, s1;
	[sflag:s0] =	ssyncset.done @!p0 $0x0  }
0x689: {  	[sflag:s0] =	ssyncadd.s32 @!p0 s1  }
0x68a: {  	[bflag:$0x3] =	sbarrier.arrive $0xFFFF  }
0x68b: {  	_ =	shalt  }

</sc_bundles>
